<compile_context>
chip_gen: v7x
topology: tpu7x:2x2x1
jax: 0.10.2.dev20260603
libtpu: 0.0.44.dev20260713+nightly
codegen_flags: <defaults>
</compile_context>

<pallas_src>
import jax
import jax.numpy as jnp
from jax import lax
from jax.experimental import pallas as pl
from jax.experimental.pallas import tpu as pltpu
from jax.experimental.pallas import tpu_sc as plsc

N, E, IN_C, H_C, OUT_C = 10000, 160000, 256, 512, 256
NC, NS = 2, 16
HALF = IN_C // 2
CHUNK = 128
NCHUNKS = E // CHUNK
CHUNKS_PER_TILE = -(-NCHUNKS // NS)
NPAD = 10240
RPT = NPAD // NS
ROW_BLK = 1000



def _sc_agg():
    mesh = plsc.VectorSubcoreMesh(core_axis_name="c", subcore_axis_name="s")

    def body(table_hbm, adj_hbm, zf_hbm, agg_out,
             acc_sh, idxs0, idxs1, idxd0, idxd1, rows0, rows1,
             sem_g0, sem_g1, sem_i0, sem_i1, sem_s0, sem_s1):
        c = lax.axis_index("c")
        s = lax.axis_index("s")
        idxs = (idxs0, idxs1)
        idxd = (idxd0, idxd1)
        rows = (rows0, rows1)
        sem_g = (sem_g0, sem_g1)
        sem_i = (sem_i0, sem_i1)
        sem_s = (sem_s0, sem_s1)
        cnt = jnp.where(s < 2, CHUNKS_PER_TILE, CHUNKS_PER_TILE - 1)
        table_base = c * NPAD

        def bump(ref):
            for i in range(CHUNK // 16):
                ref[pl.ds(16 * i, 16)] = ref[pl.ds(16 * i, 16)] + table_base

        def src_off(k):
            return (s + NS * k) * CHUNK

        def dst_off(k):
            return (s + NS * k) * CHUNK

        pltpu.sync_copy(zf_hbm, rows0)
        for t in range(RPT // CHUNK):
            pltpu.sync_copy(rows0, acc_sh.at[pl.ds(s * RPT + t * CHUNK, CHUNK)])
        plsc.subcore_barrier()

        pltpu.sync_copy(adj_hbm.at[0, pl.ds(src_off(0), CHUNK)], idxs0)
        pltpu.sync_copy(adj_hbm.at[1, pl.ds(dst_off(0), CHUNK)], idxd0)
        bump(idxs0)
        pltpu.async_copy(table_hbm.at[idxs0], rows0, sem_g0)
        pltpu.async_copy(adj_hbm.at[0, pl.ds(src_off(1), CHUNK)], idxs1, sem_i1)
        pltpu.async_copy(adj_hbm.at[1, pl.ds(dst_off(1), CHUNK)], idxd1, sem_i1)

        def group(g, carry):
            for b in (0, 1):
                k = 2 * g + b
                b1 = 1 - b

                @pl.when(k < cnt)
                def _():
                    @pl.when(k + 1 < cnt)
                    def _():
                        pltpu.make_async_copy(
                            adj_hbm.at[0, pl.ds(src_off(k + 1), CHUNK)],
                            idxs[b1], sem_i[b1]).wait()
                        pltpu.make_async_copy(
                            adj_hbm.at[1, pl.ds(dst_off(k + 1), CHUNK)],
                            idxd[b1], sem_i[b1]).wait()
                        bump(idxs[b1])

                        @pl.when(k >= 1)
                        def _():
                            pltpu.make_async_copy(
                                rows[b1], acc_sh.at[idxd[b1]],
                                sem_s[b1]).wait()

                        pltpu.async_copy(table_hbm.at[idxs[b1]], rows[b1],
                                         sem_g[b1])

                    pltpu.make_async_copy(table_hbm.at[idxs[b]], rows[b],
                                          sem_g[b]).wait()
                    pltpu.async_copy(rows[b], acc_sh.at[idxd[b]], sem_s[b],
                                     add=True)

                    @pl.when(k + 2 < cnt)
                    def _():
                        pltpu.async_copy(
                            adj_hbm.at[0, pl.ds(src_off(k + 2), CHUNK)],
                            idxs[b], sem_i[b])
                        pltpu.async_copy(
                            adj_hbm.at[1, pl.ds(dst_off(k + 2), CHUNK)],
                            idxd[b], sem_i[b])

            return carry

        lax.fori_loop(0, (CHUNKS_PER_TILE + 1) // 2, group, 0)

        pltpu.make_async_copy(rows0, acc_sh.at[idxd0], sem_s0).wait()
        pltpu.make_async_copy(rows1, acc_sh.at[idxd1], sem_s1).wait()

        plsc.subcore_barrier()

        row0 = c * NPAD + s * RPT
        for t in range(RPT // CHUNK):
            pltpu.sync_copy(acc_sh.at[pl.ds(s * RPT + t * CHUNK, CHUNK)],
                            rows0)
            pltpu.sync_copy(rows0, agg_out.at[pl.ds(row0 + t * CHUNK, CHUNK)])

    return pl.kernel(
        body,
        out_type=(jax.ShapeDtypeStruct((NC * NPAD, HALF), jnp.float32),),
        mesh=mesh,
        scratch_types=(
            pltpu.VMEM_SHARED((NPAD, HALF), jnp.float32),
            pltpu.VMEM((CHUNK,), jnp.int32),
            pltpu.VMEM((CHUNK,), jnp.int32),
            pltpu.VMEM((CHUNK,), jnp.int32),
            pltpu.VMEM((CHUNK,), jnp.int32),
            pltpu.VMEM((CHUNK, HALF), jnp.float32),
            pltpu.VMEM((CHUNK, HALF), jnp.float32),
            pltpu.SemaphoreType.DMA,
            pltpu.SemaphoreType.DMA,
            pltpu.SemaphoreType.DMA,
            pltpu.SemaphoreType.DMA,
            pltpu.SemaphoreType.DMA,
            pltpu.SemaphoreType.DMA,
        ),
    )


def _sc_deg():
    mesh = plsc.VectorSubcoreMesh(core_axis_name="c", subcore_axis_name="s")
    NW = NC * NS
    DEG_ITERS = -(-NCHUNKS // NW)

    def body(adj_hbm, zd_hbm, ones_hbm, deg_out,
             deg_sh, idxd0, idxd1, ones_v, dstage_v, sem_i0, sem_i1):
        c = lax.axis_index("c")
        s = lax.axis_index("s")
        w = s * NC + c
        idxd = (idxd0, idxd1)
        sem_i = (sem_i0, sem_i1)
        cnt = jnp.where(w < NCHUNKS - (DEG_ITERS - 1) * NW, DEG_ITERS,
                        DEG_ITERS - 1)

        def off(j):
            return (w + NW * j) * CHUNK

        pltpu.sync_copy(zd_hbm, dstage_v)
        pltpu.sync_copy(ones_hbm, ones_v)
        for t in range(RPT // CHUNK):
            pltpu.sync_copy(dstage_v,
                            deg_sh.at[pl.ds(s * RPT + t * CHUNK, CHUNK)])
        plsc.subcore_barrier()

        pltpu.sync_copy(adj_hbm.at[1, pl.ds(off(0), CHUNK)], idxd0)
        pltpu.async_copy(adj_hbm.at[1, pl.ds(off(1), CHUNK)], idxd1, sem_i1)

        def group(g, carry):
            for b in (0, 1):
                j = 2 * g + b

                @pl.when(j < cnt)
                def _():
                    @pl.when(j > 0)
                    def _():
                        pltpu.make_async_copy(
                            adj_hbm.at[1, pl.ds(off(j), CHUNK)],
                            idxd[b], sem_i[b]).wait()

                    pltpu.sync_copy(ones_v, deg_sh.at[idxd[b]], add=True)

                    @pl.when(j + 2 < cnt)
                    def _():
                        pltpu.async_copy(adj_hbm.at[1, pl.ds(off(j + 2), CHUNK)],
                                         idxd[b], sem_i[b])

            return carry

        lax.fori_loop(0, (DEG_ITERS + 1) // 2, group, 0)
        plsc.subcore_barrier()

        row0 = c * NPAD + s * RPT
        for t in range(RPT // CHUNK):
            pltpu.sync_copy(deg_sh.at[pl.ds(s * RPT + t * CHUNK, CHUNK)],
                            dstage_v)
            pltpu.sync_copy(dstage_v,
                            deg_out.at[pl.ds(row0 + t * CHUNK, CHUNK)])

    return pl.kernel(
        body,
        out_type=(jax.ShapeDtypeStruct((NC * NPAD, HALF), jnp.float32),),
        mesh=mesh,
        scratch_types=(
            pltpu.VMEM_SHARED((NPAD, HALF), jnp.float32),
            pltpu.VMEM((CHUNK,), jnp.int32),
            pltpu.VMEM((CHUNK,), jnp.int32),
            pltpu.VMEM((CHUNK, HALF), jnp.float32),
            pltpu.VMEM((CHUNK, HALF), jnp.float32),
            pltpu.SemaphoreType.DMA,
            pltpu.SemaphoreType.DMA,
        ),
    )



def _mean_of(agg_ref, degp_ref):
    deg = degp_ref[0, :, 0:1] + degp_ref[1, :, 0:1]
    denom = jnp.maximum(deg, 1.0)
    return jnp.concatenate([agg_ref[0], agg_ref[1]], axis=1) / denom


def _t0_body(x_ref, w1r_ref, b1_ref, tab_ref, xr_ref):
    bf = jnp.bfloat16
    xv = x_ref[...]
    tab_ref[0] = xv[:, :HALF]
    tab_ref[1] = xv[:, HALF:]
    xr_ref[...] = (jnp.dot(xv.astype(bf), w1r_ref[...].astype(bf),
                           preferred_element_type=jnp.float32)
                   + b1_ref[...]).astype(bf)


def _t1_body(agg_ref, degp_ref, xr_ref, w1l_ref, w2l_ref, p_ref, h_ref):
    bf = jnp.bfloat16
    mean = _mean_of(agg_ref, degp_ref).astype(bf)
    h = jnp.dot(mean, w1l_ref[...].astype(bf),
                preferred_element_type=jnp.float32)
    h = jnp.maximum(h + xr_ref[...].astype(jnp.float32), 0.0).astype(bf)
    h_ref[...] = h
    p = jnp.dot(h, w2l_ref[...].astype(bf),
                preferred_element_type=jnp.float32)
    p_ref[0] = p[:, :HALF]
    p_ref[1] = p[:, HALF:]


def _t3_body(h_ref, w2r_ref, b2_ref, r_ref):
    bf = jnp.bfloat16
    r_ref[...] = (jnp.dot(h_ref[...], w2r_ref[...].astype(bf),
                          preferred_element_type=jnp.float32)
                  + b2_ref[...]).astype(bf)


def _t2_body(agg_ref, degp_ref, r_ref, out_ref):
    o = _mean_of(agg_ref, degp_ref) + r_ref[...].astype(jnp.float32)
    m = jnp.max(o, axis=-1, keepdims=True)
    ex = jnp.exp(o - m)
    out_ref[...] = o - m - jnp.log(jnp.sum(ex, axis=-1, keepdims=True))


_GRID = (N // ROW_BLK,)


def _full(shape):
    return pl.BlockSpec(shape, lambda i: (0,) * len(shape))


def _rows(minor, dtype=jnp.float32, n=N):
    return pl.BlockSpec((ROW_BLK, minor), lambda i: (i, 0))


def _split_rows():
    return pl.BlockSpec((NC, ROW_BLK, HALF), lambda i: (0, i, 0))


def _deg_rows():
    return pl.BlockSpec((NC, ROW_BLK, 16), lambda i: (0, i, 0))


def _t0(x, w1r, b1):
    return pl.pallas_call(
        _t0_body,
        grid=_GRID,
        in_specs=[_rows(IN_C), _full((IN_C, H_C)), _full((1, H_C))],
        out_specs=[_split_rows(), _rows(H_C)],
        out_shape=[
            jax.ShapeDtypeStruct((NC, NPAD, HALF), jnp.float32),
            jax.ShapeDtypeStruct((N, H_C), jnp.bfloat16),
        ],
    )(x, w1r, b1)


def _t1(agg, degp, xr, w1l, w2l):
    return pl.pallas_call(
        _t1_body,
        grid=_GRID,
        in_specs=[_split_rows(), _deg_rows(), _rows(H_C),
                  _full((IN_C, H_C)), _full((H_C, OUT_C))],
        out_specs=[_split_rows(), _rows(H_C)],
        out_shape=[
            jax.ShapeDtypeStruct((NC, NPAD, HALF), jnp.float32),
            jax.ShapeDtypeStruct((N, H_C), jnp.bfloat16),
        ],
    )(agg, degp, xr, w1l, w2l)


def _t3(h, w2r, b2):
    return pl.pallas_call(
        _t3_body,
        grid=_GRID,
        in_specs=[pl.BlockSpec((ROW_BLK, H_C), lambda i: (i, 0)),
                  _full((H_C, OUT_C)), _full((1, OUT_C))],
        out_specs=_rows(OUT_C),
        out_shape=jax.ShapeDtypeStruct((N, OUT_C), jnp.bfloat16),
    )(h, w2r, b2)


def _t2(agg2, degp, r):
    return pl.pallas_call(
        _t2_body,
        grid=_GRID,
        in_specs=[_split_rows(), _deg_rows(), _rows(OUT_C)],
        out_specs=_rows(OUT_C),
        out_shape=jax.ShapeDtypeStruct((N, OUT_C), jnp.float32),
    )(agg2, degp, r)



def kernel(x, adj, W1_l, W1_r, b1, W2_l, W2_r, b2):
    zf = jnp.zeros((CHUNK, HALF), jnp.float32)
    zd = jnp.zeros((CHUNK, HALF), jnp.float32)
    ones = jnp.ones((CHUNK, HALF), jnp.float32)

    tab1, xr = _t0(x, W1_r, b1.reshape(1, H_C))
    agg1f, = _sc_agg()(tab1.reshape(NC * NPAD, HALF), adj, zf)
    degf, = _sc_deg()(adj, zd, ones)
    agg1 = agg1f.reshape(NC, NPAD, HALF)
    degp = degf.reshape(NC, NPAD, HALF)[:, :, :16]

    p_stk, h = _t1(agg1, degp, xr, W1_l, W2_l)
    agg2f, = _sc_agg()(p_stk.reshape(NC * NPAD, HALF), adj, zf)
    r = _t3(h, W2_r, b2.reshape(1, OUT_C))
    return _t2(agg2f.reshape(NC, NPAD, HALF), degp, r)

# --- scband reference (transcript-rebuilt; emitter-appended) ---
"""Pipeline reference for scband-graph-sage-49546742726965 (READ-ONLY COPY).

The authoritative reference and input builder live on the scoring server;
editing this copy changes nothing except your own understanding.
"""

import jax, jax.numpy as jnp
import numpy as np

N, E, IN_C, H_C, OUT_C = 10000, 160000, 256, 512, 256


def setup_inputs(seed: int = 0) -> dict:
    key = jax.random.key(seed)
    ks = jax.random.split(key, 8)
    x = jax.random.normal(ks[0], (N, IN_C), dtype=jnp.float32)
    adj = jax.random.randint(ks[1], (2, E), 0, N, dtype=jnp.int32)
    s1 = 1.0 / np.sqrt(IN_C)
    s2 = 1.0 / np.sqrt(H_C)
    W1_l = jax.random.normal(ks[2], (IN_C, H_C), dtype=jnp.float32) * s1
    W1_r = jax.random.normal(ks[3], (IN_C, H_C), dtype=jnp.float32) * s1
    b1 = jnp.zeros((H_C,), dtype=jnp.float32)
    W2_l = jax.random.normal(ks[4], (H_C, OUT_C), dtype=jnp.float32) * s2
    W2_r = jax.random.normal(ks[5], (H_C, OUT_C), dtype=jnp.float32) * s2
    b2 = jnp.zeros((OUT_C,), dtype=jnp.float32)
    return {"x": x, "adj": adj, "W1_l": W1_l, "W1_r": W1_r, "b1": b1, "W2_l": W2_l, "W2_r": W2_r, "b2": b2}


def _sage_conv(h, src, dst, Wl, Wr, b):
    # PyG SAGEConv (mean aggregation): out = lin_l(mean_{j in N(i)} x_j) + lin_r(x_i)
    msg = jnp.take(h, src, axis=0)
    agg = jax.ops.segment_sum(msg, dst, num_segments=h.shape[0])
    deg = jax.ops.segment_sum(jnp.ones((src.shape[0],), dtype=h.dtype), dst, num_segments=h.shape[0])
    mean = agg / jnp.maximum(deg, 1.0)[:, None]
    return mean @ Wl + h @ Wr + b


def reference(x, adj, W1_l, W1_r, b1, W2_l, W2_r, b2):
    src = adj[0]
    dst = adj[1]
    h = _sage_conv(x, src, dst, W1_l, W1_r, b1)
    h = jax.nn.relu(h)
    # dropout is identity in eval mode (p=0.05 only applies during training)
    out = _sage_conv(h, src, dst, W2_l, W2_r, b2)
    return jax.nn.log_softmax(out, axis=-1)

if __name__ == "__main__":
    import jax
    _d = setup_inputs()
    print(jax.jit(kernel)(*tuple(_d.values())))

</pallas_src>

<mosaic_0001>
#map = affine_map<(d0, d1) -> (0, 0)>
module attributes {stable_mosaic.version = 14 : i64} {
  func.func @body(%arg0: i32, %arg1: i32, %arg2: memref<20480x128xf32, #tpu.memory_space<hbm>>, %arg3: memref<2x160000xi32, #tpu.memory_space<hbm>>, %arg4: memref<128x128xf32, #tpu.memory_space<hbm>>, %arg5: memref<20480x128xf32, #tpu.memory_space<hbm>>, %arg6: memref<10240x128xf32, #tpu.memory_space<vmem_shared>>, %arg7: memref<128xi32, #tpu.memory_space<vmem>>, %arg8: memref<128xi32, #tpu.memory_space<vmem>>, %arg9: memref<128xi32, #tpu.memory_space<vmem>>, %arg10: memref<128xi32, #tpu.memory_space<vmem>>, %arg11: memref<128x128xf32, #tpu.memory_space<vmem>>, %arg12: memref<128x128xf32, #tpu.memory_space<vmem>>, %arg13: memref<!tpu.dma_semaphore, #tpu.memory_space<semaphore_mem>>, %arg14: memref<!tpu.dma_semaphore, #tpu.memory_space<semaphore_mem>>, %arg15: memref<!tpu.dma_semaphore, #tpu.memory_space<semaphore_mem>>, %arg16: memref<!tpu.dma_semaphore, #tpu.memory_space<semaphore_mem>>, %arg17: memref<!tpu.dma_semaphore, #tpu.memory_space<semaphore_mem>>, %arg18: memref<!tpu.dma_semaphore, #tpu.memory_space<semaphore_mem>>) attributes {dimension_semantics = [#tpu.dimension_semantics<core_parallel>, #tpu.dimension_semantics<subcore_parallel>], iteration_bounds = array<i64: 2, 16>, scalar_prefetch = 0 : i64, scratch_operands = 13 : i64, tpu.core_type = #tpu.core_type<sc_vector_subcore>, window_params = [{transform_indices = #map}, {transform_indices = #map}, {transform_indices = #map}, {transform_indices = #map}]} {
    %lt3A = arith.constant 2 : i32
    %lt3A_0 = arith.cmpi slt, %arg1, %lt3A : i32
    %jit3A = arith.constant 79 : i32
    %jit3A_1 = arith.constant 78 : i32
    %select_n3A = arith.select %lt3A_0, %jit3A, %jit3A_1 : i32
    %mul3A = arith.constant 10240 : i32
    %mul3A_2 = arith.muli %arg0, %mul3A : i32
    "tpu.region"() ({
      %run_scoped3A_167 = tpu.sem_alloc : memref<!tpu.dma_semaphore, #tpu.memory_space<semaphore_mem>>
      tpu.enqueue_dma source(%arg4 : memref<128x128xf32, #tpu.memory_space<hbm>>) target(%arg11 : memref<128x128xf32, #tpu.memory_space<vmem>>) target_semaphore(%run_scoped3A_167 : memref<!tpu.dma_semaphore, #tpu.memory_space<semaphore_mem>>)
      tpu.wait_dma2 semaphore(%run_scoped3A_167 : memref<!tpu.dma_semaphore, #tpu.memory_space<semaphore_mem>>) src(%arg4 : memref<128x128xf32, #tpu.memory_space<hbm>>) dst(%arg11 : memref<128x128xf32, #tpu.memory_space<vmem>>)
      tpu.yield
    }) : () -> ()
    %mul3A_3 = arith.constant 640 : i32
    %mul3A_4 = arith.muli %arg1, %mul3A_3 : i32
    %add3A = arith.constant 0 : i32
    %add3A_5 = arith.addi %mul3A_4, %add3A : i32
    "tpu.region"() ({
      %run_scoped3A_167 = tpu.sem_alloc : memref<!tpu.dma_semaphore, #tpu.memory_space<semaphore_mem>>
      %dma_start3A_168 = arith.constant 0 : i32
      %dma_start3A_169 = tpu.memref_slice %arg6[%add3A_5, %dma_start3A_168] : memref<10240x128xf32, #tpu.memory_space<vmem_shared>> -> memref<128x128xf32, #tpu.memory_space<vmem_shared>>
      %dma_start3A_170 = arith.constant 0 : i32
      %dma_start3A_171 = tpu.memref_slice %arg6[%add3A_5, %dma_start3A_170] : memref<10240x128xf32, #tpu.memory_space<vmem_shared>> -> memref<128x128xf32, #tpu.memory_space<vmem_shared>>
      tpu.enqueue_dma source(%arg11 : memref<128x128xf32, #tpu.memory_space<vmem>>) target(%dma_start3A_171 : memref<128x128xf32, #tpu.memory_space<vmem_shared>>) target_semaphore(%run_scoped3A_167 : memref<!tpu.dma_semaphore, #tpu.memory_space<semaphore_mem>>)
      %dma_wait3A_172 = arith.constant 0 : i32
      %dma_wait3A_173 = tpu.memref_slice %arg6[%add3A_5, %dma_wait3A_172] : memref<10240x128xf32, #tpu.memory_space<vmem_shared>> -> memref<128x128xf32, #tpu.memory_space<vmem_shared>>
      %dma_wait3A_174 = arith.constant 0 : i32
      %dma_wait3A_175 = tpu.memref_slice %arg6[%add3A_5, %dma_wait3A_174] : memref<10240x128xf32, #tpu.memory_space<vmem_shared>> -> memref<128x128xf32, #tpu.memory_space<vmem_shared>>
      tpu.wait_dma2 semaphore(%run_scoped3A_167 : memref<!tpu.dma_semaphore, #tpu.memory_space<semaphore_mem>>) src(%arg11 : memref<128x128xf32, #tpu.memory_space<vmem>>) dst(%dma_wait3A_175 : memref<128x128xf32, #tpu.memory_space<vmem_shared>>)
      tpu.yield
    }) : () -> ()
    %mul3A_6 = arith.constant 640 : i32
    %mul3A_7 = arith.muli %arg1, %mul3A_6 : i32
    %add3A_8 = arith.constant 128 : i32
    %add3A_9 = arith.addi %mul3A_7, %add3A_8 : i32
    "tpu.region"() ({
      %run_scoped3A_167 = tpu.sem_alloc : memref<!tpu.dma_semaphore, #tpu.memory_space<semaphore_mem>>
      %dma_start3A_168 = arith.constant 0 : i32
      %dma_start3A_169 = tpu.memref_slice %arg6[%add3A_9, %dma_start3A_168] : memref<10240x128xf32, #tpu.memory_space<vmem_shared>> -> memref<128x128xf32, #tpu.memory_space<vmem_shared>>
      %dma_start3A_170 = arith.constant 0 : i32
      %dma_start3A_171 = tpu.memref_slice %arg6[%add3A_9, %dma_start3A_170] : memref<10240x128xf32, #tpu.memory_space<vmem_shared>> -> memref<128x128xf32, #tpu.memory_space<vmem_shared>>
      tpu.enqueue_dma source(%arg11 : memref<128x128xf32, #tpu.memory_space<vmem>>) target(%dma_start3A_171 : memref<128x128xf32, #tpu.memory_space<vmem_shared>>) target_semaphore(%run_scoped3A_167 : memref<!tpu.dma_semaphore, #tpu.memory_space<semaphore_mem>>)
      %dma_wait3A_172 = arith.constant 0 : i32
      %dma_wait3A_173 = tpu.memref_slice %arg6[%add3A_9, %dma_wait3A_172] : memref<10240x128xf32, #tpu.memory_space<vmem_shared>> -> memref<128x128xf32, #tpu.memory_space<vmem_shared>>
      %dma_wait3A_174 = arith.constant 0 : i32
      %dma_wait3A_175 = tpu.memref_slice %arg6[%add3A_9, %dma_wait3A_174] : memref<10240x128xf32, #tpu.memory_space<vmem_shared>> -> memref<128x128xf32, #tpu.memory_space<vmem_shared>>
      tpu.wait_dma2 semaphore(%run_scoped3A_167 : memref<!tpu.dma_semaphore, #tpu.memory_space<semaphore_mem>>) src(%arg11 : memref<128x128xf32, #tpu.memory_space<vmem>>) dst(%dma_wait3A_175 : memref<128x128xf32, #tpu.memory_space<vmem_shared>>)
      tpu.yield
    }) : () -> ()
    %mul3A_10 = arith.constant 640 : i32
    %mul3A_11 = arith.muli %arg1, %mul3A_10 : i32
    %add3A_12 = arith.constant 256 : i32
    %add3A_13 = arith.addi %mul3A_11, %add3A_12 : i32
    "tpu.region"() ({
      %run_scoped3A_167 = tpu.sem_alloc : memref<!tpu.dma_semaphore, #tpu.memory_space<semaphore_mem>>
      %dma_start3A_168 = arith.constant 0 : i32
      %dma_start3A_169 = tpu.memref_slice %arg6[%add3A_13, %dma_start3A_168] : memref<10240x128xf32, #tpu.memory_space<vmem_shared>> -> memref<128x128xf32, #tpu.memory_space<vmem_shared>>
      %dma_start3A_170 = arith.constant 0 : i32
      %dma_start3A_171 = tpu.memref_slice %arg6[%add3A_13, %dma_start3A_170] : memref<10240x128xf32, #tpu.memory_space<vmem_shared>> -> memref<128x128xf32, #tpu.memory_space<vmem_shared>>
      tpu.enqueue_dma source(%arg11 : memref<128x128xf32, #tpu.memory_space<vmem>>) target(%dma_start3A_171 : memref<128x128xf32, #tpu.memory_space<vmem_shared>>) target_semaphore(%run_scoped3A_167 : memref<!tpu.dma_semaphore, #tpu.memory_space<semaphore_mem>>)
      %dma_wait3A_172 = arith.constant 0 : i32
      %dma_wait3A_173 = tpu.memref_slice %arg6[%add3A_13, %dma_wait3A_172] : memref<10240x128xf32, #tpu.memory_space<vmem_shared>> -> memref<128x128xf32, #tpu.memory_space<vmem_shared>>
      %dma_wait3A_174 = arith.constant 0 : i32
      %dma_wait3A_175 = tpu.memref_slice %arg6[%add3A_13, %dma_wait3A_174] : memref<10240x128xf32, #tpu.memory_space<vmem_shared>> -> memref<128x128xf32, #tpu.memory_space<vmem_shared>>
      tpu.wait_dma2 semaphore(%run_scoped3A_167 : memref<!tpu.dma_semaphore, #tpu.memory_space<semaphore_mem>>) src(%arg11 : memref<128x128xf32, #tpu.memory_space<vmem>>) dst(%dma_wait3A_175 : memref<128x128xf32, #tpu.memory_space<vmem_shared>>)
      tpu.yield
    }) : () -> ()
    %mul3A_14 = arith.constant 640 : i32
    %mul3A_15 = arith.muli %arg1, %mul3A_14 : i32
    %add3A_16 = arith.constant 384 : i32
    %add3A_17 = arith.addi %mul3A_15, %add3A_16 : i32
    "tpu.region"() ({
      %run_scoped3A_167 = tpu.sem_alloc : memref<!tpu.dma_semaphore, #tpu.memory_space<semaphore_mem>>
      %dma_start3A_168 = arith.constant 0 : i32
      %dma_start3A_169 = tpu.memref_slice %arg6[%add3A_17, %dma_start3A_168] : memref<10240x128xf32, #tpu.memory_space<vmem_shared>> -> memref<128x128xf32, #tpu.memory_space<vmem_shared>>
      %dma_start3A_170 = arith.constant 0 : i32
      %dma_start3A_171 = tpu.memref_slice %arg6[%add3A_17, %dma_start3A_170] : memref<10240x128xf32, #tpu.memory_space<vmem_shared>> -> memref<128x128xf32, #tpu.memory_space<vmem_shared>>
      tpu.enqueue_dma source(%arg11 : memref<128x128xf32, #tpu.memory_space<vmem>>) target(%dma_start3A_171 : memref<128x128xf32, #tpu.memory_space<vmem_shared>>) target_semaphore(%run_scoped3A_167 : memref<!tpu.dma_semaphore, #tpu.memory_space<semaphore_mem>>)
      %dma_wait3A_172 = arith.constant 0 : i32
      %dma_wait3A_173 = tpu.memref_slice %arg6[%add3A_17, %dma_wait3A_172] : memref<10240x128xf32, #tpu.memory_space<vmem_shared>> -> memref<128x128xf32, #tpu.memory_space<vmem_shared>>
      %dma_wait3A_174 = arith.constant 0 : i32
      %dma_wait3A_175 = tpu.memref_slice %arg6[%add3A_17, %dma_wait3A_174] : memref<10240x128xf32, #tpu.memory_space<vmem_shared>> -> memref<128x128xf32, #tpu.memory_space<vmem_shared>>
      tpu.wait_dma2 semaphore(%run_scoped3A_167 : memref<!tpu.dma_semaphore, #tpu.memory_space<semaphore_mem>>) src(%arg11 : memref<128x128xf32, #tpu.memory_space<vmem>>) dst(%dma_wait3A_175 : memref<128x128xf32, #tpu.memory_space<vmem_shared>>)
      tpu.yield
    }) : () -> ()
    %mul3A_18 = arith.constant 640 : i32
    %mul3A_19 = arith.muli %arg1, %mul3A_18 : i32
    %add3A_20 = arith.constant 512 : i32
    %add3A_21 = arith.addi %mul3A_19, %add3A_20 : i32
    "tpu.region"() ({
      %run_scoped3A_167 = tpu.sem_alloc : memref<!tpu.dma_semaphore, #tpu.memory_space<semaphore_mem>>
      %dma_start3A_168 = arith.constant 0 : i32
      %dma_start3A_169 = tpu.memref_slice %arg6[%add3A_21, %dma_start3A_168] : memref<10240x128xf32, #tpu.memory_space<vmem_shared>> -> memref<128x128xf32, #tpu.memory_space<vmem_shared>>
      %dma_start3A_170 = arith.constant 0 : i32
      %dma_start3A_171 = tpu.memref_slice %arg6[%add3A_21, %dma_start3A_170] : memref<10240x128xf32, #tpu.memory_space<vmem_shared>> -> memref<128x128xf32, #tpu.memory_space<vmem_shared>>
      tpu.enqueue_dma source(%arg11 : memref<128x128xf32, #tpu.memory_space<vmem>>) target(%dma_start3A_171 : memref<128x128xf32, #tpu.memory_space<vmem_shared>>) target_semaphore(%run_scoped3A_167 : memref<!tpu.dma_semaphore, #tpu.memory_space<semaphore_mem>>)
      %dma_wait3A_172 = arith.constant 0 : i32
      %dma_wait3A_173 = tpu.memref_slice %arg6[%add3A_21, %dma_wait3A_172] : memref<10240x128xf32, #tpu.memory_space<vmem_shared>> -> memref<128x128xf32, #tpu.memory_space<vmem_shared>>
      %dma_wait3A_174 = arith.constant 0 : i32
      %dma_wait3A_175 = tpu.memref_slice %arg6[%add3A_21, %dma_wait3A_174] : memref<10240x128xf32, #tpu.memory_space<vmem_shared>> -> memref<128x128xf32, #tpu.memory_space<vmem_shared>>
      tpu.wait_dma2 semaphore(%run_scoped3A_167 : memref<!tpu.dma_semaphore, #tpu.memory_space<semaphore_mem>>) src(%arg11 : memref<128x128xf32, #tpu.memory_space<vmem>>) dst(%dma_wait3A_175 : memref<128x128xf32, #tpu.memory_space<vmem_shared>>)
      tpu.yield
    }) : () -> ()
    %barrier3A = arith.constant 0 : index
    tpu.barrier barrier_id(%barrier3A)
    %add3A_22 = arith.constant 0 : i32
    %add3A_23 = arith.addi %arg1, %add3A_22 : i32
    %mul3A_24 = arith.constant 128 : i32
    %mul3A_25 = arith.muli %add3A_23, %mul3A_24 : i32
    %run_scoped3A = arith.constant 0 : i32
    "tpu.region"() ({
      %run_scoped3A_167 = tpu.sem_alloc : memref<!tpu.dma_semaphore, #tpu.memory_space<semaphore_mem>>
      %dma_start3A_168 = tpu.memref_slice %arg3[%run_scoped3A, %mul3A_25] : memref<2x160000xi32, #tpu.memory_space<hbm>> -> memref<1x128xi32, #tpu.memory_space<hbm>>
      %dma_start3A_169 = tpu.memref_squeeze %dma_start3A_168 : memref<1x128xi32, #tpu.memory_space<hbm>> -> memref<128xi32, #tpu.memory_space<hbm>>
      %dma_start3A_170 = tpu.memref_slice %arg3[%run_scoped3A, %mul3A_25] : memref<2x160000xi32, #tpu.memory_space<hbm>> -> memref<1x128xi32, #tpu.memory_space<hbm>>
      %dma_start3A_171 = tpu.memref_squeeze %dma_start3A_170 : memref<1x128xi32, #tpu.memory_space<hbm>> -> memref<128xi32, #tpu.memory_space<hbm>>
      tpu.enqueue_dma source(%dma_start3A_171 : memref<128xi32, #tpu.memory_space<hbm>>) target(%arg7 : memref<128xi32, #tpu.memory_space<vmem>>) target_semaphore(%run_scoped3A_167 : memref<!tpu.dma_semaphore, #tpu.memory_space<semaphore_mem>>)
      %dma_wait3A_172 = tpu.memref_slice %arg3[%run_scoped3A, %mul3A_25] : memref<2x160000xi32, #tpu.memory_space<hbm>> -> memref<1x128xi32, #tpu.memory_space<hbm>>
      %dma_wait3A_173 = tpu.memref_squeeze %dma_wait3A_172 : memref<1x128xi32, #tpu.memory_space<hbm>> -> memref<128xi32, #tpu.memory_space<hbm>>
      %dma_wait3A_174 = tpu.memref_slice %arg3[%run_scoped3A, %mul3A_25] : memref<2x160000xi32, #tpu.memory_space<hbm>> -> memref<1x128xi32, #tpu.memory_space<hbm>>
      %dma_wait3A_175 = tpu.memref_squeeze %dma_wait3A_174 : memref<1x128xi32, #tpu.memory_space<hbm>> -> memref<128xi32, #tpu.memory_space<hbm>>
      tpu.wait_dma2 semaphore(%run_scoped3A_167 : memref<!tpu.dma_semaphore, #tpu.memory_space<semaphore_mem>>) src(%dma_wait3A_175 : memref<128xi32, #tpu.memory_space<hbm>>) dst(%arg7 : memref<128xi32, #tpu.memory_space<vmem>>)
      tpu.yield
    }) : () -> ()
    %add3A_26 = arith.constant 0 : i32
    %add3A_27 = arith.addi %arg1, %add3A_26 : i32
    %mul3A_28 = arith.constant 128 : i32
    %mul3A_29 = arith.muli %add3A_27, %mul3A_28 : i32
    %run_scoped3A_30 = arith.constant 1 : i32
    "tpu.region"() ({
      %run_scoped3A_167 = tpu.sem_alloc : memref<!tpu.dma_semaphore, #tpu.memory_space<semaphore_mem>>
      %dma_start3A_168 = tpu.memref_slice %arg3[%run_scoped3A_30, %mul3A_29] : memref<2x160000xi32, #tpu.memory_space<hbm>> -> memref<1x128xi32, #tpu.memory_space<hbm>>
      %dma_start3A_169 = tpu.memref_squeeze %dma_start3A_168 : memref<1x128xi32, #tpu.memory_space<hbm>> -> memref<128xi32, #tpu.memory_space<hbm>>
      %dma_start3A_170 = tpu.memref_slice %arg3[%run_scoped3A_30, %mul3A_29] : memref<2x160000xi32, #tpu.memory_space<hbm>> -> memref<1x128xi32, #tpu.memory_space<hbm>>
      %dma_start3A_171 = tpu.memref_squeeze %dma_start3A_170 : memref<1x128xi32, #tpu.memory_space<hbm>> -> memref<128xi32, #tpu.memory_space<hbm>>
      tpu.enqueue_dma source(%dma_start3A_171 : memref<128xi32, #tpu.memory_space<hbm>>) target(%arg9 : memref<128xi32, #tpu.memory_space<vmem>>) target_semaphore(%run_scoped3A_167 : memref<!tpu.dma_semaphore, #tpu.memory_space<semaphore_mem>>)
      %dma_wait3A_172 = tpu.memref_slice %arg3[%run_scoped3A_30, %mul3A_29] : memref<2x160000xi32, #tpu.memory_space<hbm>> -> memref<1x128xi32, #tpu.memory_space<hbm>>
      %dma_wait3A_173 = tpu.memref_squeeze %dma_wait3A_172 : memref<1x128xi32, #tpu.memory_space<hbm>> -> memref<128xi32, #tpu.memory_space<hbm>>
      %dma_wait3A_174 = tpu.memref_slice %arg3[%run_scoped3A_30, %mul3A_29] : memref<2x160000xi32, #tpu.memory_space<hbm>> -> memref<1x128xi32, #tpu.memory_space<hbm>>
      %dma_wait3A_175 = tpu.memref_squeeze %dma_wait3A_174 : memref<1x128xi32, #tpu.memory_space<hbm>> -> memref<128xi32, #tpu.memory_space<hbm>>
      tpu.wait_dma2 semaphore(%run_scoped3A_167 : memref<!tpu.dma_semaphore, #tpu.memory_space<semaphore_mem>>) src(%dma_wait3A_175 : memref<128xi32, #tpu.memory_space<hbm>>) dst(%arg9 : memref<128xi32, #tpu.memory_space<vmem>>)
      tpu.yield
    }) : () -> ()
    %get3A = arith.constant 0 : index
    %get3A_31 = tpu.vector_load %arg7[%get3A] {strides = array<i32>} : memref<128xi32, #tpu.memory_space<vmem>>, vector<16xi32>,
    %get3A_32 = vector.shape_cast %get3A_31 : vector<16xi32> to vector<16xi32>
    %add3A_33 = vector.broadcast %mul3A_2 : i32 to vector<16xi32>
    %add3A_34 = arith.addi %get3A_32, %add3A_33 : vector<16xi32>
    %swap3A = arith.constant 0 : index
    %swap3A_35 = tpu.vector_load %arg7[%swap3A] {strides = array<i32>} : memref<128xi32, #tpu.memory_space<vmem>>, vector<16xi32>,
    %swap3A_36 = vector.shape_cast %swap3A_35 : vector<16xi32> to vector<16xi32>
    %swap3A_37 = vector.shape_cast %add3A_34 : vector<16xi32> to vector<16xi32>
    tpu.vector_store %arg7[%swap3A], %swap3A_37 {strides = array<i32>} : memref<128xi32, #tpu.memory_space<vmem>>, vector<16xi32>,
    %get3A_38 = arith.constant 16 : index
    %get3A_39 = tpu.vector_load %arg7[%get3A_38] {strides = array<i32>} : memref<128xi32, #tpu.memory_space<vmem>>, vector<16xi32>,
    %get3A_40 = vector.shape_cast %get3A_39 : vector<16xi32> to vector<16xi32>
    %add3A_41 = vector.broadcast %mul3A_2 : i32 to vector<16xi32>
    %add3A_42 = arith.addi %get3A_40, %add3A_41 : vector<16xi32>
    %swap3A_43 = arith.constant 16 : index
    %swap3A_44 = tpu.vector_load %arg7[%swap3A_43] {strides = array<i32>} : memref<128xi32, #tpu.memory_space<vmem>>, vector<16xi32>,
    %swap3A_45 = vector.shape_cast %swap3A_44 : vector<16xi32> to vector<16xi32>
    %swap3A_46 = vector.shape_cast %add3A_42 : vector<16xi32> to vector<16xi32>
    tpu.vector_store %arg7[%swap3A_43], %swap3A_46 {strides = array<i32>} : memref<128xi32, #tpu.memory_space<vmem>>, vector<16xi32>,
    %get3A_47 = arith.constant 32 : index
    %get3A_48 = tpu.vector_load %arg7[%get3A_47] {strides = array<i32>} : memref<128xi32, #tpu.memory_space<vmem>>, vector<16xi32>,
    %get3A_49 = vector.shape_cast %get3A_48 : vector<16xi32> to vector<16xi32>
    %add3A_50 = vector.broadcast %mul3A_2 : i32 to vector<16xi32>
    %add3A_51 = arith.addi %get3A_49, %add3A_50 : vector<16xi32>
    %swap3A_52 = arith.constant 32 : index
    %swap3A_53 = tpu.vector_load %arg7[%swap3A_52] {strides = array<i32>} : memref<128xi32, #tpu.memory_space<vmem>>, vector<16xi32>,
    %swap3A_54 = vector.shape_cast %swap3A_53 : vector<16xi32> to vector<16xi32>
    %swap3A_55 = vector.shape_cast %add3A_51 : vector<16xi32> to vector<16xi32>
    tpu.vector_store %arg7[%swap3A_52], %swap3A_55 {strides = array<i32>} : memref<128xi32, #tpu.memory_space<vmem>>, vector<16xi32>,
    %get3A_56 = arith.constant 48 : index
    %get3A_57 = tpu.vector_load %arg7[%get3A_56] {strides = array<i32>} : memref<128xi32, #tpu.memory_space<vmem>>, vector<16xi32>,
    %get3A_58 = vector.shape_cast %get3A_57 : vector<16xi32> to vector<16xi32>
    %add3A_59 = vector.broadcast %mul3A_2 : i32 to vector<16xi32>
    %add3A_60 = arith.addi %get3A_58, %add3A_59 : vector<16xi32>
    %swap3A_61 = arith.constant 48 : index
    %swap3A_62 = tpu.vector_load %arg7[%swap3A_61] {strides = array<i32>} : memref<128xi32, #tpu.memory_space<vmem>>, vector<16xi32>,
    %swap3A_63 = vector.shape_cast %swap3A_62 : vector<16xi32> to vector<16xi32>
    %swap3A_64 = vector.shape_cast %add3A_60 : vector<16xi32> to vector<16xi32>
    tpu.vector_store %arg7[%swap3A_61], %swap3A_64 {strides = array<i32>} : memref<128xi32, #tpu.memory_space<vmem>>, vector<16xi32>,
    %get3A_65 = arith.constant 64 : index
    %get3A_66 = tpu.vector_load %arg7[%get3A_65] {strides = array<i32>} : memref<128xi32, #tpu.memory_space<vmem>>, vector<16xi32>,
    %get3A_67 = vector.shape_cast %get3A_66 : vector<16xi32> to vector<16xi32>
    %add3A_68 = vector.broadcast %mul3A_2 : i32 to vector<16xi32>
    %add3A_69 = arith.addi %get3A_67, %add3A_68 : vector<16xi32>
    %swap3A_70 = arith.constant 64 : index
    %swap3A_71 = tpu.vector_load %arg7[%swap3A_70] {strides = array<i32>} : memref<128xi32, #tpu.memory_space<vmem>>, vector<16xi32>,
    %swap3A_72 = vector.shape_cast %swap3A_71 : vector<16xi32> to vector<16xi32>
    %swap3A_73 = vector.shape_cast %add3A_69 : vector<16xi32> to vector<16xi32>
    tpu.vector_store %arg7[%swap3A_70], %swap3A_73 {strides = array<i32>} : memref<128xi32, #tpu.memory_space<vmem>>, vector<16xi32>,
    %get3A_74 = arith.constant 80 : index
    %get3A_75 = tpu.vector_load %arg7[%get3A_74] {strides = array<i32>} : memref<128xi32, #tpu.memory_space<vmem>>, vector<16xi32>,
    %get3A_76 = vector.shape_cast %get3A_75 : vector<16xi32> to vector<16xi32>
    %add3A_77 = vector.broadcast %mul3A_2 : i32 to vector<16xi32>
    %add3A_78 = arith.addi %get3A_76, %add3A_77 : vector<16xi32>
    %swap3A_79 = arith.constant 80 : index
    %swap3A_80 = tpu.vector_load %arg7[%swap3A_79] {strides = array<i32>} : memref<128xi32, #tpu.memory_space<vmem>>, vector<16xi32>,
    %swap3A_81 = vector.shape_cast %swap3A_80 : vector<16xi32> to vector<16xi32>
    %swap3A_82 = vector.shape_cast %add3A_78 : vector<16xi32> to vector<16xi32>
    tpu.vector_store %arg7[%swap3A_79], %swap3A_82 {strides = array<i32>} : memref<128xi32, #tpu.memory_space<vmem>>, vector<16xi32>,
    %get3A_83 = arith.constant 96 : index
    %get3A_84 = tpu.vector_load %arg7[%get3A_83] {strides = array<i32>} : memref<128xi32, #tpu.memory_space<vmem>>, vector<16xi32>,
    %get3A_85 = vector.shape_cast %get3A_84 : vector<16xi32> to vector<16xi32>
    %add3A_86 = vector.broadcast %mul3A_2 : i32 to vector<16xi32>
    %add3A_87 = arith.addi %get3A_85, %add3A_86 : vector<16xi32>
    %swap3A_88 = arith.constant 96 : index
    %swap3A_89 = tpu.vector_load %arg7[%swap3A_88] {strides = array<i32>} : memref<128xi32, #tpu.memory_space<vmem>>, vector<16xi32>,
    %swap3A_90 = vector.shape_cast %swap3A_89 : vector<16xi32> to vector<16xi32>
    %swap3A_91 = vector.shape_cast %add3A_87 : vector<16xi32> to vector<16xi32>
    tpu.vector_store %arg7[%swap3A_88], %swap3A_91 {strides = array<i32>} : memref<128xi32, #tpu.memory_space<vmem>>, vector<16xi32>,
    %get3A_92 = arith.constant 112 : index
    %get3A_93 = tpu.vector_load %arg7[%get3A_92] {strides = array<i32>} : memref<128xi32, #tpu.memory_space<vmem>>, vector<16xi32>,
    %get3A_94 = vector.shape_cast %get3A_93 : vector<16xi32> to vector<16xi32>
    %add3A_95 = vector.broadcast %mul3A_2 : i32 to vector<16xi32>
    %add3A_96 = arith.addi %get3A_94, %add3A_95 : vector<16xi32>
    %swap3A_97 = arith.constant 112 : index
    %swap3A_98 = tpu.vector_load %arg7[%swap3A_97] {strides = array<i32>} : memref<128xi32, #tpu.memory_space<vmem>>, vector<16xi32>,
    %swap3A_99 = vector.shape_cast %swap3A_98 : vector<16xi32> to vector<16xi32>
    %swap3A_100 = vector.shape_cast %add3A_96 : vector<16xi32> to vector<16xi32>
    tpu.vector_store %arg7[%swap3A_97], %swap3A_100 {strides = array<i32>} : memref<128xi32, #tpu.memory_space<vmem>>, vector<16xi32>,
    %dma_start3A = arith.constant 0 : i32
    %dma_start3A_101 = arith.constant 0 : i32
    %dma_start3A_102 = tpu.memref_slice %arg2[%dma_start3A, %dma_start3A_101] : memref<20480x128xf32, #tpu.memory_space<hbm>> -> memref<20480x128xf32, #tpu.memory_space<hbm>>
    tpu.enqueue_indirect_dma source(%dma_start3A_102 : memref<20480x128xf32, #tpu.memory_space<hbm>>) target(%arg11 : memref<128x128xf32, #tpu.memory_space<vmem>>) offsets(%arg7 : memref<128xi32, #tpu.memory_space<vmem>>) semaphore(%arg13 : memref<!tpu.dma_semaphore, #tpu.memory_space<semaphore_mem>>)
    %add3A_103 = arith.constant 16 : i32
    %add3A_104 = arith.addi %arg1, %add3A_103 : i32
    %mul3A_105 = arith.constant 128 : i32
    %mul3A_106 = arith.muli %add3A_104, %mul3A_105 : i32
    %dma_start3A_107 = arith.constant 0 : i32
    %dma_start3A_108 = tpu.memref_slice %arg3[%dma_start3A_107, %mul3A_106] : memref<2x160000xi32, #tpu.memory_space<hbm>> -> memref<1x128xi32, #tpu.memory_space<hbm>>
    %dma_start3A_109 = tpu.memref_squeeze %dma_start3A_108 : memref<1x128xi32, #tpu.memory_space<hbm>> -> memref<128xi32, #tpu.memory_space<hbm>>
    %dma_start3A_110 = tpu.memref_slice %arg3[%dma_start3A_107, %mul3A_106] : memref<2x160000xi32, #tpu.memory_space<hbm>> -> memref<1x128xi32, #tpu.memory_space<hbm>>
    %dma_start3A_111 = tpu.memref_squeeze %dma_start3A_110 : memref<1x128xi32, #tpu.memory_space<hbm>> -> memref<128xi32, #tpu.memory_space<hbm>>
    tpu.enqueue_dma source(%dma_start3A_111 : memref<128xi32, #tpu.memory_space<hbm>>) target(%arg8 : memref<128xi32, #tpu.memory_space<vmem>>) target_semaphore(%arg16 : memref<!tpu.dma_semaphore, #tpu.memory_space<semaphore_mem>>)
    %add3A_112 = arith.constant 16 : i32
    %add3A_113 = arith.addi %arg1, %add3A_112 : i32
    %mul3A_114 = arith.constant 128 : i32
    %mul3A_115 = arith.muli %add3A_113, %mul3A_114 : i32
    %dma_start3A_116 = arith.constant 1 : i32
    %dma_start3A_117 = tpu.memref_slice %arg3[%dma_start3A_116, %mul3A_115] : memref<2x160000xi32, #tpu.memory_space<hbm>> -> memref<1x128xi32, #tpu.memory_space<hbm>>
    %dma_start3A_118 = tpu.memref_squeeze %dma_start3A_117 : memref<1x128xi32, #tpu.memory_space<hbm>> -> memref<128xi32, #tpu.memory_space<hbm>>
    %dma_start3A_119 = tpu.memref_slice %arg3[%dma_start3A_116, %mul3A_115] : memref<2x160000xi32, #tpu.memory_space<hbm>> -> memref<1x128xi32, #tpu.memory_space<hbm>>
    %dma_start3A_120 = tpu.memref_squeeze %dma_start3A_119 : memref<1x128xi32, #tpu.memory_space<hbm>> -> memref<128xi32, #tpu.memory_space<hbm>>
    tpu.enqueue_dma source(%dma_start3A_120 : memref<128xi32, #tpu.memory_space<hbm>>) target(%arg10 : memref<128xi32, #tpu.memory_space<vmem>>) target_semaphore(%arg16 : memref<!tpu.dma_semaphore, #tpu.memory_space<semaphore_mem>>)
    %scan3A = arith.constant 0 : i32
    %scan3A_121 = arith.constant 0 : i32
    %scan3A_122 = arith.constant 40 : i32
    %scan3A_123 = arith.addi %scan3A_121, %scan3A_122 : i32
    %scan3A_124 = arith.constant 1 : i32
    scf.for %scan3A_167 = %scan3A_121 to %scan3A_123 step %scan3A_124  : i32 {
      %mul3A_168 = arith.constant 2 : i32
      %mul3A_169 = arith.muli %mul3A_168, %scan3A_167 : i32
      %add3A_170 = arith.constant 0 : i32
      %add3A_171 = arith.addi %mul3A_169, %add3A_170 : i32
      %lt3A_172 = arith.cmpi slt, %add3A_171, %select_n3A : i32
      %convert_element_type3A = arith.extui %lt3A_172 : i1 to i32
      %cond3A = arith.constant 0 : i32
      %cond3A_173 = arith.cmpi ne, %convert_element_type3A, %cond3A : i32
      scf.if %cond3A_173 {
        %add3A_182 = arith.constant 1 : i32
        %add3A_183 = arith.addi %add3A_171, %add3A_182 : i32
        %lt3A_184 = arith.cmpi slt, %add3A_183, %select_n3A : i32
        %convert_element_type3A_185 = arith.extui %lt3A_184 : i1 to i32
        %cond3A_186 = arith.constant 0 : i32
        %cond3A_187 = arith.cmpi ne, %convert_element_type3A_185, %cond3A_186 : i32
        scf.if %cond3A_187 {
          %add3A_200 = arith.constant 1 : i32
          %add3A_201 = arith.addi %add3A_171, %add3A_200 : i32
          %mul3A_202 = arith.constant 16 : i32
          %mul3A_203 = arith.muli %mul3A_202, %add3A_201 : i32
          %add3A_204 = arith.addi %arg1, %mul3A_203 : i32
          %mul3A_205 = arith.constant 128 : i32
          %mul3A_206 = arith.muli %add3A_204, %mul3A_205 : i32
          %dma_wait3A_207 = arith.constant 0 : i32
          %dma_wait3A_208 = tpu.memref_slice %arg3[%dma_wait3A_207, %mul3A_206] : memref<2x160000xi32, #tpu.memory_space<hbm>> -> memref<1x128xi32, #tpu.memory_space<hbm>>
          %dma_wait3A_209 = tpu.memref_squeeze %dma_wait3A_208 : memref<1x128xi32, #tpu.memory_space<hbm>> -> memref<128xi32, #tpu.memory_space<hbm>>
          %dma_wait3A_210 = tpu.memref_slice %arg3[%dma_wait3A_207, %mul3A_206] : memref<2x160000xi32, #tpu.memory_space<hbm>> -> memref<1x128xi32, #tpu.memory_space<hbm>>
          %dma_wait3A_211 = tpu.memref_squeeze %dma_wait3A_210 : memref<1x128xi32, #tpu.memory_space<hbm>> -> memref<128xi32, #tpu.memory_space<hbm>>
          tpu.wait_dma2 semaphore(%arg16 : memref<!tpu.dma_semaphore, #tpu.memory_space<semaphore_mem>>) src(%dma_wait3A_211 : memref<128xi32, #tpu.memory_space<hbm>>) dst(%arg8 : memref<128xi32, #tpu.memory_space<vmem>>)
          %add3A_212 = arith.constant 1 : i32
          %add3A_213 = arith.addi %add3A_171, %add3A_212 : i32
          %mul3A_214 = arith.constant 16 : i32
          %mul3A_215 = arith.muli %mul3A_214, %add3A_213 : i32
          %add3A_216 = arith.addi %arg1, %mul3A_215 : i32
          %mul3A_217 = arith.constant 128 : i32
          %mul3A_218 = arith.muli %add3A_216, %mul3A_217 : i32
          %dma_wait3A_219 = arith.constant 1 : i32
          %dma_wait3A_220 = tpu.memref_slice %arg3[%dma_wait3A_219, %mul3A_218] : memref<2x160000xi32, #tpu.memory_space<hbm>> -> memref<1x128xi32, #tpu.memory_space<hbm>>
          %dma_wait3A_221 = tpu.memref_squeeze %dma_wait3A_220 : memref<1x128xi32, #tpu.memory_space<hbm>> -> memref<128xi32, #tpu.memory_space<hbm>>
          %dma_wait3A_222 = tpu.memref_slice %arg3[%dma_wait3A_219, %mul3A_218] : memref<2x160000xi32, #tpu.memory_space<hbm>> -> memref<1x128xi32, #tpu.memory_space<hbm>>
          %dma_wait3A_223 = tpu.memref_squeeze %dma_wait3A_222 : memref<1x128xi32, #tpu.memory_space<hbm>> -> memref<128xi32, #tpu.memory_space<hbm>>
          tpu.wait_dma2 semaphore(%arg16 : memref<!tpu.dma_semaphore, #tpu.memory_space<semaphore_mem>>) src(%dma_wait3A_223 : memref<128xi32, #tpu.memory_space<hbm>>) dst(%arg10 : memref<128xi32, #tpu.memory_space<vmem>>)
          %get3A_224 = arith.constant 0 : index
          %get3A_225 = tpu.vector_load %arg8[%get3A_224] {strides = array<i32>} : memref<128xi32, #tpu.memory_space<vmem>>, vector<16xi32>,
          %get3A_226 = vector.shape_cast %get3A_225 : vector<16xi32> to vector<16xi32>
          %add3A_227 = vector.broadcast %mul3A_2 : i32 to vector<16xi32>
          %add3A_228 = arith.addi %get3A_226, %add3A_227 : vector<16xi32>
          %swap3A_229 = arith.constant 0 : index
          %swap3A_230 = tpu.vector_load %arg8[%swap3A_229] {strides = array<i32>} : memref<128xi32, #tpu.memory_space<vmem>>, vector<16xi32>,
          %swap3A_231 = vector.shape_cast %swap3A_230 : vector<16xi32> to vector<16xi32>
          %swap3A_232 = vector.shape_cast %add3A_228 : vector<16xi32> to vector<16xi32>
          tpu.vector_store %arg8[%swap3A_229], %swap3A_232 {strides = array<i32>} : memref<128xi32, #tpu.memory_space<vmem>>, vector<16xi32>,
          %get3A_233 = arith.constant 16 : index
          %get3A_234 = tpu.vector_load %arg8[%get3A_233] {strides = array<i32>} : memref<128xi32, #tpu.memory_space<vmem>>, vector<16xi32>,
          %get3A_235 = vector.shape_cast %get3A_234 : vector<16xi32> to vector<16xi32>
          %add3A_236 = vector.broadcast %mul3A_2 : i32 to vector<16xi32>
          %add3A_237 = arith.addi %get3A_235, %add3A_236 : vector<16xi32>
          %swap3A_238 = arith.constant 16 : index
          %swap3A_239 = tpu.vector_load %arg8[%swap3A_238] {strides = array<i32>} : memref<128xi32, #tpu.memory_space<vmem>>, vector<16xi32>,
          %swap3A_240 = vector.shape_cast %swap3A_239 : vector<16xi32> to vector<16xi32>
          %swap3A_241 = vector.shape_cast %add3A_237 : vector<16xi32> to vector<16xi32>
          tpu.vector_store %arg8[%swap3A_238], %swap3A_241 {strides = array<i32>} : memref<128xi32, #tpu.memory_space<vmem>>, vector<16xi32>,
          %get3A_242 = arith.constant 32 : index
          %get3A_243 = tpu.vector_load %arg8[%get3A_242] {strides = array<i32>} : memref<128xi32, #tpu.memory_space<vmem>>, vector<16xi32>,
          %get3A_244 = vector.shape_cast %get3A_243 : vector<16xi32> to vector<16xi32>
          %add3A_245 = vector.broadcast %mul3A_2 : i32 to vector<16xi32>
          %add3A_246 = arith.addi %get3A_244, %add3A_245 : vector<16xi32>
          %swap3A_247 = arith.constant 32 : index
          %swap3A_248 = tpu.vector_load %arg8[%swap3A_247] {strides = array<i32>} : memref<128xi32, #tpu.memory_space<vmem>>, vector<16xi32>,
          %swap3A_249 = vector.shape_cast %swap3A_248 : vector<16xi32> to vector<16xi32>
          %swap3A_250 = vector.shape_cast %add3A_246 : vector<16xi32> to vector<16xi32>
          tpu.vector_store %arg8[%swap3A_247], %swap3A_250 {strides = array<i32>} : memref<128xi32, #tpu.memory_space<vmem>>, vector<16xi32>,
          %get3A_251 = arith.constant 48 : index
          %get3A_252 = tpu.vector_load %arg8[%get3A_251] {strides = array<i32>} : memref<128xi32, #tpu.memory_space<vmem>>, vector<16xi32>,
          %get3A_253 = vector.shape_cast %get3A_252 : vector<16xi32> to vector<16xi32>
          %add3A_254 = vector.broadcast %mul3A_2 : i32 to vector<16xi32>
          %add3A_255 = arith.addi %get3A_253, %add3A_254 : vector<16xi32>
          %swap3A_256 = arith.constant 48 : index
          %swap3A_257 = tpu.vector_load %arg8[%swap3A_256] {strides = array<i32>} : memref<128xi32, #tpu.memory_space<vmem>>, vector<16xi32>,
          %swap3A_258 = vector.shape_cast %swap3A_257 : vector<16xi32> to vector<16xi32>
          %swap3A_259 = vector.shape_cast %add3A_255 : vector<16xi32> to vector<16xi32>
          tpu.vector_store %arg8[%swap3A_256], %swap3A_259 {strides = array<i32>} : memref<128xi32, #tpu.memory_space<vmem>>, vector<16xi32>,
          %get3A_260 = arith.constant 64 : index
          %get3A_261 = tpu.vector_load %arg8[%get3A_260] {strides = array<i32>} : memref<128xi32, #tpu.memory_space<vmem>>, vector<16xi32>,
          %get3A_262 = vector.shape_cast %get3A_261 : vector<16xi32> to vector<16xi32>
          %add3A_263 = vector.broadcast %mul3A_2 : i32 to vector<16xi32>
          %add3A_264 = arith.addi %get3A_262, %add3A_263 : vector<16xi32>
          %swap3A_265 = arith.constant 64 : index
          %swap3A_266 = tpu.vector_load %arg8[%swap3A_265] {strides = array<i32>} : memref<128xi32, #tpu.memory_space<vmem>>, vector<16xi32>,
          %swap3A_267 = vector.shape_cast %swap3A_266 : vector<16xi32> to vector<16xi32>
          %swap3A_268 = vector.shape_cast %add3A_264 : vector<16xi32> to vector<16xi32>
          tpu.vector_store %arg8[%swap3A_265], %swap3A_268 {strides = array<i32>} : memref<128xi32, #tpu.memory_space<vmem>>, vector<16xi32>,
          %get3A_269 = arith.constant 80 : index
          %get3A_270 = tpu.vector_load %arg8[%get3A_269] {strides = array<i32>} : memref<128xi32, #tpu.memory_space<vmem>>, vector<16xi32>,
          %get3A_271 = vector.shape_cast %get3A_270 : vector<16xi32> to vector<16xi32>
          %add3A_272 = vector.broadcast %mul3A_2 : i32 to vector<16xi32>
          %add3A_273 = arith.addi %get3A_271, %add3A_272 : vector<16xi32>
          %swap3A_274 = arith.constant 80 : index
          %swap3A_275 = tpu.vector_load %arg8[%swap3A_274] {strides = array<i32>} : memref<128xi32, #tpu.memory_space<vmem>>, vector<16xi32>,
          %swap3A_276 = vector.shape_cast %swap3A_275 : vector<16xi32> to vector<16xi32>
          %swap3A_277 = vector.shape_cast %add3A_273 : vector<16xi32> to vector<16xi32>
          tpu.vector_store %arg8[%swap3A_274], %swap3A_277 {strides = array<i32>} : memref<128xi32, #tpu.memory_space<vmem>>, vector<16xi32>,
          %get3A_278 = arith.constant 96 : index
          %get3A_279 = tpu.vector_load %arg8[%get3A_278] {strides = array<i32>} : memref<128xi32, #tpu.memory_space<vmem>>, vector<16xi32>,
          %get3A_280 = vector.shape_cast %get3A_279 : vector<16xi32> to vector<16xi32>
          %add3A_281 = vector.broadcast %mul3A_2 : i32 to vector<16xi32>
          %add3A_282 = arith.addi %get3A_280, %add3A_281 : vector<16xi32>
          %swap3A_283 = arith.constant 96 : index
          %swap3A_284 = tpu.vector_load %arg8[%swap3A_283] {strides = array<i32>} : memref<128xi32, #tpu.memory_space<vmem>>, vector<16xi32>,
          %swap3A_285 = vector.shape_cast %swap3A_284 : vector<16xi32> to vector<16xi32>
          %swap3A_286 = vector.shape_cast %add3A_282 : vector<16xi32> to vector<16xi32>
          tpu.vector_store %arg8[%swap3A_283], %swap3A_286 {strides = array<i32>} : memref<128xi32, #tpu.memory_space<vmem>>, vector<16xi32>,
          %get3A_287 = arith.constant 112 : index
          %get3A_288 = tpu.vector_load %arg8[%get3A_287] {strides = array<i32>} : memref<128xi32, #tpu.memory_space<vmem>>, vector<16xi32>,
          %get3A_289 = vector.shape_cast %get3A_288 : vector<16xi32> to vector<16xi32>
          %add3A_290 = vector.broadcast %mul3A_2 : i32 to vector<16xi32>
          %add3A_291 = arith.addi %get3A_289, %add3A_290 : vector<16xi32>
          %swap3A_292 = arith.constant 112 : index
          %swap3A_293 = tpu.vector_load %arg8[%swap3A_292] {strides = array<i32>} : memref<128xi32, #tpu.memory_space<vmem>>, vector<16xi32>,
          %swap3A_294 = vector.shape_cast %swap3A_293 : vector<16xi32> to vector<16xi32>
          %swap3A_295 = vector.shape_cast %add3A_291 : vector<16xi32> to vector<16xi32>
          tpu.vector_store %arg8[%swap3A_292], %swap3A_295 {strides = array<i32>} : memref<128xi32, #tpu.memory_space<vmem>>, vector<16xi32>,
          %ge3A = arith.constant 1 : i32
          %ge3A_296 = arith.cmpi sge, %add3A_171, %ge3A : i32
          %convert_element_type3A_297 = arith.extui %ge3A_296 : i1 to i32
          %cond3A_298 = arith.constant 0 : i32
          %cond3A_299 = arith.cmpi ne, %convert_element_type3A_297, %cond3A_298 : i32
          scf.if %cond3A_299 {
            %dma_wait3A_303 = arith.constant 0 : i32
            %dma_wait3A_304 = arith.constant 0 : i32
            %dma_wait3A_305 = tpu.memref_slice %arg6[%dma_wait3A_303, %dma_wait3A_304] : memref<10240x128xf32, #tpu.memory_space<vmem_shared>> -> memref<10240x128xf32, #tpu.memory_space<vmem_shared>>
            tpu.wait_indirect_dma semaphore(%arg18 : memref<!tpu.dma_semaphore, #tpu.memory_space<semaphore_mem>>) src(%arg12 : memref<128x128xf32, #tpu.memory_space<vmem>>) dst(%dma_wait3A_305 : memref<10240x128xf32, #tpu.memory_space<vmem_shared>>)
          } else {
          }
          %dma_start3A_300 = arith.constant 0 : i32
          %dma_start3A_301 = arith.constant 0 : i32
          %dma_start3A_302 = tpu.memref_slice %arg2[%dma_start3A_300, %dma_start3A_301] : memref<20480x128xf32, #tpu.memory_space<hbm>> -> memref<20480x128xf32, #tpu.memory_space<hbm>>
          tpu.enqueue_indirect_dma source(%dma_start3A_302 : memref<20480x128xf32, #tpu.memory_space<hbm>>) target(%arg12 : memref<128x128xf32, #tpu.memory_space<vmem>>) offsets(%arg8 : memref<128xi32, #tpu.memory_space<vmem>>) semaphore(%arg14 : memref<!tpu.dma_semaphore, #tpu.memory_space<semaphore_mem>>)
        } else {
        }
        %dma_wait3A_188 = arith.constant 0 : i32
        %dma_wait3A_189 = arith.constant 0 : i32
        %dma_wait3A_190 = tpu.memref_slice %arg2[%dma_wait3A_188, %dma_wait3A_189] : memref<20480x128xf32, #tpu.memory_space<hbm>> -> memref<20480x128xf32, #tpu.memory_space<hbm>>
        tpu.wait_indirect_dma semaphore(%arg13 : memref<!tpu.dma_semaphore, #tpu.memory_space<semaphore_mem>>) src(%dma_wait3A_190 : memref<20480x128xf32, #tpu.memory_space<hbm>>) dst(%arg11 : memref<128x128xf32, #tpu.memory_space<vmem>>)
        %dma_start3A_191 = arith.constant 0 : i32
        %dma_start3A_192 = arith.constant 0 : i32
        %dma_start3A_193 = tpu.memref_slice %arg6[%dma_start3A_191, %dma_start3A_192] : memref<10240x128xf32, #tpu.memory_space<vmem_shared>> -> memref<10240x128xf32, #tpu.memory_space<vmem_shared>>
        tpu.enqueue_indirect_dma source(%arg11 : memref<128x128xf32, #tpu.memory_space<vmem>>) target(%dma_start3A_193 : memref<10240x128xf32, #tpu.memory_space<vmem_shared>>) offsets(%arg9 : memref<128xi32, #tpu.memory_space<vmem>>) semaphore(%arg17 : memref<!tpu.dma_semaphore, #tpu.memory_space<semaphore_mem>>) {add = true}
        %add3A_194 = arith.constant 2 : i32
        %add3A_195 = arith.addi %add3A_171, %add3A_194 : i32
        %lt3A_196 = arith.cmpi slt, %add3A_195, %select_n3A : i32
        %convert_element_type3A_197 = arith.extui %lt3A_196 : i1 to i32
        %cond3A_198 = arith.constant 0 : i32
        %cond3A_199 = arith.cmpi ne, %convert_element_type3A_197, %cond3A_198 : i32
        scf.if %cond3A_199 {
          %add3A_200 = arith.constant 2 : i32
          %add3A_201 = arith.addi %add3A_171, %add3A_200 : i32
          %mul3A_202 = arith.constant 16 : i32
          %mul3A_203 = arith.muli %mul3A_202, %add3A_201 : i32
          %add3A_204 = arith.addi %arg1, %mul3A_203 : i32
          %mul3A_205 = arith.constant 128 : i32
          %mul3A_206 = arith.muli %add3A_204, %mul3A_205 : i32
          %dma_start3A_207 = arith.constant 0 : i32
          %dma_start3A_208 = tpu.memref_slice %arg3[%dma_start3A_207, %mul3A_206] : memref<2x160000xi32, #tpu.memory_space<hbm>> -> memref<1x128xi32, #tpu.memory_space<hbm>>
          %dma_start3A_209 = tpu.memref_squeeze %dma_start3A_208 : memref<1x128xi32, #tpu.memory_space<hbm>> -> memref<128xi32, #tpu.memory_space<hbm>>
          %dma_start3A_210 = tpu.memref_slice %arg3[%dma_start3A_207, %mul3A_206] : memref<2x160000xi32, #tpu.memory_space<hbm>> -> memref<1x128xi32, #tpu.memory_space<hbm>>
          %dma_start3A_211 = tpu.memref_squeeze %dma_start3A_210 : memref<1x128xi32, #tpu.memory_space<hbm>> -> memref<128xi32, #tpu.memory_space<hbm>>
          tpu.enqueue_dma source(%dma_start3A_211 : memref<128xi32, #tpu.memory_space<hbm>>) target(%arg7 : memref<128xi32, #tpu.memory_space<vmem>>) target_semaphore(%arg15 : memref<!tpu.dma_semaphore, #tpu.memory_space<semaphore_mem>>)
          %add3A_212 = arith.constant 2 : i32
          %add3A_213 = arith.addi %add3A_171, %add3A_212 : i32
          %mul3A_214 = arith.constant 16 : i32
          %mul3A_215 = arith.muli %mul3A_214, %add3A_213 : i32
          %add3A_216 = arith.addi %arg1, %mul3A_215 : i32
          %mul3A_217 = arith.constant 128 : i32
          %mul3A_218 = arith.muli %add3A_216, %mul3A_217 : i32
          %dma_start3A_219 = arith.constant 1 : i32
          %dma_start3A_220 = tpu.memref_slice %arg3[%dma_start3A_219, %mul3A_218] : memref<2x160000xi32, #tpu.memory_space<hbm>> -> memref<1x128xi32, #tpu.memory_space<hbm>>
          %dma_start3A_221 = tpu.memref_squeeze %dma_start3A_220 : memref<1x128xi32, #tpu.memory_space<hbm>> -> memref<128xi32, #tpu.memory_space<hbm>>
          %dma_start3A_222 = tpu.memref_slice %arg3[%dma_start3A_219, %mul3A_218] : memref<2x160000xi32, #tpu.memory_space<hbm>> -> memref<1x128xi32, #tpu.memory_space<hbm>>
          %dma_start3A_223 = tpu.memref_squeeze %dma_start3A_222 : memref<1x128xi32, #tpu.memory_space<hbm>> -> memref<128xi32, #tpu.memory_space<hbm>>
          tpu.enqueue_dma source(%dma_start3A_223 : memref<128xi32, #tpu.memory_space<hbm>>) target(%arg9 : memref<128xi32, #tpu.memory_space<vmem>>) target_semaphore(%arg15 : memref<!tpu.dma_semaphore, #tpu.memory_space<semaphore_mem>>)
        } else {
        }
      } else {
      }
      %mul3A_174 = arith.constant 2 : i32
      %mul3A_175 = arith.muli %mul3A_174, %scan3A_167 : i32
      %add3A_176 = arith.constant 1 : i32
      %add3A_177 = arith.addi %mul3A_175, %add3A_176 : i32
      %lt3A_178 = arith.cmpi slt, %add3A_177, %select_n3A : i32
      %convert_element_type3A_179 = arith.extui %lt3A_178 : i1 to i32
      %cond3A_180 = arith.constant 0 : i32
      %cond3A_181 = arith.cmpi ne, %convert_element_type3A_179, %cond3A_180 : i32
      scf.if %cond3A_181 {
        %add3A_182 = arith.constant 1 : i32
        %add3A_183 = arith.addi %add3A_177, %add3A_182 : i32
        %lt3A_184 = arith.cmpi slt, %add3A_183, %select_n3A : i32
        %convert_element_type3A_185 = arith.extui %lt3A_184 : i1 to i32
        %cond3A_186 = arith.constant 0 : i32
        %cond3A_187 = arith.cmpi ne, %convert_element_type3A_185, %cond3A_186 : i32
        scf.if %cond3A_187 {
          %add3A_200 = arith.constant 1 : i32
          %add3A_201 = arith.addi %add3A_177, %add3A_200 : i32
          %mul3A_202 = arith.constant 16 : i32
          %mul3A_203 = arith.muli %mul3A_202, %add3A_201 : i32
          %add3A_204 = arith.addi %arg1, %mul3A_203 : i32
          %mul3A_205 = arith.constant 128 : i32
          %mul3A_206 = arith.muli %add3A_204, %mul3A_205 : i32
          %dma_wait3A_207 = arith.constant 0 : i32
          %dma_wait3A_208 = tpu.memref_slice %arg3[%dma_wait3A_207, %mul3A_206] : memref<2x160000xi32, #tpu.memory_space<hbm>> -> memref<1x128xi32, #tpu.memory_space<hbm>>
          %dma_wait3A_209 = tpu.memref_squeeze %dma_wait3A_208 : memref<1x128xi32, #tpu.memory_space<hbm>> -> memref<128xi32, #tpu.memory_space<hbm>>
          %dma_wait3A_210 = tpu.memref_slice %arg3[%dma_wait3A_207, %mul3A_206] : memref<2x160000xi32, #tpu.memory_space<hbm>> -> memref<1x128xi32, #tpu.memory_space<hbm>>
          %dma_wait3A_211 = tpu.memref_squeeze %dma_wait3A_210 : memref<1x128xi32, #tpu.memory_space<hbm>> -> memref<128xi32, #tpu.memory_space<hbm>>
          tpu.wait_dma2 semaphore(%arg15 : memref<!tpu.dma_semaphore, #tpu.memory_space<semaphore_mem>>) src(%dma_wait3A_211 : memref<128xi32, #tpu.memory_space<hbm>>) dst(%arg7 : memref<128xi32, #tpu.memory_space<vmem>>)
          %add3A_212 = arith.constant 1 : i32
          %add3A_213 = arith.addi %add3A_177, %add3A_212 : i32
          %mul3A_214 = arith.constant 16 : i32
          %mul3A_215 = arith.muli %mul3A_214, %add3A_213 : i32
          %add3A_216 = arith.addi %arg1, %mul3A_215 : i32
          %mul3A_217 = arith.constant 128 : i32
          %mul3A_218 = arith.muli %add3A_216, %mul3A_217 : i32
          %dma_wait3A_219 = arith.constant 1 : i32
          %dma_wait3A_220 = tpu.memref_slice %arg3[%dma_wait3A_219, %mul3A_218] : memref<2x160000xi32, #tpu.memory_space<hbm>> -> memref<1x128xi32, #tpu.memory_space<hbm>>
          %dma_wait3A_221 = tpu.memref_squeeze %dma_wait3A_220 : memref<1x128xi32, #tpu.memory_space<hbm>> -> memref<128xi32, #tpu.memory_space<hbm>>
          %dma_wait3A_222 = tpu.memref_slice %arg3[%dma_wait3A_219, %mul3A_218] : memref<2x160000xi32, #tpu.memory_space<hbm>> -> memref<1x128xi32, #tpu.memory_space<hbm>>
          %dma_wait3A_223 = tpu.memref_squeeze %dma_wait3A_222 : memref<1x128xi32, #tpu.memory_space<hbm>> -> memref<128xi32, #tpu.memory_space<hbm>>
          tpu.wait_dma2 semaphore(%arg15 : memref<!tpu.dma_semaphore, #tpu.memory_space<semaphore_mem>>) src(%dma_wait3A_223 : memref<128xi32, #tpu.memory_space<hbm>>) dst(%arg9 : memref<128xi32, #tpu.memory_space<vmem>>)
          %get3A_224 = arith.constant 0 : index
          %get3A_225 = tpu.vector_load %arg7[%get3A_224] {strides = array<i32>} : memref<128xi32, #tpu.memory_space<vmem>>, vector<16xi32>,
          %get3A_226 = vector.shape_cast %get3A_225 : vector<16xi32> to vector<16xi32>
          %add3A_227 = vector.broadcast %mul3A_2 : i32 to vector<16xi32>
          %add3A_228 = arith.addi %get3A_226, %add3A_227 : vector<16xi32>
          %swap3A_229 = arith.constant 0 : index
          %swap3A_230 = tpu.vector_load %arg7[%swap3A_229] {strides = array<i32>} : memref<128xi32, #tpu.memory_space<vmem>>, vector<16xi32>,
          %swap3A_231 = vector.shape_cast %swap3A_230 : vector<16xi32> to vector<16xi32>
          %swap3A_232 = vector.shape_cast %add3A_228 : vector<16xi32> to vector<16xi32>
          tpu.vector_store %arg7[%swap3A_229], %swap3A_232 {strides = array<i32>} : memref<128xi32, #tpu.memory_space<vmem>>, vector<16xi32>,
          %get3A_233 = arith.constant 16 : index
          %get3A_234 = tpu.vector_load %arg7[%get3A_233] {strides = array<i32>} : memref<128xi32, #tpu.memory_space<vmem>>, vector<16xi32>,
          %get3A_235 = vector.shape_cast %get3A_234 : vector<16xi32> to vector<16xi32>
          %add3A_236 = vector.broadcast %mul3A_2 : i32 to vector<16xi32>
          %add3A_237 = arith.addi %get3A_235, %add3A_236 : vector<16xi32>
          %swap3A_238 = arith.constant 16 : index
          %swap3A_239 = tpu.vector_load %arg7[%swap3A_238] {strides = array<i32>} : memref<128xi32, #tpu.memory_space<vmem>>, vector<16xi32>,
          %swap3A_240 = vector.shape_cast %swap3A_239 : vector<16xi32> to vector<16xi32>
          %swap3A_241 = vector.shape_cast %add3A_237 : vector<16xi32> to vector<16xi32>
          tpu.vector_store %arg7[%swap3A_238], %swap3A_241 {strides = array<i32>} : memref<128xi32, #tpu.memory_space<vmem>>, vector<16xi32>,
          %get3A_242 = arith.constant 32 : index
          %get3A_243 = tpu.vector_load %arg7[%get3A_242] {strides = array<i32>} : memref<128xi32, #tpu.memory_space<vmem>>, vector<16xi32>,
          %get3A_244 = vector.shape_cast %get3A_243 : vector<16xi32> to vector<16xi32>
          %add3A_245 = vector.broadcast %mul3A_2 : i32 to vector<16xi32>
          %add3A_246 = arith.addi %get3A_244, %add3A_245 : vector<16xi32>
          %swap3A_247 = arith.constant 32 : index
          %swap3A_248 = tpu.vector_load %arg7[%swap3A_247] {strides = array<i32>} : memref<128xi32, #tpu.memory_space<vmem>>, vector<16xi32>,
          %swap3A_249 = vector.shape_cast %swap3A_248 : vector<16xi32> to vector<16xi32>
          %swap3A_250 = vector.shape_cast %add3A_246 : vector<16xi32> to vector<16xi32>
          tpu.vector_store %arg7[%swap3A_247], %swap3A_250 {strides = array<i32>} : memref<128xi32, #tpu.memory_space<vmem>>, vector<16xi32>,
          %get3A_251 = arith.constant 48 : index
          %get3A_252 = tpu.vector_load %arg7[%get3A_251] {strides = array<i32>} : memref<128xi32, #tpu.memory_space<vmem>>, vector<16xi32>,
          %get3A_253 = vector.shape_cast %get3A_252 : vector<16xi32> to vector<16xi32>
          %add3A_254 = vector.broadcast %mul3A_2 : i32 to vector<16xi32>
          %add3A_255 = arith.addi %get3A_253, %add3A_254 : vector<16xi32>
          %swap3A_256 = arith.constant 48 : index
          %swap3A_257 = tpu.vector_load %arg7[%swap3A_256] {strides = array<i32>} : memref<128xi32, #tpu.memory_space<vmem>>, vector<16xi32>,
          %swap3A_258 = vector.shape_cast %swap3A_257 : vector<16xi32> to vector<16xi32>
          %swap3A_259 = vector.shape_cast %add3A_255 : vector<16xi32> to vector<16xi32>
          tpu.vector_store %arg7[%swap3A_256], %swap3A_259 {strides = array<i32>} : memref<128xi32, #tpu.memory_space<vmem>>, vector<16xi32>,
          %get3A_260 = arith.constant 64 : index
          %get3A_261 = tpu.vector_load %arg7[%get3A_260] {strides = array<i32>} : memref<128xi32, #tpu.memory_space<vmem>>, vector<16xi32>,
          %get3A_262 = vector.shape_cast %get3A_261 : vector<16xi32> to vector<16xi32>
          %add3A_263 = vector.broadcast %mul3A_2 : i32 to vector<16xi32>
          %add3A_264 = arith.addi %get3A_262, %add3A_263 : vector<16xi32>
          %swap3A_265 = arith.constant 64 : index
          %swap3A_266 = tpu.vector_load %arg7[%swap3A_265] {strides = array<i32>} : memref<128xi32, #tpu.memory_space<vmem>>, vector<16xi32>,
          %swap3A_267 = vector.shape_cast %swap3A_266 : vector<16xi32> to vector<16xi32>
          %swap3A_268 = vector.shape_cast %add3A_264 : vector<16xi32> to vector<16xi32>
          tpu.vector_store %arg7[%swap3A_265], %swap3A_268 {strides = array<i32>} : memref<128xi32, #tpu.memory_space<vmem>>, vector<16xi32>,
          %get3A_269 = arith.constant 80 : index
          %get3A_270 = tpu.vector_load %arg7[%get3A_269] {strides = array<i32>} : memref<128xi32, #tpu.memory_space<vmem>>, vector<16xi32>,
          %get3A_271 = vector.shape_cast %get3A_270 : vector<16xi32> to vector<16xi32>
          %add3A_272 = vector.broadcast %mul3A_2 : i32 to vector<16xi32>
          %add3A_273 = arith.addi %get3A_271, %add3A_272 : vector<16xi32>
          %swap3A_274 = arith.constant 80 : index
          %swap3A_275 = tpu.vector_load %arg7[%swap3A_274] {strides = array<i32>} : memref<128xi32, #tpu.memory_space<vmem>>, vector<16xi32>,
          %swap3A_276 = vector.shape_cast %swap3A_275 : vector<16xi32> to vector<16xi32>
          %swap3A_277 = vector.shape_cast %add3A_273 : vector<16xi32> to vector<16xi32>
          tpu.vector_store %arg7[%swap3A_274], %swap3A_277 {strides = array<i32>} : memref<128xi32, #tpu.memory_space<vmem>>, vector<16xi32>,
          %get3A_278 = arith.constant 96 : index
          %get3A_279 = tpu.vector_load %arg7[%get3A_278] {strides = array<i32>} : memref<128xi32, #tpu.memory_space<vmem>>, vector<16xi32>,
          %get3A_280 = vector.shape_cast %get3A_279 : vector<16xi32> to vector<16xi32>
          %add3A_281 = vector.broadcast %mul3A_2 : i32 to vector<16xi32>
          %add3A_282 = arith.addi %get3A_280, %add3A_281 : vector<16xi32>
          %swap3A_283 = arith.constant 96 : index
          %swap3A_284 = tpu.vector_load %arg7[%swap3A_283] {strides = array<i32>} : memref<128xi32, #tpu.memory_space<vmem>>, vector<16xi32>,
          %swap3A_285 = vector.shape_cast %swap3A_284 : vector<16xi32> to vector<16xi32>
          %swap3A_286 = vector.shape_cast %add3A_282 : vector<16xi32> to vector<16xi32>
          tpu.vector_store %arg7[%swap3A_283], %swap3A_286 {strides = array<i32>} : memref<128xi32, #tpu.memory_space<vmem>>, vector<16xi32>,
          %get3A_287 = arith.constant 112 : index
          %get3A_288 = tpu.vector_load %arg7[%get3A_287] {strides = array<i32>} : memref<128xi32, #tpu.memory_space<vmem>>, vector<16xi32>,
          %get3A_289 = vector.shape_cast %get3A_288 : vector<16xi32> to vector<16xi32>
          %add3A_290 = vector.broadcast %mul3A_2 : i32 to vector<16xi32>
          %add3A_291 = arith.addi %get3A_289, %add3A_290 : vector<16xi32>
          %swap3A_292 = arith.constant 112 : index
          %swap3A_293 = tpu.vector_load %arg7[%swap3A_292] {strides = array<i32>} : memref<128xi32, #tpu.memory_space<vmem>>, vector<16xi32>,
          %swap3A_294 = vector.shape_cast %swap3A_293 : vector<16xi32> to vector<16xi32>
          %swap3A_295 = vector.shape_cast %add3A_291 : vector<16xi32> to vector<16xi32>
          tpu.vector_store %arg7[%swap3A_292], %swap3A_295 {strides = array<i32>} : memref<128xi32, #tpu.memory_space<vmem>>, vector<16xi32>,
          %ge3A = arith.constant 1 : i32
          %ge3A_296 = arith.cmpi sge, %add3A_177, %ge3A : i32
          %convert_element_type3A_297 = arith.extui %ge3A_296 : i1 to i32
          %cond3A_298 = arith.constant 0 : i32
          %cond3A_299 = arith.cmpi ne, %convert_element_type3A_297, %cond3A_298 : i32
          scf.if %cond3A_299 {
            %dma_wait3A_303 = arith.constant 0 : i32
            %dma_wait3A_304 = arith.constant 0 : i32
            %dma_wait3A_305 = tpu.memref_slice %arg6[%dma_wait3A_303, %dma_wait3A_304] : memref<10240x128xf32, #tpu.memory_space<vmem_shared>> -> memref<10240x128xf32, #tpu.memory_space<vmem_shared>>
            tpu.wait_indirect_dma semaphore(%arg17 : memref<!tpu.dma_semaphore, #tpu.memory_space<semaphore_mem>>) src(%arg11 : memref<128x128xf32, #tpu.memory_space<vmem>>) dst(%dma_wait3A_305 : memref<10240x128xf32, #tpu.memory_space<vmem_shared>>)
          } else {
          }
          %dma_start3A_300 = arith.constant 0 : i32
          %dma_start3A_301 = arith.constant 0 : i32
          %dma_start3A_302 = tpu.memref_slice %arg2[%dma_start3A_300, %dma_start3A_301] : memref<20480x128xf32, #tpu.memory_space<hbm>> -> memref<20480x128xf32, #tpu.memory_space<hbm>>
          tpu.enqueue_indirect_dma source(%dma_start3A_302 : memref<20480x128xf32, #tpu.memory_space<hbm>>) target(%arg11 : memref<128x128xf32, #tpu.memory_space<vmem>>) offsets(%arg7 : memref<128xi32, #tpu.memory_space<vmem>>) semaphore(%arg13 : memref<!tpu.dma_semaphore, #tpu.memory_space<semaphore_mem>>)
        } else {
        }
        %dma_wait3A_188 = arith.constant 0 : i32
        %dma_wait3A_189 = arith.constant 0 : i32
        %dma_wait3A_190 = tpu.memref_slice %arg2[%dma_wait3A_188, %dma_wait3A_189] : memref<20480x128xf32, #tpu.memory_space<hbm>> -> memref<20480x128xf32, #tpu.memory_space<hbm>>
        tpu.wait_indirect_dma semaphore(%arg14 : memref<!tpu.dma_semaphore, #tpu.memory_space<semaphore_mem>>) src(%dma_wait3A_190 : memref<20480x128xf32, #tpu.memory_space<hbm>>) dst(%arg12 : memref<128x128xf32, #tpu.memory_space<vmem>>)
        %dma_start3A_191 = arith.constant 0 : i32
        %dma_start3A_192 = arith.constant 0 : i32
        %dma_start3A_193 = tpu.memref_slice %arg6[%dma_start3A_191, %dma_start3A_192] : memref<10240x128xf32, #tpu.memory_space<vmem_shared>> -> memref<10240x128xf32, #tpu.memory_space<vmem_shared>>
        tpu.enqueue_indirect_dma source(%arg12 : memref<128x128xf32, #tpu.memory_space<vmem>>) target(%dma_start3A_193 : memref<10240x128xf32, #tpu.memory_space<vmem_shared>>) offsets(%arg10 : memref<128xi32, #tpu.memory_space<vmem>>) semaphore(%arg18 : memref<!tpu.dma_semaphore, #tpu.memory_space<semaphore_mem>>) {add = true}
        %add3A_194 = arith.constant 2 : i32
        %add3A_195 = arith.addi %add3A_177, %add3A_194 : i32
        %lt3A_196 = arith.cmpi slt, %add3A_195, %select_n3A : i32
        %convert_element_type3A_197 = arith.extui %lt3A_196 : i1 to i32
        %cond3A_198 = arith.constant 0 : i32
        %cond3A_199 = arith.cmpi ne, %convert_element_type3A_197, %cond3A_198 : i32
        scf.if %cond3A_199 {
          %add3A_200 = arith.constant 2 : i32
          %add3A_201 = arith.addi %add3A_177, %add3A_200 : i32
          %mul3A_202 = arith.constant 16 : i32
          %mul3A_203 = arith.muli %mul3A_202, %add3A_201 : i32
          %add3A_204 = arith.addi %arg1, %mul3A_203 : i32
          %mul3A_205 = arith.constant 128 : i32
          %mul3A_206 = arith.muli %add3A_204, %mul3A_205 : i32
          %dma_start3A_207 = arith.constant 0 : i32
          %dma_start3A_208 = tpu.memref_slice %arg3[%dma_start3A_207, %mul3A_206] : memref<2x160000xi32, #tpu.memory_space<hbm>> -> memref<1x128xi32, #tpu.memory_space<hbm>>
          %dma_start3A_209 = tpu.memref_squeeze %dma_start3A_208 : memref<1x128xi32, #tpu.memory_space<hbm>> -> memref<128xi32, #tpu.memory_space<hbm>>
          %dma_start3A_210 = tpu.memref_slice %arg3[%dma_start3A_207, %mul3A_206] : memref<2x160000xi32, #tpu.memory_space<hbm>> -> memref<1x128xi32, #tpu.memory_space<hbm>>
          %dma_start3A_211 = tpu.memref_squeeze %dma_start3A_210 : memref<1x128xi32, #tpu.memory_space<hbm>> -> memref<128xi32, #tpu.memory_space<hbm>>
          tpu.enqueue_dma source(%dma_start3A_211 : memref<128xi32, #tpu.memory_space<hbm>>) target(%arg8 : memref<128xi32, #tpu.memory_space<vmem>>) target_semaphore(%arg16 : memref<!tpu.dma_semaphore, #tpu.memory_space<semaphore_mem>>)
          %add3A_212 = arith.constant 2 : i32
          %add3A_213 = arith.addi %add3A_177, %add3A_212 : i32
          %mul3A_214 = arith.constant 16 : i32
          %mul3A_215 = arith.muli %mul3A_214, %add3A_213 : i32
          %add3A_216 = arith.addi %arg1, %mul3A_215 : i32
          %mul3A_217 = arith.constant 128 : i32
          %mul3A_218 = arith.muli %add3A_216, %mul3A_217 : i32
          %dma_start3A_219 = arith.constant 1 : i32
          %dma_start3A_220 = tpu.memref_slice %arg3[%dma_start3A_219, %mul3A_218] : memref<2x160000xi32, #tpu.memory_space<hbm>> -> memref<1x128xi32, #tpu.memory_space<hbm>>
          %dma_start3A_221 = tpu.memref_squeeze %dma_start3A_220 : memref<1x128xi32, #tpu.memory_space<hbm>> -> memref<128xi32, #tpu.memory_space<hbm>>
          %dma_start3A_222 = tpu.memref_slice %arg3[%dma_start3A_219, %mul3A_218] : memref<2x160000xi32, #tpu.memory_space<hbm>> -> memref<1x128xi32, #tpu.memory_space<hbm>>
          %dma_start3A_223 = tpu.memref_squeeze %dma_start3A_222 : memref<1x128xi32, #tpu.memory_space<hbm>> -> memref<128xi32, #tpu.memory_space<hbm>>
          tpu.enqueue_dma source(%dma_start3A_223 : memref<128xi32, #tpu.memory_space<hbm>>) target(%arg10 : memref<128xi32, #tpu.memory_space<vmem>>) target_semaphore(%arg16 : memref<!tpu.dma_semaphore, #tpu.memory_space<semaphore_mem>>)
        } else {
        }
      } else {
      }
    }
    %scan3A_125 = arith.constant 40 : i32
    %dma_wait3A = arith.constant 0 : i32
    %dma_wait3A_126 = arith.constant 0 : i32
    %dma_wait3A_127 = tpu.memref_slice %arg6[%dma_wait3A, %dma_wait3A_126] : memref<10240x128xf32, #tpu.memory_space<vmem_shared>> -> memref<10240x128xf32, #tpu.memory_space<vmem_shared>>
    tpu.wait_indirect_dma semaphore(%arg17 : memref<!tpu.dma_semaphore, #tpu.memory_space<semaphore_mem>>) src(%arg11 : memref<128x128xf32, #tpu.memory_space<vmem>>) dst(%dma_wait3A_127 : memref<10240x128xf32, #tpu.memory_space<vmem_shared>>)
    %dma_wait3A_128 = arith.constant 0 : i32
    %dma_wait3A_129 = arith.constant 0 : i32
    %dma_wait3A_130 = tpu.memref_slice %arg6[%dma_wait3A_128, %dma_wait3A_129] : memref<10240x128xf32, #tpu.memory_space<vmem_shared>> -> memref<10240x128xf32, #tpu.memory_space<vmem_shared>>
    tpu.wait_indirect_dma semaphore(%arg18 : memref<!tpu.dma_semaphore, #tpu.memory_space<semaphore_mem>>) src(%arg12 : memref<128x128xf32, #tpu.memory_space<vmem>>) dst(%dma_wait3A_130 : memref<10240x128xf32, #tpu.memory_space<vmem_shared>>)
    %barrier3A_131 = arith.constant 0 : index
    tpu.barrier barrier_id(%barrier3A_131)
    %mul3A_132 = arith.constant 10240 : i32
    %mul3A_133 = arith.muli %arg0, %mul3A_132 : i32
    %mul3A_134 = arith.constant 640 : i32
    %mul3A_135 = arith.muli %arg1, %mul3A_134 : i32
    %add3A_136 = arith.addi %mul3A_133, %mul3A_135 : i32
    %mul3A_137 = arith.constant 640 : i32
    %mul3A_138 = arith.muli %arg1, %mul3A_137 : i32
    %add3A_139 = arith.constant 0 : i32
    %add3A_140 = arith.addi %mul3A_138, %add3A_139 : i32
    "tpu.region"() ({
      %run_scoped3A_167 = tpu.sem_alloc : memref<!tpu.dma_semaphore, #tpu.memory_space<semaphore_mem>>
      %dma_start3A_168 = arith.constant 0 : i32
      %dma_start3A_169 = tpu.memref_slice %arg6[%add3A_140, %dma_start3A_168] : memref<10240x128xf32, #tpu.memory_space<vmem_shared>> -> memref<128x128xf32, #tpu.memory_space<vmem_shared>>
      %dma_start3A_170 = arith.constant 0 : i32
      %dma_start3A_171 = tpu.memref_slice %arg6[%add3A_140, %dma_start3A_170] : memref<10240x128xf32, #tpu.memory_space<vmem_shared>> -> memref<128x128xf32, #tpu.memory_space<vmem_shared>>
      tpu.enqueue_dma source(%dma_start3A_171 : memref<128x128xf32, #tpu.memory_space<vmem_shared>>) target(%arg11 : memref<128x128xf32, #tpu.memory_space<vmem>>) target_semaphore(%run_scoped3A_167 : memref<!tpu.dma_semaphore, #tpu.memory_space<semaphore_mem>>)
      %dma_wait3A_172 = arith.constant 0 : i32
      %dma_wait3A_173 = tpu.memref_slice %arg6[%add3A_140, %dma_wait3A_172] : memref<10240x128xf32, #tpu.memory_space<vmem_shared>> -> memref<128x128xf32, #tpu.memory_space<vmem_shared>>
      %dma_wait3A_174 = arith.constant 0 : i32
      %dma_wait3A_175 = tpu.memref_slice %arg6[%add3A_140, %dma_wait3A_174] : memref<10240x128xf32, #tpu.memory_space<vmem_shared>> -> memref<128x128xf32, #tpu.memory_space<vmem_shared>>
      tpu.wait_dma2 semaphore(%run_scoped3A_167 : memref<!tpu.dma_semaphore, #tpu.memory_space<semaphore_mem>>) src(%dma_wait3A_175 : memref<128x128xf32, #tpu.memory_space<vmem_shared>>) dst(%arg11 : memref<128x128xf32, #tpu.memory_space<vmem>>)
      tpu.yield
    }) : () -> ()
    %add3A_141 = arith.constant 0 : i32
    %add3A_142 = arith.addi %add3A_136, %add3A_141 : i32
    "tpu.region"() ({
      %run_scoped3A_167 = tpu.sem_alloc : memref<!tpu.dma_semaphore, #tpu.memory_space<semaphore_mem>>
      %dma_start3A_168 = arith.constant 0 : i32
      %dma_start3A_169 = tpu.memref_slice %arg5[%add3A_142, %dma_start3A_168] : memref<20480x128xf32, #tpu.memory_space<hbm>> -> memref<128x128xf32, #tpu.memory_space<hbm>>
      %dma_start3A_170 = arith.constant 0 : i32
      %dma_start3A_171 = tpu.memref_slice %arg5[%add3A_142, %dma_start3A_170] : memref<20480x128xf32, #tpu.memory_space<hbm>> -> memref<128x128xf32, #tpu.memory_space<hbm>>
      tpu.enqueue_dma source(%arg11 : memref<128x128xf32, #tpu.memory_space<vmem>>) target(%dma_start3A_171 : memref<128x128xf32, #tpu.memory_space<hbm>>) target_semaphore(%run_scoped3A_167 : memref<!tpu.dma_semaphore, #tpu.memory_space<semaphore_mem>>)
      %dma_wait3A_172 = arith.constant 0 : i32
      %dma_wait3A_173 = tpu.memref_slice %arg5[%add3A_142, %dma_wait3A_172] : memref<20480x128xf32, #tpu.memory_space<hbm>> -> memref<128x128xf32, #tpu.memory_space<hbm>>
      %dma_wait3A_174 = arith.constant 0 : i32
      %dma_wait3A_175 = tpu.memref_slice %arg5[%add3A_142, %dma_wait3A_174] : memref<20480x128xf32, #tpu.memory_space<hbm>> -> memref<128x128xf32, #tpu.memory_space<hbm>>
      tpu.wait_dma2 semaphore(%run_scoped3A_167 : memref<!tpu.dma_semaphore, #tpu.memory_space<semaphore_mem>>) src(%arg11 : memref<128x128xf32, #tpu.memory_space<vmem>>) dst(%dma_wait3A_175 : memref<128x128xf32, #tpu.memory_space<hbm>>)
      tpu.yield
    }) : () -> ()
    %mul3A_143 = arith.constant 640 : i32
    %mul3A_144 = arith.muli %arg1, %mul3A_143 : i32
    %add3A_145 = arith.constant 128 : i32
    %add3A_146 = arith.addi %mul3A_144, %add3A_145 : i32
    "tpu.region"() ({
      %run_scoped3A_167 = tpu.sem_alloc : memref<!tpu.dma_semaphore, #tpu.memory_space<semaphore_mem>>
      %dma_start3A_168 = arith.constant 0 : i32
      %dma_start3A_169 = tpu.memref_slice %arg6[%add3A_146, %dma_start3A_168] : memref<10240x128xf32, #tpu.memory_space<vmem_shared>> -> memref<128x128xf32, #tpu.memory_space<vmem_shared>>
      %dma_start3A_170 = arith.constant 0 : i32
      %dma_start3A_171 = tpu.memref_slice %arg6[%add3A_146, %dma_start3A_170] : memref<10240x128xf32, #tpu.memory_space<vmem_shared>> -> memref<128x128xf32, #tpu.memory_space<vmem_shared>>
      tpu.enqueue_dma source(%dma_start3A_171 : memref<128x128xf32, #tpu.memory_space<vmem_shared>>) target(%arg11 : memref<128x128xf32, #tpu.memory_space<vmem>>) target_semaphore(%run_scoped3A_167 : memref<!tpu.dma_semaphore, #tpu.memory_space<semaphore_mem>>)
      %dma_wait3A_172 = arith.constant 0 : i32
      %dma_wait3A_173 = tpu.memref_slice %arg6[%add3A_146, %dma_wait3A_172] : memref<10240x128xf32, #tpu.memory_space<vmem_shared>> -> memref<128x128xf32, #tpu.memory_space<vmem_shared>>
      %dma_wait3A_174 = arith.constant 0 : i32
      %dma_wait3A_175 = tpu.memref_slice %arg6[%add3A_146, %dma_wait3A_174] : memref<10240x128xf32, #tpu.memory_space<vmem_shared>> -> memref<128x128xf32, #tpu.memory_space<vmem_shared>>
      tpu.wait_dma2 semaphore(%run_scoped3A_167 : memref<!tpu.dma_semaphore, #tpu.memory_space<semaphore_mem>>) src(%dma_wait3A_175 : memref<128x128xf32, #tpu.memory_space<vmem_shared>>) dst(%arg11 : memref<128x128xf32, #tpu.memory_space<vmem>>)
      tpu.yield
    }) : () -> ()
    %add3A_147 = arith.constant 128 : i32
    %add3A_148 = arith.addi %add3A_136, %add3A_147 : i32
    "tpu.region"() ({
      %run_scoped3A_167 = tpu.sem_alloc : memref<!tpu.dma_semaphore, #tpu.memory_space<semaphore_mem>>
      %dma_start3A_168 = arith.constant 0 : i32
      %dma_start3A_169 = tpu.memref_slice %arg5[%add3A_148, %dma_start3A_168] : memref<20480x128xf32, #tpu.memory_space<hbm>> -> memref<128x128xf32, #tpu.memory_space<hbm>>
      %dma_start3A_170 = arith.constant 0 : i32
      %dma_start3A_171 = tpu.memref_slice %arg5[%add3A_148, %dma_start3A_170] : memref<20480x128xf32, #tpu.memory_space<hbm>> -> memref<128x128xf32, #tpu.memory_space<hbm>>
      tpu.enqueue_dma source(%arg11 : memref<128x128xf32, #tpu.memory_space<vmem>>) target(%dma_start3A_171 : memref<128x128xf32, #tpu.memory_space<hbm>>) target_semaphore(%run_scoped3A_167 : memref<!tpu.dma_semaphore, #tpu.memory_space<semaphore_mem>>)
      %dma_wait3A_172 = arith.constant 0 : i32
      %dma_wait3A_173 = tpu.memref_slice %arg5[%add3A_148, %dma_wait3A_172] : memref<20480x128xf32, #tpu.memory_space<hbm>> -> memref<128x128xf32, #tpu.memory_space<hbm>>
      %dma_wait3A_174 = arith.constant 0 : i32
      %dma_wait3A_175 = tpu.memref_slice %arg5[%add3A_148, %dma_wait3A_174] : memref<20480x128xf32, #tpu.memory_space<hbm>> -> memref<128x128xf32, #tpu.memory_space<hbm>>
      tpu.wait_dma2 semaphore(%run_scoped3A_167 : memref<!tpu.dma_semaphore, #tpu.memory_space<semaphore_mem>>) src(%arg11 : memref<128x128xf32, #tpu.memory_space<vmem>>) dst(%dma_wait3A_175 : memref<128x128xf32, #tpu.memory_space<hbm>>)
      tpu.yield
    }) : () -> ()
    %mul3A_149 = arith.constant 640 : i32
    %mul3A_150 = arith.muli %arg1, %mul3A_149 : i32
    %add3A_151 = arith.constant 256 : i32
    %add3A_152 = arith.addi %mul3A_150, %add3A_151 : i32
    "tpu.region"() ({
      %run_scoped3A_167 = tpu.sem_alloc : memref<!tpu.dma_semaphore, #tpu.memory_space<semaphore_mem>>
      %dma_start3A_168 = arith.constant 0 : i32
      %dma_start3A_169 = tpu.memref_slice %arg6[%add3A_152, %dma_start3A_168] : memref<10240x128xf32, #tpu.memory_space<vmem_shared>> -> memref<128x128xf32, #tpu.memory_space<vmem_shared>>
      %dma_start3A_170 = arith.constant 0 : i32
      %dma_start3A_171 = tpu.memref_slice %arg6[%add3A_152, %dma_start3A_170] : memref<10240x128xf32, #tpu.memory_space<vmem_shared>> -> memref<128x128xf32, #tpu.memory_space<vmem_shared>>
      tpu.enqueue_dma source(%dma_start3A_171 : memref<128x128xf32, #tpu.memory_space<vmem_shared>>) target(%arg11 : memref<128x128xf32, #tpu.memory_space<vmem>>) target_semaphore(%run_scoped3A_167 : memref<!tpu.dma_semaphore, #tpu.memory_space<semaphore_mem>>)
      %dma_wait3A_172 = arith.constant 0 : i32
      %dma_wait3A_173 = tpu.memref_slice %arg6[%add3A_152, %dma_wait3A_172] : memref<10240x128xf32, #tpu.memory_space<vmem_shared>> -> memref<128x128xf32, #tpu.memory_space<vmem_shared>>
      %dma_wait3A_174 = arith.constant 0 : i32
      %dma_wait3A_175 = tpu.memref_slice %arg6[%add3A_152, %dma_wait3A_174] : memref<10240x128xf32, #tpu.memory_space<vmem_shared>> -> memref<128x128xf32, #tpu.memory_space<vmem_shared>>
      tpu.wait_dma2 semaphore(%run_scoped3A_167 : memref<!tpu.dma_semaphore, #tpu.memory_space<semaphore_mem>>) src(%dma_wait3A_175 : memref<128x128xf32, #tpu.memory_space<vmem_shared>>) dst(%arg11 : memref<128x128xf32, #tpu.memory_space<vmem>>)
      tpu.yield
    }) : () -> ()
    %add3A_153 = arith.constant 256 : i32
    %add3A_154 = arith.addi %add3A_136, %add3A_153 : i32
    "tpu.region"() ({
      %run_scoped3A_167 = tpu.sem_alloc : memref<!tpu.dma_semaphore, #tpu.memory_space<semaphore_mem>>
      %dma_start3A_168 = arith.constant 0 : i32
      %dma_start3A_169 = tpu.memref_slice %arg5[%add3A_154, %dma_start3A_168] : memref<20480x128xf32, #tpu.memory_space<hbm>> -> memref<128x128xf32, #tpu.memory_space<hbm>>
      %dma_start3A_170 = arith.constant 0 : i32
      %dma_start3A_171 = tpu.memref_slice %arg5[%add3A_154, %dma_start3A_170] : memref<20480x128xf32, #tpu.memory_space<hbm>> -> memref<128x128xf32, #tpu.memory_space<hbm>>
      tpu.enqueue_dma source(%arg11 : memref<128x128xf32, #tpu.memory_space<vmem>>) target(%dma_start3A_171 : memref<128x128xf32, #tpu.memory_space<hbm>>) target_semaphore(%run_scoped3A_167 : memref<!tpu.dma_semaphore, #tpu.memory_space<semaphore_mem>>)
      %dma_wait3A_172 = arith.constant 0 : i32
      %dma_wait3A_173 = tpu.memref_slice %arg5[%add3A_154, %dma_wait3A_172] : memref<20480x128xf32, #tpu.memory_space<hbm>> -> memref<128x128xf32, #tpu.memory_space<hbm>>
      %dma_wait3A_174 = arith.constant 0 : i32
      %dma_wait3A_175 = tpu.memref_slice %arg5[%add3A_154, %dma_wait3A_174] : memref<20480x128xf32, #tpu.memory_space<hbm>> -> memref<128x128xf32, #tpu.memory_space<hbm>>
      tpu.wait_dma2 semaphore(%run_scoped3A_167 : memref<!tpu.dma_semaphore, #tpu.memory_space<semaphore_mem>>) src(%arg11 : memref<128x128xf32, #tpu.memory_space<vmem>>) dst(%dma_wait3A_175 : memref<128x128xf32, #tpu.memory_space<hbm>>)
      tpu.yield
    }) : () -> ()
    %mul3A_155 = arith.constant 640 : i32
    %mul3A_156 = arith.muli %arg1, %mul3A_155 : i32
    %add3A_157 = arith.constant 384 : i32
    %add3A_158 = arith.addi %mul3A_156, %add3A_157 : i32
    "tpu.region"() ({
      %run_scoped3A_167 = tpu.sem_alloc : memref<!tpu.dma_semaphore, #tpu.memory_space<semaphore_mem>>
      %dma_start3A_168 = arith.constant 0 : i32
      %dma_start3A_169 = tpu.memref_slice %arg6[%add3A_158, %dma_start3A_168] : memref<10240x128xf32, #tpu.memory_space<vmem_shared>> -> memref<128x128xf32, #tpu.memory_space<vmem_shared>>
      %dma_start3A_170 = arith.constant 0 : i32
      %dma_start3A_171 = tpu.memref_slice %arg6[%add3A_158, %dma_start3A_170] : memref<10240x128xf32, #tpu.memory_space<vmem_shared>> -> memref<128x128xf32, #tpu.memory_space<vmem_shared>>
      tpu.enqueue_dma source(%dma_start3A_171 : memref<128x128xf32, #tpu.memory_space<vmem_shared>>) target(%arg11 : memref<128x128xf32, #tpu.memory_space<vmem>>) target_semaphore(%run_scoped3A_167 : memref<!tpu.dma_semaphore, #tpu.memory_space<semaphore_mem>>)
      %dma_wait3A_172 = arith.constant 0 : i32
      %dma_wait3A_173 = tpu.memref_slice %arg6[%add3A_158, %dma_wait3A_172] : memref<10240x128xf32, #tpu.memory_space<vmem_shared>> -> memref<128x128xf32, #tpu.memory_space<vmem_shared>>
      %dma_wait3A_174 = arith.constant 0 : i32
      %dma_wait3A_175 = tpu.memref_slice %arg6[%add3A_158, %dma_wait3A_174] : memref<10240x128xf32, #tpu.memory_space<vmem_shared>> -> memref<128x128xf32, #tpu.memory_space<vmem_shared>>
      tpu.wait_dma2 semaphore(%run_scoped3A_167 : memref<!tpu.dma_semaphore, #tpu.memory_space<semaphore_mem>>) src(%dma_wait3A_175 : memref<128x128xf32, #tpu.memory_space<vmem_shared>>) dst(%arg11 : memref<128x128xf32, #tpu.memory_space<vmem>>)
      tpu.yield
    }) : () -> ()
    %add3A_159 = arith.constant 384 : i32
    %add3A_160 = arith.addi %add3A_136, %add3A_159 : i32
    "tpu.region"() ({
      %run_scoped3A_167 = tpu.sem_alloc : memref<!tpu.dma_semaphore, #tpu.memory_space<semaphore_mem>>
      %dma_start3A_168 = arith.constant 0 : i32
      %dma_start3A_169 = tpu.memref_slice %arg5[%add3A_160, %dma_start3A_168] : memref<20480x128xf32, #tpu.memory_space<hbm>> -> memref<128x128xf32, #tpu.memory_space<hbm>>
      %dma_start3A_170 = arith.constant 0 : i32
      %dma_start3A_171 = tpu.memref_slice %arg5[%add3A_160, %dma_start3A_170] : memref<20480x128xf32, #tpu.memory_space<hbm>> -> memref<128x128xf32, #tpu.memory_space<hbm>>
      tpu.enqueue_dma source(%arg11 : memref<128x128xf32, #tpu.memory_space<vmem>>) target(%dma_start3A_171 : memref<128x128xf32, #tpu.memory_space<hbm>>) target_semaphore(%run_scoped3A_167 : memref<!tpu.dma_semaphore, #tpu.memory_space<semaphore_mem>>)
      %dma_wait3A_172 = arith.constant 0 : i32
      %dma_wait3A_173 = tpu.memref_slice %arg5[%add3A_160, %dma_wait3A_172] : memref<20480x128xf32, #tpu.memory_space<hbm>> -> memref<128x128xf32, #tpu.memory_space<hbm>>
      %dma_wait3A_174 = arith.constant 0 : i32
      %dma_wait3A_175 = tpu.memref_slice %arg5[%add3A_160, %dma_wait3A_174] : memref<20480x128xf32, #tpu.memory_space<hbm>> -> memref<128x128xf32, #tpu.memory_space<hbm>>
      tpu.wait_dma2 semaphore(%run_scoped3A_167 : memref<!tpu.dma_semaphore, #tpu.memory_space<semaphore_mem>>) src(%arg11 : memref<128x128xf32, #tpu.memory_space<vmem>>) dst(%dma_wait3A_175 : memref<128x128xf32, #tpu.memory_space<hbm>>)
      tpu.yield
    }) : () -> ()
    %mul3A_161 = arith.constant 640 : i32
    %mul3A_162 = arith.muli %arg1, %mul3A_161 : i32
    %add3A_163 = arith.constant 512 : i32
    %add3A_164 = arith.addi %mul3A_162, %add3A_163 : i32
    "tpu.region"() ({
      %run_scoped3A_167 = tpu.sem_alloc : memref<!tpu.dma_semaphore, #tpu.memory_space<semaphore_mem>>
      %dma_start3A_168 = arith.constant 0 : i32
      %dma_start3A_169 = tpu.memref_slice %arg6[%add3A_164, %dma_start3A_168] : memref<10240x128xf32, #tpu.memory_space<vmem_shared>> -> memref<128x128xf32, #tpu.memory_space<vmem_shared>>
      %dma_start3A_170 = arith.constant 0 : i32
      %dma_start3A_171 = tpu.memref_slice %arg6[%add3A_164, %dma_start3A_170] : memref<10240x128xf32, #tpu.memory_space<vmem_shared>> -> memref<128x128xf32, #tpu.memory_space<vmem_shared>>
      tpu.enqueue_dma source(%dma_start3A_171 : memref<128x128xf32, #tpu.memory_space<vmem_shared>>) target(%arg11 : memref<128x128xf32, #tpu.memory_space<vmem>>) target_semaphore(%run_scoped3A_167 : memref<!tpu.dma_semaphore, #tpu.memory_space<semaphore_mem>>)
      %dma_wait3A_172 = arith.constant 0 : i32
      %dma_wait3A_173 = tpu.memref_slice %arg6[%add3A_164, %dma_wait3A_172] : memref<10240x128xf32, #tpu.memory_space<vmem_shared>> -> memref<128x128xf32, #tpu.memory_space<vmem_shared>>
      %dma_wait3A_174 = arith.constant 0 : i32
      %dma_wait3A_175 = tpu.memref_slice %arg6[%add3A_164, %dma_wait3A_174] : memref<10240x128xf32, #tpu.memory_space<vmem_shared>> -> memref<128x128xf32, #tpu.memory_space<vmem_shared>>
      tpu.wait_dma2 semaphore(%run_scoped3A_167 : memref<!tpu.dma_semaphore, #tpu.memory_space<semaphore_mem>>) src(%dma_wait3A_175 : memref<128x128xf32, #tpu.memory_space<vmem_shared>>) dst(%arg11 : memref<128x128xf32, #tpu.memory_space<vmem>>)
      tpu.yield
    }) : () -> ()
    %add3A_165 = arith.constant 512 : i32
    %add3A_166 = arith.addi %add3A_136, %add3A_165 : i32
    "tpu.region"() ({
      %run_scoped3A_167 = tpu.sem_alloc : memref<!tpu.dma_semaphore, #tpu.memory_space<semaphore_mem>>
      %dma_start3A_168 = arith.constant 0 : i32
      %dma_start3A_169 = tpu.memref_slice %arg5[%add3A_166, %dma_start3A_168] : memref<20480x128xf32, #tpu.memory_space<hbm>> -> memref<128x128xf32, #tpu.memory_space<hbm>>
      %dma_start3A_170 = arith.constant 0 : i32
      %dma_start3A_171 = tpu.memref_slice %arg5[%add3A_166, %dma_start3A_170] : memref<20480x128xf32, #tpu.memory_space<hbm>> -> memref<128x128xf32, #tpu.memory_space<hbm>>
      tpu.enqueue_dma source(%arg11 : memref<128x128xf32, #tpu.memory_space<vmem>>) target(%dma_start3A_171 : memref<128x128xf32, #tpu.memory_space<hbm>>) target_semaphore(%run_scoped3A_167 : memref<!tpu.dma_semaphore, #tpu.memory_space<semaphore_mem>>)
      %dma_wait3A_172 = arith.constant 0 : i32
      %dma_wait3A_173 = tpu.memref_slice %arg5[%add3A_166, %dma_wait3A_172] : memref<20480x128xf32, #tpu.memory_space<hbm>> -> memref<128x128xf32, #tpu.memory_space<hbm>>
      %dma_wait3A_174 = arith.constant 0 : i32
      %dma_wait3A_175 = tpu.memref_slice %arg5[%add3A_166, %dma_wait3A_174] : memref<20480x128xf32, #tpu.memory_space<hbm>> -> memref<128x128xf32, #tpu.memory_space<hbm>>
      tpu.wait_dma2 semaphore(%run_scoped3A_167 : memref<!tpu.dma_semaphore, #tpu.memory_space<semaphore_mem>>) src(%arg11 : memref<128x128xf32, #tpu.memory_space<vmem>>) dst(%dma_wait3A_175 : memref<128x128xf32, #tpu.memory_space<hbm>>)
      tpu.yield
    }) : () -> ()
    return
  }
}

#map = affine_map<(d0, d1) -> (0, 0)>
module attributes {stable_mosaic.version = 14 : i64} {
  func.func @body(%arg0: i32, %arg1: i32, %arg2: memref<20480x128xf32, #tpu.memory_space<hbm>>, %arg3: memref<2x160000xi32, #tpu.memory_space<hbm>>, %arg4: memref<128x128xf32, #tpu.memory_space<hbm>>, %arg5: memref<20480x128xf32, #tpu.memory_space<hbm>>, %arg6: memref<10240x128xf32, #tpu.memory_space<vmem_shared>>, %arg7: memref<128xi32, #tpu.memory_space<vmem>>, %arg8: memref<128xi32, #tpu.memory_space<vmem>>, %arg9: memref<128xi32, #tpu.memory_space<vmem>>, %arg10: memref<128xi32, #tpu.memory_space<vmem>>, %arg11: memref<128x128xf32, #tpu.memory_space<vmem>>, %arg12: memref<128x128xf32, #tpu.memory_space<vmem>>, %arg13: memref<!tpu.dma_semaphore, #tpu.memory_space<semaphore_mem>>, %arg14: memref<!tpu.dma_semaphore, #tpu.memory_space<semaphore_mem>>, %arg15: memref<!tpu.dma_semaphore, #tpu.memory_space<semaphore_mem>>, %arg16: memref<!tpu.dma_semaphore, #tpu.memory_space<semaphore_mem>>, %arg17: memref<!tpu.dma_semaphore, #tpu.memory_space<semaphore_mem>>, %arg18: memref<!tpu.dma_semaphore, #tpu.memory_space<semaphore_mem>>) attributes {dimension_semantics = [#tpu.dimension_semantics<core_parallel>, #tpu.dimension_semantics<subcore_parallel>], iteration_bounds = array<i64: 2, 16>, scalar_prefetch = 0 : i64, scratch_operands = 13 : i64, tpu.core_type = #tpu.core_type<sc_vector_subcore>, window_params = [{transform_indices = #map}, {transform_indices = #map}, {transform_indices = #map}, {transform_indices = #map}]} {
    %lt3A = arith.constant 2 : i32
    %lt3A_0 = arith.cmpi slt, %arg1, %lt3A : i32
    %jit3A = arith.constant 79 : i32
    %jit3A_1 = arith.constant 78 : i32
    %select_n3A = arith.select %lt3A_0, %jit3A, %jit3A_1 : i32
    %mul3A = arith.constant 10240 : i32
    %mul3A_2 = arith.muli %arg0, %mul3A : i32
    "tpu.region"() ({
      %run_scoped3A_167 = tpu.sem_alloc : memref<!tpu.dma_semaphore, #tpu.memory_space<semaphore_mem>>
      tpu.enqueue_dma source(%arg4 : memref<128x128xf32, #tpu.memory_space<hbm>>) target(%arg11 : memref<128x128xf32, #tpu.memory_space<vmem>>) target_semaphore(%run_scoped3A_167 : memref<!tpu.dma_semaphore, #tpu.memory_space<semaphore_mem>>)
      tpu.wait_dma2 semaphore(%run_scoped3A_167 : memref<!tpu.dma_semaphore, #tpu.memory_space<semaphore_mem>>) src(%arg4 : memref<128x128xf32, #tpu.memory_space<hbm>>) dst(%arg11 : memref<128x128xf32, #tpu.memory_space<vmem>>)
      tpu.yield
    }) : () -> ()
    %mul3A_3 = arith.constant 640 : i32
    %mul3A_4 = arith.muli %arg1, %mul3A_3 : i32
    %add3A = arith.constant 0 : i32
    %add3A_5 = arith.addi %mul3A_4, %add3A : i32
    "tpu.region"() ({
      %run_scoped3A_167 = tpu.sem_alloc : memref<!tpu.dma_semaphore, #tpu.memory_space<semaphore_mem>>
      %dma_start3A_168 = arith.constant 0 : i32
      %dma_start3A_169 = tpu.memref_slice %arg6[%add3A_5, %dma_start3A_168] : memref<10240x128xf32, #tpu.memory_space<vmem_shared>> -> memref<128x128xf32, #tpu.memory_space<vmem_shared>>
      %dma_start3A_170 = arith.constant 0 : i32
      %dma_start3A_171 = tpu.memref_slice %arg6[%add3A_5, %dma_start3A_170] : memref<10240x128xf32, #tpu.memory_space<vmem_shared>> -> memref<128x128xf32, #tpu.memory_space<vmem_shared>>
      tpu.enqueue_dma source(%arg11 : memref<128x128xf32, #tpu.memory_space<vmem>>) target(%dma_start3A_171 : memref<128x128xf32, #tpu.memory_space<vmem_shared>>) target_semaphore(%run_scoped3A_167 : memref<!tpu.dma_semaphore, #tpu.memory_space<semaphore_mem>>)
      %dma_wait3A_172 = arith.constant 0 : i32
      %dma_wait3A_173 = tpu.memref_slice %arg6[%add3A_5, %dma_wait3A_172] : memref<10240x128xf32, #tpu.memory_space<vmem_shared>> -> memref<128x128xf32, #tpu.memory_space<vmem_shared>>
      %dma_wait3A_174 = arith.constant 0 : i32
      %dma_wait3A_175 = tpu.memref_slice %arg6[%add3A_5, %dma_wait3A_174] : memref<10240x128xf32, #tpu.memory_space<vmem_shared>> -> memref<128x128xf32, #tpu.memory_space<vmem_shared>>
      tpu.wait_dma2 semaphore(%run_scoped3A_167 : memref<!tpu.dma_semaphore, #tpu.memory_space<semaphore_mem>>) src(%arg11 : memref<128x128xf32, #tpu.memory_space<vmem>>) dst(%dma_wait3A_175 : memref<128x128xf32, #tpu.memory_space<vmem_shared>>)
      tpu.yield
    }) : () -> ()
    %mul3A_6 = arith.constant 640 : i32
    %mul3A_7 = arith.muli %arg1, %mul3A_6 : i32
    %add3A_8 = arith.constant 128 : i32
    %add3A_9 = arith.addi %mul3A_7, %add3A_8 : i32
    "tpu.region"() ({
      %run_scoped3A_167 = tpu.sem_alloc : memref<!tpu.dma_semaphore, #tpu.memory_space<semaphore_mem>>
      %dma_start3A_168 = arith.constant 0 : i32
      %dma_start3A_169 = tpu.memref_slice %arg6[%add3A_9, %dma_start3A_168] : memref<10240x128xf32, #tpu.memory_space<vmem_shared>> -> memref<128x128xf32, #tpu.memory_space<vmem_shared>>
      %dma_start3A_170 = arith.constant 0 : i32
      %dma_start3A_171 = tpu.memref_slice %arg6[%add3A_9, %dma_start3A_170] : memref<10240x128xf32, #tpu.memory_space<vmem_shared>> -> memref<128x128xf32, #tpu.memory_space<vmem_shared>>
      tpu.enqueue_dma source(%arg11 : memref<128x128xf32, #tpu.memory_space<vmem>>) target(%dma_start3A_171 : memref<128x128xf32, #tpu.memory_space<vmem_shared>>) target_semaphore(%run_scoped3A_167 : memref<!tpu.dma_semaphore, #tpu.memory_space<semaphore_mem>>)
      %dma_wait3A_172 = arith.constant 0 : i32
      %dma_wait3A_173 = tpu.memref_slice %arg6[%add3A_9, %dma_wait3A_172] : memref<10240x128xf32, #tpu.memory_space<vmem_shared>> -> memref<128x128xf32, #tpu.memory_space<vmem_shared>>
      %dma_wait3A_174 = arith.constant 0 : i32
      %dma_wait3A_175 = tpu.memref_slice %arg6[%add3A_9, %dma_wait3A_174] : memref<10240x128xf32, #tpu.memory_space<vmem_shared>> -> memref<128x128xf32, #tpu.memory_space<vmem_shared>>
      tpu.wait_dma2 semaphore(%run_scoped3A_167 : memref<!tpu.dma_semaphore, #tpu.memory_space<semaphore_mem>>) src(%arg11 : memref<128x128xf32, #tpu.memory_space<vmem>>) dst(%dma_wait3A_175 : memref<128x128xf32, #tpu.memory_space<vmem_shared>>)
      tpu.yield
    }) : () -> ()
    %mul3A_10 = arith.constant 640 : i32
    %mul3A_11 = arith.muli %arg1, %mul3A_10 : i32
    %add3A_12 = arith.constant 256 : i32
    %add3A_13 = arith.addi %mul3A_11, %add3A_12 : i32
    "tpu.region"() ({
      %run_scoped3A_167 = tpu.sem_alloc : memref<!tpu.dma_semaphore, #tpu.memory_space<semaphore_mem>>
      %dma_start3A_168 = arith.constant 0 : i32
      %dma_start3A_169 = tpu.memref_slice %arg6[%add3A_13, %dma_start3A_168] : memref<10240x128xf32, #tpu.memory_space<vmem_shared>> -> memref<128x128xf32, #tpu.memory_space<vmem_shared>>
      %dma_start3A_170 = arith.constant 0 : i32
      %dma_start3A_171 = tpu.memref_slice %arg6[%add3A_13, %dma_start3A_170] : memref<10240x128xf32, #tpu.memory_space<vmem_shared>> -> memref<128x128xf32, #tpu.memory_space<vmem_shared>>
      tpu.enqueue_dma source(%arg11 : memref<128x128xf32, #tpu.memory_space<vmem>>) target(%dma_start3A_171 : memref<128x128xf32, #tpu.memory_space<vmem_shared>>) target_semaphore(%run_scoped3A_167 : memref<!tpu.dma_semaphore, #tpu.memory_space<semaphore_mem>>)
      %dma_wait3A_172 = arith.constant 0 : i32
      %dma_wait3A_173 = tpu.memref_slice %arg6[%add3A_13, %dma_wait3A_172] : memref<10240x128xf32, #tpu.memory_space<vmem_shared>> -> memref<128x128xf32, #tpu.memory_space<vmem_shared>>
      %dma_wait3A_174 = arith.constant 0 : i32
      %dma_wait3A_175 = tpu.memref_slice %arg6[%add3A_13, %dma_wait3A_174] : memref<10240x128xf32, #tpu.memory_space<vmem_shared>> -> memref<128x128xf32, #tpu.memory_space<vmem_shared>>
      tpu.wait_dma2 semaphore(%run_scoped3A_167 : memref<!tpu.dma_semaphore, #tpu.memory_space<semaphore_mem>>) src(%arg11 : memref<128x128xf32, #tpu.memory_space<vmem>>) dst(%dma_wait3A_175 : memref<128x128xf32, #tpu.memory_space<vmem_shared>>)
      tpu.yield
    }) : () -> ()
    %mul3A_14 = arith.constant 640 : i32
    %mul3A_15 = arith.muli %arg1, %mul3A_14 : i32
    %add3A_16 = arith.constant 384 : i32
    %add3A_17 = arith.addi %mul3A_15, %add3A_16 : i32
    "tpu.region"() ({
      %run_scoped3A_167 = tpu.sem_alloc : memref<!tpu.dma_semaphore, #tpu.memory_space<semaphore_mem>>
      %dma_start3A_168 = arith.constant 0 : i32
      %dma_start3A_169 = tpu.memref_slice %arg6[%add3A_17, %dma_start3A_168] : memref<10240x128xf32, #tpu.memory_space<vmem_shared>> -> memref<128x128xf32, #tpu.memory_space<vmem_shared>>
      %dma_start3A_170 = arith.constant 0 : i32
      %dma_start3A_171 = tpu.memref_slice %arg6[%add3A_17, %dma_start3A_170] : memref<10240x128xf32, #tpu.memory_space<vmem_shared>> -> memref<128x128xf32, #tpu.memory_space<vmem_shared>>
      tpu.enqueue_dma source(%arg11 : memref<128x128xf32, #tpu.memory_space<vmem>>) target(%dma_start3A_171 : memref<128x128xf32, #tpu.memory_space<vmem_shared>>) target_semaphore(%run_scoped3A_167 : memref<!tpu.dma_semaphore, #tpu.memory_space<semaphore_mem>>)
      %dma_wait3A_172 = arith.constant 0 : i32
      %dma_wait3A_173 = tpu.memref_slice %arg6[%add3A_17, %dma_wait3A_172] : memref<10240x128xf32, #tpu.memory_space<vmem_shared>> -> memref<128x128xf32, #tpu.memory_space<vmem_shared>>
      %dma_wait3A_174 = arith.constant 0 : i32
      %dma_wait3A_175 = tpu.memref_slice %arg6[%add3A_17, %dma_wait3A_174] : memref<10240x128xf32, #tpu.memory_space<vmem_shared>> -> memref<128x128xf32, #tpu.memory_space<vmem_shared>>
      tpu.wait_dma2 semaphore(%run_scoped3A_167 : memref<!tpu.dma_semaphore, #tpu.memory_space<semaphore_mem>>) src(%arg11 : memref<128x128xf32, #tpu.memory_space<vmem>>) dst(%dma_wait3A_175 : memref<128x128xf32, #tpu.memory_space<vmem_shared>>)
      tpu.yield
    }) : () -> ()
    %mul3A_18 = arith.constant 640 : i32
    %mul3A_19 = arith.muli %arg1, %mul3A_18 : i32
    %add3A_20 = arith.constant 512 : i32
    %add3A_21 = arith.addi %mul3A_19, %add3A_20 : i32
    "tpu.region"() ({
      %run_scoped3A_167 = tpu.sem_alloc : memref<!tpu.dma_semaphore, #tpu.memory_space<semaphore_mem>>
      %dma_start3A_168 = arith.constant 0 : i32
      %dma_start3A_169 = tpu.memref_slice %arg6[%add3A_21, %dma_start3A_168] : memref<10240x128xf32, #tpu.memory_space<vmem_shared>> -> memref<128x128xf32, #tpu.memory_space<vmem_shared>>
      %dma_start3A_170 = arith.constant 0 : i32
      %dma_start3A_171 = tpu.memref_slice %arg6[%add3A_21, %dma_start3A_170] : memref<10240x128xf32, #tpu.memory_space<vmem_shared>> -> memref<128x128xf32, #tpu.memory_space<vmem_shared>>
      tpu.enqueue_dma source(%arg11 : memref<128x128xf32, #tpu.memory_space<vmem>>) target(%dma_start3A_171 : memref<128x128xf32, #tpu.memory_space<vmem_shared>>) target_semaphore(%run_scoped3A_167 : memref<!tpu.dma_semaphore, #tpu.memory_space<semaphore_mem>>)
      %dma_wait3A_172 = arith.constant 0 : i32
      %dma_wait3A_173 = tpu.memref_slice %arg6[%add3A_21, %dma_wait3A_172] : memref<10240x128xf32, #tpu.memory_space<vmem_shared>> -> memref<128x128xf32, #tpu.memory_space<vmem_shared>>
      %dma_wait3A_174 = arith.constant 0 : i32
      %dma_wait3A_175 = tpu.memref_slice %arg6[%add3A_21, %dma_wait3A_174] : memref<10240x128xf32, #tpu.memory_space<vmem_shared>> -> memref<128x128xf32, #tpu.memory_space<vmem_shared>>
      tpu.wait_dma2 semaphore(%run_scoped3A_167 : memref<!tpu.dma_semaphore, #tpu.memory_space<semaphore_mem>>) src(%arg11 : memref<128x128xf32, #tpu.memory_space<vmem>>) dst(%dma_wait3A_175 : memref<128x128xf32, #tpu.memory_space<vmem_shared>>)
      tpu.yield
    }) : () -> ()
    %barrier3A = arith.constant 0 : index
    tpu.barrier barrier_id(%barrier3A)
    %add3A_22 = arith.constant 0 : i32
    %add3A_23 = arith.addi %arg1, %add3A_22 : i32
    %mul3A_24 = arith.constant 128 : i32
    %mul3A_25 = arith.muli %add3A_23, %mul3A_24 : i32
    %run_scoped3A = arith.constant 0 : i32
    "tpu.region"() ({
      %run_scoped3A_167 = tpu.sem_alloc : memref<!tpu.dma_semaphore, #tpu.memory_space<semaphore_mem>>
      %dma_start3A_168 = tpu.memref_slice %arg3[%run_scoped3A, %mul3A_25] : memref<2x160000xi32, #tpu.memory_space<hbm>> -> memref<1x128xi32, #tpu.memory_space<hbm>>
      %dma_start3A_169 = tpu.memref_squeeze %dma_start3A_168 : memref<1x128xi32, #tpu.memory_space<hbm>> -> memref<128xi32, #tpu.memory_space<hbm>>
      %dma_start3A_170 = tpu.memref_slice %arg3[%run_scoped3A, %mul3A_25] : memref<2x160000xi32, #tpu.memory_space<hbm>> -> memref<1x128xi32, #tpu.memory_space<hbm>>
      %dma_start3A_171 = tpu.memref_squeeze %dma_start3A_170 : memref<1x128xi32, #tpu.memory_space<hbm>> -> memref<128xi32, #tpu.memory_space<hbm>>
      tpu.enqueue_dma source(%dma_start3A_171 : memref<128xi32, #tpu.memory_space<hbm>>) target(%arg7 : memref<128xi32, #tpu.memory_space<vmem>>) target_semaphore(%run_scoped3A_167 : memref<!tpu.dma_semaphore, #tpu.memory_space<semaphore_mem>>)
      %dma_wait3A_172 = tpu.memref_slice %arg3[%run_scoped3A, %mul3A_25] : memref<2x160000xi32, #tpu.memory_space<hbm>> -> memref<1x128xi32, #tpu.memory_space<hbm>>
      %dma_wait3A_173 = tpu.memref_squeeze %dma_wait3A_172 : memref<1x128xi32, #tpu.memory_space<hbm>> -> memref<128xi32, #tpu.memory_space<hbm>>
      %dma_wait3A_174 = tpu.memref_slice %arg3[%run_scoped3A, %mul3A_25] : memref<2x160000xi32, #tpu.memory_space<hbm>> -> memref<1x128xi32, #tpu.memory_space<hbm>>
      %dma_wait3A_175 = tpu.memref_squeeze %dma_wait3A_174 : memref<1x128xi32, #tpu.memory_space<hbm>> -> memref<128xi32, #tpu.memory_space<hbm>>
      tpu.wait_dma2 semaphore(%run_scoped3A_167 : memref<!tpu.dma_semaphore, #tpu.memory_space<semaphore_mem>>) src(%dma_wait3A_175 : memref<128xi32, #tpu.memory_space<hbm>>) dst(%arg7 : memref<128xi32, #tpu.memory_space<vmem>>)
      tpu.yield
    }) : () -> ()
    %add3A_26 = arith.constant 0 : i32
    %add3A_27 = arith.addi %arg1, %add3A_26 : i32
    %mul3A_28 = arith.constant 128 : i32
    %mul3A_29 = arith.muli %add3A_27, %mul3A_28 : i32
    %run_scoped3A_30 = arith.constant 1 : i32
    "tpu.region"() ({
      %run_scoped3A_167 = tpu.sem_alloc : memref<!tpu.dma_semaphore, #tpu.memory_space<semaphore_mem>>
      %dma_start3A_168 = tpu.memref_slice %arg3[%run_scoped3A_30, %mul3A_29] : memref<2x160000xi32, #tpu.memory_space<hbm>> -> memref<1x128xi32, #tpu.memory_space<hbm>>
      %dma_start3A_169 = tpu.memref_squeeze %dma_start3A_168 : memref<1x128xi32, #tpu.memory_space<hbm>> -> memref<128xi32, #tpu.memory_space<hbm>>
      %dma_start3A_170 = tpu.memref_slice %arg3[%run_scoped3A_30, %mul3A_29] : memref<2x160000xi32, #tpu.memory_space<hbm>> -> memref<1x128xi32, #tpu.memory_space<hbm>>
      %dma_start3A_171 = tpu.memref_squeeze %dma_start3A_170 : memref<1x128xi32, #tpu.memory_space<hbm>> -> memref<128xi32, #tpu.memory_space<hbm>>
      tpu.enqueue_dma source(%dma_start3A_171 : memref<128xi32, #tpu.memory_space<hbm>>) target(%arg9 : memref<128xi32, #tpu.memory_space<vmem>>) target_semaphore(%run_scoped3A_167 : memref<!tpu.dma_semaphore, #tpu.memory_space<semaphore_mem>>)
      %dma_wait3A_172 = tpu.memref_slice %arg3[%run_scoped3A_30, %mul3A_29] : memref<2x160000xi32, #tpu.memory_space<hbm>> -> memref<1x128xi32, #tpu.memory_space<hbm>>
      %dma_wait3A_173 = tpu.memref_squeeze %dma_wait3A_172 : memref<1x128xi32, #tpu.memory_space<hbm>> -> memref<128xi32, #tpu.memory_space<hbm>>
      %dma_wait3A_174 = tpu.memref_slice %arg3[%run_scoped3A_30, %mul3A_29] : memref<2x160000xi32, #tpu.memory_space<hbm>> -> memref<1x128xi32, #tpu.memory_space<hbm>>
      %dma_wait3A_175 = tpu.memref_squeeze %dma_wait3A_174 : memref<1x128xi32, #tpu.memory_space<hbm>> -> memref<128xi32, #tpu.memory_space<hbm>>
      tpu.wait_dma2 semaphore(%run_scoped3A_167 : memref<!tpu.dma_semaphore, #tpu.memory_space<semaphore_mem>>) src(%dma_wait3A_175 : memref<128xi32, #tpu.memory_space<hbm>>) dst(%arg9 : memref<128xi32, #tpu.memory_space<vmem>>)
      tpu.yield
    }) : () -> ()
    %get3A = arith.constant 0 : index
    %get3A_31 = tpu.vector_load %arg7[%get3A] {strides = array<i32>} : memref<128xi32, #tpu.memory_space<vmem>>, vector<16xi32>,
    %get3A_32 = vector.shape_cast %get3A_31 : vector<16xi32> to vector<16xi32>
    %add3A_33 = vector.broadcast %mul3A_2 : i32 to vector<16xi32>
    %add3A_34 = arith.addi %get3A_32, %add3A_33 : vector<16xi32>
    %swap3A = arith.constant 0 : index
    %swap3A_35 = tpu.vector_load %arg7[%swap3A] {strides = array<i32>} : memref<128xi32, #tpu.memory_space<vmem>>, vector<16xi32>,
    %swap3A_36 = vector.shape_cast %swap3A_35 : vector<16xi32> to vector<16xi32>
    %swap3A_37 = vector.shape_cast %add3A_34 : vector<16xi32> to vector<16xi32>
    tpu.vector_store %arg7[%swap3A], %swap3A_37 {strides = array<i32>} : memref<128xi32, #tpu.memory_space<vmem>>, vector<16xi32>,
    %get3A_38 = arith.constant 16 : index
    %get3A_39 = tpu.vector_load %arg7[%get3A_38] {strides = array<i32>} : memref<128xi32, #tpu.memory_space<vmem>>, vector<16xi32>,
    %get3A_40 = vector.shape_cast %get3A_39 : vector<16xi32> to vector<16xi32>
    %add3A_41 = vector.broadcast %mul3A_2 : i32 to vector<16xi32>
    %add3A_42 = arith.addi %get3A_40, %add3A_41 : vector<16xi32>
    %swap3A_43 = arith.constant 16 : index
    %swap3A_44 = tpu.vector_load %arg7[%swap3A_43] {strides = array<i32>} : memref<128xi32, #tpu.memory_space<vmem>>, vector<16xi32>,
    %swap3A_45 = vector.shape_cast %swap3A_44 : vector<16xi32> to vector<16xi32>
    %swap3A_46 = vector.shape_cast %add3A_42 : vector<16xi32> to vector<16xi32>
    tpu.vector_store %arg7[%swap3A_43], %swap3A_46 {strides = array<i32>} : memref<128xi32, #tpu.memory_space<vmem>>, vector<16xi32>,
    %get3A_47 = arith.constant 32 : index
    %get3A_48 = tpu.vector_load %arg7[%get3A_47] {strides = array<i32>} : memref<128xi32, #tpu.memory_space<vmem>>, vector<16xi32>,
    %get3A_49 = vector.shape_cast %get3A_48 : vector<16xi32> to vector<16xi32>
    %add3A_50 = vector.broadcast %mul3A_2 : i32 to vector<16xi32>
    %add3A_51 = arith.addi %get3A_49, %add3A_50 : vector<16xi32>
    %swap3A_52 = arith.constant 32 : index
    %swap3A_53 = tpu.vector_load %arg7[%swap3A_52] {strides = array<i32>} : memref<128xi32, #tpu.memory_space<vmem>>, vector<16xi32>,
    %swap3A_54 = vector.shape_cast %swap3A_53 : vector<16xi32> to vector<16xi32>
    %swap3A_55 = vector.shape_cast %add3A_51 : vector<16xi32> to vector<16xi32>
    tpu.vector_store %arg7[%swap3A_52], %swap3A_55 {strides = array<i32>} : memref<128xi32, #tpu.memory_space<vmem>>, vector<16xi32>,
    %get3A_56 = arith.constant 48 : index
    %get3A_57 = tpu.vector_load %arg7[%get3A_56] {strides = array<i32>} : memref<128xi32, #tpu.memory_space<vmem>>, vector<16xi32>,
    %get3A_58 = vector.shape_cast %get3A_57 : vector<16xi32> to vector<16xi32>
    %add3A_59 = vector.broadcast %mul3A_2 : i32 to vector<16xi32>
    %add3A_60 = arith.addi %get3A_58, %add3A_59 : vector<16xi32>
    %swap3A_61 = arith.constant 48 : index
    %swap3A_62 = tpu.vector_load %arg7[%swap3A_61] {strides = array<i32>} : memref<128xi32, #tpu.memory_space<vmem>>, vector<16xi32>,
    %swap3A_63 = vector.shape_cast %swap3A_62 : vector<16xi32> to vector<16xi32>
    %swap3A_64 = vector.shape_cast %add3A_60 : vector<16xi32> to vector<16xi32>
    tpu.vector_store %arg7[%swap3A_61], %swap3A_64 {strides = array<i32>} : memref<128xi32, #tpu.memory_space<vmem>>, vector<16xi32>,
    %get3A_65 = arith.constant 64 : index
    %get3A_66 = tpu.vector_load %arg7[%get3A_65] {strides = array<i32>} : memref<128xi32, #tpu.memory_space<vmem>>, vector<16xi32>,
    %get3A_67 = vector.shape_cast %get3A_66 : vector<16xi32> to vector<16xi32>
    %add3A_68 = vector.broadcast %mul3A_2 : i32 to vector<16xi32>
    %add3A_69 = arith.addi %get3A_67, %add3A_68 : vector<16xi32>
    %swap3A_70 = arith.constant 64 : index
    %swap3A_71 = tpu.vector_load %arg7[%swap3A_70] {strides = array<i32>} : memref<128xi32, #tpu.memory_space<vmem>>, vector<16xi32>,
    %swap3A_72 = vector.shape_cast %swap3A_71 : vector<16xi32> to vector<16xi32>
    %swap3A_73 = vector.shape_cast %add3A_69 : vector<16xi32> to vector<16xi32>
    tpu.vector_store %arg7[%swap3A_70], %swap3A_73 {strides = array<i32>} : memref<128xi32, #tpu.memory_space<vmem>>, vector<16xi32>,
    %get3A_74 = arith.constant 80 : index
    %get3A_75 = tpu.vector_load %arg7[%get3A_74] {strides = array<i32>} : memref<128xi32, #tpu.memory_space<vmem>>, vector<16xi32>,
    %get3A_76 = vector.shape_cast %get3A_75 : vector<16xi32> to vector<16xi32>
    %add3A_77 = vector.broadcast %mul3A_2 : i32 to vector<16xi32>
    %add3A_78 = arith.addi %get3A_76, %add3A_77 : vector<16xi32>
    %swap3A_79 = arith.constant 80 : index
    %swap3A_80 = tpu.vector_load %arg7[%swap3A_79] {strides = array<i32>} : memref<128xi32, #tpu.memory_space<vmem>>, vector<16xi32>,
    %swap3A_81 = vector.shape_cast %swap3A_80 : vector<16xi32> to vector<16xi32>
    %swap3A_82 = vector.shape_cast %add3A_78 : vector<16xi32> to vector<16xi32>
    tpu.vector_store %arg7[%swap3A_79], %swap3A_82 {strides = array<i32>} : memref<128xi32, #tpu.memory_space<vmem>>, vector<16xi32>,
    %get3A_83 = arith.constant 96 : index
    %get3A_84 = tpu.vector_load %arg7[%get3A_83] {strides = array<i32>} : memref<128xi32, #tpu.memory_space<vmem>>, vector<16xi32>,
    %get3A_85 = vector.shape_cast %get3A_84 : vector<16xi32> to vector<16xi32>
    %add3A_86 = vector.broadcast %mul3A_2 : i32 to vector<16xi32>
    %add3A_87 = arith.addi %get3A_85, %add3A_86 : vector<16xi32>
    %swap3A_88 = arith.constant 96 : index
    %swap3A_89 = tpu.vector_load %arg7[%swap3A_88] {strides = array<i32>} : memref<128xi32, #tpu.memory_space<vmem>>, vector<16xi32>,
    %swap3A_90 = vector.shape_cast %swap3A_89 : vector<16xi32> to vector<16xi32>
    %swap3A_91 = vector.shape_cast %add3A_87 : vector<16xi32> to vector<16xi32>
    tpu.vector_store %arg7[%swap3A_88], %swap3A_91 {strides = array<i32>} : memref<128xi32, #tpu.memory_space<vmem>>, vector<16xi32>,
    %get3A_92 = arith.constant 112 : index
    %get3A_93 = tpu.vector_load %arg7[%get3A_92] {strides = array<i32>} : memref<128xi32, #tpu.memory_space<vmem>>, vector<16xi32>,
    %get3A_94 = vector.shape_cast %get3A_93 : vector<16xi32> to vector<16xi32>
    %add3A_95 = vector.broadcast %mul3A_2 : i32 to vector<16xi32>
    %add3A_96 = arith.addi %get3A_94, %add3A_95 : vector<16xi32>
    %swap3A_97 = arith.constant 112 : index
    %swap3A_98 = tpu.vector_load %arg7[%swap3A_97] {strides = array<i32>} : memref<128xi32, #tpu.memory_space<vmem>>, vector<16xi32>,
    %swap3A_99 = vector.shape_cast %swap3A_98 : vector<16xi32> to vector<16xi32>
    %swap3A_100 = vector.shape_cast %add3A_96 : vector<16xi32> to vector<16xi32>
    tpu.vector_store %arg7[%swap3A_97], %swap3A_100 {strides = array<i32>} : memref<128xi32, #tpu.memory_space<vmem>>, vector<16xi32>,
    %dma_start3A = arith.constant 0 : i32
    %dma_start3A_101 = arith.constant 0 : i32
    %dma_start3A_102 = tpu.memref_slice %arg2[%dma_start3A, %dma_start3A_101] : memref<20480x128xf32, #tpu.memory_space<hbm>> -> memref<20480x128xf32, #tpu.memory_space<hbm>>
    tpu.enqueue_indirect_dma source(%dma_start3A_102 : memref<20480x128xf32, #tpu.memory_space<hbm>>) target(%arg11 : memref<128x128xf32, #tpu.memory_space<vmem>>) offsets(%arg7 : memref<128xi32, #tpu.memory_space<vmem>>) semaphore(%arg13 : memref<!tpu.dma_semaphore, #tpu.memory_space<semaphore_mem>>)
    %add3A_103 = arith.constant 16 : i32
    %add3A_104 = arith.addi %arg1, %add3A_103 : i32
    %mul3A_105 = arith.constant 128 : i32
    %mul3A_106 = arith.muli %add3A_104, %mul3A_105 : i32
    %dma_start3A_107 = arith.constant 0 : i32
    %dma_start3A_108 = tpu.memref_slice %arg3[%dma_start3A_107, %mul3A_106] : memref<2x160000xi32, #tpu.memory_space<hbm>> -> memref<1x128xi32, #tpu.memory_space<hbm>>
    %dma_start3A_109 = tpu.memref_squeeze %dma_start3A_108 : memref<1x128xi32, #tpu.memory_space<hbm>> -> memref<128xi32, #tpu.memory_space<hbm>>
    %dma_start3A_110 = tpu.memref_slice %arg3[%dma_start3A_107, %mul3A_106] : memref<2x160000xi32, #tpu.memory_space<hbm>> -> memref<1x128xi32, #tpu.memory_space<hbm>>
    %dma_start3A_111 = tpu.memref_squeeze %dma_start3A_110 : memref<1x128xi32, #tpu.memory_space<hbm>> -> memref<128xi32, #tpu.memory_space<hbm>>
    tpu.enqueue_dma source(%dma_start3A_111 : memref<128xi32, #tpu.memory_space<hbm>>) target(%arg8 : memref<128xi32, #tpu.memory_space<vmem>>) target_semaphore(%arg16 : memref<!tpu.dma_semaphore, #tpu.memory_space<semaphore_mem>>)
    %add3A_112 = arith.constant 16 : i32
    %add3A_113 = arith.addi %arg1, %add3A_112 : i32
    %mul3A_114 = arith.constant 128 : i32
    %mul3A_115 = arith.muli %add3A_113, %mul3A_114 : i32
    %dma_start3A_116 = arith.constant 1 : i32
    %dma_start3A_117 = tpu.memref_slice %arg3[%dma_start3A_116, %mul3A_115] : memref<2x160000xi32, #tpu.memory_space<hbm>> -> memref<1x128xi32, #tpu.memory_space<hbm>>
    %dma_start3A_118 = tpu.memref_squeeze %dma_start3A_117 : memref<1x128xi32, #tpu.memory_space<hbm>> -> memref<128xi32, #tpu.memory_space<hbm>>
    %dma_start3A_119 = tpu.memref_slice %arg3[%dma_start3A_116, %mul3A_115] : memref<2x160000xi32, #tpu.memory_space<hbm>> -> memref<1x128xi32, #tpu.memory_space<hbm>>
    %dma_start3A_120 = tpu.memref_squeeze %dma_start3A_119 : memref<1x128xi32, #tpu.memory_space<hbm>> -> memref<128xi32, #tpu.memory_space<hbm>>
    tpu.enqueue_dma source(%dma_start3A_120 : memref<128xi32, #tpu.memory_space<hbm>>) target(%arg10 : memref<128xi32, #tpu.memory_space<vmem>>) target_semaphore(%arg16 : memref<!tpu.dma_semaphore, #tpu.memory_space<semaphore_mem>>)
    %scan3A = arith.constant 0 : i32
    %scan3A_121 = arith.constant 0 : i32
    %scan3A_122 = arith.constant 40 : i32
    %scan3A_123 = arith.addi %scan3A_121, %scan3A_122 : i32
    %scan3A_124 = arith.constant 1 : i32
    scf.for %scan3A_167 = %scan3A_121 to %scan3A_123 step %scan3A_124  : i32 {
      %mul3A_168 = arith.constant 2 : i32
      %mul3A_169 = arith.muli %mul3A_168, %scan3A_167 : i32
      %add3A_170 = arith.constant 0 : i32
      %add3A_171 = arith.addi %mul3A_169, %add3A_170 : i32
      %lt3A_172 = arith.cmpi slt, %add3A_171, %select_n3A : i32
      %convert_element_type3A = arith.extui %lt3A_172 : i1 to i32
      %cond3A = arith.constant 0 : i32
      %cond3A_173 = arith.cmpi ne, %convert_element_type3A, %cond3A : i32
      scf.if %cond3A_173 {
        %add3A_182 = arith.constant 1 : i32
        %add3A_183 = arith.addi %add3A_171, %add3A_182 : i32
        %lt3A_184 = arith.cmpi slt, %add3A_183, %select_n3A : i32
        %convert_element_type3A_185 = arith.extui %lt3A_184 : i1 to i32
        %cond3A_186 = arith.constant 0 : i32
        %cond3A_187 = arith.cmpi ne, %convert_element_type3A_185, %cond3A_186 : i32
        scf.if %cond3A_187 {
          %add3A_200 = arith.constant 1 : i32
          %add3A_201 = arith.addi %add3A_171, %add3A_200 : i32
          %mul3A_202 = arith.constant 16 : i32
          %mul3A_203 = arith.muli %mul3A_202, %add3A_201 : i32
          %add3A_204 = arith.addi %arg1, %mul3A_203 : i32
          %mul3A_205 = arith.constant 128 : i32
          %mul3A_206 = arith.muli %add3A_204, %mul3A_205 : i32
          %dma_wait3A_207 = arith.constant 0 : i32
          %dma_wait3A_208 = tpu.memref_slice %arg3[%dma_wait3A_207, %mul3A_206] : memref<2x160000xi32, #tpu.memory_space<hbm>> -> memref<1x128xi32, #tpu.memory_space<hbm>>
          %dma_wait3A_209 = tpu.memref_squeeze %dma_wait3A_208 : memref<1x128xi32, #tpu.memory_space<hbm>> -> memref<128xi32, #tpu.memory_space<hbm>>
          %dma_wait3A_210 = tpu.memref_slice %arg3[%dma_wait3A_207, %mul3A_206] : memref<2x160000xi32, #tpu.memory_space<hbm>> -> memref<1x128xi32, #tpu.memory_space<hbm>>
          %dma_wait3A_211 = tpu.memref_squeeze %dma_wait3A_210 : memref<1x128xi32, #tpu.memory_space<hbm>> -> memref<128xi32, #tpu.memory_space<hbm>>
          tpu.wait_dma2 semaphore(%arg16 : memref<!tpu.dma_semaphore, #tpu.memory_space<semaphore_mem>>) src(%dma_wait3A_211 : memref<128xi32, #tpu.memory_space<hbm>>) dst(%arg8 : memref<128xi32, #tpu.memory_space<vmem>>)
          %add3A_212 = arith.constant 1 : i32
          %add3A_213 = arith.addi %add3A_171, %add3A_212 : i32
          %mul3A_214 = arith.constant 16 : i32
          %mul3A_215 = arith.muli %mul3A_214, %add3A_213 : i32
          %add3A_216 = arith.addi %arg1, %mul3A_215 : i32
          %mul3A_217 = arith.constant 128 : i32
          %mul3A_218 = arith.muli %add3A_216, %mul3A_217 : i32
          %dma_wait3A_219 = arith.constant 1 : i32
          %dma_wait3A_220 = tpu.memref_slice %arg3[%dma_wait3A_219, %mul3A_218] : memref<2x160000xi32, #tpu.memory_space<hbm>> -> memref<1x128xi32, #tpu.memory_space<hbm>>
          %dma_wait3A_221 = tpu.memref_squeeze %dma_wait3A_220 : memref<1x128xi32, #tpu.memory_space<hbm>> -> memref<128xi32, #tpu.memory_space<hbm>>
          %dma_wait3A_222 = tpu.memref_slice %arg3[%dma_wait3A_219, %mul3A_218] : memref<2x160000xi32, #tpu.memory_space<hbm>> -> memref<1x128xi32, #tpu.memory_space<hbm>>
          %dma_wait3A_223 = tpu.memref_squeeze %dma_wait3A_222 : memref<1x128xi32, #tpu.memory_space<hbm>> -> memref<128xi32, #tpu.memory_space<hbm>>
          tpu.wait_dma2 semaphore(%arg16 : memref<!tpu.dma_semaphore, #tpu.memory_space<semaphore_mem>>) src(%dma_wait3A_223 : memref<128xi32, #tpu.memory_space<hbm>>) dst(%arg10 : memref<128xi32, #tpu.memory_space<vmem>>)
          %get3A_224 = arith.constant 0 : index
          %get3A_225 = tpu.vector_load %arg8[%get3A_224] {strides = array<i32>} : memref<128xi32, #tpu.memory_space<vmem>>, vector<16xi32>,
          %get3A_226 = vector.shape_cast %get3A_225 : vector<16xi32> to vector<16xi32>
          %add3A_227 = vector.broadcast %mul3A_2 : i32 to vector<16xi32>
          %add3A_228 = arith.addi %get3A_226, %add3A_227 : vector<16xi32>
          %swap3A_229 = arith.constant 0 : index
          %swap3A_230 = tpu.vector_load %arg8[%swap3A_229] {strides = array<i32>} : memref<128xi32, #tpu.memory_space<vmem>>, vector<16xi32>,
          %swap3A_231 = vector.shape_cast %swap3A_230 : vector<16xi32> to vector<16xi32>
          %swap3A_232 = vector.shape_cast %add3A_228 : vector<16xi32> to vector<16xi32>
          tpu.vector_store %arg8[%swap3A_229], %swap3A_232 {strides = array<i32>} : memref<128xi32, #tpu.memory_space<vmem>>, vector<16xi32>,
          %get3A_233 = arith.constant 16 : index
          %get3A_234 = tpu.vector_load %arg8[%get3A_233] {strides = array<i32>} : memref<128xi32, #tpu.memory_space<vmem>>, vector<16xi32>,
          %get3A_235 = vector.shape_cast %get3A_234 : vector<16xi32> to vector<16xi32>
          %add3A_236 = vector.broadcast %mul3A_2 : i32 to vector<16xi32>
          %add3A_237 = arith.addi %get3A_235, %add3A_236 : vector<16xi32>
          %swap3A_238 = arith.constant 16 : index
          %swap3A_239 = tpu.vector_load %arg8[%swap3A_238] {strides = array<i32>} : memref<128xi32, #tpu.memory_space<vmem>>, vector<16xi32>,
          %swap3A_240 = vector.shape_cast %swap3A_239 : vector<16xi32> to vector<16xi32>
          %swap3A_241 = vector.shape_cast %add3A_237 : vector<16xi32> to vector<16xi32>
          tpu.vector_store %arg8[%swap3A_238], %swap3A_241 {strides = array<i32>} : memref<128xi32, #tpu.memory_space<vmem>>, vector<16xi32>,
          %get3A_242 = arith.constant 32 : index
          %get3A_243 = tpu.vector_load %arg8[%get3A_242] {strides = array<i32>} : memref<128xi32, #tpu.memory_space<vmem>>, vector<16xi32>,
          %get3A_244 = vector.shape_cast %get3A_243 : vector<16xi32> to vector<16xi32>
          %add3A_245 = vector.broadcast %mul3A_2 : i32 to vector<16xi32>
          %add3A_246 = arith.addi %get3A_244, %add3A_245 : vector<16xi32>
          %swap3A_247 = arith.constant 32 : index
          %swap3A_248 = tpu.vector_load %arg8[%swap3A_247] {strides = array<i32>} : memref<128xi32, #tpu.memory_space<vmem>>, vector<16xi32>,
          %swap3A_249 = vector.shape_cast %swap3A_248 : vector<16xi32> to vector<16xi32>
          %swap3A_250 = vector.shape_cast %add3A_246 : vector<16xi32> to vector<16xi32>
          tpu.vector_store %arg8[%swap3A_247], %swap3A_250 {strides = array<i32>} : memref<128xi32, #tpu.memory_space<vmem>>, vector<16xi32>,
          %get3A_251 = arith.constant 48 : index
          %get3A_252 = tpu.vector_load %arg8[%get3A_251] {strides = array<i32>} : memref<128xi32, #tpu.memory_space<vmem>>, vector<16xi32>,
          %get3A_253 = vector.shape_cast %get3A_252 : vector<16xi32> to vector<16xi32>
          %add3A_254 = vector.broadcast %mul3A_2 : i32 to vector<16xi32>
          %add3A_255 = arith.addi %get3A_253, %add3A_254 : vector<16xi32>
          %swap3A_256 = arith.constant 48 : index
          %swap3A_257 = tpu.vector_load %arg8[%swap3A_256] {strides = array<i32>} : memref<128xi32, #tpu.memory_space<vmem>>, vector<16xi32>,
          %swap3A_258 = vector.shape_cast %swap3A_257 : vector<16xi32> to vector<16xi32>
          %swap3A_259 = vector.shape_cast %add3A_255 : vector<16xi32> to vector<16xi32>
          tpu.vector_store %arg8[%swap3A_256], %swap3A_259 {strides = array<i32>} : memref<128xi32, #tpu.memory_space<vmem>>, vector<16xi32>,
          %get3A_260 = arith.constant 64 : index
          %get3A_261 = tpu.vector_load %arg8[%get3A_260] {strides = array<i32>} : memref<128xi32, #tpu.memory_space<vmem>>, vector<16xi32>,
          %get3A_262 = vector.shape_cast %get3A_261 : vector<16xi32> to vector<16xi32>
          %add3A_263 = vector.broadcast %mul3A_2 : i32 to vector<16xi32>
          %add3A_264 = arith.addi %get3A_262, %add3A_263 : vector<16xi32>
          %swap3A_265 = arith.constant 64 : index
          %swap3A_266 = tpu.vector_load %arg8[%swap3A_265] {strides = array<i32>} : memref<128xi32, #tpu.memory_space<vmem>>, vector<16xi32>,
          %swap3A_267 = vector.shape_cast %swap3A_266 : vector<16xi32> to vector<16xi32>
          %swap3A_268 = vector.shape_cast %add3A_264 : vector<16xi32> to vector<16xi32>
          tpu.vector_store %arg8[%swap3A_265], %swap3A_268 {strides = array<i32>} : memref<128xi32, #tpu.memory_space<vmem>>, vector<16xi32>,
          %get3A_269 = arith.constant 80 : index
          %get3A_270 = tpu.vector_load %arg8[%get3A_269] {strides = array<i32>} : memref<128xi32, #tpu.memory_space<vmem>>, vector<16xi32>,
          %get3A_271 = vector.shape_cast %get3A_270 : vector<16xi32> to vector<16xi32>
          %add3A_272 = vector.broadcast %mul3A_2 : i32 to vector<16xi32>
          %add3A_273 = arith.addi %get3A_271, %add3A_272 : vector<16xi32>
          %swap3A_274 = arith.constant 80 : index
          %swap3A_275 = tpu.vector_load %arg8[%swap3A_274] {strides = array<i32>} : memref<128xi32, #tpu.memory_space<vmem>>, vector<16xi32>,
          %swap3A_276 = vector.shape_cast %swap3A_275 : vector<16xi32> to vector<16xi32>
          %swap3A_277 = vector.shape_cast %add3A_273 : vector<16xi32> to vector<16xi32>
          tpu.vector_store %arg8[%swap3A_274], %swap3A_277 {strides = array<i32>} : memref<128xi32, #tpu.memory_space<vmem>>, vector<16xi32>,
          %get3A_278 = arith.constant 96 : index
          %get3A_279 = tpu.vector_load %arg8[%get3A_278] {strides = array<i32>} : memref<128xi32, #tpu.memory_space<vmem>>, vector<16xi32>,
          %get3A_280 = vector.shape_cast %get3A_279 : vector<16xi32> to vector<16xi32>
          %add3A_281 = vector.broadcast %mul3A_2 : i32 to vector<16xi32>
          %add3A_282 = arith.addi %get3A_280, %add3A_281 : vector<16xi32>
          %swap3A_283 = arith.constant 96 : index
          %swap3A_284 = tpu.vector_load %arg8[%swap3A_283] {strides = array<i32>} : memref<128xi32, #tpu.memory_space<vmem>>, vector<16xi32>,
          %swap3A_285 = vector.shape_cast %swap3A_284 : vector<16xi32> to vector<16xi32>
          %swap3A_286 = vector.shape_cast %add3A_282 : vector<16xi32> to vector<16xi32>
          tpu.vector_store %arg8[%swap3A_283], %swap3A_286 {strides = array<i32>} : memref<128xi32, #tpu.memory_space<vmem>>, vector<16xi32>,
          %get3A_287 = arith.constant 112 : index
          %get3A_288 = tpu.vector_load %arg8[%get3A_287] {strides = array<i32>} : memref<128xi32, #tpu.memory_space<vmem>>, vector<16xi32>,
          %get3A_289 = vector.shape_cast %get3A_288 : vector<16xi32> to vector<16xi32>
          %add3A_290 = vector.broadcast %mul3A_2 : i32 to vector<16xi32>
          %add3A_291 = arith.addi %get3A_289, %add3A_290 : vector<16xi32>
          %swap3A_292 = arith.constant 112 : index
          %swap3A_293 = tpu.vector_load %arg8[%swap3A_292] {strides = array<i32>} : memref<128xi32, #tpu.memory_space<vmem>>, vector<16xi32>,
          %swap3A_294 = vector.shape_cast %swap3A_293 : vector<16xi32> to vector<16xi32>
          %swap3A_295 = vector.shape_cast %add3A_291 : vector<16xi32> to vector<16xi32>
          tpu.vector_store %arg8[%swap3A_292], %swap3A_295 {strides = array<i32>} : memref<128xi32, #tpu.memory_space<vmem>>, vector<16xi32>,
          %ge3A = arith.constant 1 : i32
          %ge3A_296 = arith.cmpi sge, %add3A_171, %ge3A : i32
          %convert_element_type3A_297 = arith.extui %ge3A_296 : i1 to i32
          %cond3A_298 = arith.constant 0 : i32
          %cond3A_299 = arith.cmpi ne, %convert_element_type3A_297, %cond3A_298 : i32
          scf.if %cond3A_299 {
            %dma_wait3A_303 = arith.constant 0 : i32
            %dma_wait3A_304 = arith.constant 0 : i32
            %dma_wait3A_305 = tpu.memref_slice %arg6[%dma_wait3A_303, %dma_wait3A_304] : memref<10240x128xf32, #tpu.memory_space<vmem_shared>> -> memref<10240x128xf32, #tpu.memory_space<vmem_shared>>
            tpu.wait_indirect_dma semaphore(%arg18 : memref<!tpu.dma_semaphore, #tpu.memory_space<semaphore_mem>>) src(%arg12 : memref<128x128xf32, #tpu.memory_space<vmem>>) dst(%dma_wait3A_305 : memref<10240x128xf32, #tpu.memory_space<vmem_shared>>)
          } else {
          }
          %dma_start3A_300 = arith.constant 0 : i32
          %dma_start3A_301 = arith.constant 0 : i32
          %dma_start3A_302 = tpu.memref_slice %arg2[%dma_start3A_300, %dma_start3A_301] : memref<20480x128xf32, #tpu.memory_space<hbm>> -> memref<20480x128xf32, #tpu.memory_space<hbm>>
          tpu.enqueue_indirect_dma source(%dma_start3A_302 : memref<20480x128xf32, #tpu.memory_space<hbm>>) target(%arg12 : memref<128x128xf32, #tpu.memory_space<vmem>>) offsets(%arg8 : memref<128xi32, #tpu.memory_space<vmem>>) semaphore(%arg14 : memref<!tpu.dma_semaphore, #tpu.memory_space<semaphore_mem>>)
        } else {
        }
        %dma_wait3A_188 = arith.constant 0 : i32
        %dma_wait3A_189 = arith.constant 0 : i32
        %dma_wait3A_190 = tpu.memref_slice %arg2[%dma_wait3A_188, %dma_wait3A_189] : memref<20480x128xf32, #tpu.memory_space<hbm>> -> memref<20480x128xf32, #tpu.memory_space<hbm>>
        tpu.wait_indirect_dma semaphore(%arg13 : memref<!tpu.dma_semaphore, #tpu.memory_space<semaphore_mem>>) src(%dma_wait3A_190 : memref<20480x128xf32, #tpu.memory_space<hbm>>) dst(%arg11 : memref<128x128xf32, #tpu.memory_space<vmem>>)
        %dma_start3A_191 = arith.constant 0 : i32
        %dma_start3A_192 = arith.constant 0 : i32
        %dma_start3A_193 = tpu.memref_slice %arg6[%dma_start3A_191, %dma_start3A_192] : memref<10240x128xf32, #tpu.memory_space<vmem_shared>> -> memref<10240x128xf32, #tpu.memory_space<vmem_shared>>
        tpu.enqueue_indirect_dma source(%arg11 : memref<128x128xf32, #tpu.memory_space<vmem>>) target(%dma_start3A_193 : memref<10240x128xf32, #tpu.memory_space<vmem_shared>>) offsets(%arg9 : memref<128xi32, #tpu.memory_space<vmem>>) semaphore(%arg17 : memref<!tpu.dma_semaphore, #tpu.memory_space<semaphore_mem>>) {add = true}
        %add3A_194 = arith.constant 2 : i32
        %add3A_195 = arith.addi %add3A_171, %add3A_194 : i32
        %lt3A_196 = arith.cmpi slt, %add3A_195, %select_n3A : i32
        %convert_element_type3A_197 = arith.extui %lt3A_196 : i1 to i32
        %cond3A_198 = arith.constant 0 : i32
        %cond3A_199 = arith.cmpi ne, %convert_element_type3A_197, %cond3A_198 : i32
        scf.if %cond3A_199 {
          %add3A_200 = arith.constant 2 : i32
          %add3A_201 = arith.addi %add3A_171, %add3A_200 : i32
          %mul3A_202 = arith.constant 16 : i32
          %mul3A_203 = arith.muli %mul3A_202, %add3A_201 : i32
          %add3A_204 = arith.addi %arg1, %mul3A_203 : i32
          %mul3A_205 = arith.constant 128 : i32
          %mul3A_206 = arith.muli %add3A_204, %mul3A_205 : i32
          %dma_start3A_207 = arith.constant 0 : i32
          %dma_start3A_208 = tpu.memref_slice %arg3[%dma_start3A_207, %mul3A_206] : memref<2x160000xi32, #tpu.memory_space<hbm>> -> memref<1x128xi32, #tpu.memory_space<hbm>>
          %dma_start3A_209 = tpu.memref_squeeze %dma_start3A_208 : memref<1x128xi32, #tpu.memory_space<hbm>> -> memref<128xi32, #tpu.memory_space<hbm>>
          %dma_start3A_210 = tpu.memref_slice %arg3[%dma_start3A_207, %mul3A_206] : memref<2x160000xi32, #tpu.memory_space<hbm>> -> memref<1x128xi32, #tpu.memory_space<hbm>>
          %dma_start3A_211 = tpu.memref_squeeze %dma_start3A_210 : memref<1x128xi32, #tpu.memory_space<hbm>> -> memref<128xi32, #tpu.memory_space<hbm>>
          tpu.enqueue_dma source(%dma_start3A_211 : memref<128xi32, #tpu.memory_space<hbm>>) target(%arg7 : memref<128xi32, #tpu.memory_space<vmem>>) target_semaphore(%arg15 : memref<!tpu.dma_semaphore, #tpu.memory_space<semaphore_mem>>)
          %add3A_212 = arith.constant 2 : i32
          %add3A_213 = arith.addi %add3A_171, %add3A_212 : i32
          %mul3A_214 = arith.constant 16 : i32
          %mul3A_215 = arith.muli %mul3A_214, %add3A_213 : i32
          %add3A_216 = arith.addi %arg1, %mul3A_215 : i32
          %mul3A_217 = arith.constant 128 : i32
          %mul3A_218 = arith.muli %add3A_216, %mul3A_217 : i32
          %dma_start3A_219 = arith.constant 1 : i32
          %dma_start3A_220 = tpu.memref_slice %arg3[%dma_start3A_219, %mul3A_218] : memref<2x160000xi32, #tpu.memory_space<hbm>> -> memref<1x128xi32, #tpu.memory_space<hbm>>
          %dma_start3A_221 = tpu.memref_squeeze %dma_start3A_220 : memref<1x128xi32, #tpu.memory_space<hbm>> -> memref<128xi32, #tpu.memory_space<hbm>>
          %dma_start3A_222 = tpu.memref_slice %arg3[%dma_start3A_219, %mul3A_218] : memref<2x160000xi32, #tpu.memory_space<hbm>> -> memref<1x128xi32, #tpu.memory_space<hbm>>
          %dma_start3A_223 = tpu.memref_squeeze %dma_start3A_222 : memref<1x128xi32, #tpu.memory_space<hbm>> -> memref<128xi32, #tpu.memory_space<hbm>>
          tpu.enqueue_dma source(%dma_start3A_223 : memref<128xi32, #tpu.memory_space<hbm>>) target(%arg9 : memref<128xi32, #tpu.memory_space<vmem>>) target_semaphore(%arg15 : memref<!tpu.dma_semaphore, #tpu.memory_space<semaphore_mem>>)
        } else {
        }
      } else {
      }
      %mul3A_174 = arith.constant 2 : i32
      %mul3A_175 = arith.muli %mul3A_174, %scan3A_167 : i32
      %add3A_176 = arith.constant 1 : i32
      %add3A_177 = arith.addi %mul3A_175, %add3A_176 : i32
      %lt3A_178 = arith.cmpi slt, %add3A_177, %select_n3A : i32
      %convert_element_type3A_179 = arith.extui %lt3A_178 : i1 to i32
      %cond3A_180 = arith.constant 0 : i32
      %cond3A_181 = arith.cmpi ne, %convert_element_type3A_179, %cond3A_180 : i32
      scf.if %cond3A_181 {
        %add3A_182 = arith.constant 1 : i32
        %add3A_183 = arith.addi %add3A_177, %add3A_182 : i32
        %lt3A_184 = arith.cmpi slt, %add3A_183, %select_n3A : i32
        %convert_element_type3A_185 = arith.extui %lt3A_184 : i1 to i32
        %cond3A_186 = arith.constant 0 : i32
        %cond3A_187 = arith.cmpi ne, %convert_element_type3A_185, %cond3A_186 : i32
        scf.if %cond3A_187 {
          %add3A_200 = arith.constant 1 : i32
          %add3A_201 = arith.addi %add3A_177, %add3A_200 : i32
          %mul3A_202 = arith.constant 16 : i32
          %mul3A_203 = arith.muli %mul3A_202, %add3A_201 : i32
          %add3A_204 = arith.addi %arg1, %mul3A_203 : i32
          %mul3A_205 = arith.constant 128 : i32
          %mul3A_206 = arith.muli %add3A_204, %mul3A_205 : i32
          %dma_wait3A_207 = arith.constant 0 : i32
          %dma_wait3A_208 = tpu.memref_slice %arg3[%dma_wait3A_207, %mul3A_206] : memref<2x160000xi32, #tpu.memory_space<hbm>> -> memref<1x128xi32, #tpu.memory_space<hbm>>
          %dma_wait3A_209 = tpu.memref_squeeze %dma_wait3A_208 : memref<1x128xi32, #tpu.memory_space<hbm>> -> memref<128xi32, #tpu.memory_space<hbm>>
          %dma_wait3A_210 = tpu.memref_slice %arg3[%dma_wait3A_207, %mul3A_206] : memref<2x160000xi32, #tpu.memory_space<hbm>> -> memref<1x128xi32, #tpu.memory_space<hbm>>
          %dma_wait3A_211 = tpu.memref_squeeze %dma_wait3A_210 : memref<1x128xi32, #tpu.memory_space<hbm>> -> memref<128xi32, #tpu.memory_space<hbm>>
          tpu.wait_dma2 semaphore(%arg15 : memref<!tpu.dma_semaphore, #tpu.memory_space<semaphore_mem>>) src(%dma_wait3A_211 : memref<128xi32, #tpu.memory_space<hbm>>) dst(%arg7 : memref<128xi32, #tpu.memory_space<vmem>>)
          %add3A_212 = arith.constant 1 : i32
          %add3A_213 = arith.addi %add3A_177, %add3A_212 : i32
          %mul3A_214 = arith.constant 16 : i32
          %mul3A_215 = arith.muli %mul3A_214, %add3A_213 : i32
          %add3A_216 = arith.addi %arg1, %mul3A_215 : i32
          %mul3A_217 = arith.constant 128 : i32
          %mul3A_218 = arith.muli %add3A_216, %mul3A_217 : i32
          %dma_wait3A_219 = arith.constant 1 : i32
          %dma_wait3A_220 = tpu.memref_slice %arg3[%dma_wait3A_219, %mul3A_218] : memref<2x160000xi32, #tpu.memory_space<hbm>> -> memref<1x128xi32, #tpu.memory_space<hbm>>
          %dma_wait3A_221 = tpu.memref_squeeze %dma_wait3A_220 : memref<1x128xi32, #tpu.memory_space<hbm>> -> memref<128xi32, #tpu.memory_space<hbm>>
          %dma_wait3A_222 = tpu.memref_slice %arg3[%dma_wait3A_219, %mul3A_218] : memref<2x160000xi32, #tpu.memory_space<hbm>> -> memref<1x128xi32, #tpu.memory_space<hbm>>
          %dma_wait3A_223 = tpu.memref_squeeze %dma_wait3A_222 : memref<1x128xi32, #tpu.memory_space<hbm>> -> memref<128xi32, #tpu.memory_space<hbm>>
          tpu.wait_dma2 semaphore(%arg15 : memref<!tpu.dma_semaphore, #tpu.memory_space<semaphore_mem>>) src(%dma_wait3A_223 : memref<128xi32, #tpu.memory_space<hbm>>) dst(%arg9 : memref<128xi32, #tpu.memory_space<vmem>>)
          %get3A_224 = arith.constant 0 : index
          %get3A_225 = tpu.vector_load %arg7[%get3A_224] {strides = array<i32>} : memref<128xi32, #tpu.memory_space<vmem>>, vector<16xi32>,
          %get3A_226 = vector.shape_cast %get3A_225 : vector<16xi32> to vector<16xi32>
          %add3A_227 = vector.broadcast %mul3A_2 : i32 to vector<16xi32>
          %add3A_228 = arith.addi %get3A_226, %add3A_227 : vector<16xi32>
          %swap3A_229 = arith.constant 0 : index
          %swap3A_230 = tpu.vector_load %arg7[%swap3A_229] {strides = array<i32>} : memref<128xi32, #tpu.memory_space<vmem>>, vector<16xi32>,
          %swap3A_231 = vector.shape_cast %swap3A_230 : vector<16xi32> to vector<16xi32>
          %swap3A_232 = vector.shape_cast %add3A_228 : vector<16xi32> to vector<16xi32>
          tpu.vector_store %arg7[%swap3A_229], %swap3A_232 {strides = array<i32>} : memref<128xi32, #tpu.memory_space<vmem>>, vector<16xi32>,
          %get3A_233 = arith.constant 16 : index
          %get3A_234 = tpu.vector_load %arg7[%get3A_233] {strides = array<i32>} : memref<128xi32, #tpu.memory_space<vmem>>, vector<16xi32>,
          %get3A_235 = vector.shape_cast %get3A_234 : vector<16xi32> to vector<16xi32>
          %add3A_236 = vector.broadcast %mul3A_2 : i32 to vector<16xi32>
          %add3A_237 = arith.addi %get3A_235, %add3A_236 : vector<16xi32>
          %swap3A_238 = arith.constant 16 : index
          %swap3A_239 = tpu.vector_load %arg7[%swap3A_238] {strides = array<i32>} : memref<128xi32, #tpu.memory_space<vmem>>, vector<16xi32>,
          %swap3A_240 = vector.shape_cast %swap3A_239 : vector<16xi32> to vector<16xi32>
          %swap3A_241 = vector.shape_cast %add3A_237 : vector<16xi32> to vector<16xi32>
          tpu.vector_store %arg7[%swap3A_238], %swap3A_241 {strides = array<i32>} : memref<128xi32, #tpu.memory_space<vmem>>, vector<16xi32>,
          %get3A_242 = arith.constant 32 : index
          %get3A_243 = tpu.vector_load %arg7[%get3A_242] {strides = array<i32>} : memref<128xi32, #tpu.memory_space<vmem>>, vector<16xi32>,
          %get3A_244 = vector.shape_cast %get3A_243 : vector<16xi32> to vector<16xi32>
          %add3A_245 = vector.broadcast %mul3A_2 : i32 to vector<16xi32>
          %add3A_246 = arith.addi %get3A_244, %add3A_245 : vector<16xi32>
          %swap3A_247 = arith.constant 32 : index
          %swap3A_248 = tpu.vector_load %arg7[%swap3A_247] {strides = array<i32>} : memref<128xi32, #tpu.memory_space<vmem>>, vector<16xi32>,
          %swap3A_249 = vector.shape_cast %swap3A_248 : vector<16xi32> to vector<16xi32>
          %swap3A_250 = vector.shape_cast %add3A_246 : vector<16xi32> to vector<16xi32>
          tpu.vector_store %arg7[%swap3A_247], %swap3A_250 {strides = array<i32>} : memref<128xi32, #tpu.memory_space<vmem>>, vector<16xi32>,
          %get3A_251 = arith.constant 48 : index
          %get3A_252 = tpu.vector_load %arg7[%get3A_251] {strides = array<i32>} : memref<128xi32, #tpu.memory_space<vmem>>, vector<16xi32>,
          %get3A_253 = vector.shape_cast %get3A_252 : vector<16xi32> to vector<16xi32>
          %add3A_254 = vector.broadcast %mul3A_2 : i32 to vector<16xi32>
          %add3A_255 = arith.addi %get3A_253, %add3A_254 : vector<16xi32>
          %swap3A_256 = arith.constant 48 : index
          %swap3A_257 = tpu.vector_load %arg7[%swap3A_256] {strides = array<i32>} : memref<128xi32, #tpu.memory_space<vmem>>, vector<16xi32>,
          %swap3A_258 = vector.shape_cast %swap3A_257 : vector<16xi32> to vector<16xi32>
          %swap3A_259 = vector.shape_cast %add3A_255 : vector<16xi32> to vector<16xi32>
          tpu.vector_store %arg7[%swap3A_256], %swap3A_259 {strides = array<i32>} : memref<128xi32, #tpu.memory_space<vmem>>, vector<16xi32>,
          %get3A_260 = arith.constant 64 : index
          %get3A_261 = tpu.vector_load %arg7[%get3A_260] {strides = array<i32>} : memref<128xi32, #tpu.memory_space<vmem>>, vector<16xi32>,
          %get3A_262 = vector.shape_cast %get3A_261 : vector<16xi32> to vector<16xi32>
          %add3A_263 = vector.broadcast %mul3A_2 : i32 to vector<16xi32>
          %add3A_264 = arith.addi %get3A_262, %add3A_263 : vector<16xi32>
          %swap3A_265 = arith.constant 64 : index
          %swap3A_266 = tpu.vector_load %arg7[%swap3A_265] {strides = array<i32>} : memref<128xi32, #tpu.memory_space<vmem>>, vector<16xi32>,
          %swap3A_267 = vector.shape_cast %swap3A_266 : vector<16xi32> to vector<16xi32>
          %swap3A_268 = vector.shape_cast %add3A_264 : vector<16xi32> to vector<16xi32>
          tpu.vector_store %arg7[%swap3A_265], %swap3A_268 {strides = array<i32>} : memref<128xi32, #tpu.memory_space<vmem>>, vector<16xi32>,
          %get3A_269 = arith.constant 80 : index
          %get3A_270 = tpu.vector_load %arg7[%get3A_269] {strides = array<i32>} : memref<128xi32, #tpu.memory_space<vmem>>, vector<16xi32>,
          %get3A_271 = vector.shape_cast %get3A_270 : vector<16xi32> to vector<16xi32>
          %add3A_272 = vector.broadcast %mul3A_2 : i32 to vector<16xi32>
          %add3A_273 = arith.addi %get3A_271, %add3A_272 : vector<16xi32>
          %swap3A_274 = arith.constant 80 : index
          %swap3A_275 = tpu.vector_load %arg7[%swap3A_274] {strides = array<i32>} : memref<128xi32, #tpu.memory_space<vmem>>, vector<16xi32>,
          %swap3A_276 = vector.shape_cast %swap3A_275 : vector<16xi32> to vector<16xi32>
          %swap3A_277 = vector.shape_cast %add3A_273 : vector<16xi32> to vector<16xi32>
          tpu.vector_store %arg7[%swap3A_274], %swap3A_277 {strides = array<i32>} : memref<128xi32, #tpu.memory_space<vmem>>, vector<16xi32>,
          %get3A_278 = arith.constant 96 : index
          %get3A_279 = tpu.vector_load %arg7[%get3A_278] {strides = array<i32>} : memref<128xi32, #tpu.memory_space<vmem>>, vector<16xi32>,
          %get3A_280 = vector.shape_cast %get3A_279 : vector<16xi32> to vector<16xi32>
          %add3A_281 = vector.broadcast %mul3A_2 : i32 to vector<16xi32>
          %add3A_282 = arith.addi %get3A_280, %add3A_281 : vector<16xi32>
          %swap3A_283 = arith.constant 96 : index
          %swap3A_284 = tpu.vector_load %arg7[%swap3A_283] {strides = array<i32>} : memref<128xi32, #tpu.memory_space<vmem>>, vector<16xi32>,
          %swap3A_285 = vector.shape_cast %swap3A_284 : vector<16xi32> to vector<16xi32>
          %swap3A_286 = vector.shape_cast %add3A_282 : vector<16xi32> to vector<16xi32>
          tpu.vector_store %arg7[%swap3A_283], %swap3A_286 {strides = array<i32>} : memref<128xi32, #tpu.memory_space<vmem>>, vector<16xi32>,
          %get3A_287 = arith.constant 112 : index
          %get3A_288 = tpu.vector_load %arg7[%get3A_287] {strides = array<i32>} : memref<128xi32, #tpu.memory_space<vmem>>, vector<16xi32>,
          %get3A_289 = vector.shape_cast %get3A_288 : vector<16xi32> to vector<16xi32>
          %add3A_290 = vector.broadcast %mul3A_2 : i32 to vector<16xi32>
          %add3A_291 = arith.addi %get3A_289, %add3A_290 : vector<16xi32>
          %swap3A_292 = arith.constant 112 : index
          %swap3A_293 = tpu.vector_load %arg7[%swap3A_292] {strides = array<i32>} : memref<128xi32, #tpu.memory_space<vmem>>, vector<16xi32>,
          %swap3A_294 = vector.shape_cast %swap3A_293 : vector<16xi32> to vector<16xi32>
          %swap3A_295 = vector.shape_cast %add3A_291 : vector<16xi32> to vector<16xi32>
          tpu.vector_store %arg7[%swap3A_292], %swap3A_295 {strides = array<i32>} : memref<128xi32, #tpu.memory_space<vmem>>, vector<16xi32>,
          %ge3A = arith.constant 1 : i32
          %ge3A_296 = arith.cmpi sge, %add3A_177, %ge3A : i32
          %convert_element_type3A_297 = arith.extui %ge3A_296 : i1 to i32
          %cond3A_298 = arith.constant 0 : i32
          %cond3A_299 = arith.cmpi ne, %convert_element_type3A_297, %cond3A_298 : i32
          scf.if %cond3A_299 {
            %dma_wait3A_303 = arith.constant 0 : i32
            %dma_wait3A_304 = arith.constant 0 : i32
            %dma_wait3A_305 = tpu.memref_slice %arg6[%dma_wait3A_303, %dma_wait3A_304] : memref<10240x128xf32, #tpu.memory_space<vmem_shared>> -> memref<10240x128xf32, #tpu.memory_space<vmem_shared>>
            tpu.wait_indirect_dma semaphore(%arg17 : memref<!tpu.dma_semaphore, #tpu.memory_space<semaphore_mem>>) src(%arg11 : memref<128x128xf32, #tpu.memory_space<vmem>>) dst(%dma_wait3A_305 : memref<10240x128xf32, #tpu.memory_space<vmem_shared>>)
          } else {
          }
          %dma_start3A_300 = arith.constant 0 : i32
          %dma_start3A_301 = arith.constant 0 : i32
          %dma_start3A_302 = tpu.memref_slice %arg2[%dma_start3A_300, %dma_start3A_301] : memref<20480x128xf32, #tpu.memory_space<hbm>> -> memref<20480x128xf32, #tpu.memory_space<hbm>>
          tpu.enqueue_indirect_dma source(%dma_start3A_302 : memref<20480x128xf32, #tpu.memory_space<hbm>>) target(%arg11 : memref<128x128xf32, #tpu.memory_space<vmem>>) offsets(%arg7 : memref<128xi32, #tpu.memory_space<vmem>>) semaphore(%arg13 : memref<!tpu.dma_semaphore, #tpu.memory_space<semaphore_mem>>)
        } else {
        }
        %dma_wait3A_188 = arith.constant 0 : i32
        %dma_wait3A_189 = arith.constant 0 : i32
        %dma_wait3A_190 = tpu.memref_slice %arg2[%dma_wait3A_188, %dma_wait3A_189] : memref<20480x128xf32, #tpu.memory_space<hbm>> -> memref<20480x128xf32, #tpu.memory_space<hbm>>
        tpu.wait_indirect_dma semaphore(%arg14 : memref<!tpu.dma_semaphore, #tpu.memory_space<semaphore_mem>>) src(%dma_wait3A_190 : memref<20480x128xf32, #tpu.memory_space<hbm>>) dst(%arg12 : memref<128x128xf32, #tpu.memory_space<vmem>>)
        %dma_start3A_191 = arith.constant 0 : i32
        %dma_start3A_192 = arith.constant 0 : i32
        %dma_start3A_193 = tpu.memref_slice %arg6[%dma_start3A_191, %dma_start3A_192] : memref<10240x128xf32, #tpu.memory_space<vmem_shared>> -> memref<10240x128xf32, #tpu.memory_space<vmem_shared>>
        tpu.enqueue_indirect_dma source(%arg12 : memref<128x128xf32, #tpu.memory_space<vmem>>) target(%dma_start3A_193 : memref<10240x128xf32, #tpu.memory_space<vmem_shared>>) offsets(%arg10 : memref<128xi32, #tpu.memory_space<vmem>>) semaphore(%arg18 : memref<!tpu.dma_semaphore, #tpu.memory_space<semaphore_mem>>) {add = true}
        %add3A_194 = arith.constant 2 : i32
        %add3A_195 = arith.addi %add3A_177, %add3A_194 : i32
        %lt3A_196 = arith.cmpi slt, %add3A_195, %select_n3A : i32
        %convert_element_type3A_197 = arith.extui %lt3A_196 : i1 to i32
        %cond3A_198 = arith.constant 0 : i32
        %cond3A_199 = arith.cmpi ne, %convert_element_type3A_197, %cond3A_198 : i32
        scf.if %cond3A_199 {
          %add3A_200 = arith.constant 2 : i32
          %add3A_201 = arith.addi %add3A_177, %add3A_200 : i32
          %mul3A_202 = arith.constant 16 : i32
          %mul3A_203 = arith.muli %mul3A_202, %add3A_201 : i32
          %add3A_204 = arith.addi %arg1, %mul3A_203 : i32
          %mul3A_205 = arith.constant 128 : i32
          %mul3A_206 = arith.muli %add3A_204, %mul3A_205 : i32
          %dma_start3A_207 = arith.constant 0 : i32
          %dma_start3A_208 = tpu.memref_slice %arg3[%dma_start3A_207, %mul3A_206] : memref<2x160000xi32, #tpu.memory_space<hbm>> -> memref<1x128xi32, #tpu.memory_space<hbm>>
          %dma_start3A_209 = tpu.memref_squeeze %dma_start3A_208 : memref<1x128xi32, #tpu.memory_space<hbm>> -> memref<128xi32, #tpu.memory_space<hbm>>
          %dma_start3A_210 = tpu.memref_slice %arg3[%dma_start3A_207, %mul3A_206] : memref<2x160000xi32, #tpu.memory_space<hbm>> -> memref<1x128xi32, #tpu.memory_space<hbm>>
          %dma_start3A_211 = tpu.memref_squeeze %dma_start3A_210 : memref<1x128xi32, #tpu.memory_space<hbm>> -> memref<128xi32, #tpu.memory_space<hbm>>
          tpu.enqueue_dma source(%dma_start3A_211 : memref<128xi32, #tpu.memory_space<hbm>>) target(%arg8 : memref<128xi32, #tpu.memory_space<vmem>>) target_semaphore(%arg16 : memref<!tpu.dma_semaphore, #tpu.memory_space<semaphore_mem>>)
          %add3A_212 = arith.constant 2 : i32
          %add3A_213 = arith.addi %add3A_177, %add3A_212 : i32
          %mul3A_214 = arith.constant 16 : i32
          %mul3A_215 = arith.muli %mul3A_214, %add3A_213 : i32
          %add3A_216 = arith.addi %arg1, %mul3A_215 : i32
          %mul3A_217 = arith.constant 128 : i32
          %mul3A_218 = arith.muli %add3A_216, %mul3A_217 : i32
          %dma_start3A_219 = arith.constant 1 : i32
          %dma_start3A_220 = tpu.memref_slice %arg3[%dma_start3A_219, %mul3A_218] : memref<2x160000xi32, #tpu.memory_space<hbm>> -> memref<1x128xi32, #tpu.memory_space<hbm>>
          %dma_start3A_221 = tpu.memref_squeeze %dma_start3A_220 : memref<1x128xi32, #tpu.memory_space<hbm>> -> memref<128xi32, #tpu.memory_space<hbm>>
          %dma_start3A_222 = tpu.memref_slice %arg3[%dma_start3A_219, %mul3A_218] : memref<2x160000xi32, #tpu.memory_space<hbm>> -> memref<1x128xi32, #tpu.memory_space<hbm>>
          %dma_start3A_223 = tpu.memref_squeeze %dma_start3A_222 : memref<1x128xi32, #tpu.memory_space<hbm>> -> memref<128xi32, #tpu.memory_space<hbm>>
          tpu.enqueue_dma source(%dma_start3A_223 : memref<128xi32, #tpu.memory_space<hbm>>) target(%arg10 : memref<128xi32, #tpu.memory_space<vmem>>) target_semaphore(%arg16 : memref<!tpu.dma_semaphore, #tpu.memory_space<semaphore_mem>>)
        } else {
        }
      } else {
      }
    }
    %scan3A_125 = arith.constant 40 : i32
    %dma_wait3A = arith.constant 0 : i32
    %dma_wait3A_126 = arith.constant 0 : i32
    %dma_wait3A_127 = tpu.memref_slice %arg6[%dma_wait3A, %dma_wait3A_126] : memref<10240x128xf32, #tpu.memory_space<vmem_shared>> -> memref<10240x128xf32, #tpu.memory_space<vmem_shared>>
    tpu.wait_indirect_dma semaphore(%arg17 : memref<!tpu.dma_semaphore, #tpu.memory_space<semaphore_mem>>) src(%arg11 : memref<128x128xf32, #tpu.memory_space<vmem>>) dst(%dma_wait3A_127 : memref<10240x128xf32, #tpu.memory_space<vmem_shared>>)
    %dma_wait3A_128 = arith.constant 0 : i32
    %dma_wait3A_129 = arith.constant 0 : i32
    %dma_wait3A_130 = tpu.memref_slice %arg6[%dma_wait3A_128, %dma_wait3A_129] : memref<10240x128xf32, #tpu.memory_space<vmem_shared>> -> memref<10240x128xf32, #tpu.memory_space<vmem_shared>>
    tpu.wait_indirect_dma semaphore(%arg18 : memref<!tpu.dma_semaphore, #tpu.memory_space<semaphore_mem>>) src(%arg12 : memref<128x128xf32, #tpu.memory_space<vmem>>) dst(%dma_wait3A_130 : memref<10240x128xf32, #tpu.memory_space<vmem_shared>>)
    %barrier3A_131 = arith.constant 0 : index
    tpu.barrier barrier_id(%barrier3A_131)
    %mul3A_132 = arith.constant 10240 : i32
    %mul3A_133 = arith.muli %arg0, %mul3A_132 : i32
    %mul3A_134 = arith.constant 640 : i32
    %mul3A_135 = arith.muli %arg1, %mul3A_134 : i32
    %add3A_136 = arith.addi %mul3A_133, %mul3A_135 : i32
    %mul3A_137 = arith.constant 640 : i32
    %mul3A_138 = arith.muli %arg1, %mul3A_137 : i32
    %add3A_139 = arith.constant 0 : i32
    %add3A_140 = arith.addi %mul3A_138, %add3A_139 : i32
    "tpu.region"() ({
      %run_scoped3A_167 = tpu.sem_alloc : memref<!tpu.dma_semaphore, #tpu.memory_space<semaphore_mem>>
      %dma_start3A_168 = arith.constant 0 : i32
      %dma_start3A_169 = tpu.memref_slice %arg6[%add3A_140, %dma_start3A_168] : memref<10240x128xf32, #tpu.memory_space<vmem_shared>> -> memref<128x128xf32, #tpu.memory_space<vmem_shared>>
      %dma_start3A_170 = arith.constant 0 : i32
      %dma_start3A_171 = tpu.memref_slice %arg6[%add3A_140, %dma_start3A_170] : memref<10240x128xf32, #tpu.memory_space<vmem_shared>> -> memref<128x128xf32, #tpu.memory_space<vmem_shared>>
      tpu.enqueue_dma source(%dma_start3A_171 : memref<128x128xf32, #tpu.memory_space<vmem_shared>>) target(%arg11 : memref<128x128xf32, #tpu.memory_space<vmem>>) target_semaphore(%run_scoped3A_167 : memref<!tpu.dma_semaphore, #tpu.memory_space<semaphore_mem>>)
      %dma_wait3A_172 = arith.constant 0 : i32
      %dma_wait3A_173 = tpu.memref_slice %arg6[%add3A_140, %dma_wait3A_172] : memref<10240x128xf32, #tpu.memory_space<vmem_shared>> -> memref<128x128xf32, #tpu.memory_space<vmem_shared>>
      %dma_wait3A_174 = arith.constant 0 : i32
      %dma_wait3A_175 = tpu.memref_slice %arg6[%add3A_140, %dma_wait3A_174] : memref<10240x128xf32, #tpu.memory_space<vmem_shared>> -> memref<128x128xf32, #tpu.memory_space<vmem_shared>>
      tpu.wait_dma2 semaphore(%run_scoped3A_167 : memref<!tpu.dma_semaphore, #tpu.memory_space<semaphore_mem>>) src(%dma_wait3A_175 : memref<128x128xf32, #tpu.memory_space<vmem_shared>>) dst(%arg11 : memref<128x128xf32, #tpu.memory_space<vmem>>)
      tpu.yield
    }) : () -> ()
    %add3A_141 = arith.constant 0 : i32
    %add3A_142 = arith.addi %add3A_136, %add3A_141 : i32
    "tpu.region"() ({
      %run_scoped3A_167 = tpu.sem_alloc : memref<!tpu.dma_semaphore, #tpu.memory_space<semaphore_mem>>
      %dma_start3A_168 = arith.constant 0 : i32
      %dma_start3A_169 = tpu.memref_slice %arg5[%add3A_142, %dma_start3A_168] : memref<20480x128xf32, #tpu.memory_space<hbm>> -> memref<128x128xf32, #tpu.memory_space<hbm>>
      %dma_start3A_170 = arith.constant 0 : i32
      %dma_start3A_171 = tpu.memref_slice %arg5[%add3A_142, %dma_start3A_170] : memref<20480x128xf32, #tpu.memory_space<hbm>> -> memref<128x128xf32, #tpu.memory_space<hbm>>
      tpu.enqueue_dma source(%arg11 : memref<128x128xf32, #tpu.memory_space<vmem>>) target(%dma_start3A_171 : memref<128x128xf32, #tpu.memory_space<hbm>>) target_semaphore(%run_scoped3A_167 : memref<!tpu.dma_semaphore, #tpu.memory_space<semaphore_mem>>)
      %dma_wait3A_172 = arith.constant 0 : i32
      %dma_wait3A_173 = tpu.memref_slice %arg5[%add3A_142, %dma_wait3A_172] : memref<20480x128xf32, #tpu.memory_space<hbm>> -> memref<128x128xf32, #tpu.memory_space<hbm>>
      %dma_wait3A_174 = arith.constant 0 : i32
      %dma_wait3A_175 = tpu.memref_slice %arg5[%add3A_142, %dma_wait3A_174] : memref<20480x128xf32, #tpu.memory_space<hbm>> -> memref<128x128xf32, #tpu.memory_space<hbm>>
      tpu.wait_dma2 semaphore(%run_scoped3A_167 : memref<!tpu.dma_semaphore, #tpu.memory_space<semaphore_mem>>) src(%arg11 : memref<128x128xf32, #tpu.memory_space<vmem>>) dst(%dma_wait3A_175 : memref<128x128xf32, #tpu.memory_space<hbm>>)
      tpu.yield
    }) : () -> ()
    %mul3A_143 = arith.constant 640 : i32
    %mul3A_144 = arith.muli %arg1, %mul3A_143 : i32
    %add3A_145 = arith.constant 128 : i32
    %add3A_146 = arith.addi %mul3A_144, %add3A_145 : i32
    "tpu.region"() ({
      %run_scoped3A_167 = tpu.sem_alloc : memref<!tpu.dma_semaphore, #tpu.memory_space<semaphore_mem>>
      %dma_start3A_168 = arith.constant 0 : i32
      %dma_start3A_169 = tpu.memref_slice %arg6[%add3A_146, %dma_start3A_168] : memref<10240x128xf32, #tpu.memory_space<vmem_shared>> -> memref<128x128xf32, #tpu.memory_space<vmem_shared>>
      %dma_start3A_170 = arith.constant 0 : i32
      %dma_start3A_171 = tpu.memref_slice %arg6[%add3A_146, %dma_start3A_170] : memref<10240x128xf32, #tpu.memory_space<vmem_shared>> -> memref<128x128xf32, #tpu.memory_space<vmem_shared>>
      tpu.enqueue_dma source(%dma_start3A_171 : memref<128x128xf32, #tpu.memory_space<vmem_shared>>) target(%arg11 : memref<128x128xf32, #tpu.memory_space<vmem>>) target_semaphore(%run_scoped3A_167 : memref<!tpu.dma_semaphore, #tpu.memory_space<semaphore_mem>>)
      %dma_wait3A_172 = arith.constant 0 : i32
      %dma_wait3A_173 = tpu.memref_slice %arg6[%add3A_146, %dma_wait3A_172] : memref<10240x128xf32, #tpu.memory_space<vmem_shared>> -> memref<128x128xf32, #tpu.memory_space<vmem_shared>>
      %dma_wait3A_174 = arith.constant 0 : i32
      %dma_wait3A_175 = tpu.memref_slice %arg6[%add3A_146, %dma_wait3A_174] : memref<10240x128xf32, #tpu.memory_space<vmem_shared>> -> memref<128x128xf32, #tpu.memory_space<vmem_shared>>
      tpu.wait_dma2 semaphore(%run_scoped3A_167 : memref<!tpu.dma_semaphore, #tpu.memory_space<semaphore_mem>>) src(%dma_wait3A_175 : memref<128x128xf32, #tpu.memory_space<vmem_shared>>) dst(%arg11 : memref<128x128xf32, #tpu.memory_space<vmem>>)
      tpu.yield
    }) : () -> ()
    %add3A_147 = arith.constant 128 : i32
    %add3A_148 = arith.addi %add3A_136, %add3A_147 : i32
    "tpu.region"() ({
      %run_scoped3A_167 = tpu.sem_alloc : memref<!tpu.dma_semaphore, #tpu.memory_space<semaphore_mem>>
      %dma_start3A_168 = arith.constant 0 : i32
      %dma_start3A_169 = tpu.memref_slice %arg5[%add3A_148, %dma_start3A_168] : memref<20480x128xf32, #tpu.memory_space<hbm>> -> memref<128x128xf32, #tpu.memory_space<hbm>>
      %dma_start3A_170 = arith.constant 0 : i32
      %dma_start3A_171 = tpu.memref_slice %arg5[%add3A_148, %dma_start3A_170] : memref<20480x128xf32, #tpu.memory_space<hbm>> -> memref<128x128xf32, #tpu.memory_space<hbm>>
      tpu.enqueue_dma source(%arg11 : memref<128x128xf32, #tpu.memory_space<vmem>>) target(%dma_start3A_171 : memref<128x128xf32, #tpu.memory_space<hbm>>) target_semaphore(%run_scoped3A_167 : memref<!tpu.dma_semaphore, #tpu.memory_space<semaphore_mem>>)
      %dma_wait3A_172 = arith.constant 0 : i32
      %dma_wait3A_173 = tpu.memref_slice %arg5[%add3A_148, %dma_wait3A_172] : memref<20480x128xf32, #tpu.memory_space<hbm>> -> memref<128x128xf32, #tpu.memory_space<hbm>>
      %dma_wait3A_174 = arith.constant 0 : i32
      %dma_wait3A_175 = tpu.memref_slice %arg5[%add3A_148, %dma_wait3A_174] : memref<20480x128xf32, #tpu.memory_space<hbm>> -> memref<128x128xf32, #tpu.memory_space<hbm>>
      tpu.wait_dma2 semaphore(%run_scoped3A_167 : memref<!tpu.dma_semaphore, #tpu.memory_space<semaphore_mem>>) src(%arg11 : memref<128x128xf32, #tpu.memory_space<vmem>>) dst(%dma_wait3A_175 : memref<128x128xf32, #tpu.memory_space<hbm>>)
      tpu.yield
    }) : () -> ()
    %mul3A_149 = arith.constant 640 : i32
    %mul3A_150 = arith.muli %arg1, %mul3A_149 : i32
    %add3A_151 = arith.constant 256 : i32
    %add3A_152 = arith.addi %mul3A_150, %add3A_151 : i32
    "tpu.region"() ({
      %run_scoped3A_167 = tpu.sem_alloc : memref<!tpu.dma_semaphore, #tpu.memory_space<semaphore_mem>>
      %dma_start3A_168 = arith.constant 0 : i32
      %dma_start3A_169 = tpu.memref_slice %arg6[%add3A_152, %dma_start3A_168] : memref<10240x128xf32, #tpu.memory_space<vmem_shared>> -> memref<128x128xf32, #tpu.memory_space<vmem_shared>>
      %dma_start3A_170 = arith.constant 0 : i32
      %dma_start3A_171 = tpu.memref_slice %arg6[%add3A_152, %dma_start3A_170] : memref<10240x128xf32, #tpu.memory_space<vmem_shared>> -> memref<128x128xf32, #tpu.memory_space<vmem_shared>>
      tpu.enqueue_dma source(%dma_start3A_171 : memref<128x128xf32, #tpu.memory_space<vmem_shared>>) target(%arg11 : memref<128x128xf32, #tpu.memory_space<vmem>>) target_semaphore(%run_scoped3A_167 : memref<!tpu.dma_semaphore, #tpu.memory_space<semaphore_mem>>)
      %dma_wait3A_172 = arith.constant 0 : i32
      %dma_wait3A_173 = tpu.memref_slice %arg6[%add3A_152, %dma_wait3A_172] : memref<10240x128xf32, #tpu.memory_space<vmem_shared>> -> memref<128x128xf32, #tpu.memory_space<vmem_shared>>
      %dma_wait3A_174 = arith.constant 0 : i32
      %dma_wait3A_175 = tpu.memref_slice %arg6[%add3A_152, %dma_wait3A_174] : memref<10240x128xf32, #tpu.memory_space<vmem_shared>> -> memref<128x128xf32, #tpu.memory_space<vmem_shared>>
      tpu.wait_dma2 semaphore(%run_scoped3A_167 : memref<!tpu.dma_semaphore, #tpu.memory_space<semaphore_mem>>) src(%dma_wait3A_175 : memref<128x128xf32, #tpu.memory_space<vmem_shared>>) dst(%arg11 : memref<128x128xf32, #tpu.memory_space<vmem>>)
      tpu.yield
    }) : () -> ()
    %add3A_153 = arith.constant 256 : i32
    %add3A_154 = arith.addi %add3A_136, %add3A_153 : i32
    "tpu.region"() ({
      %run_scoped3A_167 = tpu.sem_alloc : memref<!tpu.dma_semaphore, #tpu.memory_space<semaphore_mem>>
      %dma_start3A_168 = arith.constant 0 : i32
      %dma_start3A_169 = tpu.memref_slice %arg5[%add3A_154, %dma_start3A_168] : memref<20480x128xf32, #tpu.memory_space<hbm>> -> memref<128x128xf32, #tpu.memory_space<hbm>>
      %dma_start3A_170 = arith.constant 0 : i32
      %dma_start3A_171 = tpu.memref_slice %arg5[%add3A_154, %dma_start3A_170] : memref<20480x128xf32, #tpu.memory_space<hbm>> -> memref<128x128xf32, #tpu.memory_space<hbm>>
      tpu.enqueue_dma source(%arg11 : memref<128x128xf32, #tpu.memory_space<vmem>>) target(%dma_start3A_171 : memref<128x128xf32, #tpu.memory_space<hbm>>) target_semaphore(%run_scoped3A_167 : memref<!tpu.dma_semaphore, #tpu.memory_space<semaphore_mem>>)
      %dma_wait3A_172 = arith.constant 0 : i32
      %dma_wait3A_173 = tpu.memref_slice %arg5[%add3A_154, %dma_wait3A_172] : memref<20480x128xf32, #tpu.memory_space<hbm>> -> memref<128x128xf32, #tpu.memory_space<hbm>>
      %dma_wait3A_174 = arith.constant 0 : i32
      %dma_wait3A_175 = tpu.memref_slice %arg5[%add3A_154, %dma_wait3A_174] : memref<20480x128xf32, #tpu.memory_space<hbm>> -> memref<128x128xf32, #tpu.memory_space<hbm>>
      tpu.wait_dma2 semaphore(%run_scoped3A_167 : memref<!tpu.dma_semaphore, #tpu.memory_space<semaphore_mem>>) src(%arg11 : memref<128x128xf32, #tpu.memory_space<vmem>>) dst(%dma_wait3A_175 : memref<128x128xf32, #tpu.memory_space<hbm>>)
      tpu.yield
    }) : () -> ()
    %mul3A_155 = arith.constant 640 : i32
    %mul3A_156 = arith.muli %arg1, %mul3A_155 : i32
    %add3A_157 = arith.constant 384 : i32
    %add3A_158 = arith.addi %mul3A_156, %add3A_157 : i32
    "tpu.region"() ({
      %run_scoped3A_167 = tpu.sem_alloc : memref<!tpu.dma_semaphore, #tpu.memory_space<semaphore_mem>>
      %dma_start3A_168 = arith.constant 0 : i32
      %dma_start3A_169 = tpu.memref_slice %arg6[%add3A_158, %dma_start3A_168] : memref<10240x128xf32, #tpu.memory_space<vmem_shared>> -> memref<128x128xf32, #tpu.memory_space<vmem_shared>>
      %dma_start3A_170 = arith.constant 0 : i32
      %dma_start3A_171 = tpu.memref_slice %arg6[%add3A_158, %dma_start3A_170] : memref<10240x128xf32, #tpu.memory_space<vmem_shared>> -> memref<128x128xf32, #tpu.memory_space<vmem_shared>>
      tpu.enqueue_dma source(%dma_start3A_171 : memref<128x128xf32, #tpu.memory_space<vmem_shared>>) target(%arg11 : memref<128x128xf32, #tpu.memory_space<vmem>>) target_semaphore(%run_scoped3A_167 : memref<!tpu.dma_semaphore, #tpu.memory_space<semaphore_mem>>)
      %dma_wait3A_172 = arith.constant 0 : i32
      %dma_wait3A_173 = tpu.memref_slice %arg6[%add3A_158, %dma_wait3A_172] : memref<10240x128xf32, #tpu.memory_space<vmem_shared>> -> memref<128x128xf32, #tpu.memory_space<vmem_shared>>
      %dma_wait3A_174 = arith.constant 0 : i32
      %dma_wait3A_175 = tpu.memref_slice %arg6[%add3A_158, %dma_wait3A_174] : memref<10240x128xf32, #tpu.memory_space<vmem_shared>> -> memref<128x128xf32, #tpu.memory_space<vmem_shared>>
      tpu.wait_dma2 semaphore(%run_scoped3A_167 : memref<!tpu.dma_semaphore, #tpu.memory_space<semaphore_mem>>) src(%dma_wait3A_175 : memref<128x128xf32, #tpu.memory_space<vmem_shared>>) dst(%arg11 : memref<128x128xf32, #tpu.memory_space<vmem>>)
      tpu.yield
    }) : () -> ()
    %add3A_159 = arith.constant 384 : i32
    %add3A_160 = arith.addi %add3A_136, %add3A_159 : i32
    "tpu.region"() ({
      %run_scoped3A_167 = tpu.sem_alloc : memref<!tpu.dma_semaphore, #tpu.memory_space<semaphore_mem>>
      %dma_start3A_168 = arith.constant 0 : i32
      %dma_start3A_169 = tpu.memref_slice %arg5[%add3A_160, %dma_start3A_168] : memref<20480x128xf32, #tpu.memory_space<hbm>> -> memref<128x128xf32, #tpu.memory_space<hbm>>
      %dma_start3A_170 = arith.constant 0 : i32
      %dma_start3A_171 = tpu.memref_slice %arg5[%add3A_160, %dma_start3A_170] : memref<20480x128xf32, #tpu.memory_space<hbm>> -> memref<128x128xf32, #tpu.memory_space<hbm>>
      tpu.enqueue_dma source(%arg11 : memref<128x128xf32, #tpu.memory_space<vmem>>) target(%dma_start3A_171 : memref<128x128xf32, #tpu.memory_space<hbm>>) target_semaphore(%run_scoped3A_167 : memref<!tpu.dma_semaphore, #tpu.memory_space<semaphore_mem>>)
      %dma_wait3A_172 = arith.constant 0 : i32
      %dma_wait3A_173 = tpu.memref_slice %arg5[%add3A_160, %dma_wait3A_172] : memref<20480x128xf32, #tpu.memory_space<hbm>> -> memref<128x128xf32, #tpu.memory_space<hbm>>
      %dma_wait3A_174 = arith.constant 0 : i32
      %dma_wait3A_175 = tpu.memref_slice %arg5[%add3A_160, %dma_wait3A_174] : memref<20480x128xf32, #tpu.memory_space<hbm>> -> memref<128x128xf32, #tpu.memory_space<hbm>>
      tpu.wait_dma2 semaphore(%run_scoped3A_167 : memref<!tpu.dma_semaphore, #tpu.memory_space<semaphore_mem>>) src(%arg11 : memref<128x128xf32, #tpu.memory_space<vmem>>) dst(%dma_wait3A_175 : memref<128x128xf32, #tpu.memory_space<hbm>>)
      tpu.yield
    }) : () -> ()
    %mul3A_161 = arith.constant 640 : i32
    %mul3A_162 = arith.muli %arg1, %mul3A_161 : i32
    %add3A_163 = arith.constant 512 : i32
    %add3A_164 = arith.addi %mul3A_162, %add3A_163 : i32
    "tpu.region"() ({
      %run_scoped3A_167 = tpu.sem_alloc : memref<!tpu.dma_semaphore, #tpu.memory_space<semaphore_mem>>
      %dma_start3A_168 = arith.constant 0 : i32
      %dma_start3A_169 = tpu.memref_slice %arg6[%add3A_164, %dma_start3A_168] : memref<10240x128xf32, #tpu.memory_space<vmem_shared>> -> memref<128x128xf32, #tpu.memory_space<vmem_shared>>
      %dma_start3A_170 = arith.constant 0 : i32
      %dma_start3A_171 = tpu.memref_slice %arg6[%add3A_164, %dma_start3A_170] : memref<10240x128xf32, #tpu.memory_space<vmem_shared>> -> memref<128x128xf32, #tpu.memory_space<vmem_shared>>
      tpu.enqueue_dma source(%dma_start3A_171 : memref<128x128xf32, #tpu.memory_space<vmem_shared>>) target(%arg11 : memref<128x128xf32, #tpu.memory_space<vmem>>) target_semaphore(%run_scoped3A_167 : memref<!tpu.dma_semaphore, #tpu.memory_space<semaphore_mem>>)
      %dma_wait3A_172 = arith.constant 0 : i32
      %dma_wait3A_173 = tpu.memref_slice %arg6[%add3A_164, %dma_wait3A_172] : memref<10240x128xf32, #tpu.memory_space<vmem_shared>> -> memref<128x128xf32, #tpu.memory_space<vmem_shared>>
      %dma_wait3A_174 = arith.constant 0 : i32
      %dma_wait3A_175 = tpu.memref_slice %arg6[%add3A_164, %dma_wait3A_174] : memref<10240x128xf32, #tpu.memory_space<vmem_shared>> -> memref<128x128xf32, #tpu.memory_space<vmem_shared>>
      tpu.wait_dma2 semaphore(%run_scoped3A_167 : memref<!tpu.dma_semaphore, #tpu.memory_space<semaphore_mem>>) src(%dma_wait3A_175 : memref<128x128xf32, #tpu.memory_space<vmem_shared>>) dst(%arg11 : memref<128x128xf32, #tpu.memory_space<vmem>>)
      tpu.yield
    }) : () -> ()
    %add3A_165 = arith.constant 512 : i32
    %add3A_166 = arith.addi %add3A_136, %add3A_165 : i32
    "tpu.region"() ({
      %run_scoped3A_167 = tpu.sem_alloc : memref<!tpu.dma_semaphore, #tpu.memory_space<semaphore_mem>>
      %dma_start3A_168 = arith.constant 0 : i32
      %dma_start3A_169 = tpu.memref_slice %arg5[%add3A_166, %dma_start3A_168] : memref<20480x128xf32, #tpu.memory_space<hbm>> -> memref<128x128xf32, #tpu.memory_space<hbm>>
      %dma_start3A_170 = arith.constant 0 : i32
      %dma_start3A_171 = tpu.memref_slice %arg5[%add3A_166, %dma_start3A_170] : memref<20480x128xf32, #tpu.memory_space<hbm>> -> memref<128x128xf32, #tpu.memory_space<hbm>>
      tpu.enqueue_dma source(%arg11 : memref<128x128xf32, #tpu.memory_space<vmem>>) target(%dma_start3A_171 : memref<128x128xf32, #tpu.memory_space<hbm>>) target_semaphore(%run_scoped3A_167 : memref<!tpu.dma_semaphore, #tpu.memory_space<semaphore_mem>>)
      %dma_wait3A_172 = arith.constant 0 : i32
      %dma_wait3A_173 = tpu.memref_slice %arg5[%add3A_166, %dma_wait3A_172] : memref<20480x128xf32, #tpu.memory_space<hbm>> -> memref<128x128xf32, #tpu.memory_space<hbm>>
      %dma_wait3A_174 = arith.constant 0 : i32
      %dma_wait3A_175 = tpu.memref_slice %arg5[%add3A_166, %dma_wait3A_174] : memref<20480x128xf32, #tpu.memory_space<hbm>> -> memref<128x128xf32, #tpu.memory_space<hbm>>
      tpu.wait_dma2 semaphore(%run_scoped3A_167 : memref<!tpu.dma_semaphore, #tpu.memory_space<semaphore_mem>>) src(%arg11 : memref<128x128xf32, #tpu.memory_space<vmem>>) dst(%dma_wait3A_175 : memref<128x128xf32, #tpu.memory_space<hbm>>)
      tpu.yield
    }) : () -> ()
    return
  }
}

#map = affine_map<(d0, d1) -> (0, 0)>
module attributes {stable_mosaic.version = 14 : i64} {
  func.func @body(%arg0: i32, %arg1: i32, %arg2: memref<2x160000xi32, #tpu.memory_space<hbm>>, %arg3: memref<128x128xf32, #tpu.memory_space<hbm>>, %arg4: memref<128x128xf32, #tpu.memory_space<hbm>>, %arg5: memref<20480x128xf32, #tpu.memory_space<hbm>>, %arg6: memref<10240x128xf32, #tpu.memory_space<vmem_shared>>, %arg7: memref<128xi32, #tpu.memory_space<vmem>>, %arg8: memref<128xi32, #tpu.memory_space<vmem>>, %arg9: memref<128x128xf32, #tpu.memory_space<vmem>>, %arg10: memref<128x128xf32, #tpu.memory_space<vmem>>, %arg11: memref<!tpu.dma_semaphore, #tpu.memory_space<semaphore_mem>>, %arg12: memref<!tpu.dma_semaphore, #tpu.memory_space<semaphore_mem>>) attributes {dimension_semantics = [#tpu.dimension_semantics<core_parallel>, #tpu.dimension_semantics<subcore_parallel>], iteration_bounds = array<i64: 2, 16>, scalar_prefetch = 0 : i64, scratch_operands = 7 : i64, tpu.core_type = #tpu.core_type<sc_vector_subcore>, window_params = [{transform_indices = #map}, {transform_indices = #map}, {transform_indices = #map}, {transform_indices = #map}]} {
    %mul3A = arith.constant 2 : i32
    %mul3A_0 = arith.muli %arg1, %mul3A : i32
    %add3A = arith.addi %mul3A_0, %arg0 : i32
    %lt3A = arith.constant 2 : i32
    %lt3A_1 = arith.cmpi slt, %add3A, %lt3A : i32
    %jit3A = arith.constant 40 : i32
    %jit3A_2 = arith.constant 39 : i32
    %select_n3A = arith.select %lt3A_1, %jit3A, %jit3A_2 : i32
    "tpu.region"() ({
      %run_scoped3A_76 = tpu.sem_alloc : memref<!tpu.dma_semaphore, #tpu.memory_space<semaphore_mem>>
      tpu.enqueue_dma source(%arg3 : memref<128x128xf32, #tpu.memory_space<hbm>>) target(%arg10 : memref<128x128xf32, #tpu.memory_space<vmem>>) target_semaphore(%run_scoped3A_76 : memref<!tpu.dma_semaphore, #tpu.memory_space<semaphore_mem>>)
      tpu.wait_dma2 semaphore(%run_scoped3A_76 : memref<!tpu.dma_semaphore, #tpu.memory_space<semaphore_mem>>) src(%arg3 : memref<128x128xf32, #tpu.memory_space<hbm>>) dst(%arg10 : memref<128x128xf32, #tpu.memory_space<vmem>>)
      tpu.yield
    }) : () -> ()
    "tpu.region"() ({
      %run_scoped3A_76 = tpu.sem_alloc : memref<!tpu.dma_semaphore, #tpu.memory_space<semaphore_mem>>
      tpu.enqueue_dma source(%arg4 : memref<128x128xf32, #tpu.memory_space<hbm>>) target(%arg9 : memref<128x128xf32, #tpu.memory_space<vmem>>) target_semaphore(%run_scoped3A_76 : memref<!tpu.dma_semaphore, #tpu.memory_space<semaphore_mem>>)
      tpu.wait_dma2 semaphore(%run_scoped3A_76 : memref<!tpu.dma_semaphore, #tpu.memory_space<semaphore_mem>>) src(%arg4 : memref<128x128xf32, #tpu.memory_space<hbm>>) dst(%arg9 : memref<128x128xf32, #tpu.memory_space<vmem>>)
      tpu.yield
    }) : () -> ()
    %mul3A_3 = arith.constant 640 : i32
    %mul3A_4 = arith.muli %arg1, %mul3A_3 : i32
    %add3A_5 = arith.constant 0 : i32
    %add3A_6 = arith.addi %mul3A_4, %add3A_5 : i32
    "tpu.region"() ({
      %run_scoped3A_76 = tpu.sem_alloc : memref<!tpu.dma_semaphore, #tpu.memory_space<semaphore_mem>>
      %dma_start3A_77 = arith.constant 0 : i32
      %dma_start3A_78 = tpu.memref_slice %arg6[%add3A_6, %dma_start3A_77] : memref<10240x128xf32, #tpu.memory_space<vmem_shared>> -> memref<128x128xf32, #tpu.memory_space<vmem_shared>>
      %dma_start3A_79 = arith.constant 0 : i32
      %dma_start3A_80 = tpu.memref_slice %arg6[%add3A_6, %dma_start3A_79] : memref<10240x128xf32, #tpu.memory_space<vmem_shared>> -> memref<128x128xf32, #tpu.memory_space<vmem_shared>>
      tpu.enqueue_dma source(%arg10 : memref<128x128xf32, #tpu.memory_space<vmem>>) target(%dma_start3A_80 : memref<128x128xf32, #tpu.memory_space<vmem_shared>>) target_semaphore(%run_scoped3A_76 : memref<!tpu.dma_semaphore, #tpu.memory_space<semaphore_mem>>)
      %dma_wait3A = arith.constant 0 : i32
      %dma_wait3A_81 = tpu.memref_slice %arg6[%add3A_6, %dma_wait3A] : memref<10240x128xf32, #tpu.memory_space<vmem_shared>> -> memref<128x128xf32, #tpu.memory_space<vmem_shared>>
      %dma_wait3A_82 = arith.constant 0 : i32
      %dma_wait3A_83 = tpu.memref_slice %arg6[%add3A_6, %dma_wait3A_82] : memref<10240x128xf32, #tpu.memory_space<vmem_shared>> -> memref<128x128xf32, #tpu.memory_space<vmem_shared>>
      tpu.wait_dma2 semaphore(%run_scoped3A_76 : memref<!tpu.dma_semaphore, #tpu.memory_space<semaphore_mem>>) src(%arg10 : memref<128x128xf32, #tpu.memory_space<vmem>>) dst(%dma_wait3A_83 : memref<128x128xf32, #tpu.memory_space<vmem_shared>>)
      tpu.yield
    }) : () -> ()
    %mul3A_7 = arith.constant 640 : i32
    %mul3A_8 = arith.muli %arg1, %mul3A_7 : i32
    %add3A_9 = arith.constant 128 : i32
    %add3A_10 = arith.addi %mul3A_8, %add3A_9 : i32
    "tpu.region"() ({
      %run_scoped3A_76 = tpu.sem_alloc : memref<!tpu.dma_semaphore, #tpu.memory_space<semaphore_mem>>
      %dma_start3A_77 = arith.constant 0 : i32
      %dma_start3A_78 = tpu.memref_slice %arg6[%add3A_10, %dma_start3A_77] : memref<10240x128xf32, #tpu.memory_space<vmem_shared>> -> memref<128x128xf32, #tpu.memory_space<vmem_shared>>
      %dma_start3A_79 = arith.constant 0 : i32
      %dma_start3A_80 = tpu.memref_slice %arg6[%add3A_10, %dma_start3A_79] : memref<10240x128xf32, #tpu.memory_space<vmem_shared>> -> memref<128x128xf32, #tpu.memory_space<vmem_shared>>
      tpu.enqueue_dma source(%arg10 : memref<128x128xf32, #tpu.memory_space<vmem>>) target(%dma_start3A_80 : memref<128x128xf32, #tpu.memory_space<vmem_shared>>) target_semaphore(%run_scoped3A_76 : memref<!tpu.dma_semaphore, #tpu.memory_space<semaphore_mem>>)
      %dma_wait3A = arith.constant 0 : i32
      %dma_wait3A_81 = tpu.memref_slice %arg6[%add3A_10, %dma_wait3A] : memref<10240x128xf32, #tpu.memory_space<vmem_shared>> -> memref<128x128xf32, #tpu.memory_space<vmem_shared>>
      %dma_wait3A_82 = arith.constant 0 : i32
      %dma_wait3A_83 = tpu.memref_slice %arg6[%add3A_10, %dma_wait3A_82] : memref<10240x128xf32, #tpu.memory_space<vmem_shared>> -> memref<128x128xf32, #tpu.memory_space<vmem_shared>>
      tpu.wait_dma2 semaphore(%run_scoped3A_76 : memref<!tpu.dma_semaphore, #tpu.memory_space<semaphore_mem>>) src(%arg10 : memref<128x128xf32, #tpu.memory_space<vmem>>) dst(%dma_wait3A_83 : memref<128x128xf32, #tpu.memory_space<vmem_shared>>)
      tpu.yield
    }) : () -> ()
    %mul3A_11 = arith.constant 640 : i32
    %mul3A_12 = arith.muli %arg1, %mul3A_11 : i32
    %add3A_13 = arith.constant 256 : i32
    %add3A_14 = arith.addi %mul3A_12, %add3A_13 : i32
    "tpu.region"() ({
      %run_scoped3A_76 = tpu.sem_alloc : memref<!tpu.dma_semaphore, #tpu.memory_space<semaphore_mem>>
      %dma_start3A_77 = arith.constant 0 : i32
      %dma_start3A_78 = tpu.memref_slice %arg6[%add3A_14, %dma_start3A_77] : memref<10240x128xf32, #tpu.memory_space<vmem_shared>> -> memref<128x128xf32, #tpu.memory_space<vmem_shared>>
      %dma_start3A_79 = arith.constant 0 : i32
      %dma_start3A_80 = tpu.memref_slice %arg6[%add3A_14, %dma_start3A_79] : memref<10240x128xf32, #tpu.memory_space<vmem_shared>> -> memref<128x128xf32, #tpu.memory_space<vmem_shared>>
      tpu.enqueue_dma source(%arg10 : memref<128x128xf32, #tpu.memory_space<vmem>>) target(%dma_start3A_80 : memref<128x128xf32, #tpu.memory_space<vmem_shared>>) target_semaphore(%run_scoped3A_76 : memref<!tpu.dma_semaphore, #tpu.memory_space<semaphore_mem>>)
      %dma_wait3A = arith.constant 0 : i32
      %dma_wait3A_81 = tpu.memref_slice %arg6[%add3A_14, %dma_wait3A] : memref<10240x128xf32, #tpu.memory_space<vmem_shared>> -> memref<128x128xf32, #tpu.memory_space<vmem_shared>>
      %dma_wait3A_82 = arith.constant 0 : i32
      %dma_wait3A_83 = tpu.memref_slice %arg6[%add3A_14, %dma_wait3A_82] : memref<10240x128xf32, #tpu.memory_space<vmem_shared>> -> memref<128x128xf32, #tpu.memory_space<vmem_shared>>
      tpu.wait_dma2 semaphore(%run_scoped3A_76 : memref<!tpu.dma_semaphore, #tpu.memory_space<semaphore_mem>>) src(%arg10 : memref<128x128xf32, #tpu.memory_space<vmem>>) dst(%dma_wait3A_83 : memref<128x128xf32, #tpu.memory_space<vmem_shared>>)
      tpu.yield
    }) : () -> ()
    %mul3A_15 = arith.constant 640 : i32
    %mul3A_16 = arith.muli %arg1, %mul3A_15 : i32
    %add3A_17 = arith.constant 384 : i32
    %add3A_18 = arith.addi %mul3A_16, %add3A_17 : i32
    "tpu.region"() ({
      %run_scoped3A_76 = tpu.sem_alloc : memref<!tpu.dma_semaphore, #tpu.memory_space<semaphore_mem>>
      %dma_start3A_77 = arith.constant 0 : i32
      %dma_start3A_78 = tpu.memref_slice %arg6[%add3A_18, %dma_start3A_77] : memref<10240x128xf32, #tpu.memory_space<vmem_shared>> -> memref<128x128xf32, #tpu.memory_space<vmem_shared>>
      %dma_start3A_79 = arith.constant 0 : i32
      %dma_start3A_80 = tpu.memref_slice %arg6[%add3A_18, %dma_start3A_79] : memref<10240x128xf32, #tpu.memory_space<vmem_shared>> -> memref<128x128xf32, #tpu.memory_space<vmem_shared>>
      tpu.enqueue_dma source(%arg10 : memref<128x128xf32, #tpu.memory_space<vmem>>) target(%dma_start3A_80 : memref<128x128xf32, #tpu.memory_space<vmem_shared>>) target_semaphore(%run_scoped3A_76 : memref<!tpu.dma_semaphore, #tpu.memory_space<semaphore_mem>>)
      %dma_wait3A = arith.constant 0 : i32
      %dma_wait3A_81 = tpu.memref_slice %arg6[%add3A_18, %dma_wait3A] : memref<10240x128xf32, #tpu.memory_space<vmem_shared>> -> memref<128x128xf32, #tpu.memory_space<vmem_shared>>
      %dma_wait3A_82 = arith.constant 0 : i32
      %dma_wait3A_83 = tpu.memref_slice %arg6[%add3A_18, %dma_wait3A_82] : memref<10240x128xf32, #tpu.memory_space<vmem_shared>> -> memref<128x128xf32, #tpu.memory_space<vmem_shared>>
      tpu.wait_dma2 semaphore(%run_scoped3A_76 : memref<!tpu.dma_semaphore, #tpu.memory_space<semaphore_mem>>) src(%arg10 : memref<128x128xf32, #tpu.memory_space<vmem>>) dst(%dma_wait3A_83 : memref<128x128xf32, #tpu.memory_space<vmem_shared>>)
      tpu.yield
    }) : () -> ()
    %mul3A_19 = arith.constant 640 : i32
    %mul3A_20 = arith.muli %arg1, %mul3A_19 : i32
    %add3A_21 = arith.constant 512 : i32
    %add3A_22 = arith.addi %mul3A_20, %add3A_21 : i32
    "tpu.region"() ({
      %run_scoped3A_76 = tpu.sem_alloc : memref<!tpu.dma_semaphore, #tpu.memory_space<semaphore_mem>>
      %dma_start3A_77 = arith.constant 0 : i32
      %dma_start3A_78 = tpu.memref_slice %arg6[%add3A_22, %dma_start3A_77] : memref<10240x128xf32, #tpu.memory_space<vmem_shared>> -> memref<128x128xf32, #tpu.memory_space<vmem_shared>>
      %dma_start3A_79 = arith.constant 0 : i32
      %dma_start3A_80 = tpu.memref_slice %arg6[%add3A_22, %dma_start3A_79] : memref<10240x128xf32, #tpu.memory_space<vmem_shared>> -> memref<128x128xf32, #tpu.memory_space<vmem_shared>>
      tpu.enqueue_dma source(%arg10 : memref<128x128xf32, #tpu.memory_space<vmem>>) target(%dma_start3A_80 : memref<128x128xf32, #tpu.memory_space<vmem_shared>>) target_semaphore(%run_scoped3A_76 : memref<!tpu.dma_semaphore, #tpu.memory_space<semaphore_mem>>)
      %dma_wait3A = arith.constant 0 : i32
      %dma_wait3A_81 = tpu.memref_slice %arg6[%add3A_22, %dma_wait3A] : memref<10240x128xf32, #tpu.memory_space<vmem_shared>> -> memref<128x128xf32, #tpu.memory_space<vmem_shared>>
      %dma_wait3A_82 = arith.constant 0 : i32
      %dma_wait3A_83 = tpu.memref_slice %arg6[%add3A_22, %dma_wait3A_82] : memref<10240x128xf32, #tpu.memory_space<vmem_shared>> -> memref<128x128xf32, #tpu.memory_space<vmem_shared>>
      tpu.wait_dma2 semaphore(%run_scoped3A_76 : memref<!tpu.dma_semaphore, #tpu.memory_space<semaphore_mem>>) src(%arg10 : memref<128x128xf32, #tpu.memory_space<vmem>>) dst(%dma_wait3A_83 : memref<128x128xf32, #tpu.memory_space<vmem_shared>>)
      tpu.yield
    }) : () -> ()
    %barrier3A = arith.constant 0 : index
    tpu.barrier barrier_id(%barrier3A)
    %add3A_23 = arith.constant 0 : i32
    %add3A_24 = arith.addi %add3A, %add3A_23 : i32
    %mul3A_25 = arith.constant 128 : i32
    %mul3A_26 = arith.muli %add3A_24, %mul3A_25 : i32
    %run_scoped3A = arith.constant 1 : i32
    "tpu.region"() ({
      %run_scoped3A_76 = tpu.sem_alloc : memref<!tpu.dma_semaphore, #tpu.memory_space<semaphore_mem>>
      %dma_start3A_77 = tpu.memref_slice %arg2[%run_scoped3A, %mul3A_26] : memref<2x160000xi32, #tpu.memory_space<hbm>> -> memref<1x128xi32, #tpu.memory_space<hbm>>
      %dma_start3A_78 = tpu.memref_squeeze %dma_start3A_77 : memref<1x128xi32, #tpu.memory_space<hbm>> -> memref<128xi32, #tpu.memory_space<hbm>>
      %dma_start3A_79 = tpu.memref_slice %arg2[%run_scoped3A, %mul3A_26] : memref<2x160000xi32, #tpu.memory_space<hbm>> -> memref<1x128xi32, #tpu.memory_space<hbm>>
      %dma_start3A_80 = tpu.memref_squeeze %dma_start3A_79 : memref<1x128xi32, #tpu.memory_space<hbm>> -> memref<128xi32, #tpu.memory_space<hbm>>
      tpu.enqueue_dma source(%dma_start3A_80 : memref<128xi32, #tpu.memory_space<hbm>>) target(%arg7 : memref<128xi32, #tpu.memory_space<vmem>>) target_semaphore(%run_scoped3A_76 : memref<!tpu.dma_semaphore, #tpu.memory_space<semaphore_mem>>)
      %dma_wait3A = tpu.memref_slice %arg2[%run_scoped3A, %mul3A_26] : memref<2x160000xi32, #tpu.memory_space<hbm>> -> memref<1x128xi32, #tpu.memory_space<hbm>>
      %dma_wait3A_81 = tpu.memref_squeeze %dma_wait3A : memref<1x128xi32, #tpu.memory_space<hbm>> -> memref<128xi32, #tpu.memory_space<hbm>>
      %dma_wait3A_82 = tpu.memref_slice %arg2[%run_scoped3A, %mul3A_26] : memref<2x160000xi32, #tpu.memory_space<hbm>> -> memref<1x128xi32, #tpu.memory_space<hbm>>
      %dma_wait3A_83 = tpu.memref_squeeze %dma_wait3A_82 : memref<1x128xi32, #tpu.memory_space<hbm>> -> memref<128xi32, #tpu.memory_space<hbm>>
      tpu.wait_dma2 semaphore(%run_scoped3A_76 : memref<!tpu.dma_semaphore, #tpu.memory_space<semaphore_mem>>) src(%dma_wait3A_83 : memref<128xi32, #tpu.memory_space<hbm>>) dst(%arg7 : memref<128xi32, #tpu.memory_space<vmem>>)
      tpu.yield
    }) : () -> ()
    %add3A_27 = arith.constant 32 : i32
    %add3A_28 = arith.addi %add3A, %add3A_27 : i32
    %mul3A_29 = arith.constant 128 : i32
    %mul3A_30 = arith.muli %add3A_28, %mul3A_29 : i32
    %dma_start3A = arith.constant 1 : i32
    %dma_start3A_31 = tpu.memref_slice %arg2[%dma_start3A, %mul3A_30] : memref<2x160000xi32, #tpu.memory_space<hbm>> -> memref<1x128xi32, #tpu.memory_space<hbm>>
    %dma_start3A_32 = tpu.memref_squeeze %dma_start3A_31 : memref<1x128xi32, #tpu.memory_space<hbm>> -> memref<128xi32, #tpu.memory_space<hbm>>
    %dma_start3A_33 = tpu.memref_slice %arg2[%dma_start3A, %mul3A_30] : memref<2x160000xi32, #tpu.memory_space<hbm>> -> memref<1x128xi32, #tpu.memory_space<hbm>>
    %dma_start3A_34 = tpu.memref_squeeze %dma_start3A_33 : memref<1x128xi32, #tpu.memory_space<hbm>> -> memref<128xi32, #tpu.memory_space<hbm>>
    tpu.enqueue_dma source(%dma_start3A_34 : memref<128xi32, #tpu.memory_space<hbm>>) target(%arg8 : memref<128xi32, #tpu.memory_space<vmem>>) target_semaphore(%arg12 : memref<!tpu.dma_semaphore, #tpu.memory_space<semaphore_mem>>)
    %scan3A = arith.constant 0 : i32
    %scan3A_35 = arith.constant 0 : i32
    %scan3A_36 = arith.constant 20 : i32
    %scan3A_37 = arith.addi %scan3A_35, %scan3A_36 : i32
    %scan3A_38 = arith.constant 1 : i32
    scf.for %scan3A_76 = %scan3A_35 to %scan3A_37 step %scan3A_38  : i32 {
      %mul3A_77 = arith.constant 2 : i32
      %mul3A_78 = arith.muli %mul3A_77, %scan3A_76 : i32
      %add3A_79 = arith.constant 0 : i32
      %add3A_80 = arith.addi %mul3A_78, %add3A_79 : i32
      %lt3A_81 = arith.cmpi slt, %add3A_80, %select_n3A : i32
      %convert_element_type3A = arith.extui %lt3A_81 : i1 to i32
      %cond3A = arith.constant 0 : i32
      %cond3A_82 = arith.cmpi ne, %convert_element_type3A, %cond3A : i32
      scf.if %cond3A_82 {
        %gt3A = arith.constant 0 : i32
        %gt3A_91 = arith.cmpi sgt, %add3A_80, %gt3A : i32
        %convert_element_type3A_92 = arith.extui %gt3A_91 : i1 to i32
        %cond3A_93 = arith.constant 0 : i32
        %cond3A_94 = arith.cmpi ne, %convert_element_type3A_92, %cond3A_93 : i32
        scf.if %cond3A_94 {
          %mul3A_101 = arith.constant 32 : i32
          %mul3A_102 = arith.muli %mul3A_101, %add3A_80 : i32
          %add3A_103 = arith.addi %add3A, %mul3A_102 : i32
          %mul3A_104 = arith.constant 128 : i32
          %mul3A_105 = arith.muli %add3A_103, %mul3A_104 : i32
          %dma_wait3A = arith.constant 1 : i32
          %dma_wait3A_106 = tpu.memref_slice %arg2[%dma_wait3A, %mul3A_105] : memref<2x160000xi32, #tpu.memory_space<hbm>> -> memref<1x128xi32, #tpu.memory_space<hbm>>
          %dma_wait3A_107 = tpu.memref_squeeze %dma_wait3A_106 : memref<1x128xi32, #tpu.memory_space<hbm>> -> memref<128xi32, #tpu.memory_space<hbm>>
          %dma_wait3A_108 = tpu.memref_slice %arg2[%dma_wait3A, %mul3A_105] : memref<2x160000xi32, #tpu.memory_space<hbm>> -> memref<1x128xi32, #tpu.memory_space<hbm>>
          %dma_wait3A_109 = tpu.memref_squeeze %dma_wait3A_108 : memref<1x128xi32, #tpu.memory_space<hbm>> -> memref<128xi32, #tpu.memory_space<hbm>>
          tpu.wait_dma2 semaphore(%arg11 : memref<!tpu.dma_semaphore, #tpu.memory_space<semaphore_mem>>) src(%dma_wait3A_109 : memref<128xi32, #tpu.memory_space<hbm>>) dst(%arg7 : memref<128xi32, #tpu.memory_space<vmem>>)
        } else {
        }
        "tpu.region"() ({
          %run_scoped3A_101 = tpu.sem_alloc : memref<!tpu.dma_semaphore, #tpu.memory_space<semaphore_mem>>
          %dma_start3A_102 = arith.constant 0 : i32
          %dma_start3A_103 = arith.constant 0 : i32
          %dma_start3A_104 = tpu.memref_slice %arg6[%dma_start3A_102, %dma_start3A_103] : memref<10240x128xf32, #tpu.memory_space<vmem_shared>> -> memref<10240x128xf32, #tpu.memory_space<vmem_shared>>
          tpu.enqueue_indirect_dma source(%arg9 : memref<128x128xf32, #tpu.memory_space<vmem>>) target(%dma_start3A_104 : memref<10240x128xf32, #tpu.memory_space<vmem_shared>>) offsets(%arg7 : memref<128xi32, #tpu.memory_space<vmem>>) semaphore(%run_scoped3A_101 : memref<!tpu.dma_semaphore, #tpu.memory_space<semaphore_mem>>) {add = true}
          %dma_wait3A = arith.constant 0 : i32
          %dma_wait3A_105 = arith.constant 0 : i32
          %dma_wait3A_106 = tpu.memref_slice %arg6[%dma_wait3A, %dma_wait3A_105] : memref<10240x128xf32, #tpu.memory_space<vmem_shared>> -> memref<10240x128xf32, #tpu.memory_space<vmem_shared>>
          tpu.wait_indirect_dma semaphore(%run_scoped3A_101 : memref<!tpu.dma_semaphore, #tpu.memory_space<semaphore_mem>>) src(%arg9 : memref<128x128xf32, #tpu.memory_space<vmem>>) dst(%dma_wait3A_106 : memref<10240x128xf32, #tpu.memory_space<vmem_shared>>)
          tpu.yield
        }) : () -> ()
        %add3A_95 = arith.constant 2 : i32
        %add3A_96 = arith.addi %add3A_80, %add3A_95 : i32
        %lt3A_97 = arith.cmpi slt, %add3A_96, %select_n3A : i32
        %convert_element_type3A_98 = arith.extui %lt3A_97 : i1 to i32
        %cond3A_99 = arith.constant 0 : i32
        %cond3A_100 = arith.cmpi ne, %convert_element_type3A_98, %cond3A_99 : i32
        scf.if %cond3A_100 {
          %add3A_101 = arith.constant 2 : i32
          %add3A_102 = arith.addi %add3A_80, %add3A_101 : i32
          %mul3A_103 = arith.constant 32 : i32
          %mul3A_104 = arith.muli %mul3A_103, %add3A_102 : i32
          %add3A_105 = arith.addi %add3A, %mul3A_104 : i32
          %mul3A_106 = arith.constant 128 : i32
          %mul3A_107 = arith.muli %add3A_105, %mul3A_106 : i32
          %dma_start3A_108 = arith.constant 1 : i32
          %dma_start3A_109 = tpu.memref_slice %arg2[%dma_start3A_108, %mul3A_107] : memref<2x160000xi32, #tpu.memory_space<hbm>> -> memref<1x128xi32, #tpu.memory_space<hbm>>
          %dma_start3A_110 = tpu.memref_squeeze %dma_start3A_109 : memref<1x128xi32, #tpu.memory_space<hbm>> -> memref<128xi32, #tpu.memory_space<hbm>>
          %dma_start3A_111 = tpu.memref_slice %arg2[%dma_start3A_108, %mul3A_107] : memref<2x160000xi32, #tpu.memory_space<hbm>> -> memref<1x128xi32, #tpu.memory_space<hbm>>
          %dma_start3A_112 = tpu.memref_squeeze %dma_start3A_111 : memref<1x128xi32, #tpu.memory_space<hbm>> -> memref<128xi32, #tpu.memory_space<hbm>>
          tpu.enqueue_dma source(%dma_start3A_112 : memref<128xi32, #tpu.memory_space<hbm>>) target(%arg7 : memref<128xi32, #tpu.memory_space<vmem>>) target_semaphore(%arg11 : memref<!tpu.dma_semaphore, #tpu.memory_space<semaphore_mem>>)
        } else {
        }
      } else {
      }
      %mul3A_83 = arith.constant 2 : i32
      %mul3A_84 = arith.muli %mul3A_83, %scan3A_76 : i32
      %add3A_85 = arith.constant 1 : i32
      %add3A_86 = arith.addi %mul3A_84, %add3A_85 : i32
      %lt3A_87 = arith.cmpi slt, %add3A_86, %select_n3A : i32
      %convert_element_type3A_88 = arith.extui %lt3A_87 : i1 to i32
      %cond3A_89 = arith.constant 0 : i32
      %cond3A_90 = arith.cmpi ne, %convert_element_type3A_88, %cond3A_89 : i32
      scf.if %cond3A_90 {
        %gt3A = arith.constant 0 : i32
        %gt3A_91 = arith.cmpi sgt, %add3A_86, %gt3A : i32
        %convert_element_type3A_92 = arith.extui %gt3A_91 : i1 to i32
        %cond3A_93 = arith.constant 0 : i32
        %cond3A_94 = arith.cmpi ne, %convert_element_type3A_92, %cond3A_93 : i32
        scf.if %cond3A_94 {
          %mul3A_101 = arith.constant 32 : i32
          %mul3A_102 = arith.muli %mul3A_101, %add3A_86 : i32
          %add3A_103 = arith.addi %add3A, %mul3A_102 : i32
          %mul3A_104 = arith.constant 128 : i32
          %mul3A_105 = arith.muli %add3A_103, %mul3A_104 : i32
          %dma_wait3A = arith.constant 1 : i32
          %dma_wait3A_106 = tpu.memref_slice %arg2[%dma_wait3A, %mul3A_105] : memref<2x160000xi32, #tpu.memory_space<hbm>> -> memref<1x128xi32, #tpu.memory_space<hbm>>
          %dma_wait3A_107 = tpu.memref_squeeze %dma_wait3A_106 : memref<1x128xi32, #tpu.memory_space<hbm>> -> memref<128xi32, #tpu.memory_space<hbm>>
          %dma_wait3A_108 = tpu.memref_slice %arg2[%dma_wait3A, %mul3A_105] : memref<2x160000xi32, #tpu.memory_space<hbm>> -> memref<1x128xi32, #tpu.memory_space<hbm>>
          %dma_wait3A_109 = tpu.memref_squeeze %dma_wait3A_108 : memref<1x128xi32, #tpu.memory_space<hbm>> -> memref<128xi32, #tpu.memory_space<hbm>>
          tpu.wait_dma2 semaphore(%arg12 : memref<!tpu.dma_semaphore, #tpu.memory_space<semaphore_mem>>) src(%dma_wait3A_109 : memref<128xi32, #tpu.memory_space<hbm>>) dst(%arg8 : memref<128xi32, #tpu.memory_space<vmem>>)
        } else {
        }
        "tpu.region"() ({
          %run_scoped3A_101 = tpu.sem_alloc : memref<!tpu.dma_semaphore, #tpu.memory_space<semaphore_mem>>
          %dma_start3A_102 = arith.constant 0 : i32
          %dma_start3A_103 = arith.constant 0 : i32
          %dma_start3A_104 = tpu.memref_slice %arg6[%dma_start3A_102, %dma_start3A_103] : memref<10240x128xf32, #tpu.memory_space<vmem_shared>> -> memref<10240x128xf32, #tpu.memory_space<vmem_shared>>
          tpu.enqueue_indirect_dma source(%arg9 : memref<128x128xf32, #tpu.memory_space<vmem>>) target(%dma_start3A_104 : memref<10240x128xf32, #tpu.memory_space<vmem_shared>>) offsets(%arg8 : memref<128xi32, #tpu.memory_space<vmem>>) semaphore(%run_scoped3A_101 : memref<!tpu.dma_semaphore, #tpu.memory_space<semaphore_mem>>) {add = true}
          %dma_wait3A = arith.constant 0 : i32
          %dma_wait3A_105 = arith.constant 0 : i32
          %dma_wait3A_106 = tpu.memref_slice %arg6[%dma_wait3A, %dma_wait3A_105] : memref<10240x128xf32, #tpu.memory_space<vmem_shared>> -> memref<10240x128xf32, #tpu.memory_space<vmem_shared>>
          tpu.wait_indirect_dma semaphore(%run_scoped3A_101 : memref<!tpu.dma_semaphore, #tpu.memory_space<semaphore_mem>>) src(%arg9 : memref<128x128xf32, #tpu.memory_space<vmem>>) dst(%dma_wait3A_106 : memref<10240x128xf32, #tpu.memory_space<vmem_shared>>)
          tpu.yield
        }) : () -> ()
        %add3A_95 = arith.constant 2 : i32
        %add3A_96 = arith.addi %add3A_86, %add3A_95 : i32
        %lt3A_97 = arith.cmpi slt, %add3A_96, %select_n3A : i32
        %convert_element_type3A_98 = arith.extui %lt3A_97 : i1 to i32
        %cond3A_99 = arith.constant 0 : i32
        %cond3A_100 = arith.cmpi ne, %convert_element_type3A_98, %cond3A_99 : i32
        scf.if %cond3A_100 {
          %add3A_101 = arith.constant 2 : i32
          %add3A_102 = arith.addi %add3A_86, %add3A_101 : i32
          %mul3A_103 = arith.constant 32 : i32
          %mul3A_104 = arith.muli %mul3A_103, %add3A_102 : i32
          %add3A_105 = arith.addi %add3A, %mul3A_104 : i32
          %mul3A_106 = arith.constant 128 : i32
          %mul3A_107 = arith.muli %add3A_105, %mul3A_106 : i32
          %dma_start3A_108 = arith.constant 1 : i32
          %dma_start3A_109 = tpu.memref_slice %arg2[%dma_start3A_108, %mul3A_107] : memref<2x160000xi32, #tpu.memory_space<hbm>> -> memref<1x128xi32, #tpu.memory_space<hbm>>
          %dma_start3A_110 = tpu.memref_squeeze %dma_start3A_109 : memref<1x128xi32, #tpu.memory_space<hbm>> -> memref<128xi32, #tpu.memory_space<hbm>>
          %dma_start3A_111 = tpu.memref_slice %arg2[%dma_start3A_108, %mul3A_107] : memref<2x160000xi32, #tpu.memory_space<hbm>> -> memref<1x128xi32, #tpu.memory_space<hbm>>
          %dma_start3A_112 = tpu.memref_squeeze %dma_start3A_111 : memref<1x128xi32, #tpu.memory_space<hbm>> -> memref<128xi32, #tpu.memory_space<hbm>>
          tpu.enqueue_dma source(%dma_start3A_112 : memref<128xi32, #tpu.memory_space<hbm>>) target(%arg8 : memref<128xi32, #tpu.memory_space<vmem>>) target_semaphore(%arg12 : memref<!tpu.dma_semaphore, #tpu.memory_space<semaphore_mem>>)
        } else {
        }
      } else {
      }
    }
    %scan3A_39 = arith.constant 20 : i32
    %barrier3A_40 = arith.constant 0 : index
    tpu.barrier barrier_id(%barrier3A_40)
    %mul3A_41 = arith.constant 10240 : i32
    %mul3A_42 = arith.muli %arg0, %mul3A_41 : i32
    %mul3A_43 = arith.constant 640 : i32
    %mul3A_44 = arith.muli %arg1, %mul3A_43 : i32
    %add3A_45 = arith.addi %mul3A_42, %mul3A_44 : i32
    %mul3A_46 = arith.constant 640 : i32
    %mul3A_47 = arith.muli %arg1, %mul3A_46 : i32
    %add3A_48 = arith.constant 0 : i32
    %add3A_49 = arith.addi %mul3A_47, %add3A_48 : i32
    "tpu.region"() ({
      %run_scoped3A_76 = tpu.sem_alloc : memref<!tpu.dma_semaphore, #tpu.memory_space<semaphore_mem>>
      %dma_start3A_77 = arith.constant 0 : i32
      %dma_start3A_78 = tpu.memref_slice %arg6[%add3A_49, %dma_start3A_77] : memref<10240x128xf32, #tpu.memory_space<vmem_shared>> -> memref<128x128xf32, #tpu.memory_space<vmem_shared>>
      %dma_start3A_79 = arith.constant 0 : i32
      %dma_start3A_80 = tpu.memref_slice %arg6[%add3A_49, %dma_start3A_79] : memref<10240x128xf32, #tpu.memory_space<vmem_shared>> -> memref<128x128xf32, #tpu.memory_space<vmem_shared>>
      tpu.enqueue_dma source(%dma_start3A_80 : memref<128x128xf32, #tpu.memory_space<vmem_shared>>) target(%arg10 : memref<128x128xf32, #tpu.memory_space<vmem>>) target_semaphore(%run_scoped3A_76 : memref<!tpu.dma_semaphore, #tpu.memory_space<semaphore_mem>>)
      %dma_wait3A = arith.constant 0 : i32
      %dma_wait3A_81 = tpu.memref_slice %arg6[%add3A_49, %dma_wait3A] : memref<10240x128xf32, #tpu.memory_space<vmem_shared>> -> memref<128x128xf32, #tpu.memory_space<vmem_shared>>
      %dma_wait3A_82 = arith.constant 0 : i32
      %dma_wait3A_83 = tpu.memref_slice %arg6[%add3A_49, %dma_wait3A_82] : memref<10240x128xf32, #tpu.memory_space<vmem_shared>> -> memref<128x128xf32, #tpu.memory_space<vmem_shared>>
      tpu.wait_dma2 semaphore(%run_scoped3A_76 : memref<!tpu.dma_semaphore, #tpu.memory_space<semaphore_mem>>) src(%dma_wait3A_83 : memref<128x128xf32, #tpu.memory_space<vmem_shared>>) dst(%arg10 : memref<128x128xf32, #tpu.memory_space<vmem>>)
      tpu.yield
    }) : () -> ()
    %add3A_50 = arith.constant 0 : i32
    %add3A_51 = arith.addi %add3A_45, %add3A_50 : i32
    "tpu.region"() ({
      %run_scoped3A_76 = tpu.sem_alloc : memref<!tpu.dma_semaphore, #tpu.memory_space<semaphore_mem>>
      %dma_start3A_77 = arith.constant 0 : i32
      %dma_start3A_78 = tpu.memref_slice %arg5[%add3A_51, %dma_start3A_77] : memref<20480x128xf32, #tpu.memory_space<hbm>> -> memref<128x128xf32, #tpu.memory_space<hbm>>
      %dma_start3A_79 = arith.constant 0 : i32
      %dma_start3A_80 = tpu.memref_slice %arg5[%add3A_51, %dma_start3A_79] : memref<20480x128xf32, #tpu.memory_space<hbm>> -> memref<128x128xf32, #tpu.memory_space<hbm>>
      tpu.enqueue_dma source(%arg10 : memref<128x128xf32, #tpu.memory_space<vmem>>) target(%dma_start3A_80 : memref<128x128xf32, #tpu.memory_space<hbm>>) target_semaphore(%run_scoped3A_76 : memref<!tpu.dma_semaphore, #tpu.memory_space<semaphore_mem>>)
      %dma_wait3A = arith.constant 0 : i32
      %dma_wait3A_81 = tpu.memref_slice %arg5[%add3A_51, %dma_wait3A] : memref<20480x128xf32, #tpu.memory_space<hbm>> -> memref<128x128xf32, #tpu.memory_space<hbm>>
      %dma_wait3A_82 = arith.constant 0 : i32
      %dma_wait3A_83 = tpu.memref_slice %arg5[%add3A_51, %dma_wait3A_82] : memref<20480x128xf32, #tpu.memory_space<hbm>> -> memref<128x128xf32, #tpu.memory_space<hbm>>
      tpu.wait_dma2 semaphore(%run_scoped3A_76 : memref<!tpu.dma_semaphore, #tpu.memory_space<semaphore_mem>>) src(%arg10 : memref<128x128xf32, #tpu.memory_space<vmem>>) dst(%dma_wait3A_83 : memref<128x128xf32, #tpu.memory_space<hbm>>)
      tpu.yield
    }) : () -> ()
    %mul3A_52 = arith.constant 640 : i32
    %mul3A_53 = arith.muli %arg1, %mul3A_52 : i32
    %add3A_54 = arith.constant 128 : i32
    %add3A_55 = arith.addi %mul3A_53, %add3A_54 : i32
    "tpu.region"() ({
      %run_scoped3A_76 = tpu.sem_alloc : memref<!tpu.dma_semaphore, #tpu.memory_space<semaphore_mem>>
      %dma_start3A_77 = arith.constant 0 : i32
      %dma_start3A_78 = tpu.memref_slice %arg6[%add3A_55, %dma_start3A_77] : memref<10240x128xf32, #tpu.memory_space<vmem_shared>> -> memref<128x128xf32, #tpu.memory_space<vmem_shared>>
      %dma_start3A_79 = arith.constant 0 : i32
      %dma_start3A_80 = tpu.memref_slice %arg6[%add3A_55, %dma_start3A_79] : memref<10240x128xf32, #tpu.memory_space<vmem_shared>> -> memref<128x128xf32, #tpu.memory_space<vmem_shared>>
      tpu.enqueue_dma source(%dma_start3A_80 : memref<128x128xf32, #tpu.memory_space<vmem_shared>>) target(%arg10 : memref<128x128xf32, #tpu.memory_space<vmem>>) target_semaphore(%run_scoped3A_76 : memref<!tpu.dma_semaphore, #tpu.memory_space<semaphore_mem>>)
      %dma_wait3A = arith.constant 0 : i32
      %dma_wait3A_81 = tpu.memref_slice %arg6[%add3A_55, %dma_wait3A] : memref<10240x128xf32, #tpu.memory_space<vmem_shared>> -> memref<128x128xf32, #tpu.memory_space<vmem_shared>>
      %dma_wait3A_82 = arith.constant 0 : i32
      %dma_wait3A_83 = tpu.memref_slice %arg6[%add3A_55, %dma_wait3A_82] : memref<10240x128xf32, #tpu.memory_space<vmem_shared>> -> memref<128x128xf32, #tpu.memory_space<vmem_shared>>
      tpu.wait_dma2 semaphore(%run_scoped3A_76 : memref<!tpu.dma_semaphore, #tpu.memory_space<semaphore_mem>>) src(%dma_wait3A_83 : memref<128x128xf32, #tpu.memory_space<vmem_shared>>) dst(%arg10 : memref<128x128xf32, #tpu.memory_space<vmem>>)
      tpu.yield
    }) : () -> ()
    %add3A_56 = arith.constant 128 : i32
    %add3A_57 = arith.addi %add3A_45, %add3A_56 : i32
    "tpu.region"() ({
      %run_scoped3A_76 = tpu.sem_alloc : memref<!tpu.dma_semaphore, #tpu.memory_space<semaphore_mem>>
      %dma_start3A_77 = arith.constant 0 : i32
      %dma_start3A_78 = tpu.memref_slice %arg5[%add3A_57, %dma_start3A_77] : memref<20480x128xf32, #tpu.memory_space<hbm>> -> memref<128x128xf32, #tpu.memory_space<hbm>>
      %dma_start3A_79 = arith.constant 0 : i32
      %dma_start3A_80 = tpu.memref_slice %arg5[%add3A_57, %dma_start3A_79] : memref<20480x128xf32, #tpu.memory_space<hbm>> -> memref<128x128xf32, #tpu.memory_space<hbm>>
      tpu.enqueue_dma source(%arg10 : memref<128x128xf32, #tpu.memory_space<vmem>>) target(%dma_start3A_80 : memref<128x128xf32, #tpu.memory_space<hbm>>) target_semaphore(%run_scoped3A_76 : memref<!tpu.dma_semaphore, #tpu.memory_space<semaphore_mem>>)
      %dma_wait3A = arith.constant 0 : i32
      %dma_wait3A_81 = tpu.memref_slice %arg5[%add3A_57, %dma_wait3A] : memref<20480x128xf32, #tpu.memory_space<hbm>> -> memref<128x128xf32, #tpu.memory_space<hbm>>
      %dma_wait3A_82 = arith.constant 0 : i32
      %dma_wait3A_83 = tpu.memref_slice %arg5[%add3A_57, %dma_wait3A_82] : memref<20480x128xf32, #tpu.memory_space<hbm>> -> memref<128x128xf32, #tpu.memory_space<hbm>>
      tpu.wait_dma2 semaphore(%run_scoped3A_76 : memref<!tpu.dma_semaphore, #tpu.memory_space<semaphore_mem>>) src(%arg10 : memref<128x128xf32, #tpu.memory_space<vmem>>) dst(%dma_wait3A_83 : memref<128x128xf32, #tpu.memory_space<hbm>>)
      tpu.yield
    }) : () -> ()
    %mul3A_58 = arith.constant 640 : i32
    %mul3A_59 = arith.muli %arg1, %mul3A_58 : i32
    %add3A_60 = arith.constant 256 : i32
    %add3A_61 = arith.addi %mul3A_59, %add3A_60 : i32
    "tpu.region"() ({
      %run_scoped3A_76 = tpu.sem_alloc : memref<!tpu.dma_semaphore, #tpu.memory_space<semaphore_mem>>
      %dma_start3A_77 = arith.constant 0 : i32
      %dma_start3A_78 = tpu.memref_slice %arg6[%add3A_61, %dma_start3A_77] : memref<10240x128xf32, #tpu.memory_space<vmem_shared>> -> memref<128x128xf32, #tpu.memory_space<vmem_shared>>
      %dma_start3A_79 = arith.constant 0 : i32
      %dma_start3A_80 = tpu.memref_slice %arg6[%add3A_61, %dma_start3A_79] : memref<10240x128xf32, #tpu.memory_space<vmem_shared>> -> memref<128x128xf32, #tpu.memory_space<vmem_shared>>
      tpu.enqueue_dma source(%dma_start3A_80 : memref<128x128xf32, #tpu.memory_space<vmem_shared>>) target(%arg10 : memref<128x128xf32, #tpu.memory_space<vmem>>) target_semaphore(%run_scoped3A_76 : memref<!tpu.dma_semaphore, #tpu.memory_space<semaphore_mem>>)
      %dma_wait3A = arith.constant 0 : i32
      %dma_wait3A_81 = tpu.memref_slice %arg6[%add3A_61, %dma_wait3A] : memref<10240x128xf32, #tpu.memory_space<vmem_shared>> -> memref<128x128xf32, #tpu.memory_space<vmem_shared>>
      %dma_wait3A_82 = arith.constant 0 : i32
      %dma_wait3A_83 = tpu.memref_slice %arg6[%add3A_61, %dma_wait3A_82] : memref<10240x128xf32, #tpu.memory_space<vmem_shared>> -> memref<128x128xf32, #tpu.memory_space<vmem_shared>>
      tpu.wait_dma2 semaphore(%run_scoped3A_76 : memref<!tpu.dma_semaphore, #tpu.memory_space<semaphore_mem>>) src(%dma_wait3A_83 : memref<128x128xf32, #tpu.memory_space<vmem_shared>>) dst(%arg10 : memref<128x128xf32, #tpu.memory_space<vmem>>)
      tpu.yield
    }) : () -> ()
    %add3A_62 = arith.constant 256 : i32
    %add3A_63 = arith.addi %add3A_45, %add3A_62 : i32
    "tpu.region"() ({
      %run_scoped3A_76 = tpu.sem_alloc : memref<!tpu.dma_semaphore, #tpu.memory_space<semaphore_mem>>
      %dma_start3A_77 = arith.constant 0 : i32
      %dma_start3A_78 = tpu.memref_slice %arg5[%add3A_63, %dma_start3A_77] : memref<20480x128xf32, #tpu.memory_space<hbm>> -> memref<128x128xf32, #tpu.memory_space<hbm>>
      %dma_start3A_79 = arith.constant 0 : i32
      %dma_start3A_80 = tpu.memref_slice %arg5[%add3A_63, %dma_start3A_79] : memref<20480x128xf32, #tpu.memory_space<hbm>> -> memref<128x128xf32, #tpu.memory_space<hbm>>
      tpu.enqueue_dma source(%arg10 : memref<128x128xf32, #tpu.memory_space<vmem>>) target(%dma_start3A_80 : memref<128x128xf32, #tpu.memory_space<hbm>>) target_semaphore(%run_scoped3A_76 : memref<!tpu.dma_semaphore, #tpu.memory_space<semaphore_mem>>)
      %dma_wait3A = arith.constant 0 : i32
      %dma_wait3A_81 = tpu.memref_slice %arg5[%add3A_63, %dma_wait3A] : memref<20480x128xf32, #tpu.memory_space<hbm>> -> memref<128x128xf32, #tpu.memory_space<hbm>>
      %dma_wait3A_82 = arith.constant 0 : i32
      %dma_wait3A_83 = tpu.memref_slice %arg5[%add3A_63, %dma_wait3A_82] : memref<20480x128xf32, #tpu.memory_space<hbm>> -> memref<128x128xf32, #tpu.memory_space<hbm>>
      tpu.wait_dma2 semaphore(%run_scoped3A_76 : memref<!tpu.dma_semaphore, #tpu.memory_space<semaphore_mem>>) src(%arg10 : memref<128x128xf32, #tpu.memory_space<vmem>>) dst(%dma_wait3A_83 : memref<128x128xf32, #tpu.memory_space<hbm>>)
      tpu.yield
    }) : () -> ()
    %mul3A_64 = arith.constant 640 : i32
    %mul3A_65 = arith.muli %arg1, %mul3A_64 : i32
    %add3A_66 = arith.constant 384 : i32
    %add3A_67 = arith.addi %mul3A_65, %add3A_66 : i32
    "tpu.region"() ({
      %run_scoped3A_76 = tpu.sem_alloc : memref<!tpu.dma_semaphore, #tpu.memory_space<semaphore_mem>>
      %dma_start3A_77 = arith.constant 0 : i32
      %dma_start3A_78 = tpu.memref_slice %arg6[%add3A_67, %dma_start3A_77] : memref<10240x128xf32, #tpu.memory_space<vmem_shared>> -> memref<128x128xf32, #tpu.memory_space<vmem_shared>>
      %dma_start3A_79 = arith.constant 0 : i32
      %dma_start3A_80 = tpu.memref_slice %arg6[%add3A_67, %dma_start3A_79] : memref<10240x128xf32, #tpu.memory_space<vmem_shared>> -> memref<128x128xf32, #tpu.memory_space<vmem_shared>>
      tpu.enqueue_dma source(%dma_start3A_80 : memref<128x128xf32, #tpu.memory_space<vmem_shared>>) target(%arg10 : memref<128x128xf32, #tpu.memory_space<vmem>>) target_semaphore(%run_scoped3A_76 : memref<!tpu.dma_semaphore, #tpu.memory_space<semaphore_mem>>)
      %dma_wait3A = arith.constant 0 : i32
      %dma_wait3A_81 = tpu.memref_slice %arg6[%add3A_67, %dma_wait3A] : memref<10240x128xf32, #tpu.memory_space<vmem_shared>> -> memref<128x128xf32, #tpu.memory_space<vmem_shared>>
      %dma_wait3A_82 = arith.constant 0 : i32
      %dma_wait3A_83 = tpu.memref_slice %arg6[%add3A_67, %dma_wait3A_82] : memref<10240x128xf32, #tpu.memory_space<vmem_shared>> -> memref<128x128xf32, #tpu.memory_space<vmem_shared>>
      tpu.wait_dma2 semaphore(%run_scoped3A_76 : memref<!tpu.dma_semaphore, #tpu.memory_space<semaphore_mem>>) src(%dma_wait3A_83 : memref<128x128xf32, #tpu.memory_space<vmem_shared>>) dst(%arg10 : memref<128x128xf32, #tpu.memory_space<vmem>>)
      tpu.yield
    }) : () -> ()
    %add3A_68 = arith.constant 384 : i32
    %add3A_69 = arith.addi %add3A_45, %add3A_68 : i32
    "tpu.region"() ({
      %run_scoped3A_76 = tpu.sem_alloc : memref<!tpu.dma_semaphore, #tpu.memory_space<semaphore_mem>>
      %dma_start3A_77 = arith.constant 0 : i32
      %dma_start3A_78 = tpu.memref_slice %arg5[%add3A_69, %dma_start3A_77] : memref<20480x128xf32, #tpu.memory_space<hbm>> -> memref<128x128xf32, #tpu.memory_space<hbm>>
      %dma_start3A_79 = arith.constant 0 : i32
      %dma_start3A_80 = tpu.memref_slice %arg5[%add3A_69, %dma_start3A_79] : memref<20480x128xf32, #tpu.memory_space<hbm>> -> memref<128x128xf32, #tpu.memory_space<hbm>>
      tpu.enqueue_dma source(%arg10 : memref<128x128xf32, #tpu.memory_space<vmem>>) target(%dma_start3A_80 : memref<128x128xf32, #tpu.memory_space<hbm>>) target_semaphore(%run_scoped3A_76 : memref<!tpu.dma_semaphore, #tpu.memory_space<semaphore_mem>>)
      %dma_wait3A = arith.constant 0 : i32
      %dma_wait3A_81 = tpu.memref_slice %arg5[%add3A_69, %dma_wait3A] : memref<20480x128xf32, #tpu.memory_space<hbm>> -> memref<128x128xf32, #tpu.memory_space<hbm>>
      %dma_wait3A_82 = arith.constant 0 : i32
      %dma_wait3A_83 = tpu.memref_slice %arg5[%add3A_69, %dma_wait3A_82] : memref<20480x128xf32, #tpu.memory_space<hbm>> -> memref<128x128xf32, #tpu.memory_space<hbm>>
      tpu.wait_dma2 semaphore(%run_scoped3A_76 : memref<!tpu.dma_semaphore, #tpu.memory_space<semaphore_mem>>) src(%arg10 : memref<128x128xf32, #tpu.memory_space<vmem>>) dst(%dma_wait3A_83 : memref<128x128xf32, #tpu.memory_space<hbm>>)
      tpu.yield
    }) : () -> ()
    %mul3A_70 = arith.constant 640 : i32
    %mul3A_71 = arith.muli %arg1, %mul3A_70 : i32
    %add3A_72 = arith.constant 512 : i32
    %add3A_73 = arith.addi %mul3A_71, %add3A_72 : i32
    "tpu.region"() ({
      %run_scoped3A_76 = tpu.sem_alloc : memref<!tpu.dma_semaphore, #tpu.memory_space<semaphore_mem>>
      %dma_start3A_77 = arith.constant 0 : i32
      %dma_start3A_78 = tpu.memref_slice %arg6[%add3A_73, %dma_start3A_77] : memref<10240x128xf32, #tpu.memory_space<vmem_shared>> -> memref<128x128xf32, #tpu.memory_space<vmem_shared>>
      %dma_start3A_79 = arith.constant 0 : i32
      %dma_start3A_80 = tpu.memref_slice %arg6[%add3A_73, %dma_start3A_79] : memref<10240x128xf32, #tpu.memory_space<vmem_shared>> -> memref<128x128xf32, #tpu.memory_space<vmem_shared>>
      tpu.enqueue_dma source(%dma_start3A_80 : memref<128x128xf32, #tpu.memory_space<vmem_shared>>) target(%arg10 : memref<128x128xf32, #tpu.memory_space<vmem>>) target_semaphore(%run_scoped3A_76 : memref<!tpu.dma_semaphore, #tpu.memory_space<semaphore_mem>>)
      %dma_wait3A = arith.constant 0 : i32
      %dma_wait3A_81 = tpu.memref_slice %arg6[%add3A_73, %dma_wait3A] : memref<10240x128xf32, #tpu.memory_space<vmem_shared>> -> memref<128x128xf32, #tpu.memory_space<vmem_shared>>
      %dma_wait3A_82 = arith.constant 0 : i32
      %dma_wait3A_83 = tpu.memref_slice %arg6[%add3A_73, %dma_wait3A_82] : memref<10240x128xf32, #tpu.memory_space<vmem_shared>> -> memref<128x128xf32, #tpu.memory_space<vmem_shared>>
      tpu.wait_dma2 semaphore(%run_scoped3A_76 : memref<!tpu.dma_semaphore, #tpu.memory_space<semaphore_mem>>) src(%dma_wait3A_83 : memref<128x128xf32, #tpu.memory_space<vmem_shared>>) dst(%arg10 : memref<128x128xf32, #tpu.memory_space<vmem>>)
      tpu.yield
    }) : () -> ()
    %add3A_74 = arith.constant 512 : i32
    %add3A_75 = arith.addi %add3A_45, %add3A_74 : i32
    "tpu.region"() ({
      %run_scoped3A_76 = tpu.sem_alloc : memref<!tpu.dma_semaphore, #tpu.memory_space<semaphore_mem>>
      %dma_start3A_77 = arith.constant 0 : i32
      %dma_start3A_78 = tpu.memref_slice %arg5[%add3A_75, %dma_start3A_77] : memref<20480x128xf32, #tpu.memory_space<hbm>> -> memref<128x128xf32, #tpu.memory_space<hbm>>
      %dma_start3A_79 = arith.constant 0 : i32
      %dma_start3A_80 = tpu.memref_slice %arg5[%add3A_75, %dma_start3A_79] : memref<20480x128xf32, #tpu.memory_space<hbm>> -> memref<128x128xf32, #tpu.memory_space<hbm>>
      tpu.enqueue_dma source(%arg10 : memref<128x128xf32, #tpu.memory_space<vmem>>) target(%dma_start3A_80 : memref<128x128xf32, #tpu.memory_space<hbm>>) target_semaphore(%run_scoped3A_76 : memref<!tpu.dma_semaphore, #tpu.memory_space<semaphore_mem>>)
      %dma_wait3A = arith.constant 0 : i32
      %dma_wait3A_81 = tpu.memref_slice %arg5[%add3A_75, %dma_wait3A] : memref<20480x128xf32, #tpu.memory_space<hbm>> -> memref<128x128xf32, #tpu.memory_space<hbm>>
      %dma_wait3A_82 = arith.constant 0 : i32
      %dma_wait3A_83 = tpu.memref_slice %arg5[%add3A_75, %dma_wait3A_82] : memref<20480x128xf32, #tpu.memory_space<hbm>> -> memref<128x128xf32, #tpu.memory_space<hbm>>
      tpu.wait_dma2 semaphore(%run_scoped3A_76 : memref<!tpu.dma_semaphore, #tpu.memory_space<semaphore_mem>>) src(%arg10 : memref<128x128xf32, #tpu.memory_space<vmem>>) dst(%dma_wait3A_83 : memref<128x128xf32, #tpu.memory_space<hbm>>)
      tpu.yield
    }) : () -> ()
    return
  }
}

module attributes {stable_mosaic.version = 14 : i64} {
  func.func @_t1_body(%arg0: i32, %arg1: memref<2x1000x128xf32, #tpu.memory_space<vmem>>, %arg2: memref<2x1000x16xf32, #tpu.memory_space<vmem>>, %arg3: memref<1000x512xbf16, #tpu.memory_space<vmem>>, %arg4: memref<256x512xf32, #tpu.memory_space<vmem>>, %arg5: memref<512x256xf32, #tpu.memory_space<vmem>>, %arg6: memref<2x1000x128xf32, #tpu.memory_space<vmem>>, %arg7: memref<1000x512xbf16, #tpu.memory_space<vmem>>) attributes {dimension_semantics = [#tpu.dimension_semantics<arbitrary>], iteration_bounds = array<i64: 10>, scalar_prefetch = 0 : i64, scratch_operands = 0 : i64, tpu.core_type = #tpu.core_type<tc>, window_params = [{transform_indices = @transform_0, window_bounds = array<i64: 2, 1000, 128>}, {transform_indices = @transform_1, window_bounds = array<i64: 2, 1000, 16>}, {transform_indices = @transform_2, window_bounds = array<i64: 1000, 512>}, {pipeline_mode = #tpu.pipeline_mode<synchronous>, transform_indices = @transform_3, window_bounds = array<i64: 256, 512>}, {pipeline_mode = #tpu.pipeline_mode<synchronous>, transform_indices = @transform_4, window_bounds = array<i64: 512, 256>}, {transform_indices = @transform_5, window_bounds = array<i64: 2, 1000, 128>}, {transform_indices = @transform_6, window_bounds = array<i64: 1000, 512>}]} {
    %get3A = arith.constant 0 : index
    %get3A_0 = arith.constant 0 : index
    %get3A_1 = arith.constant 0 : index
    %get3A_2 = vector.load %arg2[%get3A, %get3A_0, %get3A_1] : memref<2x1000x16xf32, #tpu.memory_space<vmem>>, vector<1x1000x1xf32>
    %get3A_3 = vector.shape_cast %get3A_2 : vector<1x1000x1xf32> to vector<1000x1xf32>
    %get3A_4 = arith.constant 1 : index
    %get3A_5 = arith.constant 0 : index
    %get3A_6 = arith.constant 0 : index
    %get3A_7 = vector.load %arg2[%get3A_4, %get3A_5, %get3A_6] : memref<2x1000x16xf32, #tpu.memory_space<vmem>>, vector<1x1000x1xf32>
    %get3A_8 = vector.shape_cast %get3A_7 : vector<1x1000x1xf32> to vector<1000x1xf32>
    %add3A = arith.addf %get3A_3, %get3A_8 : vector<1000x1xf32>
    %max3A = arith.constant 1.000000e+00 : f32
    %max3A_9 = vector.broadcast %max3A : f32 to vector<1000x1xf32>
    %max3A_10 = arith.maximumf %add3A, %max3A_9 : vector<1000x1xf32>
    %get3A_11 = arith.constant 0 : index
    %get3A_12 = arith.constant 0 : index
    %get3A_13 = arith.constant 0 : index
    %get3A_14 = vector.load %arg1[%get3A_11, %get3A_12, %get3A_13] : memref<2x1000x128xf32, #tpu.memory_space<vmem>>, vector<1x1000x128xf32>
    %get3A_15 = vector.shape_cast %get3A_14 : vector<1x1000x128xf32> to vector<1000x128xf32>
    %get3A_16 = arith.constant 1 : index
    %get3A_17 = arith.constant 0 : index
    %get3A_18 = arith.constant 0 : index
    %get3A_19 = vector.load %arg1[%get3A_16, %get3A_17, %get3A_18] : memref<2x1000x128xf32, #tpu.memory_space<vmem>>, vector<1x1000x128xf32>
    %get3A_20 = vector.shape_cast %get3A_19 : vector<1x1000x128xf32> to vector<1000x128xf32>
    %concatenate3A = tpu.concatenate %get3A_15, %get3A_20 in 1 : vector<1000x128xf32>, vector<1000x128xf32> -> vector<1000x256xf32>
    %div3A = vector.broadcast %max3A_10 : vector<1000x1xf32> to vector<1000x256xf32>
    %div3A_21 = arith.divf %concatenate3A, %div3A : vector<1000x256xf32>
    %convert_element_type3A = arith.truncf %div3A_21 : vector<1000x256xf32> to vector<1000x256xbf16>
    %get3A_22 = arith.constant 0 : index
    %get3A_23 = arith.constant 0 : index
    %get3A_24 = vector.load %arg4[%get3A_22, %get3A_23] : memref<256x512xf32, #tpu.memory_space<vmem>>, vector<256x512xf32>
    %convert_element_type3A_25 = arith.truncf %get3A_24 : vector<256x512xf32> to vector<256x512xbf16>
    %dot_general3A = arith.constant dense<0.000000e+00> : vector<1000x512xf32>
    %dot_general3A_26 = tpu.matmul %convert_element_type3A, %convert_element_type3A_25, %dot_general3A {dimension_numbers = #tpu.dot_dimension_numbers<[1], [0], [0], [1], [0, 0, 1, 1], [], []>, transpose_lhs_hint = false} : vector<1000x256xbf16>, vector<256x512xbf16>, vector<1000x512xf32> -> vector<1000x512xf32>
    %get3A_27 = arith.constant 0 : index
    %get3A_28 = arith.constant 0 : index
    %get3A_29 = vector.load %arg3[%get3A_27, %get3A_28] : memref<1000x512xbf16, #tpu.memory_space<vmem>>, vector<1000x512xbf16>
    %convert_element_type3A_30 = arith.extf %get3A_29 : vector<1000x512xbf16> to vector<1000x512xf32>
    %add3A_31 = arith.addf %dot_general3A_26, %convert_element_type3A_30 : vector<1000x512xf32>
    %max3A_32 = arith.constant 0.000000e+00 : f32
    %max3A_33 = vector.broadcast %max3A_32 : f32 to vector<1000x512xf32>
    %max3A_34 = arith.maximumf %add3A_31, %max3A_33 : vector<1000x512xf32>
    %convert_element_type3A_35 = arith.truncf %max3A_34 : vector<1000x512xf32> to vector<1000x512xbf16>
    %swap3A = arith.constant 0 : index
    %swap3A_36 = arith.constant 0 : index
    %swap3A_37 = vector.load %arg7[%swap3A, %swap3A_36] : memref<1000x512xbf16, #tpu.memory_space<vmem>>, vector<1000x512xbf16>
    tpu.vector_store %arg7[%swap3A, %swap3A_36], %convert_element_type3A_35 {strides = array<i32>} : memref<1000x512xbf16, #tpu.memory_space<vmem>>, vector<1000x512xbf16>,
    %get3A_38 = arith.constant 0 : index
    %get3A_39 = arith.constant 0 : index
    %get3A_40 = vector.load %arg5[%get3A_38, %get3A_39] : memref<512x256xf32, #tpu.memory_space<vmem>>, vector<512x256xf32>
    %convert_element_type3A_41 = arith.truncf %get3A_40 : vector<512x256xf32> to vector<512x256xbf16>
    %dot_general3A_42 = arith.constant dense<0.000000e+00> : vector<1000x256xf32>
    %dot_general3A_43 = tpu.matmul %convert_element_type3A_35, %convert_element_type3A_41, %dot_general3A_42 {dimension_numbers = #tpu.dot_dimension_numbers<[1], [0], [0], [1], [0, 0, 1, 1], [], []>, transpose_lhs_hint = false} : vector<1000x512xbf16>, vector<512x256xbf16>, vector<1000x256xf32> -> vector<1000x256xf32>
    %slice3A = vector.extract_strided_slice %dot_general3A_43 {offsets = [0, 0], sizes = [1000, 128], strides = [1, 1]} : vector<1000x256xf32> to vector<1000x128xf32>
    %swap3A_44 = arith.constant 0 : index
    %swap3A_45 = arith.constant 0 : index
    %swap3A_46 = arith.constant 0 : index
    %swap3A_47 = vector.load %arg6[%swap3A_44, %swap3A_45, %swap3A_46] : memref<2x1000x128xf32, #tpu.memory_space<vmem>>, vector<1x1000x128xf32>
    %swap3A_48 = vector.shape_cast %swap3A_47 : vector<1x1000x128xf32> to vector<1000x128xf32>
    %swap3A_49 = vector.shape_cast %slice3A : vector<1000x128xf32> to vector<1x1000x128xf32>
    tpu.vector_store %arg6[%swap3A_44, %swap3A_45, %swap3A_46], %swap3A_49 {strides = array<i32>} : memref<2x1000x128xf32, #tpu.memory_space<vmem>>, vector<1x1000x128xf32>,
    %slice3A_50 = vector.extract_strided_slice %dot_general3A_43 {offsets = [0, 128], sizes = [1000, 128], strides = [1, 1]} : vector<1000x256xf32> to vector<1000x128xf32>
    %swap3A_51 = arith.constant 1 : index
    %swap3A_52 = arith.constant 0 : index
    %swap3A_53 = arith.constant 0 : index
    %swap3A_54 = vector.load %arg6[%swap3A_51, %swap3A_52, %swap3A_53] : memref<2x1000x128xf32, #tpu.memory_space<vmem>>, vector<1x1000x128xf32>
    %swap3A_55 = vector.shape_cast %swap3A_54 : vector<1x1000x128xf32> to vector<1000x128xf32>
    %swap3A_56 = vector.shape_cast %slice3A_50 : vector<1000x128xf32> to vector<1x1000x128xf32>
    tpu.vector_store %arg6[%swap3A_51, %swap3A_52, %swap3A_53], %swap3A_56 {strides = array<i32>} : memref<2x1000x128xf32, #tpu.memory_space<vmem>>, vector<1x1000x128xf32>,
    return
  }
  func.func @transform_0(%arg0: i32) -> (i32, i32, i32) {
    %c0_i32 = arith.constant 0 : i32
    %c0_i32_0 = arith.constant 0 : i32
    %c0_i32_1 = arith.constant 0 : i32
    return %c0_i32, %arg0, %c0_i32_0 : i32, i32, i32
  }
  func.func @transform_1(%arg0: i32) -> (i32, i32, i32) {
    %c0_i32 = arith.constant 0 : i32
    %c0_i32_0 = arith.constant 0 : i32
    %c0_i32_1 = arith.constant 0 : i32
    return %c0_i32, %arg0, %c0_i32_0 : i32, i32, i32
  }
  func.func @transform_2(%arg0: i32) -> (i32, i32) {
    %c0_i32 = arith.constant 0 : i32
    %c0_i32_0 = arith.constant 0 : i32
    return %arg0, %c0_i32 : i32, i32
  }
  func.func @transform_3(%arg0: i32) -> (i32, i32) {
    %c0_i32 = arith.constant 0 : i32
    %c0_i32_0 = arith.constant 0 : i32
    %c0_i32_1 = arith.constant 0 : i32
    return %c0_i32, %c0_i32_0 : i32, i32
  }
  func.func @transform_4(%arg0: i32) -> (i32, i32) {
    %c0_i32 = arith.constant 0 : i32
    %c0_i32_0 = arith.constant 0 : i32
    %c0_i32_1 = arith.constant 0 : i32
    return %c0_i32, %c0_i32_0 : i32, i32
  }
  func.func @transform_5(%arg0: i32) -> (i32, i32, i32) {
    %c0_i32 = arith.constant 0 : i32
    %c0_i32_0 = arith.constant 0 : i32
    %c0_i32_1 = arith.constant 0 : i32
    return %c0_i32, %arg0, %c0_i32_0 : i32, i32, i32
  }
  func.func @transform_6(%arg0: i32) -> (i32, i32) {
    %c0_i32 = arith.constant 0 : i32
    %c0_i32_0 = arith.constant 0 : i32
    return %arg0, %c0_i32 : i32, i32
  }
}

module attributes {stable_mosaic.version = 14 : i64} {
  func.func @_t3_body(%arg0: i32, %arg1: memref<1000x512xbf16, #tpu.memory_space<vmem>>, %arg2: memref<512x256xf32, #tpu.memory_space<vmem>>, %arg3: memref<1x256xf32, #tpu.memory_space<vmem>>, %arg4: memref<1000x256xbf16, #tpu.memory_space<vmem>>) attributes {dimension_semantics = [#tpu.dimension_semantics<arbitrary>], iteration_bounds = array<i64: 10>, scalar_prefetch = 0 : i64, scratch_operands = 0 : i64, tpu.core_type = #tpu.core_type<tc>, window_params = [{transform_indices = @transform_0, window_bounds = array<i64: 1000, 512>}, {pipeline_mode = #tpu.pipeline_mode<synchronous>, transform_indices = @transform_1, window_bounds = array<i64: 512, 256>}, {pipeline_mode = #tpu.pipeline_mode<synchronous>, transform_indices = @transform_2, window_bounds = array<i64: 1, 256>}, {transform_indices = @transform_3, window_bounds = array<i64: 1000, 256>}]} {
    %get3A = arith.constant 0 : index
    %get3A_0 = arith.constant 0 : index
    %get3A_1 = vector.load %arg1[%get3A, %get3A_0] : memref<1000x512xbf16, #tpu.memory_space<vmem>>, vector<1000x512xbf16>
    %get3A_2 = arith.constant 0 : index
    %get3A_3 = arith.constant 0 : index
    %get3A_4 = vector.load %arg2[%get3A_2, %get3A_3] : memref<512x256xf32, #tpu.memory_space<vmem>>, vector<512x256xf32>
    %convert_element_type3A = arith.truncf %get3A_4 : vector<512x256xf32> to vector<512x256xbf16>
    %dot_general3A = arith.constant dense<0.000000e+00> : vector<1000x256xf32>
    %dot_general3A_5 = tpu.matmul %get3A_1, %convert_element_type3A, %dot_general3A {dimension_numbers = #tpu.dot_dimension_numbers<[1], [0], [0], [1], [0, 0, 1, 1], [], []>, transpose_lhs_hint = false} : vector<1000x512xbf16>, vector<512x256xbf16>, vector<1000x256xf32> -> vector<1000x256xf32>
    %get3A_6 = arith.constant 0 : index
    %get3A_7 = arith.constant 0 : index
    %get3A_8 = vector.load %arg3[%get3A_6, %get3A_7] : memref<1x256xf32, #tpu.memory_space<vmem>>, vector<1x256xf32>
    %add3A = vector.broadcast %get3A_8 : vector<1x256xf32> to vector<1000x256xf32>
    %add3A_9 = arith.addf %dot_general3A_5, %add3A : vector<1000x256xf32>
    %convert_element_type3A_10 = arith.truncf %add3A_9 : vector<1000x256xf32> to vector<1000x256xbf16>
    %swap3A = arith.constant 0 : index
    %swap3A_11 = arith.constant 0 : index
    %swap3A_12 = vector.load %arg4[%swap3A, %swap3A_11] : memref<1000x256xbf16, #tpu.memory_space<vmem>>, vector<1000x256xbf16>
    tpu.vector_store %arg4[%swap3A, %swap3A_11], %convert_element_type3A_10 {strides = array<i32>} : memref<1000x256xbf16, #tpu.memory_space<vmem>>, vector<1000x256xbf16>,
    return
  }
  func.func @transform_0(%arg0: i32) -> (i32, i32) {
    %c0_i32 = arith.constant 0 : i32
    %c0_i32_0 = arith.constant 0 : i32
    return %arg0, %c0_i32 : i32, i32
  }
  func.func @transform_1(%arg0: i32) -> (i32, i32) {
    %c0_i32 = arith.constant 0 : i32
    %c0_i32_0 = arith.constant 0 : i32
    %c0_i32_1 = arith.constant 0 : i32
    return %c0_i32, %c0_i32_0 : i32, i32
  }
  func.func @transform_2(%arg0: i32) -> (i32, i32) {
    %c0_i32 = arith.constant 0 : i32
    %c0_i32_0 = arith.constant 0 : i32
    %c0_i32_1 = arith.constant 0 : i32
    return %c0_i32, %c0_i32_0 : i32, i32
  }
  func.func @transform_3(%arg0: i32) -> (i32, i32) {
    %c0_i32 = arith.constant 0 : i32
    %c0_i32_0 = arith.constant 0 : i32
    return %arg0, %c0_i32 : i32, i32
  }
}

module attributes {stable_mosaic.version = 14 : i64} {
  func.func @_t0_body(%arg0: i32, %arg1: memref<1000x256xf32, #tpu.memory_space<vmem>>, %arg2: memref<256x512xf32, #tpu.memory_space<vmem>>, %arg3: memref<1x512xf32, #tpu.memory_space<vmem>>, %arg4: memref<2x1000x128xf32, #tpu.memory_space<vmem>>, %arg5: memref<1000x512xbf16, #tpu.memory_space<vmem>>) attributes {dimension_semantics = [#tpu.dimension_semantics<arbitrary>], iteration_bounds = array<i64: 10>, scalar_prefetch = 0 : i64, scratch_operands = 0 : i64, tpu.core_type = #tpu.core_type<tc>, window_params = [{transform_indices = @transform_0, window_bounds = array<i64: 1000, 256>}, {pipeline_mode = #tpu.pipeline_mode<synchronous>, transform_indices = @transform_1, window_bounds = array<i64: 256, 512>}, {pipeline_mode = #tpu.pipeline_mode<synchronous>, transform_indices = @transform_2, window_bounds = array<i64: 1, 512>}, {transform_indices = @transform_3, window_bounds = array<i64: 2, 1000, 128>}, {transform_indices = @transform_4, window_bounds = array<i64: 1000, 512>}]} {
    %get3A = arith.constant 0 : index
    %get3A_0 = arith.constant 0 : index
    %get3A_1 = vector.load %arg1[%get3A, %get3A_0] : memref<1000x256xf32, #tpu.memory_space<vmem>>, vector<1000x256xf32>
    %slice3A = vector.extract_strided_slice %get3A_1 {offsets = [0, 0], sizes = [1000, 128], strides = [1, 1]} : vector<1000x256xf32> to vector<1000x128xf32>
    %swap3A = arith.constant 0 : index
    %swap3A_2 = arith.constant 0 : index
    %swap3A_3 = arith.constant 0 : index
    %swap3A_4 = vector.load %arg4[%swap3A, %swap3A_2, %swap3A_3] : memref<2x1000x128xf32, #tpu.memory_space<vmem>>, vector<1x1000x128xf32>
    %swap3A_5 = vector.shape_cast %swap3A_4 : vector<1x1000x128xf32> to vector<1000x128xf32>
    %swap3A_6 = vector.shape_cast %slice3A : vector<1000x128xf32> to vector<1x1000x128xf32>
    tpu.vector_store %arg4[%swap3A, %swap3A_2, %swap3A_3], %swap3A_6 {strides = array<i32>} : memref<2x1000x128xf32, #tpu.memory_space<vmem>>, vector<1x1000x128xf32>,
    %slice3A_7 = vector.extract_strided_slice %get3A_1 {offsets = [0, 128], sizes = [1000, 128], strides = [1, 1]} : vector<1000x256xf32> to vector<1000x128xf32>
    %swap3A_8 = arith.constant 1 : index
    %swap3A_9 = arith.constant 0 : index
    %swap3A_10 = arith.constant 0 : index
    %swap3A_11 = vector.load %arg4[%swap3A_8, %swap3A_9, %swap3A_10] : memref<2x1000x128xf32, #tpu.memory_space<vmem>>, vector<1x1000x128xf32>
    %swap3A_12 = vector.shape_cast %swap3A_11 : vector<1x1000x128xf32> to vector<1000x128xf32>
    %swap3A_13 = vector.shape_cast %slice3A_7 : vector<1000x128xf32> to vector<1x1000x128xf32>
    tpu.vector_store %arg4[%swap3A_8, %swap3A_9, %swap3A_10], %swap3A_13 {strides = array<i32>} : memref<2x1000x128xf32, #tpu.memory_space<vmem>>, vector<1x1000x128xf32>,
    %convert_element_type3A = arith.truncf %get3A_1 : vector<1000x256xf32> to vector<1000x256xbf16>
    %get3A_14 = arith.constant 0 : index
    %get3A_15 = arith.constant 0 : index
    %get3A_16 = vector.load %arg2[%get3A_14, %get3A_15] : memref<256x512xf32, #tpu.memory_space<vmem>>, vector<256x512xf32>
    %convert_element_type3A_17 = arith.truncf %get3A_16 : vector<256x512xf32> to vector<256x512xbf16>
    %dot_general3A = arith.constant dense<0.000000e+00> : vector<1000x512xf32>
    %dot_general3A_18 = tpu.matmul %convert_element_type3A, %convert_element_type3A_17, %dot_general3A {dimension_numbers = #tpu.dot_dimension_numbers<[1], [0], [0], [1], [0, 0, 1, 1], [], []>, transpose_lhs_hint = false} : vector<1000x256xbf16>, vector<256x512xbf16>, vector<1000x512xf32> -> vector<1000x512xf32>
    %get3A_19 = arith.constant 0 : index
    %get3A_20 = arith.constant 0 : index
    %get3A_21 = vector.load %arg3[%get3A_19, %get3A_20] : memref<1x512xf32, #tpu.memory_space<vmem>>, vector<1x512xf32>
    %add3A = vector.broadcast %get3A_21 : vector<1x512xf32> to vector<1000x512xf32>
    %add3A_22 = arith.addf %dot_general3A_18, %add3A : vector<1000x512xf32>
    %convert_element_type3A_23 = arith.truncf %add3A_22 : vector<1000x512xf32> to vector<1000x512xbf16>
    %swap3A_24 = arith.constant 0 : index
    %swap3A_25 = arith.constant 0 : index
    %swap3A_26 = vector.load %arg5[%swap3A_24, %swap3A_25] : memref<1000x512xbf16, #tpu.memory_space<vmem>>, vector<1000x512xbf16>
    tpu.vector_store %arg5[%swap3A_24, %swap3A_25], %convert_element_type3A_23 {strides = array<i32>} : memref<1000x512xbf16, #tpu.memory_space<vmem>>, vector<1000x512xbf16>,
    return
  }
  func.func @transform_0(%arg0: i32) -> (i32, i32) {
    %c0_i32 = arith.constant 0 : i32
    %c0_i32_0 = arith.constant 0 : i32
    return %arg0, %c0_i32 : i32, i32
  }
  func.func @transform_1(%arg0: i32) -> (i32, i32) {
    %c0_i32 = arith.constant 0 : i32
    %c0_i32_0 = arith.constant 0 : i32
    %c0_i32_1 = arith.constant 0 : i32
    return %c0_i32, %c0_i32_0 : i32, i32
  }
  func.func @transform_2(%arg0: i32) -> (i32, i32) {
    %c0_i32 = arith.constant 0 : i32
    %c0_i32_0 = arith.constant 0 : i32
    %c0_i32_1 = arith.constant 0 : i32
    return %c0_i32, %c0_i32_0 : i32, i32
  }
  func.func @transform_3(%arg0: i32) -> (i32, i32, i32) {
    %c0_i32 = arith.constant 0 : i32
    %c0_i32_0 = arith.constant 0 : i32
    %c0_i32_1 = arith.constant 0 : i32
    return %c0_i32, %arg0, %c0_i32_0 : i32, i32, i32
  }
  func.func @transform_4(%arg0: i32) -> (i32, i32) {
    %c0_i32 = arith.constant 0 : i32
    %c0_i32_0 = arith.constant 0 : i32
    return %arg0, %c0_i32 : i32, i32
  }
}

module attributes {stable_mosaic.version = 14 : i64} {
  func.func @_t2_body(%arg0: i32, %arg1: memref<2x1000x128xf32, #tpu.memory_space<vmem>>, %arg2: memref<2x1000x16xf32, #tpu.memory_space<vmem>>, %arg3: memref<1000x256xbf16, #tpu.memory_space<vmem>>, %arg4: memref<1000x256xf32, #tpu.memory_space<vmem>>) attributes {dimension_semantics = [#tpu.dimension_semantics<arbitrary>], iteration_bounds = array<i64: 10>, scalar_prefetch = 0 : i64, scratch_operands = 0 : i64, tpu.core_type = #tpu.core_type<tc>, window_params = [{transform_indices = @transform_0, window_bounds = array<i64: 2, 1000, 128>}, {transform_indices = @transform_1, window_bounds = array<i64: 2, 1000, 16>}, {transform_indices = @transform_2, window_bounds = array<i64: 1000, 256>}, {transform_indices = @transform_3, window_bounds = array<i64: 1000, 256>}]} {
    %get3A = arith.constant 0 : index
    %get3A_0 = arith.constant 0 : index
    %get3A_1 = arith.constant 0 : index
    %get3A_2 = vector.load %arg2[%get3A, %get3A_0, %get3A_1] : memref<2x1000x16xf32, #tpu.memory_space<vmem>>, vector<1x1000x1xf32>
    %get3A_3 = vector.shape_cast %get3A_2 : vector<1x1000x1xf32> to vector<1000x1xf32>
    %get3A_4 = arith.constant 1 : index
    %get3A_5 = arith.constant 0 : index
    %get3A_6 = arith.constant 0 : index
    %get3A_7 = vector.load %arg2[%get3A_4, %get3A_5, %get3A_6] : memref<2x1000x16xf32, #tpu.memory_space<vmem>>, vector<1x1000x1xf32>
    %get3A_8 = vector.shape_cast %get3A_7 : vector<1x1000x1xf32> to vector<1000x1xf32>
    %add3A = arith.addf %get3A_3, %get3A_8 : vector<1000x1xf32>
    %max3A = arith.constant 1.000000e+00 : f32
    %max3A_9 = vector.broadcast %max3A : f32 to vector<1000x1xf32>
    %max3A_10 = arith.maximumf %add3A, %max3A_9 : vector<1000x1xf32>
    %get3A_11 = arith.constant 0 : index
    %get3A_12 = arith.constant 0 : index
    %get3A_13 = arith.constant 0 : index
    %get3A_14 = vector.load %arg1[%get3A_11, %get3A_12, %get3A_13] : memref<2x1000x128xf32, #tpu.memory_space<vmem>>, vector<1x1000x128xf32>
    %get3A_15 = vector.shape_cast %get3A_14 : vector<1x1000x128xf32> to vector<1000x128xf32>
    %get3A_16 = arith.constant 1 : index
    %get3A_17 = arith.constant 0 : index
    %get3A_18 = arith.constant 0 : index
    %get3A_19 = vector.load %arg1[%get3A_16, %get3A_17, %get3A_18] : memref<2x1000x128xf32, #tpu.memory_space<vmem>>, vector<1x1000x128xf32>
    %get3A_20 = vector.shape_cast %get3A_19 : vector<1x1000x128xf32> to vector<1000x128xf32>
    %concatenate3A = tpu.concatenate %get3A_15, %get3A_20 in 1 : vector<1000x128xf32>, vector<1000x128xf32> -> vector<1000x256xf32>
    %div3A = vector.broadcast %max3A_10 : vector<1000x1xf32> to vector<1000x256xf32>
    %div3A_21 = arith.divf %concatenate3A, %div3A : vector<1000x256xf32>
    %get3A_22 = arith.constant 0 : index
    %get3A_23 = arith.constant 0 : index
    %get3A_24 = vector.load %arg3[%get3A_22, %get3A_23] : memref<1000x256xbf16, #tpu.memory_space<vmem>>, vector<1000x256xbf16>
    %convert_element_type3A = arith.extf %get3A_24 : vector<1000x256xbf16> to vector<1000x256xf32>
    %add3A_25 = arith.addf %div3A_21, %convert_element_type3A : vector<1000x256xf32>
    %reduce_max3A = arith.constant dense<0xFF800000> : vector<1000xf32>
    %reduce_max3A_26 = vector.multi_reduction <maximumf>, %add3A_25, %reduce_max3A [1] : vector<1000x256xf32> to vector<1000xf32>
    %broadcast_in_dim3A = vector.shape_cast %reduce_max3A_26 : vector<1000xf32> to vector<1000x1xf32>
    %sub3A = vector.broadcast %broadcast_in_dim3A : vector<1000x1xf32> to vector<1000x256xf32>
    %sub3A_27 = arith.subf %add3A_25, %sub3A : vector<1000x256xf32>
    %exp3A = math.exp %sub3A_27 : vector<1000x256xf32>
    %sub3A_28 = vector.broadcast %broadcast_in_dim3A : vector<1000x1xf32> to vector<1000x256xf32>
    %sub3A_29 = arith.subf %add3A_25, %sub3A_28 : vector<1000x256xf32>
    %reduce_sum3A = arith.constant dense<0.000000e+00> : vector<1000xf32>
    %reduce_sum3A_30 = vector.multi_reduction <add>, %exp3A, %reduce_sum3A [1] : vector<1000x256xf32> to vector<1000xf32>
    %broadcast_in_dim3A_31 = vector.shape_cast %reduce_sum3A_30 : vector<1000xf32> to vector<1000x1xf32>
    %log3A = math.log %broadcast_in_dim3A_31 : vector<1000x1xf32>
    %sub3A_32 = vector.broadcast %log3A : vector<1000x1xf32> to vector<1000x256xf32>
    %sub3A_33 = arith.subf %sub3A_29, %sub3A_32 : vector<1000x256xf32>
    %swap3A = arith.constant 0 : index
    %swap3A_34 = arith.constant 0 : index
    %swap3A_35 = vector.load %arg4[%swap3A, %swap3A_34] : memref<1000x256xf32, #tpu.memory_space<vmem>>, vector<1000x256xf32>
    tpu.vector_store %arg4[%swap3A, %swap3A_34], %sub3A_33 {strides = array<i32>} : memref<1000x256xf32, #tpu.memory_space<vmem>>, vector<1000x256xf32>,
    return
  }
  func.func @transform_0(%arg0: i32) -> (i32, i32, i32) {
    %c0_i32 = arith.constant 0 : i32
    %c0_i32_0 = arith.constant 0 : i32
    %c0_i32_1 = arith.constant 0 : i32
    return %c0_i32, %arg0, %c0_i32_0 : i32, i32, i32
  }
  func.func @transform_1(%arg0: i32) -> (i32, i32, i32) {
    %c0_i32 = arith.constant 0 : i32
    %c0_i32_0 = arith.constant 0 : i32
    %c0_i32_1 = arith.constant 0 : i32
    return %c0_i32, %arg0, %c0_i32_0 : i32, i32, i32
  }
  func.func @transform_2(%arg0: i32) -> (i32, i32) {
    %c0_i32 = arith.constant 0 : i32
    %c0_i32_0 = arith.constant 0 : i32
    return %arg0, %c0_i32 : i32, i32
  }
  func.func @transform_3(%arg0: i32) -> (i32, i32) {
    %c0_i32 = arith.constant 0 : i32
    %c0_i32_0 = arith.constant 0 : i32
    return %arg0, %c0_i32 : i32, i32
  }
}

</mosaic_0001>

<sc_bundles>
// kernel: kernel.12.cloned.1.call-start
scs
__scs_entry_jumppad:
0x0: {  	(pc) =	sbr.rel $0x88, $3  }
0x1: {  	(tag) =	ssettag $0x0;
	lr =	simm.s32 $0x1  }
0x2: {  	[smem:$0x3F99] =	sst lr;
	_ =	strace $0xD0000000  }
0x3: {  	_ = 	snop  }
0x4: {  	_ = 	snop  }
0x5: {  	_ = 	snop  }
0x6: {  	_ = 	snop  }
0x7: {  	_ = 	snop  }
__scs_overlays_trampoline_lowered:
0x8: {  	[smem:$0x3FA8] =	sst s0  }
0x9: {  	[smem:$0x3FA9] =	sst s1  }
0xa: {  	[smem:$0x3FAA] =	sst s2  }
0xb: {  	[smem:$0x3FAB] =	sst s3  }
0xc: {  	[smem:$0x3FAC] =	sst s4  }
0xd: {  	[smem:$0x3FAD] =	sst s5  }
0xe: {  	[smem:$0x3FAE] =	sst s6  }
0xf: {  	[smem:$0x3FAF] =	sst s7  }
0x10: {  	[smem:$0x3FB0] =	sst s8  }
0x11: {  	[smem:$0x3FB1] =	sst s9;
	s0 =	simm.s32 @!p0 $0x0  }
0x12: {  	s1 =	sld [smem:$0x3F97];
	s0 =	simm.s32 @p0 $0x1  }
0x13: {  	[smem:$0x3FB2] =	sst s0;
	s0 =	simm.s32 @!p1 $0x0  }
0x14: {  	s2 =	sld [smem:$0x3F96];
	s0 =	simm.s32 @p1 $0x1  }
0x15: {  	[smem:$0x3FB3] =	sst s0;
	s0 =	simm.s32 @!p2 $0x0  }
0x16: {  	s3 =	sld [smem:$0x3FDB];
	s0 =	simm.s32 @p2 $0x1  }
0x17: {  	s4 =	simm.s32 $0x1BF5;
	[smem:$0x3FB5] =	sst s0  }
0x18: {  	s0 =	sld [smem:$0x3F98];
	_ =	swait.ge [sflag:s4], $0x0  }
0x19: {  	s7 =	sld [smem:$0x3F99]  }
0x1a: {  	s8 =	sadd.s32 $0xFFFFE003, lr  }
0x1b: {  	s9 =	sadd.s32 $0xFFFFFEF7, lr;
	s5 =	simm.s32 $0xFFFFFFFF;
	p2 =	slt.u32 s8, $0xFFFFF086  }
0x1c: {  	p1 =	slt.u32 s9, $0xF7A;
	s5 =	simm.s32 @!p2 $0x0  }
0x1d: {  	s5 =	simm.s32 @p1 $0x1;
	p0 =	seq.s32 s7, s2  }
0x1e: {  	s7 =	smul.u32 @!p0 $0xF7A, s2;
	p2 =	seq.s32 @!p0 s5, $0x0  }
0x1f: {  	s9 =	smul.u32 $0xF7A, s1;
	s8 =	simm.s32 @!p0 $0x1BF5;
	p2 =	por !p2, p0  }
0x20: {  	[sflag:s8] =	ssyncset.s32 @!p0 $0xFFFFF086;
	s6 =	sadd.s32 @!p0 s3, s7;
	s7 =	simm.s32 @!p0 $0x108  }
0x21: {  	s3 =	sadd.s32 s3, s9;
	s6 =	sadd.s32 @!p0 $0x88, s6;
	s7 =	simm.s32 @p2 $0x1082  }
0x22: {  	[simem:s7], [sflag:s8] =	dma.local @!p0 [hbm:s6], $0xF7A  }
0x23: {  	s9 =	sor.u32 $0xD0000000, s2;
	s6 =	simm.s32 $0x108;
	_ =	swait.ge @!p0 [sflag:s8], $0x0  }
0x24: {  	s3 =	sadd.s32 $0x88, s3;
	s6 =	simm.s32 @!p1 $0x1082;
	[sflag:s4] =	ssyncset.s32 $0xFFFFF086  }
0x25: {  	[simem:s6], [sflag:s4] =	dma.local [hbm:s3], $0xF7A  }
0x26: {  	[smem:$0x3F99] =	sst s1;
	(tag) =	ssettag s2;
	_ =	strace s9  }
0x27: {  	s1 =	sld [smem:$0x3FA9]  }
0x28: {  	s2 =	sld [smem:$0x3FAA]  }
0x29: {  	s4 =	sld [smem:$0x3FAC]  }
0x2a: {  	p0 =	seq.s32 s5, $0x0;
	s5 =	sld [smem:$0x3FAD]  }
0x2b: {  	s6 =	sld [smem:$0x3FAE]  }
0x2c: {  	s7 =	sld [smem:$0x3FAF]  }
0x2d: {  	s3 =	simm.s32 $0x108;
	s8 =	sld [smem:$0x3FB0]  }
0x2e: {  	s3 =	simm.s32 @!p0 $0x1082;
	s9 =	sld [smem:$0x3FB1]  }
0x2f: {  	lr =	sadd.s32 s0, s3;
	s0 =	sld [smem:$0x3FA8]  }
0x30: {  	s3 =	sld [smem:$0x3FAB]  }
0x31: {  	[smem:$0x3FB4] =	sst s10  }
0x32: {  	s10 =	sld [smem:$0x3FB2];
	_ =	sdelay $0x3  }
0x33: {  	p0 =	seq.s32 s10, $0x1;
	s10 =	sld [smem:$0x3FB4];
	_ =	sdelay $0x3  }
0x34: {  	[smem:$0x3FB4] =	sst s10  }
0x35: {  	s10 =	sld [smem:$0x3FB3];
	_ =	sdelay $0x3  }
0x36: {  	p1 =	seq.s32 s10, $0x1;
	s10 =	sld [smem:$0x3FB4];
	_ =	sdelay $0x3  }
0x37: {  	[smem:$0x3FB4] =	sst s10  }
0x38: {  	s10 =	sld [smem:$0x3FB5]  }
0x39: {  	_ = 	snop;
	(pc) =	sbr.ind lr, $3  }
0x3a: {  	_ = 	snop  }
0x3b: {  	_ = 	snop  }
0x3c: {  	p2 =	seq.s32 s10, $0x1;
	s10 =	sld [smem:$0x3FB4]  }
0x3d: {  	_ =	shalt  }
0x3e: {  	_ =	shalt  }
0x3f: {  	_ =	shalt  }
0x40: {  	_ =	shalt  }
0x41: {  	_ =	shalt  }
0x42: {  	_ =	shalt  }
0x43: {  	_ =	shalt  }
0x44: {  	_ =	shalt  }
0x45: {  	_ =	shalt  }
0x46: {  	_ =	shalt  }
0x47: {  	_ =	shalt  }
0x48: {  	_ =	shalt  }
0x49: {  	_ =	shalt  }
0x4a: {  	_ =	shalt  }
0x4b: {  	_ =	shalt  }
0x4c: {  	_ =	shalt  }
0x4d: {  	_ =	shalt  }
0x4e: {  	_ =	shalt  }
0x4f: {  	_ =	shalt  }
0x50: {  	_ =	shalt  }
0x51: {  	_ =	shalt  }
0x52: {  	_ =	shalt  }
0x53: {  	_ =	shalt  }
0x54: {  	_ =	shalt  }
0x55: {  	_ =	shalt  }
0x56: {  	_ =	shalt  }
0x57: {  	_ =	shalt  }
0x58: {  	_ =	shalt  }
0x59: {  	_ =	shalt  }
0x5a: {  	_ =	shalt  }
0x5b: {  	_ =	shalt  }
0x5c: {  	_ =	shalt  }
0x5d: {  	_ =	shalt  }
0x5e: {  	_ =	shalt  }
0x5f: {  	_ =	shalt  }
0x60: {  	_ =	shalt  }
0x61: {  	_ =	shalt  }
0x62: {  	_ =	shalt  }
0x63: {  	_ =	shalt  }
0x64: {  	_ =	shalt  }
0x65: {  	_ =	shalt  }
0x66: {  	_ =	shalt  }
0x67: {  	_ =	shalt  }
0x68: {  	_ =	shalt  }
0x69: {  	_ =	shalt  }
0x6a: {  	_ =	shalt  }
0x6b: {  	_ =	shalt  }
0x6c: {  	_ =	shalt  }
0x6d: {  	_ =	shalt  }
0x6e: {  	_ =	shalt  }
0x6f: {  	_ =	shalt  }
0x70: {  	_ =	shalt  }
0x71: {  	_ =	shalt  }
0x72: {  	_ =	shalt  }
0x73: {  	_ =	shalt  }
0x74: {  	_ =	shalt  }
0x75: {  	_ =	shalt  }
0x76: {  	_ =	shalt  }
0x77: {  	_ =	shalt  }
0x78: {  	_ =	shalt  }
0x79: {  	_ =	shalt  }
0x7a: {  	_ =	shalt  }
0x7b: {  	_ =	shalt  }
0x7c: {  	_ =	shalt  }
0x7d: {  	_ =	shalt  }
0x7e: {  	_ =	shalt  }
0x7f: {  	_ =	shalt  }
0x80: {  	_ =	shalt  }
0x81: {  	_ =	shalt  }
0x82: {  	_ =	shalt  }
0x83: {  	_ =	shalt  }
0x84: {  	_ =	shalt  }
0x85: {  	_ =	shalt  }
0x86: {  	_ =	shalt  }
0x87: {  	_ =	shalt  }
.Lfunc_end0:
.L_simem_size_0:
called_computation.1_lowered:
.L_overlay_start_0:
0x88: {  	s2 =	sld [smem:$0x3FD9]  }
0x89: {  	s3 =	sld [smem:$0x3FFE];
	_ =	sdelay $0x1  }
0x8a: {  	s1 =	srdreg.scid  }
0x8b: {  	s0 =	sand.u32 $0x1, s1  }
0x8c: {  	s17 =	sshll.u32 s0, $0xA;
	s2 =	sadd.s32 s3, s2  }
0x8d: {  	s2 =	sadd.s32 s2, s17  }
0x8e: {  	[smem:$0x3FC0] =	sst s2  }
0x8f: {  	_ = 	snop  }
0x90: {  	s2 =	sld [smem:$0x3FC8]  }
0x91: {  	s18 =	sld [smem:$0x3FD0];
	(tm) =	ssettm $0x1  }
0x92: {  	s4 =	sld [smem:$0x3FFB];
	_ =	sdelay $0x3  }
0x93: {  	_ =	strace s4  }
0x94: {  	s4 =	sld [smem:$0x3FFC];
	_ =	sdelay $0x3  }
0x95: {  	_ =	strace s4  }
0x96: {  	s4 =	sld [smem:$0x3FFD];
	_ =	sdelay $0x3  }
0x97: {  	_ =	strace s4  }
0x98: {  	_ =	strace $0x8FFFFFFF  }
0x99: {  	s19 =	sld [smem:$0x3FDB];
	_ =	sdelay $0x1  }
0x9a: {  	s5 =	simm.s32 $_scs_section_size  }
0x9b: {  	s6 =	simm.s32 $_size__tile_overlayer_lowered;
	s7 =	simm.s32 $_tile_overlayer_lowered  }
0x9c: {  	s22 =	simm.s32 $0x1BFF;
	s21 =	sshll.u32 s7, $0x1;
	s4 =	sadd.s32 s5, s19  }
0x9d: {  	s8 =	simm.s32 $0x0;
	s20 =	sshll.u32 s6, $0x1;
	s6 =	sadd.s32 s21, s4  }
0x9e: {  	[timem:s8], [sflag:s22] =	dma.local [hbm:s6], s20  }
0x9f: {  	_ =	swait.ge [sflag:s22], s20  }
0xa0: {  	s5 =	ssub.s32 $0x0, s20;
	[sflag:s22] =	ssyncset.done $0x0  }
0xa1: {  	[sflag:s22] =	ssyncadd.s32 s5;
	_ =	sdelay $0x1  }
0xa2: {  	s23 =	simm.s32 $0x1B8B  }
0xa3: {  	_ =	swait.ge [sflag:s23], $0x1  }
0xa4: {  	[sflag:s23] =	ssyncset.done $0x0  }
0xa5: {  	s25 =	simm.s32 $0x1B8E;
	s24 =	sld [smem:$0x3FFE];
	[sflag:s23] =	ssyncadd.s32 $0xFFFFFFFF  }
0xa6: {  	s26 =	simm.s32 $execute0_lowered;
	[smem:$0x3FD2] =	sst s25  }
0xa7: {  	s6 =	sshll.u32 s26, $0x1;
	_ =	strace $0x80000046;
	[dreg:$0x1] =	wrdreg $0xFFFFFFFF  }
0xa8: {  	s28 =	simm.s32 $_size_execute0_lowered;
	s4 =	sadd.s32 s4, s6;
	[dreg:$0x0] =	wrdreg $0x0  }
0xa9: {  	s6 =	sshll.u32 s28, $0x1;
	[dreg:$0x2] =	wrdreg s4  }
0xaa: {  	[dreg:$0x3] =	wrdreg s6  }
0xab: {  	[dreg:$0x4] =	wrdreg $0xC0  }
0xac: {  	_ =	task [dreg:s8], $0x5FFFF  }
0xad: {  	[dreg:$0x1] =	wrdreg $0xFFFFFFFF  }
0xae: {  	[dreg:$0x0] =	wrdreg $0x60  }
0xaf: {  	[dreg:$0x2] =	wrdreg s2  }
0xb0: {  	[dreg:$0x3] =	wrdreg s18  }
0xb1: {  	[dreg:$0x4] =	wrdreg s24  }
0xb2: {  	[dreg:$0x5] =	wrdreg $0x0  }
0xb3: {  	[dreg:$0x6] =	wrdreg $0xA  }
0xb4: {  	_ =	task.clear_ibuf [dreg:s8], $0x7FFFF;
	_ =	strace $0x90000046  }
0xb5: {  	s29 =	simm.s32 $0xA;
	_ =	strace $0x80000048  }
0xb6: {  	_ =	swait.ge [sflag:s29], $0x1  }
0xb7: {  	[sflag:s29] =	ssyncadd.s32 $0xFFFFFFFF  }
0xb8: {  	_ =	strace $0x90000048  }
0xb9: {  	_ =	sfence  }
0xba: {  	s30 =	sld [smem:$0x0];
	_ =	sdelay $0x2  }
0xbb: {  	s31 =	sshll.u32 s1, $0xD;
	s1 =	sshrl.u32 s1, $0x2  }
0xbc: {  	s3 =	sand.u32 $0x4000, s31;
	s1 =	sadd.s32 s1, s30  }
0xbd: {  	s0 =	sor.u32 s3, s0;
	s1 =	sshll.u32 s1, $0x11  }
0xbe: {  	s0 =	sor.u32 s1, s0  }
0xbf: {  	s0 =	sadd.s32 $0x8F2B, s0  }
0xc0: {  	[sflag:s0] =	ssyncadd.remote.s32 $0x1  }
0xc1: {  	_ =	sfence.sel $0xFFFF  }
0xc2: {  	[dreg:$0x0] =	wrdreg $0xFFFFFFFF;
	(pc) =	sbr.abs _section_cstart, $3  }
0xc3: {  	[dreg:$0x1] =	wrdreg $0xFFFFFFFF  }
0xc4: {  	_ =	task.clear_ibuf [dreg:s8], $0x2FFFF;
	_ =	strace $0x9FFFFFFF  }
0xc5: {  	(tm) =	ssettm $0x7FFFFFFF  }
tec
execute0_lowered:
.L_overlay_start_1:
0x0: {  	(tag) =	ssettag $0x1  }
0x1: {  	s0 =	rddreg [dreg:$0x0]  }
0x2: {  	s1 =	rddreg [dreg:$0x2];
	s2 =	srdreg.scid  }
0x3: {  	s8 =	stileid.u32;
	s3 =	rddreg [dreg:$0x3];
	s4 =	simm.s32 $0x0  }
0x4: {  	s28 =	simm.s32 $0x14000;
	s29 =	simm.s32 $0x14080;
	s30 =	simm.s32 $0x80  }
0x5: {  	s31 =	simm.s32 $0x2;
	s2 =	sand.u32 $0x1, s2;
	s5 =	smul.u32 $0x280, s8  }
0x6: {  	[smem:$0x7FF] =	sst s4;
	s19 =	sadd.s32 $0x2000, s1;
	s7 =	smul.u32 $0x50000, s8  }
0x7: {  	p0 =	seq.s32 s8, $0x0;
	s12 =	sshll.u32 s8, $0x6;
	s6 =	smul.u32 $0x2800, s2  }
0x8: {  	_ =	strace $0x80000047;
	[dreg:$0x5] =	wrdreg s19;
	s20 =	ssub.s32 $0x2, s2  }
0x9: {  	s2 =	sshll.u32 s2, $0x5;
	s21 =	sshrl.u32 s20, $0x1;
	s7 =	sshrl.u32 s7, $0x2  }
0xa: {  	s10 =	sor.u32 s2, s12;
	s5 =	sadd.s32 s5, s6;
	s6 =	simm.s32 $0x28  }
0xb: {  	s7 =	sadd.s32 s7, s3;
	s13 =	sadd.s32 s10, s0;
	s0 =	sadd.s32 s12, s0  }
0xc: {  	s5 =	sshll.u32 s5, $0x4;
	s6 =	simm.s32 @!p0 $0x27;
	s8 =	sadd.s32 $0x4000, s7  }
0xd: {  	s9 =	sadd.s32 $0x8000, s7;
	s10 =	sadd.s32 $0xC000, s7;
	s14 =	sadd.s32 $0x10, s13  }
0xe: {  	s22 =	sadd.s32 $0x410, s13;
	s1 =	sadd.s32 s5, s1;
	[dreg:$0x6] =	wrdreg s14  }
0xf: {  	s11 =	sadd.s32 $0x10000, s7;
	[dreg:$0x7] =	wrdreg s22;
	s15 =	sadd.s32 $0x2800, s1  }
0x10: {  	s0 =	sadd.s32 s2, s0;
	s23 =	sadd.s32 $0x3000, s1;
	[dreg:$0x8] =	wrdreg s15  }
0x11: {  	s2 =	simm.s32 $0x0;
	s24 =	sadd.s32 $0x3800, s1;
	[dreg:$0x9] =	wrdreg s23  }
0x12: {  	s5 =	ssub.s32 s20, s21;
	s25 =	sadd.s32 $0x4000, s1;
	[dreg:$0xa] =	wrdreg s24  }
0x13: {  	s14 =	sadd.s32 $0xFFFFFFFF, s6;
	s1 =	sadd.s32 $0x4800, s1;
	[dreg:$0xb] =	wrdreg s25  }
0x14: {  	s21 =	sadd.s32 $0x810, s13;
	s26 =	smax.u32 s5, $0x1;
	[dreg:$0xc] =	wrdreg s1  }
0x15: {  	s22 =	sadd.s32 $0xC10, s13;
	s13 =	sadd.s32 $0x1410, s0;
	[dreg:$0xd] =	wrdreg s26  }
0x16: {  	s24 =	simm.s32 $0x18100;
	s25 =	simm.s32 $0x3;
	s26 =	simm.s32 $0x14100  }
.LBB2_1:
0x17: {  	s0 =	rddreg [dreg:$0x1]  }
0x18: {  	[tilespmem:s24], [sflag:$0x3] =	stream.linear.gather [hbm4b:s0+s4], $0x4000, $0x38;
	[tilespmem:$0x1C100] =	vst v63  }
0x19: {  	_ =	swait.ge [sflag:s25], $0x4000  }
0x1a: {  	[sflag:s25] =	ssyncset.done $0x0  }
0x1b: {  	s19 =	rddreg [dreg:$0x5];
	[sflag:s25] =	ssyncadd.s32 $0xFFFFC000  }
0x1c: {  	[tilespmem:s26], [sflag:$0x3] =	stream.linear.gather [hbm4b:s19+s4], $0x4000, $0x38;
	[tilespmem:$0x1C100] =	vst v63  }
0x1d: {  	_ =	swait.ge [sflag:s25], $0x4000  }
0x1e: {  	[sflag:s25] =	ssyncset.done $0x0  }
0x1f: {  	[sflag:s25] =	ssyncadd.s32 $0xFFFFC000  }
0x20: {  	[spmem:s7] =	stream.linear.scatter [tilespmem:s24], [sflag:$0x3], $0x4000, $0x38;
	[tilespmem:$0x1C100] =	vst v63  }
0x21: {  	_ =	swait.ge [sflag:s25], $0x4000  }
0x22: {  	[sflag:s25] =	ssyncset.done $0x0  }
0x23: {  	[sflag:s25] =	ssyncadd.s32 $0xFFFFC000  }
0x24: {  	[spmem:s8] =	stream.linear.scatter [tilespmem:s24], [sflag:$0x3], $0x4000, $0x38;
	[tilespmem:$0x1C100] =	vst v63  }
0x25: {  	_ =	swait.ge [sflag:s25], $0x4000  }
0x26: {  	[sflag:s25] =	ssyncset.done $0x0  }
0x27: {  	[sflag:s25] =	ssyncadd.s32 $0xFFFFC000  }
0x28: {  	[spmem:s9] =	stream.linear.scatter [tilespmem:s24], [sflag:$0x3], $0x4000, $0x38;
	[tilespmem:$0x1C100] =	vst v63  }
0x29: {  	_ =	swait.ge [sflag:s25], $0x4000  }
0x2a: {  	[sflag:s25] =	ssyncset.done $0x0  }
0x2b: {  	[sflag:s25] =	ssyncadd.s32 $0xFFFFC000  }
0x2c: {  	[spmem:s10] =	stream.linear.scatter [tilespmem:s24], [sflag:$0x3], $0x4000, $0x38;
	[tilespmem:$0x1C100] =	vst v63  }
0x2d: {  	_ =	swait.ge [sflag:s25], $0x4000  }
0x2e: {  	[sflag:s25] =	ssyncset.done $0x0  }
0x2f: {  	[sflag:s25] =	ssyncadd.s32 $0xFFFFC000  }
0x30: {  	[spmem:s11] =	stream.linear.scatter [tilespmem:s24], [sflag:$0x3], $0x4000, $0x38;
	[tilespmem:$0x1C100] =	vst v63  }
0x31: {  	_ =	swait.ge [sflag:s25], $0x4000  }
0x32: {  	[sflag:s25] =	ssyncset.done $0x0  }
0x33: {  	[sflag:s25] =	ssyncadd.s32 $0xFFFFC000  }
0x34: {  	[bflag:$0x0] =	sbarrier.arrive $0xFFFF  }
0x35: {  	s20 =	rddreg [dreg:$0x6]  }
0x36: {  	[tilespmem:s28], [sflag:$0x3] =	stream.linear.gather [hbm4b:s20+s4], $0x80, $0x38;
	[tilespmem:$0x1C100] =	vst v63  }
0x37: {  	_ =	swait.ge [sflag:s25], $0x80  }
0x38: {  	[sflag:s25] =	ssyncset.done $0x0  }
0x39: {  	s23 =	rddreg [dreg:$0x7];
	[sflag:s25] =	ssyncadd.s32 $0xFFFFFF80  }
0x3a: {  	[tilespmem:s29], [sflag:$0x2] =	stream.linear.gather [hbm4b:s23+s4], $0x80, $0x38;
	[tilespmem:$0x1C100] =	vst v63  }
0x3b: {  	_ = 	snop  }
0x3c: {  	[spmem:s3] =	stream.indirect.scatter.add.f32 [tilespmem:s26], [sflag:$0x3], $0x80, s28, s30, $0xb8;
	[tilespmem:$0x1C100] =	vst v63  }
0x3d: {  	_ =	swait.ge [sflag:s25], $0x4000  }
0x3e: {  	[sflag:s25] =	ssyncset.done $0x0  }
0x3f: {  	[sflag:s25] =	ssyncadd.s32 $0xFFFFC000  }
0x40: {  	[tilespmem:s28], [sflag:$0x1] =	stream.linear.gather [hbm4b:s21+s4], $0x80, $0x38;
	[tilespmem:$0x1C100] =	vst v63  }
0x41: {  	_ =	swait.ge [sflag:s31], $0x80  }
0x42: {  	[sflag:s31] =	ssyncset.done $0x0  }
0x43: {  	[sflag:s31] =	ssyncadd.s32 $0xFFFFFF80  }
0x44: {  	[spmem:s3] =	stream.indirect.scatter.add.f32 [tilespmem:s26], [sflag:$0x3], $0x80, s29, s30, $0xb8;
	[tilespmem:$0x1C100] =	vst v63  }
0x45: {  	_ =	swait.ge [sflag:s25], $0x4000  }
0x46: {  	p1 =	sle.u32 s6, $0x2;
	[sflag:s25] =	ssyncset.done $0x0  }
0x47: {  	s0 =	simm.s32 @!p1 $0x1;
	p0 =	sle.u32 @!p1 s6, $0x4;
	[sflag:s25] =	ssyncadd.s32 $0xFFFFC000  }
0x48: {  	[tilespmem:s29], [sflag:$0x2] =	stream.linear.gather [hbm4b:s22+s4], $0x80, $0x38;
	[tilespmem:$0x1C100] =	vst v63  }
0x49: {  	s1 =	simm.s32 @!p1 $0x14100;
	s5 =	simm.s32 @!p1 $0x3;
	_ =	swait.ge @!p1 [sflag:s0], $0x80  }
0x4a: {  	s12 =	simm.s32 @!p1 $0x14000;
	p2 =	por p0, p1;
	[sflag:s0] =	ssyncset.done @!p1 $0x0  }
0x4b: {  	p0 =	sle.u32 s14, $0x2;
	[sflag:s0] =	ssyncadd.s32 @!p1 $0xFFFFFF80;
	s0 =	simm.s32 @!p1 $0x80  }
0x4c: {  	[spmem:s3] =	stream.indirect.scatter.add.f32 @!p1 [tilespmem:s1], [sflag:$0x3], $0x80, s12, s0, $0xb8;
	[tilespmem:$0x1C100] =	vst v63  }
0x4d: {  	s15 =	simm.s32 @!p0 $0x2;
	_ =	swait.ge @!p1 [sflag:s5], $0x4000  }
0x4e: {  	s16 =	simm.s32 @!p0 $0x3;
	s0 =	simm.s32 @!p2 $0x0;
	[sflag:s5] =	ssyncset.done @!p1 $0x0  }
0x4f: {  	s1 =	simm.s32 @!p2 $0x14000;
	[sflag:s5] =	ssyncadd.s32 @!p1 $0xFFFFC000;
	s5 =	sadd.s32 @!p2 $0xFFFFFC00, s13  }
0x50: {  	[tilespmem:s1], [sflag:$0x1] =	stream.linear.gather @!p2 [hbm4b:s5+s0], $0x80, $0x38;
	[tilespmem:$0x1C100] =	vst v63  }
0x51: {  	s23 =	smov.u32 s13;
	s12 =	simm.s32 $0x4;
	_ =	swait.ge @!p0 [sflag:s15], $0x80  }
0x52: {  	p1 =	sle.u32 @!p0 s6, $0x5;
	s0 =	simm.s32 @!p0 $0x14080;
	[sflag:s15] =	ssyncset.done @!p0 $0x0  }
0x53: {  	s5 =	simm.s32 @!p0 $0x14100;
	[sflag:s15] =	ssyncadd.s32 @!p0 $0xFFFFFF80;
	s15 =	simm.s32 @!p0 $0x80  }
0x54: {  	[spmem:s3] =	stream.indirect.scatter.add.f32 @!p0 [tilespmem:s5], [sflag:$0x3], $0x80, s0, s15, $0xb8;
	[tilespmem:$0x1C100] =	vst v63  }
0x55: {  	s1 =	simm.s32 $0x7;
	p2 =	por p1, p0;
	_ =	swait.ge @!p0 [sflag:s16], $0x4000  }
0x56: {  	s5 =	simm.s32 $0x9;
	s0 =	sadd.s32 $0x800, s13;
	[sflag:s16] =	ssyncset.done @!p0 $0x0  }
0x57: {  	s15 =	simm.s32 @!p2 $0x0;
	[sflag:s16] =	ssyncadd.s32 @!p0 $0xFFFFC000;
	s16 =	simm.s32 @!p2 $0x14080  }
.LBB2_2:
0x58: {  	[tilespmem:s16], [sflag:$0x2] =	stream.linear.gather @!p2 [hbm4b:s23+s15], $0x80, $0x38;
	[tilespmem:$0x1C100] =	vst v63  }
0x59: {  	s15 =	smov.u32 s5;
	s23 =	smov.u32 s0  }
0x5a: {  	s5 =	sadd.s32 $0x2, s5;
	p2 =	sge.u32 s12, s6;
	s16 =	sadd.s32 $0xFFFFFFFD, s15  }
0x5b: {  	p0 =	sne.s32 s5, $0x2B;
	s17 =	simm.s32 @!p2 $0x1;
	s18 =	sadd.s32 @!p2 $0xFFFFFFFF, s1  }
0x5c: {  	p1 =	sge.u32 @!p2 s18, s6;
	_ =	swait.ge @!p2 [sflag:s17], $0x80  }
0x5d: {  	s19 =	simm.s32 @!p2 $0x3;
	s18 =	simm.s32 @!p2 $0x14100;
	[sflag:s17] =	ssyncset.done @!p2 $0x0  }
0x5e: {  	s20 =	simm.s32 @!p2 $0x14000;
	[sflag:s17] =	ssyncadd.s32 @!p2 $0xFFFFFF80;
	s17 =	simm.s32 @!p2 $0x80  }
0x5f: {  	[spmem:s3] =	stream.indirect.scatter.add.f32 @!p2 [tilespmem:s18], [sflag:$0x3], $0x80, s20, s17, $0xb8;
	[tilespmem:$0x1C100] =	vst v63  }
0x60: {  	p3 =	por p1, p2;
	p1 =	sge.u32 s12, s14;
	_ =	swait.ge @!p2 [sflag:s19], $0x4000  }
0x61: {  	s12 =	simm.s32 @!p3 $0x0;
	s17 =	simm.s32 @!p3 $0x14000;
	[sflag:s19] =	ssyncset.done @!p2 $0x0  }
0x62: {  	s18 =	sadd.s32 @!p3 $0xFFFFFC00, s0;
	[sflag:s19] =	ssyncadd.s32 @!p2 $0xFFFFC000;
	s19 =	simm.s32 @!p1 $0x2  }
0x63: {  	[tilespmem:s17], [sflag:$0x1] =	stream.linear.gather @!p3 [hbm4b:s18+s12], $0x80, $0x38;
	[tilespmem:$0x1C100] =	vst v63  }
0x64: {  	p2 =	sge.u32 @!p1 s1, s6;
	s17 =	simm.s32 @!p1 $0x3;
	_ =	swait.ge @!p1 [sflag:s19], $0x80  }
0x65: {  	s1 =	simm.s32 @!p1 $0x14080;
	s12 =	simm.s32 @!p1 $0x14100;
	[sflag:s19] =	ssyncset.done @!p1 $0x0  }
.Ltmp0:
0x66: {  	s18 =	simm.s32 @!p1 $0x80;
	[sflag:s19] =	ssyncadd.s32 @!p1 $0xFFFFFF80;
	(pc) =	sbr.rel @p0 .LBB2_2-.Ltmp0, $4  }
0x67: {  	[spmem:s3] =	stream.indirect.scatter.add.f32 @!p1 [tilespmem:s12], [sflag:$0x3], $0x80, s1, s18, $0xb8;
	[tilespmem:$0x1C100] =	vst v63  }
0x68: {  	p2 =	por p2, p1;
	s12 =	smov.u32 s16;
	_ =	swait.ge @!p1 [sflag:s17], $0x4000  }
0x69: {  	s0 =	sadd.s32 $0x800, s0;
	s1 =	smov.u32 s15;
	[sflag:s17] =	ssyncset.done @!p1 $0x0  }
0x6a: {  	s15 =	simm.s32 @!p2 $0x0;
	s16 =	simm.s32 @!p2 $0x14080;
	[sflag:s17] =	ssyncadd.s32 @!p1 $0xFFFFC000  }
0x6b: {  	[tilespmem:s16], [sflag:$0x2] =	stream.linear.gather @!p2 [hbm4b:s23+s15], $0x80, $0x38;
	[tilespmem:$0x1C100] =	vst v63  }
0x6c: {  	p1 =	sge.u32 s12, s6  }
0x6d: {  	s5 =	simm.s32 @!p1 $0x1  }
0x6e: {  	s15 =	sadd.s32 @!p1 $0xFFFFFFFF, s1;
	s16 =	simm.s32 @!p1 $0x3;
	_ =	swait.ge @!p1 [sflag:s5], $0x80  }
0x6f: {  	s17 =	simm.s32 @!p1 $0x14000;
	p0 =	sge.u32 @!p1 s15, s6;
	[sflag:s5] =	ssyncset.done @!p1 $0x0  }
0x70: {  	s15 =	simm.s32 @!p1 $0x14100;
	[sflag:s5] =	ssyncadd.s32 @!p1 $0xFFFFFF80;
	s5 =	simm.s32 @!p1 $0x80  }
0x71: {  	[spmem:s3] =	stream.indirect.scatter.add.f32 @!p1 [tilespmem:s15], [sflag:$0x3], $0x80, s17, s5, $0xb8;
	[tilespmem:$0x1C100] =	vst v63  }
0x72: {  	p2 =	por p0, p1;
	p0 =	sge.u32 s12, s14;
	_ =	swait.ge @!p1 [sflag:s16], $0x4000  }
0x73: {  	s12 =	simm.s32 @!p2 $0x14000;
	s5 =	simm.s32 @!p2 $0x0;
	[sflag:s16] =	ssyncset.done @!p1 $0x0  }
0x74: {  	s15 =	sadd.s32 @!p2 $0xFFFFFC00, s0;
	[sflag:s16] =	ssyncadd.s32 @!p1 $0xFFFFC000;
	s16 =	simm.s32 @!p0 $0x2  }
0x75: {  	[tilespmem:s12], [sflag:$0x1] =	stream.linear.gather @!p2 [hbm4b:s15+s5], $0x80, $0x38;
	[tilespmem:$0x1C100] =	vst v63  }
0x76: {  	_ =	swait.ge @!p0 [sflag:s16], $0x80  }
0x77: {  	s5 =	simm.s32 @!p0 $0x3;
	s12 =	simm.s32 @!p0 $0x14080;
	[sflag:s16] =	ssyncset.done @!p0 $0x0  }
0x78: {  	s15 =	simm.s32 @!p0 $0x14100;
	[sflag:s16] =	ssyncadd.s32 @!p0 $0xFFFFFF80;
	s16 =	simm.s32 @!p0 $0x80  }
0x79: {  	[spmem:s3] =	stream.indirect.scatter.add.f32 @!p0 [tilespmem:s15], [sflag:$0x3], $0x80, s12, s16, $0xb8;
	[tilespmem:$0x1C100] =	vst v63  }
0x7a: {  	p1 =	sge.u32 @!p0 s1, s6;
	_ =	swait.ge @!p0 [sflag:s5], $0x4000  }
0x7b: {  	p1 =	por p1, p0;
	[sflag:s5] =	ssyncset.done @!p0 $0x0  }
0x7c: {  	s1 =	simm.s32 @!p1 $0x0;
	[sflag:s5] =	ssyncadd.s32 @!p0 $0xFFFFC000;
	s5 =	simm.s32 @!p1 $0x14080  }
0x7d: {  	[tilespmem:s5], [sflag:$0x2] =	stream.linear.gather @!p1 [hbm4b:s0+s1], $0x80, $0x38;
	[tilespmem:$0x1C100] =	vst v63  }
0x7e: {  	[bflag:$0x0] =	sbarrier.arrive $0xFFFF  }
0x7f: {  	[tilespmem:s24], [sflag:$0x3] =	stream.linear.gather [spmem:s7], $0x4000, $0x38;
	[tilespmem:$0x1C100] =	vst v63  }
0x80: {  	_ =	swait.ge [sflag:s25], $0x4000  }
0x81: {  	[sflag:s25] =	ssyncset.done $0x0  }
0x82: {  	s16 =	rddreg [dreg:$0x8];
	[sflag:s25] =	ssyncadd.s32 $0xFFFFC000  }
0x83: {  	[hbm4b:s16+s4] =	stream.linear.scatter [tilespmem:s24], [sflag:$0x3], $0x4000, $0x38;
	[tilespmem:$0x1C100] =	vst v63  }
0x84: {  	_ =	swait.ge [sflag:s25], $0x4000  }
0x85: {  	[sflag:s25] =	ssyncset.done $0x0  }
0x86: {  	[sflag:s25] =	ssyncadd.s32 $0xFFFFC000  }
0x87: {  	[tilespmem:s24], [sflag:$0x3] =	stream.linear.gather [spmem:s8], $0x4000, $0x38;
	[tilespmem:$0x1C100] =	vst v63  }
0x88: {  	_ =	swait.ge [sflag:s25], $0x4000  }
0x89: {  	[sflag:s25] =	ssyncset.done $0x0  }
0x8a: {  	s17 =	rddreg [dreg:$0x9];
	[sflag:s25] =	ssyncadd.s32 $0xFFFFC000  }
0x8b: {  	[hbm4b:s17+s4] =	stream.linear.scatter [tilespmem:s24], [sflag:$0x3], $0x4000, $0x38;
	[tilespmem:$0x1C100] =	vst v63  }
0x8c: {  	_ =	swait.ge [sflag:s25], $0x4000  }
0x8d: {  	[sflag:s25] =	ssyncset.done $0x0  }
0x8e: {  	[sflag:s25] =	ssyncadd.s32 $0xFFFFC000  }
0x8f: {  	[tilespmem:s24], [sflag:$0x3] =	stream.linear.gather [spmem:s9], $0x4000, $0x38;
	[tilespmem:$0x1C100] =	vst v63  }
0x90: {  	_ =	swait.ge [sflag:s25], $0x4000  }
0x91: {  	[sflag:s25] =	ssyncset.done $0x0  }
0x92: {  	s18 =	rddreg [dreg:$0xa];
	[sflag:s25] =	ssyncadd.s32 $0xFFFFC000  }
0x93: {  	[hbm4b:s18+s4] =	stream.linear.scatter [tilespmem:s24], [sflag:$0x3], $0x4000, $0x38;
	[tilespmem:$0x1C100] =	vst v63  }
0x94: {  	_ =	swait.ge [sflag:s25], $0x4000  }
0x95: {  	[sflag:s25] =	ssyncset.done $0x0  }
0x96: {  	[sflag:s25] =	ssyncadd.s32 $0xFFFFC000  }
0x97: {  	[tilespmem:s24], [sflag:$0x3] =	stream.linear.gather [spmem:s10], $0x4000, $0x38;
	[tilespmem:$0x1C100] =	vst v63  }
0x98: {  	_ =	swait.ge [sflag:s25], $0x4000  }
0x99: {  	[sflag:s25] =	ssyncset.done $0x0  }
0x9a: {  	s19 =	rddreg [dreg:$0xb];
	[sflag:s25] =	ssyncadd.s32 $0xFFFFC000  }
0x9b: {  	[hbm4b:s19+s4] =	stream.linear.scatter [tilespmem:s24], [sflag:$0x3], $0x4000, $0x38;
	[tilespmem:$0x1C100] =	vst v63  }
0x9c: {  	_ =	swait.ge [sflag:s25], $0x4000  }
0x9d: {  	[sflag:s25] =	ssyncset.done $0x0  }
0x9e: {  	[sflag:s25] =	ssyncadd.s32 $0xFFFFC000  }
0x9f: {  	[tilespmem:s24], [sflag:$0x3] =	stream.linear.gather [spmem:s11], $0x4000, $0x38;
	[tilespmem:$0x1C100] =	vst v63  }
0xa0: {  	_ =	swait.ge [sflag:s25], $0x4000  }
0xa1: {  	[sflag:s25] =	ssyncset.done $0x0  }
0xa2: {  	s20 =	rddreg [dreg:$0xc];
	[sflag:s25] =	ssyncadd.s32 $0xFFFFC000  }
0xa3: {  	[hbm4b:s20+s4] =	stream.linear.scatter [tilespmem:s24], [sflag:$0x3], $0x4000, $0x38;
	[tilespmem:$0x1C100] =	vst v63  }
0xa4: {  	_ =	swait.ge [sflag:s25], $0x4000  }
0xa5: {  	s2 =	sadd.s32 $0x1, s2;
	s23 =	rddreg [dreg:$0xd]  }
0xa6: {  	p0 =	sne.s32 s2, s23  }
.Ltmp1:
0xa7: {  	_ = 	snop;
	(pc) =	sbr.rel @p0 .LBB2_1-.Ltmp1, $3  }
0xa8: {  	_ =	sdelay $0x1  }
0xa9: {  	[sflag:s25] =	ssyncset.done $0x0  }
0xaa: {  	[sflag:s25] =	ssyncadd.s32 $0xFFFFC000  }
0xab: {  	_ =	sfence.sel $0x180000  }
0xac: {  	[bflag:$0x0] =	sbarrier.arrive $0xFFFF  }
0xad: {  	_ =	strace $0x90000047  }
0xae: {  	s0 =	stileid.u32;
	[bflag:$0x2] =	sbarrier.arrive $0xFFFF  }
0xaf: {  	p0 =	sne.s32 s0, $0x0;
	s0 =	rddreg [dreg:$0x4]  }
0xb0: {  	s0 =	sadd.s32 @!p0 $0x100000, s0  }
0xb1: {  	[sflag:s0] =	ssyncadd.tile.s32 @!p0 $0x1;
	_ =	shalt  }
.Lfunc_end2:
_tile_overlayer_lowered:
.L_overlay_start_2:
0xb2: {  	(tag) =	ssettag $0x2  }
0xb3: {  	s0 =	rddreg [dreg:$0x0];
	s2 =	stileid.u32  }
0xb4: {  	s1 =	rddreg [dreg:$0x1];
	p0 =	sne.s32 s2, $0x0  }
0xb5: {  	s3 =	rddreg [dreg:$0x2];
	[bflag:$0x3] =	sbarrier.arrive $0xFFFF;
	s2 =	simm.s32 @!p0 $0x1C03  }
0xb6: {  	[timem:s3], [sflag:s2] =	dma.local @!p0 [hbm:s0], s1  }
0xb7: {  	s0 =	simm.s32 @!p0 $0x3  }
0xb8: {  	_ =	swait.ge @!p0 [sflag:s0], s1  }
0xb9: {  	s1 =	ssub.s32 @!p0 $0x0, s1;
	[sflag:s0] =	ssyncset.done @!p0 $0x0  }
0xba: {  	[sflag:s0] =	ssyncadd.s32 @!p0 s1  }
0xbb: {  	[bflag:$0x3] =	sbarrier.arrive $0xFFFF  }
0xbc: {  	_ =	shalt  }

// kernel: kernel.15.cloned.1.call-start
scs
__scs_entry_jumppad:
0x0: {  	(pc) =	sbr.rel $0x88, $3  }
0x1: {  	(tag) =	ssettag $0x0;
	lr =	simm.s32 $0x1  }
0x2: {  	[smem:$0x3F99] =	sst lr;
	_ =	strace $0xD0000000  }
0x3: {  	_ = 	snop  }
0x4: {  	_ = 	snop  }
0x5: {  	_ = 	snop  }
0x6: {  	_ = 	snop  }
0x7: {  	_ = 	snop  }
__scs_overlays_trampoline_lowered:
0x8: {  	[smem:$0x3FA8] =	sst s0  }
0x9: {  	[smem:$0x3FA9] =	sst s1  }
0xa: {  	[smem:$0x3FAA] =	sst s2  }
0xb: {  	[smem:$0x3FAB] =	sst s3  }
0xc: {  	[smem:$0x3FAC] =	sst s4  }
0xd: {  	[smem:$0x3FAD] =	sst s5  }
0xe: {  	[smem:$0x3FAE] =	sst s6  }
0xf: {  	[smem:$0x3FAF] =	sst s7  }
0x10: {  	[smem:$0x3FB0] =	sst s8  }
0x11: {  	[smem:$0x3FB1] =	sst s9;
	s0 =	simm.s32 @!p0 $0x0  }
0x12: {  	s1 =	sld [smem:$0x3F97];
	s0 =	simm.s32 @p0 $0x1  }
0x13: {  	[smem:$0x3FB2] =	sst s0;
	s0 =	simm.s32 @!p1 $0x0  }
0x14: {  	s2 =	sld [smem:$0x3F96];
	s0 =	simm.s32 @p1 $0x1  }
0x15: {  	[smem:$0x3FB3] =	sst s0;
	s0 =	simm.s32 @!p2 $0x0  }
0x16: {  	s3 =	sld [smem:$0x3FDB];
	s0 =	simm.s32 @p2 $0x1  }
0x17: {  	s4 =	simm.s32 $0x1BF5;
	[smem:$0x3FB5] =	sst s0  }
0x18: {  	s0 =	sld [smem:$0x3F98];
	_ =	swait.ge [sflag:s4], $0x0  }
0x19: {  	s7 =	sld [smem:$0x3F99]  }
0x1a: {  	s8 =	sadd.s32 $0xFFFFE003, lr  }
0x1b: {  	s9 =	sadd.s32 $0xFFFFFEF7, lr;
	s5 =	simm.s32 $0xFFFFFFFF;
	p2 =	slt.u32 s8, $0xFFFFF086  }
0x1c: {  	p1 =	slt.u32 s9, $0xF7A;
	s5 =	simm.s32 @!p2 $0x0  }
0x1d: {  	s5 =	simm.s32 @p1 $0x1;
	p0 =	seq.s32 s7, s2  }
0x1e: {  	s7 =	smul.u32 @!p0 $0xF7A, s2;
	p2 =	seq.s32 @!p0 s5, $0x0  }
0x1f: {  	s9 =	smul.u32 $0xF7A, s1;
	s8 =	simm.s32 @!p0 $0x1BF5;
	p2 =	por !p2, p0  }
0x20: {  	[sflag:s8] =	ssyncset.s32 @!p0 $0xFFFFF086;
	s6 =	sadd.s32 @!p0 s3, s7;
	s7 =	simm.s32 @!p0 $0x108  }
0x21: {  	s3 =	sadd.s32 s3, s9;
	s6 =	sadd.s32 @!p0 $0x88, s6;
	s7 =	simm.s32 @p2 $0x1082  }
0x22: {  	[simem:s7], [sflag:s8] =	dma.local @!p0 [hbm:s6], $0xF7A  }
0x23: {  	s9 =	sor.u32 $0xD0000000, s2;
	s6 =	simm.s32 $0x108;
	_ =	swait.ge @!p0 [sflag:s8], $0x0  }
0x24: {  	s3 =	sadd.s32 $0x88, s3;
	s6 =	simm.s32 @!p1 $0x1082;
	[sflag:s4] =	ssyncset.s32 $0xFFFFF086  }
0x25: {  	[simem:s6], [sflag:s4] =	dma.local [hbm:s3], $0xF7A  }
0x26: {  	[smem:$0x3F99] =	sst s1;
	(tag) =	ssettag s2;
	_ =	strace s9  }
0x27: {  	s1 =	sld [smem:$0x3FA9]  }
0x28: {  	s2 =	sld [smem:$0x3FAA]  }
0x29: {  	s4 =	sld [smem:$0x3FAC]  }
0x2a: {  	p0 =	seq.s32 s5, $0x0;
	s5 =	sld [smem:$0x3FAD]  }
0x2b: {  	s6 =	sld [smem:$0x3FAE]  }
0x2c: {  	s7 =	sld [smem:$0x3FAF]  }
0x2d: {  	s3 =	simm.s32 $0x108;
	s8 =	sld [smem:$0x3FB0]  }
0x2e: {  	s3 =	simm.s32 @!p0 $0x1082;
	s9 =	sld [smem:$0x3FB1]  }
0x2f: {  	lr =	sadd.s32 s0, s3;
	s0 =	sld [smem:$0x3FA8]  }
0x30: {  	s3 =	sld [smem:$0x3FAB]  }
0x31: {  	[smem:$0x3FB4] =	sst s10  }
0x32: {  	s10 =	sld [smem:$0x3FB2];
	_ =	sdelay $0x3  }
0x33: {  	p0 =	seq.s32 s10, $0x1;
	s10 =	sld [smem:$0x3FB4];
	_ =	sdelay $0x3  }
0x34: {  	[smem:$0x3FB4] =	sst s10  }
0x35: {  	s10 =	sld [smem:$0x3FB3];
	_ =	sdelay $0x3  }
0x36: {  	p1 =	seq.s32 s10, $0x1;
	s10 =	sld [smem:$0x3FB4];
	_ =	sdelay $0x3  }
0x37: {  	[smem:$0x3FB4] =	sst s10  }
0x38: {  	s10 =	sld [smem:$0x3FB5]  }
0x39: {  	_ = 	snop;
	(pc) =	sbr.ind lr, $3  }
0x3a: {  	_ = 	snop  }
0x3b: {  	_ = 	snop  }
0x3c: {  	p2 =	seq.s32 s10, $0x1;
	s10 =	sld [smem:$0x3FB4]  }
0x3d: {  	_ =	shalt  }
0x3e: {  	_ =	shalt  }
0x3f: {  	_ =	shalt  }
0x40: {  	_ =	shalt  }
0x41: {  	_ =	shalt  }
0x42: {  	_ =	shalt  }
0x43: {  	_ =	shalt  }
0x44: {  	_ =	shalt  }
0x45: {  	_ =	shalt  }
0x46: {  	_ =	shalt  }
0x47: {  	_ =	shalt  }
0x48: {  	_ =	shalt  }
0x49: {  	_ =	shalt  }
0x4a: {  	_ =	shalt  }
0x4b: {  	_ =	shalt  }
0x4c: {  	_ =	shalt  }
0x4d: {  	_ =	shalt  }
0x4e: {  	_ =	shalt  }
0x4f: {  	_ =	shalt  }
0x50: {  	_ =	shalt  }
0x51: {  	_ =	shalt  }
0x52: {  	_ =	shalt  }
0x53: {  	_ =	shalt  }
0x54: {  	_ =	shalt  }
0x55: {  	_ =	shalt  }
0x56: {  	_ =	shalt  }
0x57: {  	_ =	shalt  }
0x58: {  	_ =	shalt  }
0x59: {  	_ =	shalt  }
0x5a: {  	_ =	shalt  }
0x5b: {  	_ =	shalt  }
0x5c: {  	_ =	shalt  }
0x5d: {  	_ =	shalt  }
0x5e: {  	_ =	shalt  }
0x5f: {  	_ =	shalt  }
0x60: {  	_ =	shalt  }
0x61: {  	_ =	shalt  }
0x62: {  	_ =	shalt  }
0x63: {  	_ =	shalt  }
0x64: {  	_ =	shalt  }
0x65: {  	_ =	shalt  }
0x66: {  	_ =	shalt  }
0x67: {  	_ =	shalt  }
0x68: {  	_ =	shalt  }
0x69: {  	_ =	shalt  }
0x6a: {  	_ =	shalt  }
0x6b: {  	_ =	shalt  }
0x6c: {  	_ =	shalt  }
0x6d: {  	_ =	shalt  }
0x6e: {  	_ =	shalt  }
0x6f: {  	_ =	shalt  }
0x70: {  	_ =	shalt  }
0x71: {  	_ =	shalt  }
0x72: {  	_ =	shalt  }
0x73: {  	_ =	shalt  }
0x74: {  	_ =	shalt  }
0x75: {  	_ =	shalt  }
0x76: {  	_ =	shalt  }
0x77: {  	_ =	shalt  }
0x78: {  	_ =	shalt  }
0x79: {  	_ =	shalt  }
0x7a: {  	_ =	shalt  }
0x7b: {  	_ =	shalt  }
0x7c: {  	_ =	shalt  }
0x7d: {  	_ =	shalt  }
0x7e: {  	_ =	shalt  }
0x7f: {  	_ =	shalt  }
0x80: {  	_ =	shalt  }
0x81: {  	_ =	shalt  }
0x82: {  	_ =	shalt  }
0x83: {  	_ =	shalt  }
0x84: {  	_ =	shalt  }
0x85: {  	_ =	shalt  }
0x86: {  	_ =	shalt  }
0x87: {  	_ =	shalt  }
.Lfunc_end0:
.L_simem_size_0:
called_computation.2_lowered:
.L_overlay_start_0:
0x88: {  	s2 =	sld [smem:$0x3FD9]  }
0x89: {  	s3 =	sld [smem:$0x3FFE];
	_ =	sdelay $0x1  }
0x8a: {  	s1 =	srdreg.scid  }
0x8b: {  	s0 =	sand.u32 $0x1, s1  }
0x8c: {  	s17 =	sshll.u32 s0, $0xA;
	s2 =	sadd.s32 s3, s2  }
0x8d: {  	s2 =	sadd.s32 s2, s17  }
0x8e: {  	[smem:$0x3FC0] =	sst s2  }
0x8f: {  	_ = 	snop  }
0x90: {  	s2 =	sld [smem:$0x3FC8]  }
0x91: {  	s18 =	sld [smem:$0x3FD0];
	(tm) =	ssettm $0x1  }
0x92: {  	s4 =	sld [smem:$0x3FFB];
	_ =	sdelay $0x3  }
0x93: {  	_ =	strace s4  }
0x94: {  	s4 =	sld [smem:$0x3FFC];
	_ =	sdelay $0x3  }
0x95: {  	_ =	strace s4  }
0x96: {  	s4 =	sld [smem:$0x3FFD];
	_ =	sdelay $0x3  }
0x97: {  	_ =	strace s4  }
0x98: {  	_ =	strace $0x8FFFFFFF  }
0x99: {  	s19 =	sld [smem:$0x3FDB];
	_ =	sdelay $0x1  }
0x9a: {  	s5 =	simm.s32 $_scs_section_size  }
0x9b: {  	s6 =	simm.s32 $_size__tile_overlayer_lowered;
	s7 =	simm.s32 $_tile_overlayer_lowered  }
0x9c: {  	s22 =	simm.s32 $0x1BFF;
	s21 =	sshll.u32 s7, $0x1;
	s4 =	sadd.s32 s5, s19  }
0x9d: {  	s8 =	simm.s32 $0x0;
	s20 =	sshll.u32 s6, $0x1;
	s6 =	sadd.s32 s21, s4  }
0x9e: {  	[timem:s8], [sflag:s22] =	dma.local [hbm:s6], s20  }
0x9f: {  	_ =	swait.ge [sflag:s22], s20  }
0xa0: {  	s5 =	ssub.s32 $0x0, s20;
	[sflag:s22] =	ssyncset.done $0x0  }
0xa1: {  	[sflag:s22] =	ssyncadd.s32 s5;
	_ =	sdelay $0x1  }
0xa2: {  	s23 =	simm.s32 $0x1B8B  }
0xa3: {  	_ =	swait.ge [sflag:s23], $0x1  }
0xa4: {  	[sflag:s23] =	ssyncset.done $0x0  }
0xa5: {  	s25 =	simm.s32 $0x1B8E;
	s24 =	sld [smem:$0x3FFE];
	[sflag:s23] =	ssyncadd.s32 $0xFFFFFFFF  }
0xa6: {  	s26 =	simm.s32 $execute0_lowered;
	[smem:$0x3FD2] =	sst s25  }
0xa7: {  	s6 =	sshll.u32 s26, $0x1;
	_ =	strace $0x8000004C;
	[dreg:$0x1] =	wrdreg $0xFFFFFFFF  }
0xa8: {  	s28 =	simm.s32 $_size_execute0_lowered;
	s4 =	sadd.s32 s4, s6;
	[dreg:$0x0] =	wrdreg $0x0  }
0xa9: {  	s6 =	sshll.u32 s28, $0x1;
	[dreg:$0x2] =	wrdreg s4  }
0xaa: {  	[dreg:$0x3] =	wrdreg s6  }
0xab: {  	[dreg:$0x4] =	wrdreg $0xC0  }
0xac: {  	_ =	task [dreg:s8], $0x5FFFF  }
0xad: {  	[dreg:$0x1] =	wrdreg $0xFFFFFFFF  }
0xae: {  	[dreg:$0x0] =	wrdreg $0x60  }
0xaf: {  	[dreg:$0x2] =	wrdreg s24  }
0xb0: {  	[dreg:$0x3] =	wrdreg s2  }
0xb1: {  	[dreg:$0x4] =	wrdreg s18  }
0xb2: {  	[dreg:$0x5] =	wrdreg $0x0  }
0xb3: {  	[dreg:$0x6] =	wrdreg $0x9  }
0xb4: {  	_ =	task.clear_ibuf [dreg:s8], $0x7FFFF;
	_ =	strace $0x9000004C  }
0xb5: {  	s29 =	simm.s32 $0x9;
	_ =	strace $0x8000004E  }
0xb6: {  	_ =	swait.ge [sflag:s29], $0x1  }
0xb7: {  	[sflag:s29] =	ssyncadd.s32 $0xFFFFFFFF  }
0xb8: {  	_ =	strace $0x9000004E  }
0xb9: {  	_ =	sfence  }
0xba: {  	s30 =	sld [smem:$0x0];
	_ =	sdelay $0x2  }
0xbb: {  	s31 =	sshll.u32 s1, $0xD;
	s1 =	sshrl.u32 s1, $0x2  }
0xbc: {  	s3 =	sand.u32 $0x4000, s31;
	s1 =	sadd.s32 s1, s30  }
0xbd: {  	s0 =	sor.u32 s3, s0;
	s1 =	sshll.u32 s1, $0x11  }
0xbe: {  	s0 =	sor.u32 s1, s0  }
0xbf: {  	s0 =	sadd.s32 $0x8F2B, s0  }
0xc0: {  	[sflag:s0] =	ssyncadd.remote.s32 $0x1  }
0xc1: {  	_ =	sfence.sel $0xFFFF  }
0xc2: {  	[dreg:$0x0] =	wrdreg $0xFFFFFFFF;
	(pc) =	sbr.abs _section_cstart, $3  }
0xc3: {  	[dreg:$0x1] =	wrdreg $0xFFFFFFFF  }
0xc4: {  	_ =	task.clear_ibuf [dreg:s8], $0x2FFFF;
	_ =	strace $0x9FFFFFFF  }
0xc5: {  	(tm) =	ssettm $0x7FFFFFFF  }
tec
execute0_lowered:
.L_overlay_start_1:
0x0: {  	(tag) =	ssettag $0x1  }
0x1: {  	s0 =	rddreg [dreg:$0x0]  }
0x2: {  	s1 =	rddreg [dreg:$0x1];
	s2 =	srdreg.scid  }
0x3: {  	s3 =	rddreg [dreg:$0x3];
	s9 =	stileid.u32;
	s4 =	simm.s32 $0x0  }
0x4: {  	s23 =	simm.s32 $0x14200;
	s24 =	simm.s32 $0x7;
	s31 =	simm.s32 $0x5  }
0x5: {  	s2 =	sand.u32 $0x1, s2;
	s5 =	smul.u32 $0x280, s9;
	[smem:$0x7FF] =	sst s4  }
0x6: {  	s8 =	smul.u32 $0x50000, s9;
	p0 =	slt.u32 s9, $0x2;
	s10 =	sshll.u32 s9, $0x5  }
0x7: {  	s13 =	smul.u32 $0x2800, s2;
	s2 =	ssub.s32 $0x2, s2;
	s10 =	sadd.s32 s1, s10  }
0x8: {  	_ =	strace $0x8000004D;
	s7 =	sshrl.u32 s2, $0x1;
	s1 =	sadd.s32 $0x10, s10  }
0x9: {  	s25 =	sshrl.u32 s8, $0x2;
	s26 =	sadd.s32 $0x200, s10;
	[dreg:$0x6] =	wrdreg s1  }
0xa: {  	s28 =	sadd.s32 $0x210, s10;
	s5 =	sadd.s32 s5, s13;
	[dreg:$0x7] =	wrdreg s26  }
0xb: {  	s2 =	ssub.s32 s2, s7;
	s7 =	sadd.s32 s25, s3;
	[dreg:$0x8] =	wrdreg s28  }
0xc: {  	s1 =	simm.s32 $0x0;
	s6 =	sshll.u32 s5, $0x4;
	s5 =	sadd.s32 $0x52800, s0  }
0xd: {  	s8 =	sadd.s32 $0x4000, s7;
	s9 =	sadd.s32 $0x8000, s7;
	s11 =	sadd.s32 $0xC000, s7  }
0xe: {  	s12 =	sadd.s32 $0x10000, s7;
	s0 =	sadd.s32 s6, s0;
	s6 =	simm.s32 $0x4F  }
0xf: {  	s22 =	smax.u32 s2, $0x1;
	s6 =	simm.s32 @!p0 $0x4E;
	s30 =	sadd.s32 $0xA2800, s0  }
0x10: {  	s18 =	sadd.s32 $0xA3000, s0;
	s19 =	sadd.s32 $0xA3800, s0;
	s20 =	sadd.s32 $0xA4000, s0  }
0x11: {  	s21 =	sadd.s32 $0xA4800, s0;
	s29 =	sadd.s32 $0xFFFFFFFE, s6;
	[dreg:$0x9] =	wrdreg s30  }
0x12: {  	v0 =	vmov s13;
	s0 =	simm.s32 $0x6;
	s16 =	sadd.s32 $0xFFFFFFFF, s6;
	[dreg:$0x5] =	wrdreg s29  }
.LBB2_1:
0x13: {  	s2 =	rddreg [dreg:$0x2]  }
0x14: {  	[tilespmem:s23], [sflag:$0x7] =	stream.linear.gather [hbm4b:s2+s4], $0x4000, $0x38;
	[tilespmem:$0x1C200] =	vst v63  }
0x15: {  	_ =	swait.ge [sflag:s24], $0x4000  }
0x16: {  	[sflag:s24] =	ssyncset.done $0x0  }
0x17: {  	[sflag:s24] =	ssyncadd.s32 $0xFFFFC000  }
0x18: {  	[spmem:s7] =	stream.linear.scatter [tilespmem:s23], [sflag:$0x7], $0x4000, $0x38;
	[tilespmem:$0x1C200] =	vst v63  }
0x19: {  	_ =	swait.ge [sflag:s24], $0x4000  }
0x1a: {  	[sflag:s24] =	ssyncset.done $0x0  }
0x1b: {  	[sflag:s24] =	ssyncadd.s32 $0xFFFFC000  }
0x1c: {  	[spmem:s8] =	stream.linear.scatter [tilespmem:s23], [sflag:$0x7], $0x4000, $0x38;
	[tilespmem:$0x1C200] =	vst v63  }
0x1d: {  	_ =	swait.ge [sflag:s24], $0x4000  }
0x1e: {  	[sflag:s24] =	ssyncset.done $0x0  }
0x1f: {  	[sflag:s24] =	ssyncadd.s32 $0xFFFFC000  }
0x20: {  	[spmem:s9] =	stream.linear.scatter [tilespmem:s23], [sflag:$0x7], $0x4000, $0x38;
	[tilespmem:$0x1C200] =	vst v63  }
0x21: {  	_ =	swait.ge [sflag:s24], $0x4000  }
0x22: {  	[sflag:s24] =	ssyncset.done $0x0  }
0x23: {  	[sflag:s24] =	ssyncadd.s32 $0xFFFFC000  }
0x24: {  	[spmem:s11] =	stream.linear.scatter [tilespmem:s23], [sflag:$0x7], $0x4000, $0x38;
	[tilespmem:$0x1C200] =	vst v63  }
0x25: {  	_ =	swait.ge [sflag:s24], $0x4000  }
0x26: {  	[sflag:s24] =	ssyncset.done $0x0  }
0x27: {  	[sflag:s24] =	ssyncadd.s32 $0xFFFFC000  }
0x28: {  	[spmem:s12] =	stream.linear.scatter [tilespmem:s23], [sflag:$0x7], $0x4000, $0x38;
	[tilespmem:$0x1C200] =	vst v63  }
0x29: {  	_ =	swait.ge [sflag:s24], $0x4000  }
0x2a: {  	[sflag:s24] =	ssyncset.done $0x0  }
0x2b: {  	[sflag:s24] =	ssyncadd.s32 $0xFFFFC000  }
0x2c: {  	s13 =	simm.s32 $0x14000;
	[bflag:$0x0] =	sbarrier.arrive $0xFFFF  }
0x2d: {  	[tilespmem:s13], [sflag:$0x7] =	stream.linear.gather [hbm4b:s10+s4], $0x80, $0x38;
	[tilespmem:$0x1C200] =	vst v63  }
0x2e: {  	_ =	swait.ge [sflag:s24], $0x80  }
0x2f: {  	[sflag:s24] =	ssyncset.done $0x0  }
0x30: {  	s14 =	simm.s32 $0x14100;
	s26 =	rddreg [dreg:$0x6];
	[sflag:s24] =	ssyncadd.s32 $0xFFFFFF80  }
0x31: {  	[tilespmem:s14], [sflag:$0x7] =	stream.linear.gather [hbm4b:s26+s4], $0x80, $0x38;
	[tilespmem:$0x1C200] =	vst v63  }
0x32: {  	_ =	swait.ge [sflag:s24], $0x80  }
0x33: {  	[sflag:s24] =	ssyncset.done $0x0  }
0x34: {  	[sflag:s24] =	ssyncadd.s32 $0xFFFFFF80  }
0x35: {  	v1 =	vld [tilespmem:$0x14000]  }
0x36: {  	v2 =	vld [tilespmem:$0x14010]  }
0x37: {  	v3 =	vld [tilespmem:$0x14020]  }
0x38: {  	v4 =	vld [tilespmem:$0x14030]  }
0x39: {  	v5 =	vld [tilespmem:$0x14040]  }
0x3a: {  	v6 =	vld [tilespmem:$0x14050];
	v1 =	vadd.s32 v0, v1  }
0x3b: {  	[tilespmem:$0x14000] =	vst v1;
	v1 =	vadd.s32 v0, v2;
	v2 =	vld [tilespmem:$0x14060]  }
0x3c: {  	[tilespmem:$0x14010] =	vst v1;
	v1 =	vadd.s32 v0, v3;
	v3 =	vld [tilespmem:$0x14070]  }
0x3d: {  	[tilespmem:$0x14020] =	vst v1;
	v1 =	vadd.s32 v0, v4  }
0x3e: {  	[tilespmem:$0x14030] =	vst v1;
	v1 =	vadd.s32 v0, v5  }
0x3f: {  	[tilespmem:$0x14040] =	vst v1;
	v1 =	vadd.s32 v0, v6  }
0x40: {  	[tilespmem:$0x14050] =	vst v1;
	v1 =	vadd.s32 v0, v2  }
0x41: {  	p0 =	sle.u32 s6, $0x0;
	[tilespmem:$0x14060] =	vst v1;
	v1 =	vadd.s32 v0, v3  }
0x42: {  	p1 =	sle.u32 @!p0 s16, $0x0;
	s14 =	simm.s32 $0x80;
	[tilespmem:$0x14070] =	vst v1  }
0x43: {  	[tilespmem:s23], [sflag:$0x1] =	stream.indirect.gather [hbm4b:s5+s14], $0x80, s13, s14, $0xb8;
	[tilespmem:$0x1C200] =	vst v63  }
0x44: {  	s17 =	simm.s32 $0x14080;
	p3 =	por p1, p0;
	s15 =	rddreg [dreg:$0x7]  }
0x45: {  	[tilespmem:s17], [sflag:$0x4] =	stream.linear.gather [hbm4b:s15+s4], $0x80, $0x38;
	[tilespmem:$0x1C200] =	vst v63  }
0x46: {  	s2 =	simm.s32 @!p3 $0x4;
	s26 =	simm.s32 $0x14180;
	s25 =	rddreg [dreg:$0x8]  }
0x47: {  	[tilespmem:s26], [sflag:$0x4] =	stream.linear.gather [hbm4b:s25+s4], $0x80, $0x38;
	[tilespmem:$0x1C200] =	vst v63  }
0x48: {  	_ =	swait.ge @!p3 [sflag:s2], $0x80  }
0x49: {  	[sflag:s2] =	ssyncset.done @!p3 $0x0  }
0x4a: {  	[sflag:s2] =	ssyncadd.s32 @!p3 $0xFFFFFF80  }
0x4b: {  	_ =	swait.ge @!p3 [sflag:s2], $0x80  }
0x4c: {  	[sflag:s2] =	ssyncset.done @!p3 $0x0  }
0x4d: {  	[sflag:s2] =	ssyncadd.s32 @!p3 $0xFFFFFF80  }
0x4e: {  	v1 =	vld @!p3 [tilespmem:$0x140E0]  }
0x4f: {  	v3 =	vld @!p3 [tilespmem:$0x140C0]  }
0x50: {  	v2 =	vld @!p3 [tilespmem:$0x140F0]  }
0x51: {  	v6 =	vld @!p3 [tilespmem:$0x140B0]  }
0x52: {  	v4 =	vld @!p3 [tilespmem:$0x140A0]  }
0x53: {  	v5 =	vld @!p3 [tilespmem:$0x140D0];
	v1 =	vadd.s32 @!p3 v0, v1  }
0x54: {  	v7 =	vld @!p3 [tilespmem:$0x14080];
	v3 =	vadd.s32 @!p3 v0, v3;
	[tilespmem:$0x140E0] =	vst @!p3 v1  }
0x55: {  	v1 =	vadd.s32 @!p3 v0, v2;
	v2 =	vld @!p3 [tilespmem:$0x14090];
	[tilespmem:$0x140C0] =	vst @!p3 v3  }
0x56: {  	v3 =	vadd.s32 @!p3 v0, v6;
	[tilespmem:$0x140F0] =	vst @!p3 v1  }
0x57: {  	v1 =	vadd.s32 @!p3 v0, v4;
	[tilespmem:$0x140B0] =	vst @!p3 v3  }
0x58: {  	p2 =	por @!p3 $0x1, $0x1;
	[tilespmem:$0x140A0] =	vst @!p3 v1;
	v1 =	vadd.s32 @!p3 v0, v5  }
0x59: {  	p1 =	por @!p0 p2, p1;
	[tilespmem:$0x140D0] =	vst @!p3 v1;
	v1 =	vadd.s32 @!p3 v0, v7  }
0x5a: {  	s28 =	simm.s32 $0x400;
	s29 =	simm.s32 $0x2;
	p4 =	por p1, p0;
	[tilespmem:$0x14080] =	vst @!p3 v1;
	v1 =	vadd.s32 @!p3 v0, v2  }
0x5b: {  	s30 =	simm.s32 @!p0 $0x1;
	p6 =	sle.u32 @!p0 s6, $0x2;
	s2 =	simm.s32 @!p4 $0x6;
	[tilespmem:$0x14090] =	vst @!p3 v1  }
0x5c: {  	p1 =	sle.u32 s16, $0x0;
	s13 =	simm.s32 @!p3 $0x18200;
	_ =	swait.ge @!p4 [sflag:s2], $0x4000  }
0x5d: {  	s14 =	simm.s32 @!p3 $0x80;
	s15 =	simm.s32 @!p3 $0x14080;
	[sflag:s2] =	ssyncset.done @!p4 $0x0  }
0x5e: {  	s26 =	simm.s32 $0x0;
	[sflag:s2] =	ssyncadd.s32 @!p4 $0xFFFFC000;
	s2 =	simm.s32 $0x0  }
.LBB2_2:
0x5f: {  	[tilespmem:s13], [sflag:$0x2] =	stream.indirect.gather @!p3 [hbm4b:s5+s14], $0x80, s15, s14, $0xb8;
	[tilespmem:$0x1C200] =	vst v63  }
0x60: {  	s13 =	smov.u32 s28;
	_ =	swait.ge @!p0 [sflag:s30], $0x4000  }
0x61: {  	s28 =	sadd.s32 $0x400, s28;
	s14 =	simm.s32 @!p0 $0x14200;
	[sflag:s30] =	ssyncset.done @!p0 $0x0  }
0x62: {  	s15 =	simm.s32 @!p0 $0x80;
	s17 =	simm.s32 @!p0 $0x14100;
	[sflag:s30] =	ssyncadd.s32 @!p0 $0xFFFFC000  }
0x63: {  	[spmem:s3] =	stream.indirect.scatter.add.f32 @!p0 [tilespmem:s14], [sflag:$0x5], $0x80, s17, s15, $0xb8;
	[tilespmem:$0x1C200] =	vst v63  }
0x64: {  	p2 =	por p6, p0;
	p0 =	sne.s32 s28, $0xA000  }
0x65: {  	s14 =	simm.s32 @!p0 $0x0  }
0x66: {  	s14 =	simm.s32 @p0 $0x1  }
0x67: {  	s25 =	simm.s32 @!p2 $0x0;
	[smem:$0x7FD] =	sst s14;
	s14 =	sadd.s32 @!p2 s2, s10  }
0x68: {  	s30 =	rddreg [dreg:$0x5];
	s15 =	simm.s32 @!p2 $0x14000;
	s17 =	sadd.s32 @!p2 $0x400, s14  }
0x69: {  	[tilespmem:s15], [sflag:$0x3] =	stream.linear.gather @!p2 [hbm4b:s17+s25], $0x80, $0x38;
	[tilespmem:$0x1C200] =	vst v63  }
0x6a: {  	p0 =	sge.u32 @!p1 s26, s30;
	s14 =	sadd.s32 @!p2 $0x410, s14;
	s15 =	simm.s32 @!p2 $0x14100  }
0x6b: {  	[tilespmem:s15], [sflag:$0x3] =	stream.linear.gather @!p2 [hbm4b:s14+s25], $0x80, $0x38;
	[tilespmem:$0x1C200] =	vst v63  }
0x6c: {  	p4 =	por p0, p1;
	s15 =	sadd.s32 @!p1 $0x3, s26  }
0x6d: {  	s14 =	simm.s32 @!p4 $0x3;
	p0 =	sge.u32 @!p1 s15, s6  }
0x6e: {  	_ =	swait.ge @!p4 [sflag:s14], $0x80;
	s15 =	simm.s32 @!p0 $0x0  }
0x6f: {  	[sflag:s14] =	ssyncset.done @!p4 $0x0;
	s15 =	simm.s32 @p0 $0x1  }
0x70: {  	[sflag:s14] =	ssyncadd.s32 @!p4 $0xFFFFFF80;
	[smem:$0x7FC] =	sst s15  }
0x71: {  	_ =	swait.ge @!p4 [sflag:s14], $0x80  }
0x72: {  	[sflag:s14] =	ssyncset.done @!p4 $0x0  }
0x73: {  	[sflag:s14] =	ssyncadd.s32 @!p4 $0xFFFFFF80  }
0x74: {  	v1 =	vld @!p4 [tilespmem:$0x14000]  }
0x75: {  	v2 =	vld @!p4 [tilespmem:$0x14010]  }
0x76: {  	v3 =	vld @!p4 [tilespmem:$0x14020]  }
0x77: {  	v4 =	vld @!p4 [tilespmem:$0x14030]  }
0x78: {  	v5 =	vld @!p4 [tilespmem:$0x14050]  }
0x79: {  	v6 =	vld @!p4 [tilespmem:$0x14060];
	v1 =	vadd.s32 @!p4 v0, v1  }
0x7a: {  	[tilespmem:$0x14000] =	vst @!p4 v1;
	v1 =	vadd.s32 @!p4 v0, v2;
	v2 =	vld @!p4 [tilespmem:$0x14070]  }
0x7b: {  	[tilespmem:$0x14010] =	vst @!p4 v1;
	v1 =	vadd.s32 @!p4 v0, v3;
	v3 =	vld @!p4 [tilespmem:$0x14040]  }
0x7c: {  	[tilespmem:$0x14020] =	vst @!p4 v1;
	v1 =	vadd.s32 @!p4 v0, v4  }
0x7d: {  	[tilespmem:$0x14030] =	vst @!p4 v1;
	v1 =	vadd.s32 @!p4 v0, v5  }
0x7e: {  	[tilespmem:$0x14050] =	vst @!p4 v1;
	v1 =	vadd.s32 @!p4 v0, v6  }
0x7f: {  	p0 =	sge.u32 s29, s6;
	[tilespmem:$0x14060] =	vst @!p4 v1;
	v1 =	vadd.s32 @!p4 v0, v2  }
0x80: {  	s14 =	sadd.s32 @!p0 $0x2, s29;
	v2 =	vadd.s32 @!p4 v0, v3;
	[tilespmem:$0x14070] =	vst @!p4 v1  }
0x81: {  	p6 =	sge.u32 @!p0 s14, s6;
	s14 =	simm.s32 @!p4 $0x5;
	[tilespmem:$0x14040] =	vst @!p4 v2  }
0x82: {  	_ =	swait.ge @!p4 [sflag:s14], $0x4000  }
0x83: {  	s17 =	simm.s32 @!p1 $0x2;
	s25 =	simm.s32 @!p4 $0x14000;
	[sflag:s14] =	ssyncset.done @!p4 $0x0  }
0x84: {  	s15 =	simm.s32 @!p4 $0x14200;
	[sflag:s14] =	ssyncadd.s32 @!p4 $0xFFFFC000;
	s14 =	simm.s32 @!p4 $0x80  }
0x85: {  	[tilespmem:s15], [sflag:$0x1] =	stream.indirect.gather @!p4 [hbm4b:s5+s14], $0x80, s25, s14, $0xb8;
	[tilespmem:$0x1C200] =	vst v63  }
0x86: {  	_ =	swait.ge @!p1 [sflag:s17], $0x4000  }
0x87: {  	s14 =	simm.s32 @!p1 $0x14180;
	[sflag:s17] =	ssyncset.done @!p1 $0x0;
	s25 =	sld [smem:$0x7FC]  }
0x88: {  	s15 =	simm.s32 @!p1 $0x18200;
	[sflag:s17] =	ssyncadd.s32 @!p1 $0xFFFFC000;
	s17 =	simm.s32 @!p1 $0x80  }
0x89: {  	[spmem:s3] =	stream.indirect.scatter.add.f32 @!p1 [tilespmem:s15], [sflag:$0x6], $0x80, s14, s17, $0xb8;
	[tilespmem:$0x1C200] =	vst v63  }
0x8a: {  	p5 =	sge.u32 @!p0 s29, s16;
	p4 =	seq.s32 s25, $0x1  }
0x8b: {  	p3 =	por p5, p0;
	p4 =	por p4, p1  }
0x8c: {  	p2 =	seq.s32 @!p3 s13, $0x0;
	s14 =	sadd.s32 @!p4 s2, s10;
	s2 =	smov.u32 s13  }
0x8d: {  	s15 =	simm.s32 @!p4 $0x0;
	s17 =	simm.s32 @!p4 $0x14080;
	s13 =	sadd.s32 @!p4 $0x600, s14  }
0x8e: {  	[tilespmem:s17], [sflag:$0x4] =	stream.linear.gather @!p4 [hbm4b:s13+s15], $0x80, $0x38;
	[tilespmem:$0x1C200] =	vst v63  }
0x8f: {  	s14 =	sadd.s32 @!p4 $0x610, s14;
	s13 =	simm.s32 @!p3 $0x4;
	s17 =	simm.s32 @!p4 $0x14180  }
0x90: {  	[tilespmem:s17], [sflag:$0x4] =	stream.linear.gather @!p4 [hbm4b:s14+s15], $0x80, $0x38;
	[tilespmem:$0x1C200] =	vst v63  }
0x91: {  	_ =	swait.ge @!p3 [sflag:s13], $0x80  }
0x92: {  	[sflag:s13] =	ssyncset.done @!p3 $0x0  }
0x93: {  	[sflag:s13] =	ssyncadd.s32 @!p3 $0xFFFFFF80  }
0x94: {  	_ =	swait.ge @!p3 [sflag:s13], $0x80  }
0x95: {  	[sflag:s13] =	ssyncset.done @!p3 $0x0  }
0x96: {  	[sflag:s13] =	ssyncadd.s32 @!p3 $0xFFFFFF80  }
0x97: {  	v1 =	vld @!p3 [tilespmem:$0x140E0]  }
0x98: {  	v3 =	vld @!p3 [tilespmem:$0x140C0]  }
0x99: {  	v2 =	vld @!p3 [tilespmem:$0x140F0]  }
0x9a: {  	v6 =	vld @!p3 [tilespmem:$0x140B0]  }
0x9b: {  	v4 =	vld @!p3 [tilespmem:$0x140A0]  }
0x9c: {  	v5 =	vld @!p3 [tilespmem:$0x140D0];
	v1 =	vadd.s32 @!p3 v0, v1  }
0x9d: {  	v7 =	vld @!p3 [tilespmem:$0x14080];
	v3 =	vadd.s32 @!p3 v0, v3;
	[tilespmem:$0x140E0] =	vst @!p3 v1  }
0x9e: {  	v1 =	vadd.s32 @!p3 v0, v2;
	v2 =	vld @!p3 [tilespmem:$0x14090];
	[tilespmem:$0x140C0] =	vst @!p3 v3  }
0x9f: {  	v3 =	vadd.s32 @!p3 v0, v6;
	[tilespmem:$0x140F0] =	vst @!p3 v1  }
0xa0: {  	v1 =	vadd.s32 @!p3 v0, v4;
	[tilespmem:$0x140B0] =	vst @!p3 v3  }
0xa1: {  	[tilespmem:$0x140A0] =	vst @!p3 v1;
	v1 =	vadd.s32 @!p3 v0, v5  }
0xa2: {  	p5 =	por @!p0 p2, p5;
	[tilespmem:$0x140D0] =	vst @!p3 v1;
	v1 =	vadd.s32 @!p3 v0, v7  }
0xa3: {  	p2 =	por p5, p0;
	[tilespmem:$0x14080] =	vst @!p3 v1;
	v1 =	vadd.s32 @!p3 v0, v2  }
0xa4: {  	s14 =	simm.s32 @!p2 $0x6;
	[tilespmem:$0x14090] =	vst @!p3 v1  }
0xa5: {  	_ =	swait.ge @!p2 [sflag:s14], $0x4000  }
0xa6: {  	s25 =	sld [smem:$0x7FD];
	_ =	sdelay $0x1  }
0xa7: {  	[sflag:s14] =	ssyncset.done @!p2 $0x0  }
0xa8: {  	[sflag:s14] =	ssyncadd.s32 @!p2 $0xFFFFC000;
	p2 =	seq.s32 s25, $0x1  }
.Ltmp0:
0xa9: {  	_ = 	snop;
	(pc) =	sbr.rel @p2 .LBB2_2-.Ltmp0, $4  }
0xaa: {  	_ = 	snop  }
0xab: {  	s26 =	smov.u32 s29  }
0xac: {  	s30 =	simm.s32 @!p0 $0x1;
	p1 =	sge.u32 s29, s16;
	s29 =	sadd.s32 $0x2, s29  }
0xad: {  	s15 =	simm.s32 @!p3 $0x14080;
	s13 =	simm.s32 @!p3 $0x18200;
	s14 =	simm.s32 @!p3 $0x80  }
0xae: {  	[tilespmem:s13], [sflag:$0x2] =	stream.indirect.gather @!p3 [hbm4b:s5+s14], $0x80, s15, s14, $0xb8;
	[tilespmem:$0x1C200] =	vst v63  }
0xaf: {  	_ =	swait.ge @!p0 [sflag:s30], $0x4000  }
0xb0: {  	s13 =	simm.s32 @!p0 $0x14200;
	s14 =	simm.s32 @!p0 $0x80;
	[sflag:s30] =	ssyncset.done @!p0 $0x0  }
0xb1: {  	s15 =	simm.s32 @!p0 $0x14100;
	p2 =	por p6, p0;
	[sflag:s30] =	ssyncadd.s32 @!p0 $0xFFFFC000  }
0xb2: {  	[spmem:s3] =	stream.indirect.scatter.add.f32 @!p0 [tilespmem:s13], [sflag:$0x5], $0x80, s15, s14, $0xb8;
	[tilespmem:$0x1C200] =	vst v63  }
0xb3: {  	s25 =	simm.s32 @!p2 $0x0;
	s13 =	rddreg [dreg:$0x5];
	s14 =	sadd.s32 @!p2 s2, s10  }
0xb4: {  	s15 =	simm.s32 @!p2 $0x14000;
	s17 =	sadd.s32 @!p2 $0x400, s14;
	p0 =	sge.u32 @!p1 s26, s13  }
0xb5: {  	[tilespmem:s15], [sflag:$0x3] =	stream.linear.gather @!p2 [hbm4b:s17+s25], $0x80, $0x38;
	[tilespmem:$0x1C200] =	vst v63  }
0xb6: {  	s13 =	sadd.s32 @!p2 $0x410, s14;
	s14 =	simm.s32 @!p2 $0x14100;
	p0 =	por p0, p1  }
0xb7: {  	[tilespmem:s14], [sflag:$0x3] =	stream.linear.gather @!p2 [hbm4b:s13+s25], $0x80, $0x38;
	[tilespmem:$0x1C200] =	vst v63  }
0xb8: {  	s13 =	simm.s32 @!p0 $0x3  }
0xb9: {  	_ =	swait.ge @!p0 [sflag:s13], $0x80  }
0xba: {  	[sflag:s13] =	ssyncset.done @!p0 $0x0  }
0xbb: {  	[sflag:s13] =	ssyncadd.s32 @!p0 $0xFFFFFF80  }
0xbc: {  	_ =	swait.ge @!p0 [sflag:s13], $0x80  }
0xbd: {  	[sflag:s13] =	ssyncset.done @!p0 $0x0  }
0xbe: {  	[sflag:s13] =	ssyncadd.s32 @!p0 $0xFFFFFF80  }
0xbf: {  	v1 =	vld @!p0 [tilespmem:$0x14000]  }
0xc0: {  	v2 =	vld @!p0 [tilespmem:$0x14010]  }
0xc1: {  	v3 =	vld @!p0 [tilespmem:$0x14020]  }
0xc2: {  	v4 =	vld @!p0 [tilespmem:$0x14030]  }
0xc3: {  	v5 =	vld @!p0 [tilespmem:$0x14050]  }
0xc4: {  	v6 =	vld @!p0 [tilespmem:$0x14060];
	v1 =	vadd.s32 @!p0 v0, v1  }
0xc5: {  	[tilespmem:$0x14000] =	vst @!p0 v1;
	v1 =	vadd.s32 @!p0 v0, v2;
	v2 =	vld @!p0 [tilespmem:$0x14070]  }
0xc6: {  	[tilespmem:$0x14010] =	vst @!p0 v1;
	v1 =	vadd.s32 @!p0 v0, v3;
	v3 =	vld @!p0 [tilespmem:$0x14040]  }
0xc7: {  	[tilespmem:$0x14020] =	vst @!p0 v1;
	v1 =	vadd.s32 @!p0 v0, v4  }
0xc8: {  	[tilespmem:$0x14030] =	vst @!p0 v1;
	v1 =	vadd.s32 @!p0 v0, v5  }
0xc9: {  	[tilespmem:$0x14050] =	vst @!p0 v1;
	v1 =	vadd.s32 @!p0 v0, v6  }
0xca: {  	[tilespmem:$0x14060] =	vst @!p0 v1;
	v1 =	vadd.s32 @!p0 v0, v2  }
0xcb: {  	v2 =	vadd.s32 @!p0 v0, v3;
	[tilespmem:$0x14070] =	vst @!p0 v1  }
0xcc: {  	s13 =	simm.s32 @!p0 $0x5;
	[tilespmem:$0x14040] =	vst @!p0 v2  }
0xcd: {  	_ =	swait.ge @!p0 [sflag:s13], $0x4000  }
0xce: {  	s15 =	simm.s32 @!p0 $0x14000;
	[sflag:s13] =	ssyncset.done @!p0 $0x0  }
0xcf: {  	s14 =	simm.s32 @!p0 $0x14200;
	[sflag:s13] =	ssyncadd.s32 @!p0 $0xFFFFC000;
	s13 =	simm.s32 @!p0 $0x80  }
0xd0: {  	[tilespmem:s14], [sflag:$0x1] =	stream.indirect.gather @!p0 [hbm4b:s5+s13], $0x80, s15, s13, $0xb8;
	[tilespmem:$0x1C200] =	vst v63  }
0xd1: {  	s13 =	sadd.s32 @!p1 $0x3, s26;
	s14 =	simm.s32 @!p1 $0x2  }
0xd2: {  	s15 =	simm.s32 @!p1 $0x18200;
	p0 =	sge.u32 @!p1 s13, s6;
	_ =	swait.ge @!p1 [sflag:s14], $0x4000  }
0xd3: {  	s13 =	simm.s32 @!p1 $0x14180;
	[sflag:s14] =	ssyncset.done @!p1 $0x0;
	p0 =	por p0, p1  }
0xd4: {  	[sflag:s14] =	ssyncadd.s32 @!p1 $0xFFFFC000;
	s14 =	simm.s32 @!p1 $0x80;
	s2 =	sadd.s32 @!p0 s2, s10  }
0xd5: {  	[spmem:s3] =	stream.indirect.scatter.add.f32 @!p1 [tilespmem:s15], [sflag:$0x6], $0x80, s13, s14, $0xb8;
	[tilespmem:$0x1C200] =	vst v63  }
0xd6: {  	s13 =	sadd.s32 @!p0 $0x600, s2;
	s14 =	simm.s32 @!p0 $0x0;
	s15 =	simm.s32 @!p0 $0x14080  }
0xd7: {  	[tilespmem:s15], [sflag:$0x4] =	stream.linear.gather @!p0 [hbm4b:s13+s14], $0x80, $0x38;
	[tilespmem:$0x1C200] =	vst v63  }
0xd8: {  	s2 =	sadd.s32 @!p0 $0x610, s2;
	s13 =	simm.s32 @!p0 $0x14180  }
0xd9: {  	[tilespmem:s13], [sflag:$0x4] =	stream.linear.gather @!p0 [hbm4b:s2+s14], $0x80, $0x38;
	[tilespmem:$0x1C200] =	vst v63  }
0xda: {  	_ =	swait.ge [sflag:s31], $0x4000  }
0xdb: {  	[sflag:s31] =	ssyncset.done $0x0  }
0xdc: {  	[sflag:s31] =	ssyncadd.s32 $0xFFFFC000  }
0xdd: {  	_ =	swait.ge [sflag:s0], $0x4000  }
0xde: {  	[sflag:s0] =	ssyncset.done $0x0  }
0xdf: {  	[sflag:s0] =	ssyncadd.s32 $0xFFFFC000  }
0xe0: {  	[bflag:$0x0] =	sbarrier.arrive $0xFFFF  }
0xe1: {  	[tilespmem:s23], [sflag:$0x7] =	stream.linear.gather [spmem:s7], $0x4000, $0x38;
	[tilespmem:$0x1C200] =	vst v63  }
0xe2: {  	_ =	swait.ge [sflag:s24], $0x4000  }
0xe3: {  	[sflag:s24] =	ssyncset.done $0x0  }
0xe4: {  	s30 =	rddreg [dreg:$0x9];
	[sflag:s24] =	ssyncadd.s32 $0xFFFFC000  }
0xe5: {  	[hbm4b:s30+s4] =	stream.linear.scatter [tilespmem:s23], [sflag:$0x7], $0x4000, $0x38;
	[tilespmem:$0x1C200] =	vst v63  }
0xe6: {  	_ =	swait.ge [sflag:s24], $0x4000  }
0xe7: {  	[sflag:s24] =	ssyncset.done $0x0  }
0xe8: {  	[sflag:s24] =	ssyncadd.s32 $0xFFFFC000  }
0xe9: {  	[tilespmem:s23], [sflag:$0x7] =	stream.linear.gather [spmem:s8], $0x4000, $0x38;
	[tilespmem:$0x1C200] =	vst v63  }
0xea: {  	_ =	swait.ge [sflag:s24], $0x4000  }
0xeb: {  	[sflag:s24] =	ssyncset.done $0x0  }
0xec: {  	[sflag:s24] =	ssyncadd.s32 $0xFFFFC000  }
0xed: {  	[hbm4b:s18+s4] =	stream.linear.scatter [tilespmem:s23], [sflag:$0x7], $0x4000, $0x38;
	[tilespmem:$0x1C200] =	vst v63  }
0xee: {  	_ =	swait.ge [sflag:s24], $0x4000  }
0xef: {  	[sflag:s24] =	ssyncset.done $0x0  }
0xf0: {  	[sflag:s24] =	ssyncadd.s32 $0xFFFFC000  }
0xf1: {  	[tilespmem:s23], [sflag:$0x7] =	stream.linear.gather [spmem:s9], $0x4000, $0x38;
	[tilespmem:$0x1C200] =	vst v63  }
0xf2: {  	_ =	swait.ge [sflag:s24], $0x4000  }
0xf3: {  	[sflag:s24] =	ssyncset.done $0x0  }
0xf4: {  	[sflag:s24] =	ssyncadd.s32 $0xFFFFC000  }
0xf5: {  	[hbm4b:s19+s4] =	stream.linear.scatter [tilespmem:s23], [sflag:$0x7], $0x4000, $0x38;
	[tilespmem:$0x1C200] =	vst v63  }
0xf6: {  	_ =	swait.ge [sflag:s24], $0x4000  }
0xf7: {  	[sflag:s24] =	ssyncset.done $0x0  }
0xf8: {  	[sflag:s24] =	ssyncadd.s32 $0xFFFFC000  }
0xf9: {  	[tilespmem:s23], [sflag:$0x7] =	stream.linear.gather [spmem:s11], $0x4000, $0x38;
	[tilespmem:$0x1C200] =	vst v63  }
0xfa: {  	_ =	swait.ge [sflag:s24], $0x4000  }
0xfb: {  	[sflag:s24] =	ssyncset.done $0x0  }
0xfc: {  	[sflag:s24] =	ssyncadd.s32 $0xFFFFC000  }
0xfd: {  	[hbm4b:s20+s4] =	stream.linear.scatter [tilespmem:s23], [sflag:$0x7], $0x4000, $0x38;
	[tilespmem:$0x1C200] =	vst v63  }
0xfe: {  	_ =	swait.ge [sflag:s24], $0x4000  }
0xff: {  	[sflag:s24] =	ssyncset.done $0x0  }
0x100: {  	[sflag:s24] =	ssyncadd.s32 $0xFFFFC000  }
0x101: {  	[tilespmem:s23], [sflag:$0x7] =	stream.linear.gather [spmem:s12], $0x4000, $0x38;
	[tilespmem:$0x1C200] =	vst v63  }
0x102: {  	s1 =	sadd.s32 $0x1, s1;
	_ =	swait.ge [sflag:s24], $0x4000  }
0x103: {  	p0 =	sne.s32 s1, s22;
	[sflag:s24] =	ssyncset.done $0x0  }
.Ltmp1:
0x104: {  	[sflag:s24] =	ssyncadd.s32 $0xFFFFC000;
	(pc) =	sbr.rel @p0 .LBB2_1-.Ltmp1, $4  }
0x105: {  	[hbm4b:s21+s4] =	stream.linear.scatter [tilespmem:s23], [sflag:$0x7], $0x4000, $0x38;
	[tilespmem:$0x1C200] =	vst v63  }
0x106: {  	_ =	swait.ge [sflag:s24], $0x4000  }
0x107: {  	[sflag:s24] =	ssyncset.done $0x0  }
0x108: {  	[sflag:s24] =	ssyncadd.s32 $0xFFFFC000  }
0x109: {  	_ =	sfence.sel $0x180000  }
0x10a: {  	[bflag:$0x0] =	sbarrier.arrive $0xFFFF  }
0x10b: {  	_ =	strace $0x9000004D  }
0x10c: {  	s0 =	stileid.u32;
	[bflag:$0x2] =	sbarrier.arrive $0xFFFF  }
0x10d: {  	p0 =	sne.s32 s0, $0x0;
	s0 =	rddreg [dreg:$0x4]  }
0x10e: {  	s0 =	sadd.s32 @!p0 $0x100000, s0  }
0x10f: {  	[sflag:s0] =	ssyncadd.tile.s32 @!p0 $0x1;
	_ =	shalt  }
.Lfunc_end2:
_tile_overlayer_lowered:
.L_overlay_start_2:
0x110: {  	(tag) =	ssettag $0x2  }
0x111: {  	s0 =	rddreg [dreg:$0x0];
	s2 =	stileid.u32  }
0x112: {  	s1 =	rddreg [dreg:$0x1];
	p0 =	sne.s32 s2, $0x0  }
0x113: {  	s3 =	rddreg [dreg:$0x2];
	[bflag:$0x3] =	sbarrier.arrive $0xFFFF;
	s2 =	simm.s32 @!p0 $0x1C07  }
0x114: {  	[timem:s3], [sflag:s2] =	dma.local @!p0 [hbm:s0], s1  }
0x115: {  	s0 =	simm.s32 @!p0 $0x7  }
0x116: {  	_ =	swait.ge @!p0 [sflag:s0], s1  }
0x117: {  	s1 =	ssub.s32 @!p0 $0x0, s1;
	[sflag:s0] =	ssyncset.done @!p0 $0x0  }
0x118: {  	[sflag:s0] =	ssyncadd.s32 @!p0 s1  }
0x119: {  	[bflag:$0x3] =	sbarrier.arrive $0xFFFF  }
0x11a: {  	_ =	shalt  }

// kernel: kernel.9.cloned.1.call-start
scs
__scs_entry_jumppad:
0x0: {  	(pc) =	sbr.rel $0x88, $3  }
0x1: {  	(tag) =	ssettag $0x0;
	lr =	simm.s32 $0x1  }
0x2: {  	[smem:$0x3F99] =	sst lr;
	_ =	strace $0xD0000000  }
0x3: {  	_ = 	snop  }
0x4: {  	_ = 	snop  }
0x5: {  	_ = 	snop  }
0x6: {  	_ = 	snop  }
0x7: {  	_ = 	snop  }
__scs_overlays_trampoline_lowered:
0x8: {  	[smem:$0x3FA8] =	sst s0  }
0x9: {  	[smem:$0x3FA9] =	sst s1  }
0xa: {  	[smem:$0x3FAA] =	sst s2  }
0xb: {  	[smem:$0x3FAB] =	sst s3  }
0xc: {  	[smem:$0x3FAC] =	sst s4  }
0xd: {  	[smem:$0x3FAD] =	sst s5  }
0xe: {  	[smem:$0x3FAE] =	sst s6  }
0xf: {  	[smem:$0x3FAF] =	sst s7  }
0x10: {  	[smem:$0x3FB0] =	sst s8  }
0x11: {  	[smem:$0x3FB1] =	sst s9;
	s0 =	simm.s32 @!p0 $0x0  }
0x12: {  	s1 =	sld [smem:$0x3F97];
	s0 =	simm.s32 @p0 $0x1  }
0x13: {  	[smem:$0x3FB2] =	sst s0;
	s0 =	simm.s32 @!p1 $0x0  }
0x14: {  	s2 =	sld [smem:$0x3F96];
	s0 =	simm.s32 @p1 $0x1  }
0x15: {  	[smem:$0x3FB3] =	sst s0;
	s0 =	simm.s32 @!p2 $0x0  }
0x16: {  	s3 =	sld [smem:$0x3FDB];
	s0 =	simm.s32 @p2 $0x1  }
0x17: {  	s4 =	simm.s32 $0x1BF5;
	[smem:$0x3FB5] =	sst s0  }
0x18: {  	s0 =	sld [smem:$0x3F98];
	_ =	swait.ge [sflag:s4], $0x0  }
0x19: {  	s7 =	sld [smem:$0x3F99]  }
0x1a: {  	s8 =	sadd.s32 $0xFFFFE003, lr  }
0x1b: {  	s9 =	sadd.s32 $0xFFFFFEF7, lr;
	s5 =	simm.s32 $0xFFFFFFFF;
	p2 =	slt.u32 s8, $0xFFFFF086  }
0x1c: {  	p1 =	slt.u32 s9, $0xF7A;
	s5 =	simm.s32 @!p2 $0x0  }
0x1d: {  	s5 =	simm.s32 @p1 $0x1;
	p0 =	seq.s32 s7, s2  }
0x1e: {  	s7 =	smul.u32 @!p0 $0xF7A, s2;
	p2 =	seq.s32 @!p0 s5, $0x0  }
0x1f: {  	s9 =	smul.u32 $0xF7A, s1;
	s8 =	simm.s32 @!p0 $0x1BF5;
	p2 =	por !p2, p0  }
0x20: {  	[sflag:s8] =	ssyncset.s32 @!p0 $0xFFFFF086;
	s6 =	sadd.s32 @!p0 s3, s7;
	s7 =	simm.s32 @!p0 $0x108  }
0x21: {  	s3 =	sadd.s32 s3, s9;
	s6 =	sadd.s32 @!p0 $0x88, s6;
	s7 =	simm.s32 @p2 $0x1082  }
0x22: {  	[simem:s7], [sflag:s8] =	dma.local @!p0 [hbm:s6], $0xF7A  }
0x23: {  	s9 =	sor.u32 $0xD0000000, s2;
	s6 =	simm.s32 $0x108;
	_ =	swait.ge @!p0 [sflag:s8], $0x0  }
0x24: {  	s3 =	sadd.s32 $0x88, s3;
	s6 =	simm.s32 @!p1 $0x1082;
	[sflag:s4] =	ssyncset.s32 $0xFFFFF086  }
0x25: {  	[simem:s6], [sflag:s4] =	dma.local [hbm:s3], $0xF7A  }
0x26: {  	[smem:$0x3F99] =	sst s1;
	(tag) =	ssettag s2;
	_ =	strace s9  }
0x27: {  	s1 =	sld [smem:$0x3FA9]  }
0x28: {  	s2 =	sld [smem:$0x3FAA]  }
0x29: {  	s4 =	sld [smem:$0x3FAC]  }
0x2a: {  	p0 =	seq.s32 s5, $0x0;
	s5 =	sld [smem:$0x3FAD]  }
0x2b: {  	s6 =	sld [smem:$0x3FAE]  }
0x2c: {  	s7 =	sld [smem:$0x3FAF]  }
0x2d: {  	s3 =	simm.s32 $0x108;
	s8 =	sld [smem:$0x3FB0]  }
0x2e: {  	s3 =	simm.s32 @!p0 $0x1082;
	s9 =	sld [smem:$0x3FB1]  }
0x2f: {  	lr =	sadd.s32 s0, s3;
	s0 =	sld [smem:$0x3FA8]  }
0x30: {  	s3 =	sld [smem:$0x3FAB]  }
0x31: {  	[smem:$0x3FB4] =	sst s10  }
0x32: {  	s10 =	sld [smem:$0x3FB2];
	_ =	sdelay $0x3  }
0x33: {  	p0 =	seq.s32 s10, $0x1;
	s10 =	sld [smem:$0x3FB4];
	_ =	sdelay $0x3  }
0x34: {  	[smem:$0x3FB4] =	sst s10  }
0x35: {  	s10 =	sld [smem:$0x3FB3];
	_ =	sdelay $0x3  }
0x36: {  	p1 =	seq.s32 s10, $0x1;
	s10 =	sld [smem:$0x3FB4];
	_ =	sdelay $0x3  }
0x37: {  	[smem:$0x3FB4] =	sst s10  }
0x38: {  	s10 =	sld [smem:$0x3FB5]  }
0x39: {  	_ = 	snop;
	(pc) =	sbr.ind lr, $3  }
0x3a: {  	_ = 	snop  }
0x3b: {  	_ = 	snop  }
0x3c: {  	p2 =	seq.s32 s10, $0x1;
	s10 =	sld [smem:$0x3FB4]  }
0x3d: {  	_ =	shalt  }
0x3e: {  	_ =	shalt  }
0x3f: {  	_ =	shalt  }
0x40: {  	_ =	shalt  }
0x41: {  	_ =	shalt  }
0x42: {  	_ =	shalt  }
0x43: {  	_ =	shalt  }
0x44: {  	_ =	shalt  }
0x45: {  	_ =	shalt  }
0x46: {  	_ =	shalt  }
0x47: {  	_ =	shalt  }
0x48: {  	_ =	shalt  }
0x49: {  	_ =	shalt  }
0x4a: {  	_ =	shalt  }
0x4b: {  	_ =	shalt  }
0x4c: {  	_ =	shalt  }
0x4d: {  	_ =	shalt  }
0x4e: {  	_ =	shalt  }
0x4f: {  	_ =	shalt  }
0x50: {  	_ =	shalt  }
0x51: {  	_ =	shalt  }
0x52: {  	_ =	shalt  }
0x53: {  	_ =	shalt  }
0x54: {  	_ =	shalt  }
0x55: {  	_ =	shalt  }
0x56: {  	_ =	shalt  }
0x57: {  	_ =	shalt  }
0x58: {  	_ =	shalt  }
0x59: {  	_ =	shalt  }
0x5a: {  	_ =	shalt  }
0x5b: {  	_ =	shalt  }
0x5c: {  	_ =	shalt  }
0x5d: {  	_ =	shalt  }
0x5e: {  	_ =	shalt  }
0x5f: {  	_ =	shalt  }
0x60: {  	_ =	shalt  }
0x61: {  	_ =	shalt  }
0x62: {  	_ =	shalt  }
0x63: {  	_ =	shalt  }
0x64: {  	_ =	shalt  }
0x65: {  	_ =	shalt  }
0x66: {  	_ =	shalt  }
0x67: {  	_ =	shalt  }
0x68: {  	_ =	shalt  }
0x69: {  	_ =	shalt  }
0x6a: {  	_ =	shalt  }
0x6b: {  	_ =	shalt  }
0x6c: {  	_ =	shalt  }
0x6d: {  	_ =	shalt  }
0x6e: {  	_ =	shalt  }
0x6f: {  	_ =	shalt  }
0x70: {  	_ =	shalt  }
0x71: {  	_ =	shalt  }
0x72: {  	_ =	shalt  }
0x73: {  	_ =	shalt  }
0x74: {  	_ =	shalt  }
0x75: {  	_ =	shalt  }
0x76: {  	_ =	shalt  }
0x77: {  	_ =	shalt  }
0x78: {  	_ =	shalt  }
0x79: {  	_ =	shalt  }
0x7a: {  	_ =	shalt  }
0x7b: {  	_ =	shalt  }
0x7c: {  	_ =	shalt  }
0x7d: {  	_ =	shalt  }
0x7e: {  	_ =	shalt  }
0x7f: {  	_ =	shalt  }
0x80: {  	_ =	shalt  }
0x81: {  	_ =	shalt  }
0x82: {  	_ =	shalt  }
0x83: {  	_ =	shalt  }
0x84: {  	_ =	shalt  }
0x85: {  	_ =	shalt  }
0x86: {  	_ =	shalt  }
0x87: {  	_ =	shalt  }
.Lfunc_end0:
.L_simem_size_0:
called_computation_lowered:
.L_overlay_start_0:
0x88: {  	s2 =	sld [smem:$0x3FD9]  }
0x89: {  	s3 =	sld [smem:$0x3FFE];
	_ =	sdelay $0x1  }
0x8a: {  	s1 =	srdreg.scid  }
0x8b: {  	s0 =	sand.u32 $0x1, s1  }
0x8c: {  	s17 =	sshll.u32 s0, $0xA;
	s2 =	sadd.s32 s3, s2  }
0x8d: {  	s2 =	sadd.s32 s2, s17  }
0x8e: {  	[smem:$0x3FC0] =	sst s2  }
0x8f: {  	_ = 	snop  }
0x90: {  	s18 =	sld [smem:$0x3FC8]  }
0x91: {  	s4 =	sld [smem:$0x3FD0];
	(tm) =	ssettm $0x1  }
0x92: {  	s19 =	sld [smem:$0x3FFB];
	_ =	sdelay $0x3  }
0x93: {  	_ =	strace s19  }
0x94: {  	s2 =	sld [smem:$0x3FFC];
	_ =	sdelay $0x3  }
0x95: {  	_ =	strace s2  }
0x96: {  	s2 =	sld [smem:$0x3FFD];
	_ =	sdelay $0x3  }
0x97: {  	_ =	strace s2  }
0x98: {  	_ =	strace $0x8FFFFFFF  }
0x99: {  	s20 =	sld [smem:$0x3FDB];
	_ =	sdelay $0x1  }
0x9a: {  	s5 =	simm.s32 $_scs_section_size  }
0x9b: {  	s6 =	simm.s32 $_size__tile_overlayer_lowered;
	s7 =	simm.s32 $_tile_overlayer_lowered  }
0x9c: {  	s8 =	simm.s32 $0x1BFF;
	s21 =	sshll.u32 s7, $0x1;
	s5 =	sadd.s32 s5, s20  }
0x9d: {  	s22 =	simm.s32 $0x0;
	s6 =	sshll.u32 s6, $0x1;
	s7 =	sadd.s32 s21, s5  }
0x9e: {  	[timem:s22], [sflag:s8] =	dma.local [hbm:s7], s6  }
0x9f: {  	_ =	swait.ge [sflag:s8], s6  }
0xa0: {  	s6 =	ssub.s32 $0x0, s6;
	[sflag:s8] =	ssyncset.done $0x0  }
0xa1: {  	[sflag:s8] =	ssyncadd.s32 s6;
	_ =	sdelay $0x1  }
0xa2: {  	s23 =	simm.s32 $0x1B8B  }
0xa3: {  	_ =	swait.ge [sflag:s23], $0x1  }
0xa4: {  	[sflag:s23] =	ssyncset.done $0x0  }
0xa5: {  	[sflag:s23] =	ssyncadd.s32 $0xFFFFFFFF  }
0xa6: {  	s6 =	sld [smem:$0x0]  }
0xa7: {  	s7 =	sand.u32 $0xFFFFFFFE, s1  }
0xa8: {  	p0 =	sne.s32 s1, s7  }
0xa9: {  	s7 =	sshll.u32 @p0 s7, $0xE  }
0xaa: {  	s7 =	sadd.s32 @p0 $0x11B8D, s7;
	s8 =	sshll.u32 @p0 s6, $0x11  }
0xab: {  	s7 =	sor.u32 @p0 s8, s7  }
0xac: {  	[sflag:s7] =	ssyncadd.remote.s32 @p0 $0x1;
	_ =	sdelay $0x1  }
0xad: {  	s7 =	simm.s32 @p0 $0x1B8D  }
0xae: {  	_ =	swait.eq @p0 [sflag:s7], $0x1  }
0xaf: {  	[sflag:s7] =	ssyncadd.s32 @p0 $0xFFFFFFFF  }
0xb0: {  	s8 =	sshll.u32 @!p0 s1, $0xE  }
0xb1: {  	s8 =	sor.u32 @!p0 $0x4000, s8;
	s7 =	simm.s32 @!p0 $0x1B8D  }
0xb2: {  	s6 =	sshll.u32 @!p0 s6, $0x11;
	s8 =	sadd.s32 @!p0 $0x11B8D, s8;
	_ =	swait.eq @!p0 [sflag:s7], $0x1  }
0xb3: {  	s6 =	sor.u32 @!p0 s6, s8;
	[sflag:s7] =	ssyncadd.s32 @!p0 $0xFFFFFFFF  }
0xb4: {  	s25 =	simm.s32 $0x1B8E;
	s24 =	sld [smem:$0x3FFE];
	[sflag:s6] =	ssyncadd.remote.s32 @!p0 $0x1  }
0xb5: {  	s26 =	simm.s32 $execute0_lowered;
	[smem:$0x3FD2] =	sst s25  }
0xb6: {  	s7 =	sshll.u32 s26, $0x1;
	_ =	strace $0x80000049;
	[dreg:$0x1] =	wrdreg $0xFFFFFFFF  }
0xb7: {  	s28 =	simm.s32 $_size_execute0_lowered;
	s5 =	sadd.s32 s5, s7;
	[dreg:$0x0] =	wrdreg $0x0  }
0xb8: {  	s7 =	sshll.u32 s28, $0x1;
	[dreg:$0x2] =	wrdreg s5  }
0xb9: {  	[dreg:$0x3] =	wrdreg s7  }
0xba: {  	[dreg:$0x4] =	wrdreg $0xC0  }
0xbb: {  	_ =	task [dreg:s22], $0x5FFFF  }
0xbc: {  	[dreg:$0x1] =	wrdreg $0xFFFFFFFF  }
0xbd: {  	[dreg:$0x0] =	wrdreg $0x60  }
0xbe: {  	[dreg:$0x2] =	wrdreg s24  }
0xbf: {  	[dreg:$0x3] =	wrdreg s18  }
0xc0: {  	[dreg:$0x4] =	wrdreg s4  }
0xc1: {  	[dreg:$0x5] =	wrdreg $0x0  }
0xc2: {  	[dreg:$0x6] =	wrdreg $0x9  }
0xc3: {  	_ =	task.clear_ibuf [dreg:s22], $0x7FFFF;
	_ =	strace $0x90000049  }
0xc4: {  	s29 =	simm.s32 $0x9;
	_ =	strace $0x8000004B  }
0xc5: {  	_ =	swait.ge [sflag:s29], $0x1  }
0xc6: {  	[sflag:s29] =	ssyncadd.s32 $0xFFFFFFFF  }
0xc7: {  	_ =	strace $0x9000004B  }
0xc8: {  	_ =	sfence  }
0xc9: {  	s30 =	sld [smem:$0x0];
	_ =	sdelay $0x2  }
0xca: {  	s31 =	sshll.u32 s1, $0xD;
	s1 =	sshrl.u32 s1, $0x2  }
0xcb: {  	s4 =	sand.u32 $0x4000, s31;
	s1 =	sadd.s32 s1, s30  }
0xcc: {  	s0 =	sor.u32 s4, s0;
	s1 =	sshll.u32 s1, $0x11  }
0xcd: {  	s0 =	sor.u32 s1, s0  }
0xce: {  	s0 =	sadd.s32 $0x8F2B, s0  }
0xcf: {  	[sflag:s0] =	ssyncadd.remote.s32 $0x1  }
0xd0: {  	_ =	sfence.sel $0xFFFF  }
0xd1: {  	[dreg:$0x0] =	wrdreg $0xFFFFFFFF;
	(pc) =	sbr.abs _section_cstart, $3  }
0xd2: {  	[dreg:$0x1] =	wrdreg $0xFFFFFFFF  }
0xd3: {  	_ =	task.clear_ibuf [dreg:s22], $0x2FFFF;
	_ =	strace $0x9FFFFFFF  }
0xd4: {  	(tm) =	ssettm $0x7FFFFFFF  }
0xd5: {  	_ =	shalt  }
tec
execute0_lowered:
.L_overlay_start_1:
0x0: {  	(tag) =	ssettag $0x1  }
0x1: {  	s0 =	rddreg [dreg:$0x0]  }
0x2: {  	s1 =	rddreg [dreg:$0x1];
	s2 =	srdreg.scid  }
0x3: {  	s3 =	rddreg [dreg:$0x3];
	s9 =	stileid.u32;
	s4 =	simm.s32 $0x0  }
0x4: {  	s23 =	simm.s32 $0x14200;
	s24 =	simm.s32 $0x7;
	s31 =	simm.s32 $0x5  }
0x5: {  	s2 =	sand.u32 $0x1, s2;
	s5 =	smul.u32 $0x280, s9;
	[smem:$0x7FF] =	sst s4  }
0x6: {  	s8 =	smul.u32 $0x50000, s9;
	p0 =	slt.u32 s9, $0x2;
	s10 =	sshll.u32 s9, $0x5  }
0x7: {  	s13 =	smul.u32 $0x2800, s2;
	s2 =	ssub.s32 $0x2, s2;
	s10 =	sadd.s32 s1, s10  }
0x8: {  	_ =	strace $0x8000004A;
	s7 =	sshrl.u32 s2, $0x1;
	s1 =	sadd.s32 $0x10, s10  }
0x9: {  	s25 =	sshrl.u32 s8, $0x2;
	s26 =	sadd.s32 $0x200, s10;
	[dreg:$0x6] =	wrdreg s1  }
0xa: {  	s28 =	sadd.s32 $0x210, s10;
	s5 =	sadd.s32 s5, s13;
	[dreg:$0x7] =	wrdreg s26  }
0xb: {  	s2 =	ssub.s32 s2, s7;
	s7 =	sadd.s32 s25, s3;
	[dreg:$0x8] =	wrdreg s28  }
0xc: {  	s1 =	simm.s32 $0x0;
	s6 =	sshll.u32 s5, $0x4;
	s5 =	sadd.s32 $0x52800, s0  }
0xd: {  	s8 =	sadd.s32 $0x4000, s7;
	s9 =	sadd.s32 $0x8000, s7;
	s11 =	sadd.s32 $0xC000, s7  }
0xe: {  	s12 =	sadd.s32 $0x10000, s7;
	s0 =	sadd.s32 s6, s0;
	s6 =	simm.s32 $0x4F  }
0xf: {  	s22 =	smax.u32 s2, $0x1;
	s6 =	simm.s32 @!p0 $0x4E;
	s30 =	sadd.s32 $0xA2800, s0  }
0x10: {  	s18 =	sadd.s32 $0xA3000, s0;
	s19 =	sadd.s32 $0xA3800, s0;
	s20 =	sadd.s32 $0xA4000, s0  }
0x11: {  	s21 =	sadd.s32 $0xA4800, s0;
	s29 =	sadd.s32 $0xFFFFFFFE, s6;
	[dreg:$0x9] =	wrdreg s30  }
0x12: {  	v0 =	vmov s13;
	s0 =	simm.s32 $0x6;
	s16 =	sadd.s32 $0xFFFFFFFF, s6;
	[dreg:$0x5] =	wrdreg s29  }
.LBB2_1:
0x13: {  	s2 =	rddreg [dreg:$0x2]  }
0x14: {  	[tilespmem:s23], [sflag:$0x7] =	stream.linear.gather [hbm4b:s2+s4], $0x4000, $0x38;
	[tilespmem:$0x1C200] =	vst v63  }
0x15: {  	_ =	swait.ge [sflag:s24], $0x4000  }
0x16: {  	[sflag:s24] =	ssyncset.done $0x0  }
0x17: {  	[sflag:s24] =	ssyncadd.s32 $0xFFFFC000  }
0x18: {  	[spmem:s7] =	stream.linear.scatter [tilespmem:s23], [sflag:$0x7], $0x4000, $0x38;
	[tilespmem:$0x1C200] =	vst v63  }
0x19: {  	_ =	swait.ge [sflag:s24], $0x4000  }
0x1a: {  	[sflag:s24] =	ssyncset.done $0x0  }
0x1b: {  	[sflag:s24] =	ssyncadd.s32 $0xFFFFC000  }
0x1c: {  	[spmem:s8] =	stream.linear.scatter [tilespmem:s23], [sflag:$0x7], $0x4000, $0x38;
	[tilespmem:$0x1C200] =	vst v63  }
0x1d: {  	_ =	swait.ge [sflag:s24], $0x4000  }
0x1e: {  	[sflag:s24] =	ssyncset.done $0x0  }
0x1f: {  	[sflag:s24] =	ssyncadd.s32 $0xFFFFC000  }
0x20: {  	[spmem:s9] =	stream.linear.scatter [tilespmem:s23], [sflag:$0x7], $0x4000, $0x38;
	[tilespmem:$0x1C200] =	vst v63  }
0x21: {  	_ =	swait.ge [sflag:s24], $0x4000  }
0x22: {  	[sflag:s24] =	ssyncset.done $0x0  }
0x23: {  	[sflag:s24] =	ssyncadd.s32 $0xFFFFC000  }
0x24: {  	[spmem:s11] =	stream.linear.scatter [tilespmem:s23], [sflag:$0x7], $0x4000, $0x38;
	[tilespmem:$0x1C200] =	vst v63  }
0x25: {  	_ =	swait.ge [sflag:s24], $0x4000  }
0x26: {  	[sflag:s24] =	ssyncset.done $0x0  }
0x27: {  	[sflag:s24] =	ssyncadd.s32 $0xFFFFC000  }
0x28: {  	[spmem:s12] =	stream.linear.scatter [tilespmem:s23], [sflag:$0x7], $0x4000, $0x38;
	[tilespmem:$0x1C200] =	vst v63  }
0x29: {  	_ =	swait.ge [sflag:s24], $0x4000  }
0x2a: {  	[sflag:s24] =	ssyncset.done $0x0  }
0x2b: {  	[sflag:s24] =	ssyncadd.s32 $0xFFFFC000  }
0x2c: {  	s13 =	simm.s32 $0x14000;
	[bflag:$0x0] =	sbarrier.arrive $0xFFFF  }
0x2d: {  	[tilespmem:s13], [sflag:$0x7] =	stream.linear.gather [hbm4b:s10+s4], $0x80, $0x38;
	[tilespmem:$0x1C200] =	vst v63  }
0x2e: {  	_ =	swait.ge [sflag:s24], $0x80  }
0x2f: {  	[sflag:s24] =	ssyncset.done $0x0  }
0x30: {  	s14 =	simm.s32 $0x14100;
	s26 =	rddreg [dreg:$0x6];
	[sflag:s24] =	ssyncadd.s32 $0xFFFFFF80  }
0x31: {  	[tilespmem:s14], [sflag:$0x7] =	stream.linear.gather [hbm4b:s26+s4], $0x80, $0x38;
	[tilespmem:$0x1C200] =	vst v63  }
0x32: {  	_ =	swait.ge [sflag:s24], $0x80  }
0x33: {  	[sflag:s24] =	ssyncset.done $0x0  }
0x34: {  	[sflag:s24] =	ssyncadd.s32 $0xFFFFFF80  }
0x35: {  	v1 =	vld [tilespmem:$0x14000]  }
0x36: {  	v2 =	vld [tilespmem:$0x14010]  }
0x37: {  	v3 =	vld [tilespmem:$0x14020]  }
0x38: {  	v4 =	vld [tilespmem:$0x14030]  }
0x39: {  	v5 =	vld [tilespmem:$0x14040]  }
0x3a: {  	v6 =	vld [tilespmem:$0x14050];
	v1 =	vadd.s32 v0, v1  }
0x3b: {  	[tilespmem:$0x14000] =	vst v1;
	v1 =	vadd.s32 v0, v2;
	v2 =	vld [tilespmem:$0x14060]  }
0x3c: {  	[tilespmem:$0x14010] =	vst v1;
	v1 =	vadd.s32 v0, v3;
	v3 =	vld [tilespmem:$0x14070]  }
0x3d: {  	[tilespmem:$0x14020] =	vst v1;
	v1 =	vadd.s32 v0, v4  }
0x3e: {  	[tilespmem:$0x14030] =	vst v1;
	v1 =	vadd.s32 v0, v5  }
0x3f: {  	[tilespmem:$0x14040] =	vst v1;
	v1 =	vadd.s32 v0, v6  }
0x40: {  	[tilespmem:$0x14050] =	vst v1;
	v1 =	vadd.s32 v0, v2  }
0x41: {  	p0 =	sle.u32 s6, $0x0;
	[tilespmem:$0x14060] =	vst v1;
	v1 =	vadd.s32 v0, v3  }
0x42: {  	p1 =	sle.u32 @!p0 s16, $0x0;
	s14 =	simm.s32 $0x80;
	[tilespmem:$0x14070] =	vst v1  }
0x43: {  	[tilespmem:s23], [sflag:$0x1] =	stream.indirect.gather [hbm4b:s5+s14], $0x80, s13, s14, $0xb8;
	[tilespmem:$0x1C200] =	vst v63  }
0x44: {  	s17 =	simm.s32 $0x14080;
	p3 =	por p1, p0;
	s15 =	rddreg [dreg:$0x7]  }
0x45: {  	[tilespmem:s17], [sflag:$0x4] =	stream.linear.gather [hbm4b:s15+s4], $0x80, $0x38;
	[tilespmem:$0x1C200] =	vst v63  }
0x46: {  	s2 =	simm.s32 @!p3 $0x4;
	s26 =	simm.s32 $0x14180;
	s25 =	rddreg [dreg:$0x8]  }
0x47: {  	[tilespmem:s26], [sflag:$0x4] =	stream.linear.gather [hbm4b:s25+s4], $0x80, $0x38;
	[tilespmem:$0x1C200] =	vst v63  }
0x48: {  	_ =	swait.ge @!p3 [sflag:s2], $0x80  }
0x49: {  	[sflag:s2] =	ssyncset.done @!p3 $0x0  }
0x4a: {  	[sflag:s2] =	ssyncadd.s32 @!p3 $0xFFFFFF80  }
0x4b: {  	_ =	swait.ge @!p3 [sflag:s2], $0x80  }
0x4c: {  	[sflag:s2] =	ssyncset.done @!p3 $0x0  }
0x4d: {  	[sflag:s2] =	ssyncadd.s32 @!p3 $0xFFFFFF80  }
0x4e: {  	v1 =	vld @!p3 [tilespmem:$0x140E0]  }
0x4f: {  	v3 =	vld @!p3 [tilespmem:$0x140C0]  }
0x50: {  	v2 =	vld @!p3 [tilespmem:$0x140F0]  }
0x51: {  	v6 =	vld @!p3 [tilespmem:$0x140B0]  }
0x52: {  	v4 =	vld @!p3 [tilespmem:$0x140A0]  }
0x53: {  	v5 =	vld @!p3 [tilespmem:$0x140D0];
	v1 =	vadd.s32 @!p3 v0, v1  }
0x54: {  	v7 =	vld @!p3 [tilespmem:$0x14080];
	v3 =	vadd.s32 @!p3 v0, v3;
	[tilespmem:$0x140E0] =	vst @!p3 v1  }
0x55: {  	v1 =	vadd.s32 @!p3 v0, v2;
	v2 =	vld @!p3 [tilespmem:$0x14090];
	[tilespmem:$0x140C0] =	vst @!p3 v3  }
0x56: {  	v3 =	vadd.s32 @!p3 v0, v6;
	[tilespmem:$0x140F0] =	vst @!p3 v1  }
0x57: {  	v1 =	vadd.s32 @!p3 v0, v4;
	[tilespmem:$0x140B0] =	vst @!p3 v3  }
0x58: {  	p2 =	por @!p3 $0x1, $0x1;
	[tilespmem:$0x140A0] =	vst @!p3 v1;
	v1 =	vadd.s32 @!p3 v0, v5  }
0x59: {  	p1 =	por @!p0 p2, p1;
	[tilespmem:$0x140D0] =	vst @!p3 v1;
	v1 =	vadd.s32 @!p3 v0, v7  }
0x5a: {  	s28 =	simm.s32 $0x400;
	s29 =	simm.s32 $0x2;
	p4 =	por p1, p0;
	[tilespmem:$0x14080] =	vst @!p3 v1;
	v1 =	vadd.s32 @!p3 v0, v2  }
0x5b: {  	s30 =	simm.s32 @!p0 $0x1;
	p6 =	sle.u32 @!p0 s6, $0x2;
	s2 =	simm.s32 @!p4 $0x6;
	[tilespmem:$0x14090] =	vst @!p3 v1  }
0x5c: {  	p1 =	sle.u32 s16, $0x0;
	s13 =	simm.s32 @!p3 $0x18200;
	_ =	swait.ge @!p4 [sflag:s2], $0x4000  }
0x5d: {  	s14 =	simm.s32 @!p3 $0x80;
	s15 =	simm.s32 @!p3 $0x14080;
	[sflag:s2] =	ssyncset.done @!p4 $0x0  }
0x5e: {  	s26 =	simm.s32 $0x0;
	[sflag:s2] =	ssyncadd.s32 @!p4 $0xFFFFC000;
	s2 =	simm.s32 $0x0  }
.LBB2_2:
0x5f: {  	[tilespmem:s13], [sflag:$0x2] =	stream.indirect.gather @!p3 [hbm4b:s5+s14], $0x80, s15, s14, $0xb8;
	[tilespmem:$0x1C200] =	vst v63  }
0x60: {  	s13 =	smov.u32 s28;
	_ =	swait.ge @!p0 [sflag:s30], $0x4000  }
0x61: {  	s28 =	sadd.s32 $0x400, s28;
	s14 =	simm.s32 @!p0 $0x14200;
	[sflag:s30] =	ssyncset.done @!p0 $0x0  }
0x62: {  	s15 =	simm.s32 @!p0 $0x80;
	s17 =	simm.s32 @!p0 $0x14100;
	[sflag:s30] =	ssyncadd.s32 @!p0 $0xFFFFC000  }
0x63: {  	[spmem:s3] =	stream.indirect.scatter.add.f32 @!p0 [tilespmem:s14], [sflag:$0x5], $0x80, s17, s15, $0xb8;
	[tilespmem:$0x1C200] =	vst v63  }
0x64: {  	p2 =	por p6, p0;
	p0 =	sne.s32 s28, $0xA000  }
0x65: {  	s14 =	simm.s32 @!p0 $0x0  }
0x66: {  	s14 =	simm.s32 @p0 $0x1  }
0x67: {  	s25 =	simm.s32 @!p2 $0x0;
	[smem:$0x7FD] =	sst s14;
	s14 =	sadd.s32 @!p2 s2, s10  }
0x68: {  	s30 =	rddreg [dreg:$0x5];
	s15 =	simm.s32 @!p2 $0x14000;
	s17 =	sadd.s32 @!p2 $0x400, s14  }
0x69: {  	[tilespmem:s15], [sflag:$0x3] =	stream.linear.gather @!p2 [hbm4b:s17+s25], $0x80, $0x38;
	[tilespmem:$0x1C200] =	vst v63  }
0x6a: {  	p0 =	sge.u32 @!p1 s26, s30;
	s14 =	sadd.s32 @!p2 $0x410, s14;
	s15 =	simm.s32 @!p2 $0x14100  }
0x6b: {  	[tilespmem:s15], [sflag:$0x3] =	stream.linear.gather @!p2 [hbm4b:s14+s25], $0x80, $0x38;
	[tilespmem:$0x1C200] =	vst v63  }
0x6c: {  	p4 =	por p0, p1;
	s15 =	sadd.s32 @!p1 $0x3, s26  }
0x6d: {  	s14 =	simm.s32 @!p4 $0x3;
	p0 =	sge.u32 @!p1 s15, s6  }
0x6e: {  	_ =	swait.ge @!p4 [sflag:s14], $0x80;
	s15 =	simm.s32 @!p0 $0x0  }
0x6f: {  	[sflag:s14] =	ssyncset.done @!p4 $0x0;
	s15 =	simm.s32 @p0 $0x1  }
0x70: {  	[sflag:s14] =	ssyncadd.s32 @!p4 $0xFFFFFF80;
	[smem:$0x7FC] =	sst s15  }
0x71: {  	_ =	swait.ge @!p4 [sflag:s14], $0x80  }
0x72: {  	[sflag:s14] =	ssyncset.done @!p4 $0x0  }
0x73: {  	[sflag:s14] =	ssyncadd.s32 @!p4 $0xFFFFFF80  }
0x74: {  	v1 =	vld @!p4 [tilespmem:$0x14000]  }
0x75: {  	v2 =	vld @!p4 [tilespmem:$0x14010]  }
0x76: {  	v3 =	vld @!p4 [tilespmem:$0x14020]  }
0x77: {  	v4 =	vld @!p4 [tilespmem:$0x14030]  }
0x78: {  	v5 =	vld @!p4 [tilespmem:$0x14050]  }
0x79: {  	v6 =	vld @!p4 [tilespmem:$0x14060];
	v1 =	vadd.s32 @!p4 v0, v1  }
0x7a: {  	[tilespmem:$0x14000] =	vst @!p4 v1;
	v1 =	vadd.s32 @!p4 v0, v2;
	v2 =	vld @!p4 [tilespmem:$0x14070]  }
0x7b: {  	[tilespmem:$0x14010] =	vst @!p4 v1;
	v1 =	vadd.s32 @!p4 v0, v3;
	v3 =	vld @!p4 [tilespmem:$0x14040]  }
0x7c: {  	[tilespmem:$0x14020] =	vst @!p4 v1;
	v1 =	vadd.s32 @!p4 v0, v4  }
0x7d: {  	[tilespmem:$0x14030] =	vst @!p4 v1;
	v1 =	vadd.s32 @!p4 v0, v5  }
0x7e: {  	[tilespmem:$0x14050] =	vst @!p4 v1;
	v1 =	vadd.s32 @!p4 v0, v6  }
0x7f: {  	p0 =	sge.u32 s29, s6;
	[tilespmem:$0x14060] =	vst @!p4 v1;
	v1 =	vadd.s32 @!p4 v0, v2  }
0x80: {  	s14 =	sadd.s32 @!p0 $0x2, s29;
	v2 =	vadd.s32 @!p4 v0, v3;
	[tilespmem:$0x14070] =	vst @!p4 v1  }
0x81: {  	p6 =	sge.u32 @!p0 s14, s6;
	s14 =	simm.s32 @!p4 $0x5;
	[tilespmem:$0x14040] =	vst @!p4 v2  }
0x82: {  	_ =	swait.ge @!p4 [sflag:s14], $0x4000  }
0x83: {  	s17 =	simm.s32 @!p1 $0x2;
	s25 =	simm.s32 @!p4 $0x14000;
	[sflag:s14] =	ssyncset.done @!p4 $0x0  }
0x84: {  	s15 =	simm.s32 @!p4 $0x14200;
	[sflag:s14] =	ssyncadd.s32 @!p4 $0xFFFFC000;
	s14 =	simm.s32 @!p4 $0x80  }
0x85: {  	[tilespmem:s15], [sflag:$0x1] =	stream.indirect.gather @!p4 [hbm4b:s5+s14], $0x80, s25, s14, $0xb8;
	[tilespmem:$0x1C200] =	vst v63  }
0x86: {  	_ =	swait.ge @!p1 [sflag:s17], $0x4000  }
0x87: {  	s14 =	simm.s32 @!p1 $0x14180;
	[sflag:s17] =	ssyncset.done @!p1 $0x0;
	s25 =	sld [smem:$0x7FC]  }
0x88: {  	s15 =	simm.s32 @!p1 $0x18200;
	[sflag:s17] =	ssyncadd.s32 @!p1 $0xFFFFC000;
	s17 =	simm.s32 @!p1 $0x80  }
0x89: {  	[spmem:s3] =	stream.indirect.scatter.add.f32 @!p1 [tilespmem:s15], [sflag:$0x6], $0x80, s14, s17, $0xb8;
	[tilespmem:$0x1C200] =	vst v63  }
0x8a: {  	p5 =	sge.u32 @!p0 s29, s16;
	p4 =	seq.s32 s25, $0x1  }
0x8b: {  	p3 =	por p5, p0;
	p4 =	por p4, p1  }
0x8c: {  	p2 =	seq.s32 @!p3 s13, $0x0;
	s14 =	sadd.s32 @!p4 s2, s10;
	s2 =	smov.u32 s13  }
0x8d: {  	s15 =	simm.s32 @!p4 $0x0;
	s17 =	simm.s32 @!p4 $0x14080;
	s13 =	sadd.s32 @!p4 $0x600, s14  }
0x8e: {  	[tilespmem:s17], [sflag:$0x4] =	stream.linear.gather @!p4 [hbm4b:s13+s15], $0x80, $0x38;
	[tilespmem:$0x1C200] =	vst v63  }
0x8f: {  	s14 =	sadd.s32 @!p4 $0x610, s14;
	s13 =	simm.s32 @!p3 $0x4;
	s17 =	simm.s32 @!p4 $0x14180  }
0x90: {  	[tilespmem:s17], [sflag:$0x4] =	stream.linear.gather @!p4 [hbm4b:s14+s15], $0x80, $0x38;
	[tilespmem:$0x1C200] =	vst v63  }
0x91: {  	_ =	swait.ge @!p3 [sflag:s13], $0x80  }
0x92: {  	[sflag:s13] =	ssyncset.done @!p3 $0x0  }
0x93: {  	[sflag:s13] =	ssyncadd.s32 @!p3 $0xFFFFFF80  }
0x94: {  	_ =	swait.ge @!p3 [sflag:s13], $0x80  }
0x95: {  	[sflag:s13] =	ssyncset.done @!p3 $0x0  }
0x96: {  	[sflag:s13] =	ssyncadd.s32 @!p3 $0xFFFFFF80  }
0x97: {  	v1 =	vld @!p3 [tilespmem:$0x140E0]  }
0x98: {  	v3 =	vld @!p3 [tilespmem:$0x140C0]  }
0x99: {  	v2 =	vld @!p3 [tilespmem:$0x140F0]  }
0x9a: {  	v6 =	vld @!p3 [tilespmem:$0x140B0]  }
0x9b: {  	v4 =	vld @!p3 [tilespmem:$0x140A0]  }
0x9c: {  	v5 =	vld @!p3 [tilespmem:$0x140D0];
	v1 =	vadd.s32 @!p3 v0, v1  }
0x9d: {  	v7 =	vld @!p3 [tilespmem:$0x14080];
	v3 =	vadd.s32 @!p3 v0, v3;
	[tilespmem:$0x140E0] =	vst @!p3 v1  }
0x9e: {  	v1 =	vadd.s32 @!p3 v0, v2;
	v2 =	vld @!p3 [tilespmem:$0x14090];
	[tilespmem:$0x140C0] =	vst @!p3 v3  }
0x9f: {  	v3 =	vadd.s32 @!p3 v0, v6;
	[tilespmem:$0x140F0] =	vst @!p3 v1  }
0xa0: {  	v1 =	vadd.s32 @!p3 v0, v4;
	[tilespmem:$0x140B0] =	vst @!p3 v3  }
0xa1: {  	[tilespmem:$0x140A0] =	vst @!p3 v1;
	v1 =	vadd.s32 @!p3 v0, v5  }
0xa2: {  	p5 =	por @!p0 p2, p5;
	[tilespmem:$0x140D0] =	vst @!p3 v1;
	v1 =	vadd.s32 @!p3 v0, v7  }
0xa3: {  	p2 =	por p5, p0;
	[tilespmem:$0x14080] =	vst @!p3 v1;
	v1 =	vadd.s32 @!p3 v0, v2  }
0xa4: {  	s14 =	simm.s32 @!p2 $0x6;
	[tilespmem:$0x14090] =	vst @!p3 v1  }
0xa5: {  	_ =	swait.ge @!p2 [sflag:s14], $0x4000  }
0xa6: {  	s25 =	sld [smem:$0x7FD];
	_ =	sdelay $0x1  }
0xa7: {  	[sflag:s14] =	ssyncset.done @!p2 $0x0  }
0xa8: {  	[sflag:s14] =	ssyncadd.s32 @!p2 $0xFFFFC000;
	p2 =	seq.s32 s25, $0x1  }
.Ltmp0:
0xa9: {  	_ = 	snop;
	(pc) =	sbr.rel @p2 .LBB2_2-.Ltmp0, $4  }
0xaa: {  	_ = 	snop  }
0xab: {  	s26 =	smov.u32 s29  }
0xac: {  	s30 =	simm.s32 @!p0 $0x1;
	p1 =	sge.u32 s29, s16;
	s29 =	sadd.s32 $0x2, s29  }
0xad: {  	s15 =	simm.s32 @!p3 $0x14080;
	s13 =	simm.s32 @!p3 $0x18200;
	s14 =	simm.s32 @!p3 $0x80  }
0xae: {  	[tilespmem:s13], [sflag:$0x2] =	stream.indirect.gather @!p3 [hbm4b:s5+s14], $0x80, s15, s14, $0xb8;
	[tilespmem:$0x1C200] =	vst v63  }
0xaf: {  	_ =	swait.ge @!p0 [sflag:s30], $0x4000  }
0xb0: {  	s13 =	simm.s32 @!p0 $0x14200;
	s14 =	simm.s32 @!p0 $0x80;
	[sflag:s30] =	ssyncset.done @!p0 $0x0  }
0xb1: {  	s15 =	simm.s32 @!p0 $0x14100;
	p2 =	por p6, p0;
	[sflag:s30] =	ssyncadd.s32 @!p0 $0xFFFFC000  }
0xb2: {  	[spmem:s3] =	stream.indirect.scatter.add.f32 @!p0 [tilespmem:s13], [sflag:$0x5], $0x80, s15, s14, $0xb8;
	[tilespmem:$0x1C200] =	vst v63  }
0xb3: {  	s25 =	simm.s32 @!p2 $0x0;
	s13 =	rddreg [dreg:$0x5];
	s14 =	sadd.s32 @!p2 s2, s10  }
0xb4: {  	s15 =	simm.s32 @!p2 $0x14000;
	s17 =	sadd.s32 @!p2 $0x400, s14;
	p0 =	sge.u32 @!p1 s26, s13  }
0xb5: {  	[tilespmem:s15], [sflag:$0x3] =	stream.linear.gather @!p2 [hbm4b:s17+s25], $0x80, $0x38;
	[tilespmem:$0x1C200] =	vst v63  }
0xb6: {  	s13 =	sadd.s32 @!p2 $0x410, s14;
	s14 =	simm.s32 @!p2 $0x14100;
	p0 =	por p0, p1  }
0xb7: {  	[tilespmem:s14], [sflag:$0x3] =	stream.linear.gather @!p2 [hbm4b:s13+s25], $0x80, $0x38;
	[tilespmem:$0x1C200] =	vst v63  }
0xb8: {  	s13 =	simm.s32 @!p0 $0x3  }
0xb9: {  	_ =	swait.ge @!p0 [sflag:s13], $0x80  }
0xba: {  	[sflag:s13] =	ssyncset.done @!p0 $0x0  }
0xbb: {  	[sflag:s13] =	ssyncadd.s32 @!p0 $0xFFFFFF80  }
0xbc: {  	_ =	swait.ge @!p0 [sflag:s13], $0x80  }
0xbd: {  	[sflag:s13] =	ssyncset.done @!p0 $0x0  }
0xbe: {  	[sflag:s13] =	ssyncadd.s32 @!p0 $0xFFFFFF80  }
0xbf: {  	v1 =	vld @!p0 [tilespmem:$0x14000]  }
0xc0: {  	v2 =	vld @!p0 [tilespmem:$0x14010]  }
0xc1: {  	v3 =	vld @!p0 [tilespmem:$0x14020]  }
0xc2: {  	v4 =	vld @!p0 [tilespmem:$0x14030]  }
0xc3: {  	v5 =	vld @!p0 [tilespmem:$0x14050]  }
0xc4: {  	v6 =	vld @!p0 [tilespmem:$0x14060];
	v1 =	vadd.s32 @!p0 v0, v1  }
0xc5: {  	[tilespmem:$0x14000] =	vst @!p0 v1;
	v1 =	vadd.s32 @!p0 v0, v2;
	v2 =	vld @!p0 [tilespmem:$0x14070]  }
0xc6: {  	[tilespmem:$0x14010] =	vst @!p0 v1;
	v1 =	vadd.s32 @!p0 v0, v3;
	v3 =	vld @!p0 [tilespmem:$0x14040]  }
0xc7: {  	[tilespmem:$0x14020] =	vst @!p0 v1;
	v1 =	vadd.s32 @!p0 v0, v4  }
0xc8: {  	[tilespmem:$0x14030] =	vst @!p0 v1;
	v1 =	vadd.s32 @!p0 v0, v5  }
0xc9: {  	[tilespmem:$0x14050] =	vst @!p0 v1;
	v1 =	vadd.s32 @!p0 v0, v6  }
0xca: {  	[tilespmem:$0x14060] =	vst @!p0 v1;
	v1 =	vadd.s32 @!p0 v0, v2  }
0xcb: {  	v2 =	vadd.s32 @!p0 v0, v3;
	[tilespmem:$0x14070] =	vst @!p0 v1  }
0xcc: {  	s13 =	simm.s32 @!p0 $0x5;
	[tilespmem:$0x14040] =	vst @!p0 v2  }
0xcd: {  	_ =	swait.ge @!p0 [sflag:s13], $0x4000  }
0xce: {  	s15 =	simm.s32 @!p0 $0x14000;
	[sflag:s13] =	ssyncset.done @!p0 $0x0  }
0xcf: {  	s14 =	simm.s32 @!p0 $0x14200;
	[sflag:s13] =	ssyncadd.s32 @!p0 $0xFFFFC000;
	s13 =	simm.s32 @!p0 $0x80  }
0xd0: {  	[tilespmem:s14], [sflag:$0x1] =	stream.indirect.gather @!p0 [hbm4b:s5+s13], $0x80, s15, s13, $0xb8;
	[tilespmem:$0x1C200] =	vst v63  }
0xd1: {  	s13 =	sadd.s32 @!p1 $0x3, s26;
	s14 =	simm.s32 @!p1 $0x2  }
0xd2: {  	s15 =	simm.s32 @!p1 $0x18200;
	p0 =	sge.u32 @!p1 s13, s6;
	_ =	swait.ge @!p1 [sflag:s14], $0x4000  }
0xd3: {  	s13 =	simm.s32 @!p1 $0x14180;
	[sflag:s14] =	ssyncset.done @!p1 $0x0;
	p0 =	por p0, p1  }
0xd4: {  	[sflag:s14] =	ssyncadd.s32 @!p1 $0xFFFFC000;
	s14 =	simm.s32 @!p1 $0x80;
	s2 =	sadd.s32 @!p0 s2, s10  }
0xd5: {  	[spmem:s3] =	stream.indirect.scatter.add.f32 @!p1 [tilespmem:s15], [sflag:$0x6], $0x80, s13, s14, $0xb8;
	[tilespmem:$0x1C200] =	vst v63  }
0xd6: {  	s13 =	sadd.s32 @!p0 $0x600, s2;
	s14 =	simm.s32 @!p0 $0x0;
	s15 =	simm.s32 @!p0 $0x14080  }
0xd7: {  	[tilespmem:s15], [sflag:$0x4] =	stream.linear.gather @!p0 [hbm4b:s13+s14], $0x80, $0x38;
	[tilespmem:$0x1C200] =	vst v63  }
0xd8: {  	s2 =	sadd.s32 @!p0 $0x610, s2;
	s13 =	simm.s32 @!p0 $0x14180  }
0xd9: {  	[tilespmem:s13], [sflag:$0x4] =	stream.linear.gather @!p0 [hbm4b:s2+s14], $0x80, $0x38;
	[tilespmem:$0x1C200] =	vst v63  }
0xda: {  	_ =	swait.ge [sflag:s31], $0x4000  }
0xdb: {  	[sflag:s31] =	ssyncset.done $0x0  }
0xdc: {  	[sflag:s31] =	ssyncadd.s32 $0xFFFFC000  }
0xdd: {  	_ =	swait.ge [sflag:s0], $0x4000  }
0xde: {  	[sflag:s0] =	ssyncset.done $0x0  }
0xdf: {  	[sflag:s0] =	ssyncadd.s32 $0xFFFFC000  }
0xe0: {  	[bflag:$0x0] =	sbarrier.arrive $0xFFFF  }
0xe1: {  	[tilespmem:s23], [sflag:$0x7] =	stream.linear.gather [spmem:s7], $0x4000, $0x38;
	[tilespmem:$0x1C200] =	vst v63  }
0xe2: {  	_ =	swait.ge [sflag:s24], $0x4000  }
0xe3: {  	[sflag:s24] =	ssyncset.done $0x0  }
0xe4: {  	s30 =	rddreg [dreg:$0x9];
	[sflag:s24] =	ssyncadd.s32 $0xFFFFC000  }
0xe5: {  	[hbm4b:s30+s4] =	stream.linear.scatter [tilespmem:s23], [sflag:$0x7], $0x4000, $0x38;
	[tilespmem:$0x1C200] =	vst v63  }
0xe6: {  	_ =	swait.ge [sflag:s24], $0x4000  }
0xe7: {  	[sflag:s24] =	ssyncset.done $0x0  }
0xe8: {  	[sflag:s24] =	ssyncadd.s32 $0xFFFFC000  }
0xe9: {  	[tilespmem:s23], [sflag:$0x7] =	stream.linear.gather [spmem:s8], $0x4000, $0x38;
	[tilespmem:$0x1C200] =	vst v63  }
0xea: {  	_ =	swait.ge [sflag:s24], $0x4000  }
0xeb: {  	[sflag:s24] =	ssyncset.done $0x0  }
0xec: {  	[sflag:s24] =	ssyncadd.s32 $0xFFFFC000  }
0xed: {  	[hbm4b:s18+s4] =	stream.linear.scatter [tilespmem:s23], [sflag:$0x7], $0x4000, $0x38;
	[tilespmem:$0x1C200] =	vst v63  }
0xee: {  	_ =	swait.ge [sflag:s24], $0x4000  }
0xef: {  	[sflag:s24] =	ssyncset.done $0x0  }
0xf0: {  	[sflag:s24] =	ssyncadd.s32 $0xFFFFC000  }
0xf1: {  	[tilespmem:s23], [sflag:$0x7] =	stream.linear.gather [spmem:s9], $0x4000, $0x38;
	[tilespmem:$0x1C200] =	vst v63  }
0xf2: {  	_ =	swait.ge [sflag:s24], $0x4000  }
0xf3: {  	[sflag:s24] =	ssyncset.done $0x0  }
0xf4: {  	[sflag:s24] =	ssyncadd.s32 $0xFFFFC000  }
0xf5: {  	[hbm4b:s19+s4] =	stream.linear.scatter [tilespmem:s23], [sflag:$0x7], $0x4000, $0x38;
	[tilespmem:$0x1C200] =	vst v63  }
0xf6: {  	_ =	swait.ge [sflag:s24], $0x4000  }
0xf7: {  	[sflag:s24] =	ssyncset.done $0x0  }
0xf8: {  	[sflag:s24] =	ssyncadd.s32 $0xFFFFC000  }
0xf9: {  	[tilespmem:s23], [sflag:$0x7] =	stream.linear.gather [spmem:s11], $0x4000, $0x38;
	[tilespmem:$0x1C200] =	vst v63  }
0xfa: {  	_ =	swait.ge [sflag:s24], $0x4000  }
0xfb: {  	[sflag:s24] =	ssyncset.done $0x0  }
0xfc: {  	[sflag:s24] =	ssyncadd.s32 $0xFFFFC000  }
0xfd: {  	[hbm4b:s20+s4] =	stream.linear.scatter [tilespmem:s23], [sflag:$0x7], $0x4000, $0x38;
	[tilespmem:$0x1C200] =	vst v63  }
0xfe: {  	_ =	swait.ge [sflag:s24], $0x4000  }
0xff: {  	[sflag:s24] =	ssyncset.done $0x0  }
0x100: {  	[sflag:s24] =	ssyncadd.s32 $0xFFFFC000  }
0x101: {  	[tilespmem:s23], [sflag:$0x7] =	stream.linear.gather [spmem:s12], $0x4000, $0x38;
	[tilespmem:$0x1C200] =	vst v63  }
0x102: {  	s1 =	sadd.s32 $0x1, s1;
	_ =	swait.ge [sflag:s24], $0x4000  }
0x103: {  	p0 =	sne.s32 s1, s22;
	[sflag:s24] =	ssyncset.done $0x0  }
.Ltmp1:
0x104: {  	[sflag:s24] =	ssyncadd.s32 $0xFFFFC000;
	(pc) =	sbr.rel @p0 .LBB2_1-.Ltmp1, $4  }
0x105: {  	[hbm4b:s21+s4] =	stream.linear.scatter [tilespmem:s23], [sflag:$0x7], $0x4000, $0x38;
	[tilespmem:$0x1C200] =	vst v63  }
0x106: {  	_ =	swait.ge [sflag:s24], $0x4000  }
0x107: {  	[sflag:s24] =	ssyncset.done $0x0  }
0x108: {  	[sflag:s24] =	ssyncadd.s32 $0xFFFFC000  }
0x109: {  	_ =	sfence.sel $0x180000  }
0x10a: {  	[bflag:$0x0] =	sbarrier.arrive $0xFFFF  }
0x10b: {  	_ =	strace $0x9000004A  }
0x10c: {  	s0 =	stileid.u32;
	[bflag:$0x2] =	sbarrier.arrive $0xFFFF  }
0x10d: {  	p0 =	sne.s32 s0, $0x0;
	s0 =	rddreg [dreg:$0x4]  }
0x10e: {  	s0 =	sadd.s32 @!p0 $0x100000, s0  }
0x10f: {  	[sflag:s0] =	ssyncadd.tile.s32 @!p0 $0x1;
	_ =	shalt  }
.Lfunc_end2:
_tile_overlayer_lowered:
.L_overlay_start_2:
0x110: {  	(tag) =	ssettag $0x2  }
0x111: {  	s0 =	rddreg [dreg:$0x0];
	s2 =	stileid.u32  }
0x112: {  	s1 =	rddreg [dreg:$0x1];
	p0 =	sne.s32 s2, $0x0  }
0x113: {  	s3 =	rddreg [dreg:$0x2];
	[bflag:$0x3] =	sbarrier.arrive $0xFFFF;
	s2 =	simm.s32 @!p0 $0x1C07  }
0x114: {  	[timem:s3], [sflag:s2] =	dma.local @!p0 [hbm:s0], s1  }
0x115: {  	s0 =	simm.s32 @!p0 $0x7  }
0x116: {  	_ =	swait.ge @!p0 [sflag:s0], s1  }
0x117: {  	s1 =	ssub.s32 @!p0 $0x0, s1;
	[sflag:s0] =	ssyncset.done @!p0 $0x0  }
0x118: {  	[sflag:s0] =	ssyncadd.s32 @!p0 s1  }
0x119: {  	[bflag:$0x3] =	sbarrier.arrive $0xFFFF  }
0x11a: {  	_ =	shalt  }

</sc_bundles>
